<compile_context>
chip_gen: v7x
topology: tpu7x:2x2x1
jax: 0.10.2.dev20260603
libtpu: 0.0.44.dev20260713+nightly
codegen_flags: <defaults>
</compile_context>

<pallas_src>
import functools

import jax
import jax.numpy as jnp
from jax import lax
from jax.experimental import pallas as pl
from jax.experimental.pallas import tpu as pltpu
from jax.experimental.pallas import tpu_sc as plsc

N_HEADS = 4
OUT_F = 32
HF = N_HEADS * OUT_F
DP = 8
NC, NS = 2, 16
NW = NC * NS
C = 80
G = 5
LANES = 16


def _tc_prep_body(x_ref, wt_ref, aa_ref, wh_ref, al_ref):
    wh = jnp.dot(x_ref[...], wt_ref[...], preferred_element_type=jnp.float32)
    wh_ref[...] = wh
    al_ref[...] = jnp.dot(wh, aa_ref[...], preferred_element_type=jnp.float32)


def _tc_finish_body(pn_ref, pd_ref, s_ref, o_ref):
    tot = pn_ref[0] + pn_ref[1]
    den = pd_ref[0, :, :N_HEADS] + pd_ref[1, :, :N_HEADS]
    mult = jnp.dot(1.0 / (den + 1e-10), s_ref[...],
                   preferred_element_type=jnp.float32)
    o_ref[...] = tot * mult


def _sc_agg_body(wh_hbm, al_hbm, src3_hbm, dst3_hbm, onum_hbm, oden_hbm,
                 rows3, asrc3, adst3, dbuf2, sgidx, dgidx,
                 numer_s, denom_s, gsem, ssem, isem):
    n = wh_hbm.shape[0]
    ngrp = src3_hbm.shape[1]
    nchunk = ngrp * G
    c = lax.axis_index("c")
    s = lax.axis_index("s")
    w = c * NS + s

    rpt = n // NS
    row0 = s * rpt
    nfull = rpt // C
    rem = rpt - nfull * C

    zeros16 = jnp.zeros((LANES,), jnp.float32)

    def _zrows(i, _):
        r = i // (HF // LANES)
        j = i % (HF // LANES)
        rows3[0, r, pl.ds(j * LANES, LANES)] = zeros16
        return 0

    lax.fori_loop(0, C * (HF // LANES), _zrows, 0)

    lanes0 = lax.iota(jnp.int32, LANES)
    zrow = lax.shift_right_logical(lanes0, 3)
    zcol = lanes0 & 7

    for b in range(2):
        def _zdbuf(i, _):
            plsc.store_scatter(dbuf2.at[b], [zrow + i * 2, zcol], zeros16)
            return 0

        lax.fori_loop(0, C * DP // LANES, _zdbuf, 0)

    def _zcopy(j, _):
        pltpu.sync_copy(rows3.at[0], numer_s.at[pl.ds(row0 + j * C, C)])
        pltpu.sync_copy(dbuf2.at[0], denom_s.at[pl.ds(row0 + j * C, C)])
        return 0

    lax.fori_loop(0, nfull, _zcopy, 0)
    pltpu.sync_copy(rows3.at[0, pl.ds(0, rem)],
                    numer_s.at[pl.ds(row0 + nfull * C, rem)])
    pltpu.sync_copy(dbuf2.at[0, pl.ds(0, rem)],
                    denom_s.at[pl.ds(row0 + nfull * C, rem)])

    plsc.subcore_barrier()

    lanes = lax.iota(jnp.int32, LANES)

    def _sidx(t):
        g = t // G
        p = t - g * G
        return sgidx.at[g % 2, pl.ds(p * C, C)], dgidx.at[g % 2, pl.ds(p * C, C)]

    def _gather_descs(t):
        b = t % 3
        ssl, dsl = _sidx(t)
        return (
            pltpu.make_async_copy(wh_hbm.at[ssl], rows3.at[b], gsem.at[b]),
            pltpu.make_async_copy(al_hbm.at[ssl], asrc3.at[b], gsem.at[b]),
            pltpu.make_async_copy(al_hbm.at[dsl], adst3.at[b], gsem.at[b]),
        )

    def _scatter_descs(t):
        b = t % 2
        _, dsl = _sidx(t)
        return (
            pltpu.make_async_copy(rows3.at[t % 3], numer_s.at[dsl], ssem.at[b]),
            pltpu.make_async_copy(dbuf2.at[b], denom_s.at[dsl], ssem.at[b]),
        )

    def _idx_descs(q):
        qb = q % 2
        return (
            pltpu.make_async_copy(src3_hbm.at[w, q], sgidx.at[qb], isem.at[qb]),
            pltpu.make_async_copy(dst3_hbm.at[w, q], dgidx.at[qb], isem.at[qb]),
        )

    pltpu.sync_copy(src3_hbm.at[w, 0], sgidx.at[0])
    pltpu.sync_copy(dst3_hbm.at[w, 0], dgidx.at[0])
    for d in _idx_descs(1):
        d.start()
    for d in _gather_descs(0):
        d.start()
    for d in _gather_descs(1):
        d.start()

    def _chunk_body(t, _):
        for d in _gather_descs(t):
            d.wait()

        rows_r = rows3.at[t % 3]
        asrc_r = asrc3.at[t % 3]
        adst_r = adst3.at[t % 3]
        dbuf_r = dbuf2.at[t % 2]

        def _group_body(g, _):
            erow = g * LANES + lanes
            exs = []
            for h in range(N_HEADS):
                ch = jnp.full((LANES,), h, jnp.int32)
                ea = plsc.load_gather(asrc_r, [erow, ch])
                eb = plsc.load_gather(adst_r, [erow, ch + N_HEADS])
                ev = ea + eb
                ev = jnp.where(ev > 0, ev, ev * 0.2)
                ex = jnp.exp(ev)
                plsc.store_scatter(dbuf_r, [erow, ch], ex)
                exs.append(ex)
            for h in range(N_HEADS):
                for f in range(OUT_F):
                    col = jnp.full((LANES,), h * OUT_F + f, jnp.int32)
                    v = plsc.load_gather(rows_r, [erow, col])
                    plsc.store_scatter(rows_r, [erow, col], v * exs[h])
            return 0

        lax.fori_loop(0, C // LANES, _group_body, 0)

        @pl.when(t >= 1)
        def _():
            for d in _scatter_descs(t - 1):
                d.wait()

        for d in _scatter_descs(t):
            d.start(add=True)

        t2 = t + 2

        @pl.when(t2 < nchunk)
        def _():
            @pl.when(t2 % G == 0)
            def _():
                for d in _idx_descs(t2 // G):
                    d.wait()
            for d in _gather_descs(t2):
                d.start()

        @pl.when((t % G == 0) & (t >= 1))
        def _():
            q1 = t // G + 1

            @pl.when(q1 < ngrp)
            def _():
                for d in _idx_descs(q1):
                    d.start()

        return 0

    lax.fori_loop(0, nchunk, _chunk_body, 0)

    for d in _scatter_descs(nchunk - 1):
        d.wait()

    plsc.subcore_barrier()

    def _ocopy(j, _):
        r0 = row0 + j * C
        pltpu.sync_copy(numer_s.at[pl.ds(r0, C)], rows3.at[0])
        pltpu.sync_copy(rows3.at[0], onum_hbm.at[c, pl.ds(r0, C)])
        pltpu.sync_copy(denom_s.at[pl.ds(r0, C)], dbuf2.at[0])
        pltpu.sync_copy(dbuf2.at[0], oden_hbm.at[c, pl.ds(r0, C)])
        return 0

    lax.fori_loop(0, nfull, _ocopy, 0)
    r0 = row0 + nfull * C
    pltpu.sync_copy(numer_s.at[pl.ds(r0, rem)], rows3.at[0, pl.ds(0, rem)])
    pltpu.sync_copy(rows3.at[0, pl.ds(0, rem)], onum_hbm.at[c, pl.ds(r0, rem)])
    pltpu.sync_copy(denom_s.at[pl.ds(r0, rem)], dbuf2.at[0, pl.ds(0, rem)])
    pltpu.sync_copy(dbuf2.at[0, pl.ds(0, rem)], oden_hbm.at[c, pl.ds(r0, rem)])


def kernel(x, edge_index, W, a):
    n, in_f = x.shape
    e = edge_index.shape[1]
    epw = e // NW
    ngrp = epw // (G * C)
    src3 = edge_index[0].reshape(NW, ngrp, G * C)
    dst3 = edge_index[1].reshape(NW, ngrp, G * C)
    wt = W.T

    onehot = jnp.eye(N_HEADS, dtype=x.dtype)
    a_src = a[:, :OUT_F]
    a_dst = a[:, OUT_F:]
    aa = jnp.concatenate(
        [a_src[:, :, None] * onehot[:, None, :],
         a_dst[:, :, None] * onehot[:, None, :]], axis=-1).reshape(HF, 2 * N_HEADS)

    sel = jnp.kron(jnp.eye(N_HEADS, dtype=x.dtype), jnp.ones((1, OUT_F), x.dtype))

    bn = 1000
    wh, al = pl.pallas_call(
        _tc_prep_body,
        grid=(n // bn,),
        in_specs=[
            pl.BlockSpec((bn, in_f), lambda i: (i, 0)),
            pl.BlockSpec((in_f, HF), lambda i: (0, 0)),
            pl.BlockSpec((HF, 2 * N_HEADS), lambda i: (0, 0)),
        ],
        out_specs=[
            pl.BlockSpec((bn, HF), lambda i: (i, 0)),
            pl.BlockSpec((bn, 2 * N_HEADS), lambda i: (i, 0)),
        ],
        out_shape=[
            jax.ShapeDtypeStruct((n, HF), jnp.float32),
            jax.ShapeDtypeStruct((n, 2 * N_HEADS), jnp.float32),
        ],
    )(x, wt, aa)

    mesh = plsc.VectorSubcoreMesh(core_axis_name="c", subcore_axis_name="s",
                                  num_cores=NC, num_subcores=NS)
    sc_agg = pl.kernel(
        _sc_agg_body,
        out_type=[
            jax.ShapeDtypeStruct((NC, n, HF), jnp.float32),
            jax.ShapeDtypeStruct((NC, n, DP), jnp.float32),
        ],
        mesh=mesh,
        compiler_params=pltpu.CompilerParams(use_tc_tiling_on_sc=False,
                                             needs_layout_passes=False),
        scratch_types=[
            pltpu.VMEM((3, C, HF), jnp.float32),
            pltpu.VMEM((3, C, 2 * N_HEADS), jnp.float32),
            pltpu.VMEM((3, C, 2 * N_HEADS), jnp.float32),
            pltpu.VMEM((2, C, DP), jnp.float32),
            pltpu.VMEM((2, G * C), jnp.int32),
            pltpu.VMEM((2, G * C), jnp.int32),
            pltpu.VMEM_SHARED((n, HF), jnp.float32),
            pltpu.VMEM_SHARED((n, DP), jnp.float32),
            pltpu.SemaphoreType.DMA((3,)),
            pltpu.SemaphoreType.DMA((2,)),
            pltpu.SemaphoreType.DMA((2,)),
        ],
    )
    pnum, pden = sc_agg(wh, al, src3, dst3)

    out = pl.pallas_call(
        _tc_finish_body,
        grid=(n // bn,),
        in_specs=[
            pl.BlockSpec((NC, bn, HF), lambda i: (0, i, 0)),
            pl.BlockSpec((NC, bn, DP), lambda i: (0, i, 0)),
            pl.BlockSpec((N_HEADS, HF), lambda i: (0, 0)),
        ],
        out_specs=pl.BlockSpec((bn, HF), lambda i: (i, 0)),
        out_shape=jax.ShapeDtypeStruct((n, HF), jnp.float32),
    )(pnum, pden, sel)
    return out

# --- scband reference (transcript-rebuilt; emitter-appended) ---
"""Pipeline reference for scband-graph-attention-layer-73641509257729 (READ-ONLY COPY).

The authoritative reference and input builder live on the scoring server;
editing this copy changes nothing except your own understanding.
"""

import jax, jax.numpy as jnp
import numpy as np

N = 10000
E = 320000
IN_FEATURES = 128
N_HEADS = 4
OUT_FEATURES = 32


def setup_inputs(seed: int = 0) -> dict:
    key = jax.random.key(seed)
    k1, k2, k3, k4 = jax.random.split(key, 4)
    x = jax.random.normal(k1, (N, IN_FEATURES), dtype=jnp.float32)
    edge_index = jax.random.randint(k2, (2, E), 0, N, dtype=jnp.int32)
    # nn.Linear(in_features, n_heads*out_features, bias=False) weight: [H*F, IN]
    W = jax.random.normal(k3, (N_HEADS * OUT_FEATURES, IN_FEATURES), dtype=jnp.float32) * 0.05
    # attention vector a: [H, 2*F]
    a = jax.random.normal(k4, (N_HEADS, 2 * OUT_FEATURES), dtype=jnp.float32)
    return {"x": x, "edge_index": edge_index, "W": W, "a": a}


def reference(x, edge_index, W, a):
    num_nodes = x.shape[0]
    # Wh = self.W(x)
    Wh = x @ W.T  # (N, H*F)
    Wh = Wh.reshape(num_nodes, N_HEADS, OUT_FEATURES)
    edge_src = edge_index[0]
    edge_dst = edge_index[1]
    Wh_src = Wh[edge_src]  # (E, H, F) gather
    Wh_dst = Wh[edge_dst]  # (E, H, F) gather
    Wh_concat = jnp.concatenate([Wh_src, Wh_dst], axis=-1)  # (E, H, 2F)
    e = (Wh_concat * a).sum(axis=-1)  # (E, H)
    # leaky relu, negative_slope=0.2
    e = jnp.where(e > 0, e, 0.2 * e)
    exp_e = jnp.exp(e)
    denom = jnp.zeros((num_nodes, N_HEADS), dtype=x.dtype).at[edge_dst].add(exp_e)
    attention = exp_e / (denom[edge_dst] + 1e-10)  # (E, H)
    # dropout p=0.0 -> identity
    h_prime = jnp.zeros((num_nodes, N_HEADS, OUT_FEATURES), dtype=x.dtype)
    h_prime = h_prime.at[edge_dst].add(attention[:, :, None] * Wh_src)
    return h_prime.reshape(num_nodes, N_HEADS * OUT_FEATURES)

if __name__ == "__main__":
    import jax
    _d = setup_inputs()
    print(jax.jit(kernel)(*tuple(_d.values())))

</pallas_src>

<mosaic_0001>
#map = affine_map<(d0, d1) -> (0, 0)>
#map1 = affine_map<(d0, d1) -> (0, 0, 0)>
module attributes {stable_mosaic.version = 14 : i64} {
  func.func @_sc_agg_body(%arg0: i32, %arg1: i32, %arg2: memref<10000x128xf32, #tpu.memory_space<hbm>>, %arg3: memref<10000x8xf32, #tpu.memory_space<hbm>>, %arg4: memref<32x25x400xi32, #tpu.memory_space<hbm>>, %arg5: memref<32x25x400xi32, #tpu.memory_space<hbm>>, %arg6: memref<2x10000x128xf32, #tpu.memory_space<hbm>>, %arg7: memref<2x10000x8xf32, #tpu.memory_space<hbm>>, %arg8: memref<3x80x128xf32, #tpu.memory_space<vmem>>, %arg9: memref<3x80x8xf32, #tpu.memory_space<vmem>>, %arg10: memref<3x80x8xf32, #tpu.memory_space<vmem>>, %arg11: memref<2x80x8xf32, #tpu.memory_space<vmem>>, %arg12: memref<2x400xi32, #tpu.memory_space<vmem>>, %arg13: memref<2x400xi32, #tpu.memory_space<vmem>>, %arg14: memref<10000x128xf32, #tpu.memory_space<vmem_shared>>, %arg15: memref<10000x8xf32, #tpu.memory_space<vmem_shared>>, %arg16: memref<3x!tpu.dma_semaphore, #tpu.memory_space<semaphore_mem>>, %arg17: memref<2x!tpu.dma_semaphore, #tpu.memory_space<semaphore_mem>>, %arg18: memref<2x!tpu.dma_semaphore, #tpu.memory_space<semaphore_mem>>) attributes {dimension_semantics = [#tpu.dimension_semantics<core_parallel>, #tpu.dimension_semantics<subcore_parallel>], iteration_bounds = array<i64: 2, 16>, scalar_prefetch = 0 : i64, scratch_operands = 11 : i64, tpu.core_type = #tpu.core_type<sc_vector_subcore>, window_params = [{transform_indices = #map}, {transform_indices = #map}, {transform_indices = #map1}, {transform_indices = #map1}, {transform_indices = #map1}, {transform_indices = #map1}]} {
    %mul3A = arith.constant 16 : i32
    %mul3A_0 = arith.muli %arg0, %mul3A : i32
    %add3A = arith.addi %mul3A_0, %arg1 : i32
    %mul3A_1 = arith.constant 625 : i32
    %mul3A_2 = arith.muli %arg1, %mul3A_1 : i32
    %broadcast_in_dim3A = arith.constant 0.000000e+00 : f32
    %broadcast_in_dim3A_3 = vector.broadcast %broadcast_in_dim3A : f32 to vector<16xf32>
    %scan3A = arith.constant 0 : i32
    %scan3A_4 = arith.constant 0 : i32
    %scan3A_5 = arith.constant 640 : i32
    %scan3A_6 = arith.addi %scan3A_4, %scan3A_5 : i32
    %scan3A_7 = arith.constant 1 : i32
    %scan3A_8 = scf.for %scan3A_218 = %scan3A_4 to %scan3A_6 step %scan3A_7 iter_args(%scan3A_219 = %scan3A) -> (i32)  : i32 {
      %jit3A = arith.constant 8 : i32
      %div3A = arith.divsi %scan3A_218, %jit3A : i32
      %sign3A = arith.constant 0 : i32
      %sign3A_220 = arith.cmpi sgt, %scan3A_218, %sign3A : i32
      %sign3A_221 = arith.extui %sign3A_220 : i1 to i32
      %sign3A_222 = arith.constant 0 : i32
      %sign3A_223 = arith.cmpi slt, %scan3A_218, %sign3A_222 : i32
      %sign3A_224 = arith.extui %sign3A_223 : i1 to i32
      %sign3A_225 = arith.subi %sign3A_221, %sign3A_224 : i32
      %sign3A_226 = arith.constant 0 : i32
      %sign3A_227 = arith.cmpi sgt, %jit3A, %sign3A_226 : i32
      %sign3A_228 = arith.extui %sign3A_227 : i1 to i32
      %sign3A_229 = arith.constant 0 : i32
      %sign3A_230 = arith.cmpi slt, %jit3A, %sign3A_229 : i32
      %sign3A_231 = arith.extui %sign3A_230 : i1 to i32
      %sign3A_232 = arith.subi %sign3A_228, %sign3A_231 : i32
      %ne3A = arith.cmpi ne, %sign3A_225, %sign3A_232 : i32
      %rem3A = arith.remsi %scan3A_218, %jit3A : i32
      %ne3A_233 = arith.constant 0 : i32
      %ne3A_234 = arith.cmpi ne, %rem3A, %ne3A_233 : i32
      %and3A_235 = arith.andi %ne3A, %ne3A_234 : i1
      %sub3A = arith.constant 1 : i32
      %sub3A_236 = arith.subi %div3A, %sub3A : i32
      %select_n3A = arith.select %and3A_235, %sub3A_236, %div3A : i32
      %jit3A_237 = arith.constant 8 : i32
      %eq3A = arith.constant 0 : i32
      %eq3A_238 = arith.cmpi eq, %jit3A_237, %eq3A : i32
      %jit3A_239 = arith.constant 1 : i32
      %select_n3A_240 = arith.select %eq3A_238, %jit3A_239, %jit3A_237 : i32
      %rem3A_241 = arith.remsi %scan3A_218, %select_n3A_240 : i32
      %ne3A_242 = arith.constant 0 : i32
      %ne3A_243 = arith.cmpi ne, %rem3A_241, %ne3A_242 : i32
      %lt3A = arith.constant 0 : i32
      %lt3A_244 = arith.cmpi slt, %rem3A_241, %lt3A : i32
      %lt3A_245 = arith.constant 0 : i32
      %lt3A_246 = arith.cmpi slt, %select_n3A_240, %lt3A_245 : i32
      %ne3A_247 = arith.xori %lt3A_244, %lt3A_246 : i1
      %and3A_248 = arith.andi %ne3A_247, %ne3A_243 : i1
      %add3A_249 = arith.addi %rem3A_241, %select_n3A_240 : i32
      %select_n3A_250 = arith.select %and3A_248, %add3A_249, %rem3A_241 : i32
      %mul3A_251 = arith.constant 16 : i32
      %mul3A_252 = arith.muli %select_n3A_250, %mul3A_251 : i32
      %swap3A = arith.constant 0 : i32
      %swap3A_253 = arith.index_cast %swap3A : i32 to index
      %swap3A_254 = arith.index_cast %select_n3A : i32 to index
      %swap3A_255 = arith.index_cast %mul3A_252 : i32 to index
      %swap3A_256 = tpu.vector_load %arg8[%swap3A_253, %swap3A_254, %swap3A_255] {strides = array<i32>} : memref<3x80x128xf32, #tpu.memory_space<vmem>>, vector<16xf32>,
      tpu.vector_store %arg8[%swap3A_253, %swap3A_254, %swap3A_255], %broadcast_in_dim3A_3 {strides = array<i32>} : memref<3x80x128xf32, #tpu.memory_space<vmem>>, vector<16xf32>,
      %scan3A_257 = arith.constant 0 : i32
      scf.yield %scan3A_257 : i32
    }
    %scan3A_9 = arith.constant 640 : i32
    %iota3A = tpu.iota {dimensions = array<i32: 0>} : vector<16xi32>
    %shift_right_logical3A = arith.constant 3 : i32
    %shift_right_logical3A_10 = vector.broadcast %shift_right_logical3A : i32 to vector<16xi32>
    %shift_right_logical3A_11 = arith.shrui %iota3A, %shift_right_logical3A_10 : vector<16xi32>
    %and3A = arith.constant 7 : i32
    %and3A_12 = vector.broadcast %and3A : i32 to vector<16xi32>
    %and3A_13 = arith.andi %iota3A, %and3A_12 : vector<16xi32>
    %scan3A_14 = arith.constant 0 : i32
    %scan3A_15 = arith.constant 0 : i32
    %scan3A_16 = arith.constant 40 : i32
    %scan3A_17 = arith.addi %scan3A_15, %scan3A_16 : i32
    %scan3A_18 = arith.constant 1 : i32
    %scan3A_19 = scf.for %scan3A_218 = %scan3A_15 to %scan3A_17 step %scan3A_18 iter_args(%scan3A_219 = %scan3A_14) -> (i32)  : i32 {
      %mul3A_220 = arith.constant 2 : i32
      %mul3A_221 = arith.muli %scan3A_218, %mul3A_220 : i32
      %add3A_222 = vector.broadcast %mul3A_221 : i32 to vector<16xi32>
      %add3A_223 = arith.addi %shift_right_logical3A_11, %add3A_222 : vector<16xi32>
      %scatter3A = arith.constant 0 : i32
      %scatter3A_224 = arith.constant 0 : i32
      %scatter3A_225 = arith.constant 0 : i32
      %scatter3A_226 = tpu.memref_slice %arg11[%scatter3A, %scatter3A_224, %scatter3A_225] : memref<2x80x8xf32, #tpu.memory_space<vmem>> -> memref<1x80x8xf32, #tpu.memory_space<vmem>>
      %scatter3A_227 = tpu.memref_squeeze %scatter3A_226 : memref<1x80x8xf32, #tpu.memory_space<vmem>> -> memref<80x8xf32, #tpu.memory_space<vmem>>
      tpu.vector_store_idx %scatter3A_227[%add3A_223, %and3A_13], %broadcast_in_dim3A_3 : memref<80x8xf32, #tpu.memory_space<vmem>>[vector<16xi32>, vector<16xi32>], vector<16xf32>,
      %scan3A_228 = arith.constant 0 : i32
      scf.yield %scan3A_228 : i32
    }
    %scan3A_20 = arith.constant 40 : i32
    %scan3A_21 = arith.constant 0 : i32
    %scan3A_22 = arith.constant 0 : i32
    %scan3A_23 = arith.constant 40 : i32
    %scan3A_24 = arith.addi %scan3A_22, %scan3A_23 : i32
    %scan3A_25 = arith.constant 1 : i32
    %scan3A_26 = scf.for %scan3A_218 = %scan3A_22 to %scan3A_24 step %scan3A_25 iter_args(%scan3A_219 = %scan3A_21) -> (i32)  : i32 {
      %mul3A_220 = arith.constant 2 : i32
      %mul3A_221 = arith.muli %scan3A_218, %mul3A_220 : i32
      %add3A_222 = vector.broadcast %mul3A_221 : i32 to vector<16xi32>
      %add3A_223 = arith.addi %shift_right_logical3A_11, %add3A_222 : vector<16xi32>
      %scatter3A = arith.constant 1 : i32
      %scatter3A_224 = arith.constant 0 : i32
      %scatter3A_225 = arith.constant 0 : i32
      %scatter3A_226 = tpu.memref_slice %arg11[%scatter3A, %scatter3A_224, %scatter3A_225] : memref<2x80x8xf32, #tpu.memory_space<vmem>> -> memref<1x80x8xf32, #tpu.memory_space<vmem>>
      %scatter3A_227 = tpu.memref_squeeze %scatter3A_226 : memref<1x80x8xf32, #tpu.memory_space<vmem>> -> memref<80x8xf32, #tpu.memory_space<vmem>>
      tpu.vector_store_idx %scatter3A_227[%add3A_223, %and3A_13], %broadcast_in_dim3A_3 : memref<80x8xf32, #tpu.memory_space<vmem>>[vector<16xi32>, vector<16xi32>], vector<16xf32>,
      %scan3A_228 = arith.constant 0 : i32
      scf.yield %scan3A_228 : i32
    }
    %scan3A_27 = arith.constant 40 : i32
    %scan3A_28 = arith.constant 0 : i32
    %scan3A_29 = arith.constant 0 : i32
    %scan3A_30 = arith.constant 7 : i32
    %scan3A_31 = arith.addi %scan3A_29, %scan3A_30 : i32
    %scan3A_32 = arith.constant 1 : i32
    %scan3A_33 = scf.for %scan3A_218 = %scan3A_29 to %scan3A_31 step %scan3A_32 iter_args(%scan3A_219 = %scan3A_28) -> (i32)  : i32 {
      %mul3A_220 = arith.constant 80 : i32
      %mul3A_221 = arith.muli %scan3A_218, %mul3A_220 : i32
      %add3A_222 = arith.addi %mul3A_2, %mul3A_221 : i32
      %run_scoped3A_223 = arith.constant 0 : i32
      "tpu.region"() ({
        %run_scoped3A_229 = tpu.sem_alloc : memref<!tpu.dma_semaphore, #tpu.memory_space<semaphore_mem>>
        %dma_start3A_230 = arith.constant 0 : i32
        %dma_start3A_231 = arith.constant 0 : i32
        %dma_start3A_232 = tpu.memref_slice %arg8[%run_scoped3A_223, %dma_start3A_230, %dma_start3A_231] : memref<3x80x128xf32, #tpu.memory_space<vmem>> -> memref<1x80x128xf32, #tpu.memory_space<vmem>>
        %dma_start3A_233 = tpu.memref_squeeze %dma_start3A_232 : memref<1x80x128xf32, #tpu.memory_space<vmem>> -> memref<80x128xf32, #tpu.memory_space<vmem>>
        %dma_start3A_234 = arith.constant 0 : i32
        %dma_start3A_235 = tpu.memref_slice %arg14[%add3A_222, %dma_start3A_234] : memref<10000x128xf32, #tpu.memory_space<vmem_shared>> -> memref<80x128xf32, #tpu.memory_space<vmem_shared>>
        %dma_start3A_236 = arith.constant 0 : i32
        %dma_start3A_237 = tpu.memref_slice %arg14[%add3A_222, %dma_start3A_236] : memref<10000x128xf32, #tpu.memory_space<vmem_shared>> -> memref<80x128xf32, #tpu.memory_space<vmem_shared>>
        %dma_start3A_238 = arith.constant 0 : i32
        %dma_start3A_239 = arith.constant 0 : i32
        %dma_start3A_240 = tpu.memref_slice %arg8[%run_scoped3A_223, %dma_start3A_238, %dma_start3A_239] : memref<3x80x128xf32, #tpu.memory_space<vmem>> -> memref<1x80x128xf32, #tpu.memory_space<vmem>>
        %dma_start3A_241 = tpu.memref_squeeze %dma_start3A_240 : memref<1x80x128xf32, #tpu.memory_space<vmem>> -> memref<80x128xf32, #tpu.memory_space<vmem>>
        tpu.enqueue_dma source(%dma_start3A_241 : memref<80x128xf32, #tpu.memory_space<vmem>>) target(%dma_start3A_237 : memref<80x128xf32, #tpu.memory_space<vmem_shared>>) target_semaphore(%run_scoped3A_229 : memref<!tpu.dma_semaphore, #tpu.memory_space<semaphore_mem>>)
        %dma_wait3A_242 = arith.constant 0 : i32
        %dma_wait3A_243 = arith.constant 0 : i32
        %dma_wait3A_244 = tpu.memref_slice %arg8[%run_scoped3A_223, %dma_wait3A_242, %dma_wait3A_243] : memref<3x80x128xf32, #tpu.memory_space<vmem>> -> memref<1x80x128xf32, #tpu.memory_space<vmem>>
        %dma_wait3A_245 = tpu.memref_squeeze %dma_wait3A_244 : memref<1x80x128xf32, #tpu.memory_space<vmem>> -> memref<80x128xf32, #tpu.memory_space<vmem>>
        %dma_wait3A_246 = arith.constant 0 : i32
        %dma_wait3A_247 = tpu.memref_slice %arg14[%add3A_222, %dma_wait3A_246] : memref<10000x128xf32, #tpu.memory_space<vmem_shared>> -> memref<80x128xf32, #tpu.memory_space<vmem_shared>>
        %dma_wait3A_248 = arith.constant 0 : i32
        %dma_wait3A_249 = tpu.memref_slice %arg14[%add3A_222, %dma_wait3A_248] : memref<10000x128xf32, #tpu.memory_space<vmem_shared>> -> memref<80x128xf32, #tpu.memory_space<vmem_shared>>
        %dma_wait3A_250 = arith.constant 0 : i32
        %dma_wait3A_251 = arith.constant 0 : i32
        %dma_wait3A_252 = tpu.memref_slice %arg8[%run_scoped3A_223, %dma_wait3A_250, %dma_wait3A_251] : memref<3x80x128xf32, #tpu.memory_space<vmem>> -> memref<1x80x128xf32, #tpu.memory_space<vmem>>
        %dma_wait3A_253 = tpu.memref_squeeze %dma_wait3A_252 : memref<1x80x128xf32, #tpu.memory_space<vmem>> -> memref<80x128xf32, #tpu.memory_space<vmem>>
        tpu.wait_dma2 semaphore(%run_scoped3A_229 : memref<!tpu.dma_semaphore, #tpu.memory_space<semaphore_mem>>) src(%dma_wait3A_253 : memref<80x128xf32, #tpu.memory_space<vmem>>) dst(%dma_wait3A_249 : memref<80x128xf32, #tpu.memory_space<vmem_shared>>)
        tpu.yield
      }) : () -> ()
      %mul3A_224 = arith.constant 80 : i32
      %mul3A_225 = arith.muli %scan3A_218, %mul3A_224 : i32
      %add3A_226 = arith.addi %mul3A_2, %mul3A_225 : i32
      %run_scoped3A_227 = arith.constant 0 : i32
      "tpu.region"() ({
        %run_scoped3A_229 = tpu.sem_alloc : memref<!tpu.dma_semaphore, #tpu.memory_space<semaphore_mem>>
        %dma_start3A_230 = arith.constant 0 : i32
        %dma_start3A_231 = arith.constant 0 : i32
        %dma_start3A_232 = tpu.memref_slice %arg11[%run_scoped3A_227, %dma_start3A_230, %dma_start3A_231] : memref<2x80x8xf32, #tpu.memory_space<vmem>> -> memref<1x80x8xf32, #tpu.memory_space<vmem>>
        %dma_start3A_233 = tpu.memref_squeeze %dma_start3A_232 : memref<1x80x8xf32, #tpu.memory_space<vmem>> -> memref<80x8xf32, #tpu.memory_space<vmem>>
        %dma_start3A_234 = arith.constant 0 : i32
        %dma_start3A_235 = tpu.memref_slice %arg15[%add3A_226, %dma_start3A_234] : memref<10000x8xf32, #tpu.memory_space<vmem_shared>> -> memref<80x8xf32, #tpu.memory_space<vmem_shared>>
        %dma_start3A_236 = arith.constant 0 : i32
        %dma_start3A_237 = tpu.memref_slice %arg15[%add3A_226, %dma_start3A_236] : memref<10000x8xf32, #tpu.memory_space<vmem_shared>> -> memref<80x8xf32, #tpu.memory_space<vmem_shared>>
        %dma_start3A_238 = arith.constant 0 : i32
        %dma_start3A_239 = arith.constant 0 : i32
        %dma_start3A_240 = tpu.memref_slice %arg11[%run_scoped3A_227, %dma_start3A_238, %dma_start3A_239] : memref<2x80x8xf32, #tpu.memory_space<vmem>> -> memref<1x80x8xf32, #tpu.memory_space<vmem>>
        %dma_start3A_241 = tpu.memref_squeeze %dma_start3A_240 : memref<1x80x8xf32, #tpu.memory_space<vmem>> -> memref<80x8xf32, #tpu.memory_space<vmem>>
        tpu.enqueue_dma source(%dma_start3A_241 : memref<80x8xf32, #tpu.memory_space<vmem>>) target(%dma_start3A_237 : memref<80x8xf32, #tpu.memory_space<vmem_shared>>) target_semaphore(%run_scoped3A_229 : memref<!tpu.dma_semaphore, #tpu.memory_space<semaphore_mem>>)
        %dma_wait3A_242 = arith.constant 0 : i32
        %dma_wait3A_243 = arith.constant 0 : i32
        %dma_wait3A_244 = tpu.memref_slice %arg11[%run_scoped3A_227, %dma_wait3A_242, %dma_wait3A_243] : memref<2x80x8xf32, #tpu.memory_space<vmem>> -> memref<1x80x8xf32, #tpu.memory_space<vmem>>
        %dma_wait3A_245 = tpu.memref_squeeze %dma_wait3A_244 : memref<1x80x8xf32, #tpu.memory_space<vmem>> -> memref<80x8xf32, #tpu.memory_space<vmem>>
        %dma_wait3A_246 = arith.constant 0 : i32
        %dma_wait3A_247 = tpu.memref_slice %arg15[%add3A_226, %dma_wait3A_246] : memref<10000x8xf32, #tpu.memory_space<vmem_shared>> -> memref<80x8xf32, #tpu.memory_space<vmem_shared>>
        %dma_wait3A_248 = arith.constant 0 : i32
        %dma_wait3A_249 = tpu.memref_slice %arg15[%add3A_226, %dma_wait3A_248] : memref<10000x8xf32, #tpu.memory_space<vmem_shared>> -> memref<80x8xf32, #tpu.memory_space<vmem_shared>>
        %dma_wait3A_250 = arith.constant 0 : i32
        %dma_wait3A_251 = arith.constant 0 : i32
        %dma_wait3A_252 = tpu.memref_slice %arg11[%run_scoped3A_227, %dma_wait3A_250, %dma_wait3A_251] : memref<2x80x8xf32, #tpu.memory_space<vmem>> -> memref<1x80x8xf32, #tpu.memory_space<vmem>>
        %dma_wait3A_253 = tpu.memref_squeeze %dma_wait3A_252 : memref<1x80x8xf32, #tpu.memory_space<vmem>> -> memref<80x8xf32, #tpu.memory_space<vmem>>
        tpu.wait_dma2 semaphore(%run_scoped3A_229 : memref<!tpu.dma_semaphore, #tpu.memory_space<semaphore_mem>>) src(%dma_wait3A_253 : memref<80x8xf32, #tpu.memory_space<vmem>>) dst(%dma_wait3A_249 : memref<80x8xf32, #tpu.memory_space<vmem_shared>>)
        tpu.yield
      }) : () -> ()
      %scan3A_228 = arith.constant 0 : i32
      scf.yield %scan3A_228 : i32
    }
    %scan3A_34 = arith.constant 7 : i32
    %add3A_35 = arith.constant 560 : i32
    %add3A_36 = arith.addi %mul3A_2, %add3A_35 : i32
    %run_scoped3A = arith.constant 0 : i32
    "tpu.region"() ({
      %run_scoped3A_218 = tpu.sem_alloc : memref<!tpu.dma_semaphore, #tpu.memory_space<semaphore_mem>>
      %dma_start3A_219 = arith.constant 0 : i32
      %dma_start3A_220 = arith.constant 0 : i32
      %dma_start3A_221 = tpu.memref_slice %arg8[%run_scoped3A, %dma_start3A_219, %dma_start3A_220] : memref<3x80x128xf32, #tpu.memory_space<vmem>> -> memref<1x65x128xf32, #tpu.memory_space<vmem>>
      %dma_start3A_222 = tpu.memref_squeeze %dma_start3A_221 : memref<1x65x128xf32, #tpu.memory_space<vmem>> -> memref<65x128xf32, #tpu.memory_space<vmem>>
      %dma_start3A_223 = arith.constant 0 : i32
      %dma_start3A_224 = tpu.memref_slice %arg14[%add3A_36, %dma_start3A_223] : memref<10000x128xf32, #tpu.memory_space<vmem_shared>> -> memref<65x128xf32, #tpu.memory_space<vmem_shared>>
      %dma_start3A_225 = arith.constant 0 : i32
      %dma_start3A_226 = tpu.memref_slice %arg14[%add3A_36, %dma_start3A_225] : memref<10000x128xf32, #tpu.memory_space<vmem_shared>> -> memref<65x128xf32, #tpu.memory_space<vmem_shared>>
      %dma_start3A_227 = arith.constant 0 : i32
      %dma_start3A_228 = arith.constant 0 : i32
      %dma_start3A_229 = tpu.memref_slice %arg8[%run_scoped3A, %dma_start3A_227, %dma_start3A_228] : memref<3x80x128xf32, #tpu.memory_space<vmem>> -> memref<1x65x128xf32, #tpu.memory_space<vmem>>
      %dma_start3A_230 = tpu.memref_squeeze %dma_start3A_229 : memref<1x65x128xf32, #tpu.memory_space<vmem>> -> memref<65x128xf32, #tpu.memory_space<vmem>>
      tpu.enqueue_dma source(%dma_start3A_230 : memref<65x128xf32, #tpu.memory_space<vmem>>) target(%dma_start3A_226 : memref<65x128xf32, #tpu.memory_space<vmem_shared>>) target_semaphore(%run_scoped3A_218 : memref<!tpu.dma_semaphore, #tpu.memory_space<semaphore_mem>>)
      %dma_wait3A_231 = arith.constant 0 : i32
      %dma_wait3A_232 = arith.constant 0 : i32
      %dma_wait3A_233 = tpu.memref_slice %arg8[%run_scoped3A, %dma_wait3A_231, %dma_wait3A_232] : memref<3x80x128xf32, #tpu.memory_space<vmem>> -> memref<1x65x128xf32, #tpu.memory_space<vmem>>
      %dma_wait3A_234 = tpu.memref_squeeze %dma_wait3A_233 : memref<1x65x128xf32, #tpu.memory_space<vmem>> -> memref<65x128xf32, #tpu.memory_space<vmem>>
      %dma_wait3A_235 = arith.constant 0 : i32
      %dma_wait3A_236 = tpu.memref_slice %arg14[%add3A_36, %dma_wait3A_235] : memref<10000x128xf32, #tpu.memory_space<vmem_shared>> -> memref<65x128xf32, #tpu.memory_space<vmem_shared>>
      %dma_wait3A_237 = arith.constant 0 : i32
      %dma_wait3A_238 = tpu.memref_slice %arg14[%add3A_36, %dma_wait3A_237] : memref<10000x128xf32, #tpu.memory_space<vmem_shared>> -> memref<65x128xf32, #tpu.memory_space<vmem_shared>>
      %dma_wait3A_239 = arith.constant 0 : i32
      %dma_wait3A_240 = arith.constant 0 : i32
      %dma_wait3A_241 = tpu.memref_slice %arg8[%run_scoped3A, %dma_wait3A_239, %dma_wait3A_240] : memref<3x80x128xf32, #tpu.memory_space<vmem>> -> memref<1x65x128xf32, #tpu.memory_space<vmem>>
      %dma_wait3A_242 = tpu.memref_squeeze %dma_wait3A_241 : memref<1x65x128xf32, #tpu.memory_space<vmem>> -> memref<65x128xf32, #tpu.memory_space<vmem>>
      tpu.wait_dma2 semaphore(%run_scoped3A_218 : memref<!tpu.dma_semaphore, #tpu.memory_space<semaphore_mem>>) src(%dma_wait3A_242 : memref<65x128xf32, #tpu.memory_space<vmem>>) dst(%dma_wait3A_238 : memref<65x128xf32, #tpu.memory_space<vmem_shared>>)
      tpu.yield
    }) : () -> ()
    %add3A_37 = arith.constant 560 : i32
    %add3A_38 = arith.addi %mul3A_2, %add3A_37 : i32
    %run_scoped3A_39 = arith.constant 0 : i32
    "tpu.region"() ({
      %run_scoped3A_218 = tpu.sem_alloc : memref<!tpu.dma_semaphore, #tpu.memory_space<semaphore_mem>>
      %dma_start3A_219 = arith.constant 0 : i32
      %dma_start3A_220 = arith.constant 0 : i32
      %dma_start3A_221 = tpu.memref_slice %arg11[%run_scoped3A_39, %dma_start3A_219, %dma_start3A_220] : memref<2x80x8xf32, #tpu.memory_space<vmem>> -> memref<1x65x8xf32, #tpu.memory_space<vmem>>
      %dma_start3A_222 = tpu.memref_squeeze %dma_start3A_221 : memref<1x65x8xf32, #tpu.memory_space<vmem>> -> memref<65x8xf32, #tpu.memory_space<vmem>>
      %dma_start3A_223 = arith.constant 0 : i32
      %dma_start3A_224 = tpu.memref_slice %arg15[%add3A_38, %dma_start3A_223] : memref<10000x8xf32, #tpu.memory_space<vmem_shared>> -> memref<65x8xf32, #tpu.memory_space<vmem_shared>>
      %dma_start3A_225 = arith.constant 0 : i32
      %dma_start3A_226 = tpu.memref_slice %arg15[%add3A_38, %dma_start3A_225] : memref<10000x8xf32, #tpu.memory_space<vmem_shared>> -> memref<65x8xf32, #tpu.memory_space<vmem_shared>>
      %dma_start3A_227 = arith.constant 0 : i32
      %dma_start3A_228 = arith.constant 0 : i32
      %dma_start3A_229 = tpu.memref_slice %arg11[%run_scoped3A_39, %dma_start3A_227, %dma_start3A_228] : memref<2x80x8xf32, #tpu.memory_space<vmem>> -> memref<1x65x8xf32, #tpu.memory_space<vmem>>
      %dma_start3A_230 = tpu.memref_squeeze %dma_start3A_229 : memref<1x65x8xf32, #tpu.memory_space<vmem>> -> memref<65x8xf32, #tpu.memory_space<vmem>>
      tpu.enqueue_dma source(%dma_start3A_230 : memref<65x8xf32, #tpu.memory_space<vmem>>) target(%dma_start3A_226 : memref<65x8xf32, #tpu.memory_space<vmem_shared>>) target_semaphore(%run_scoped3A_218 : memref<!tpu.dma_semaphore, #tpu.memory_space<semaphore_mem>>)
      %dma_wait3A_231 = arith.constant 0 : i32
      %dma_wait3A_232 = arith.constant 0 : i32
      %dma_wait3A_233 = tpu.memref_slice %arg11[%run_scoped3A_39, %dma_wait3A_231, %dma_wait3A_232] : memref<2x80x8xf32, #tpu.memory_space<vmem>> -> memref<1x65x8xf32, #tpu.memory_space<vmem>>
      %dma_wait3A_234 = tpu.memref_squeeze %dma_wait3A_233 : memref<1x65x8xf32, #tpu.memory_space<vmem>> -> memref<65x8xf32, #tpu.memory_space<vmem>>
      %dma_wait3A_235 = arith.constant 0 : i32
      %dma_wait3A_236 = tpu.memref_slice %arg15[%add3A_38, %dma_wait3A_235] : memref<10000x8xf32, #tpu.memory_space<vmem_shared>> -> memref<65x8xf32, #tpu.memory_space<vmem_shared>>
      %dma_wait3A_237 = arith.constant 0 : i32
      %dma_wait3A_238 = tpu.memref_slice %arg15[%add3A_38, %dma_wait3A_237] : memref<10000x8xf32, #tpu.memory_space<vmem_shared>> -> memref<65x8xf32, #tpu.memory_space<vmem_shared>>
      %dma_wait3A_239 = arith.constant 0 : i32
      %dma_wait3A_240 = arith.constant 0 : i32
      %dma_wait3A_241 = tpu.memref_slice %arg11[%run_scoped3A_39, %dma_wait3A_239, %dma_wait3A_240] : memref<2x80x8xf32, #tpu.memory_space<vmem>> -> memref<1x65x8xf32, #tpu.memory_space<vmem>>
      %dma_wait3A_242 = tpu.memref_squeeze %dma_wait3A_241 : memref<1x65x8xf32, #tpu.memory_space<vmem>> -> memref<65x8xf32, #tpu.memory_space<vmem>>
      tpu.wait_dma2 semaphore(%run_scoped3A_218 : memref<!tpu.dma_semaphore, #tpu.memory_space<semaphore_mem>>) src(%dma_wait3A_242 : memref<65x8xf32, #tpu.memory_space<vmem>>) dst(%dma_wait3A_238 : memref<65x8xf32, #tpu.memory_space<vmem_shared>>)
      tpu.yield
    }) : () -> ()
    %barrier3A = arith.constant 0 : index
    tpu.barrier barrier_id(%barrier3A)
    %iota3A_40 = tpu.iota {dimensions = array<i32: 0>} : vector<16xi32>
    %run_scoped3A_41 = arith.constant 0 : i32
    %run_scoped3A_42 = arith.constant 0 : i32
    "tpu.region"() ({
      %run_scoped3A_218 = tpu.sem_alloc : memref<!tpu.dma_semaphore, #tpu.memory_space<semaphore_mem>>
      %dma_start3A_219 = arith.constant 0 : i32
      %dma_start3A_220 = tpu.memref_slice %arg12[%run_scoped3A_42, %dma_start3A_219] : memref<2x400xi32, #tpu.memory_space<vmem>> -> memref<1x400xi32, #tpu.memory_space<vmem>>
      %dma_start3A_221 = tpu.memref_squeeze %dma_start3A_220 : memref<1x400xi32, #tpu.memory_space<vmem>> -> memref<400xi32, #tpu.memory_space<vmem>>
      %dma_start3A_222 = arith.constant 0 : i32
      %dma_start3A_223 = tpu.memref_slice %arg4[%add3A, %run_scoped3A_41, %dma_start3A_222] : memref<32x25x400xi32, #tpu.memory_space<hbm>> -> memref<1x1x400xi32, #tpu.memory_space<hbm>>
      %dma_start3A_224 = tpu.memref_squeeze %dma_start3A_223 : memref<1x1x400xi32, #tpu.memory_space<hbm>> -> memref<400xi32, #tpu.memory_space<hbm>>
      %dma_start3A_225 = arith.constant 0 : i32
      %dma_start3A_226 = tpu.memref_slice %arg12[%run_scoped3A_42, %dma_start3A_225] : memref<2x400xi32, #tpu.memory_space<vmem>> -> memref<1x400xi32, #tpu.memory_space<vmem>>
      %dma_start3A_227 = tpu.memref_squeeze %dma_start3A_226 : memref<1x400xi32, #tpu.memory_space<vmem>> -> memref<400xi32, #tpu.memory_space<vmem>>
      %dma_start3A_228 = arith.constant 0 : i32
      %dma_start3A_229 = tpu.memref_slice %arg4[%add3A, %run_scoped3A_41, %dma_start3A_228] : memref<32x25x400xi32, #tpu.memory_space<hbm>> -> memref<1x1x400xi32, #tpu.memory_space<hbm>>
      %dma_start3A_230 = tpu.memref_squeeze %dma_start3A_229 : memref<1x1x400xi32, #tpu.memory_space<hbm>> -> memref<400xi32, #tpu.memory_space<hbm>>
      tpu.enqueue_dma source(%dma_start3A_230 : memref<400xi32, #tpu.memory_space<hbm>>) target(%dma_start3A_227 : memref<400xi32, #tpu.memory_space<vmem>>) target_semaphore(%run_scoped3A_218 : memref<!tpu.dma_semaphore, #tpu.memory_space<semaphore_mem>>)
      %dma_wait3A_231 = arith.constant 0 : i32
      %dma_wait3A_232 = tpu.memref_slice %arg12[%run_scoped3A_42, %dma_wait3A_231] : memref<2x400xi32, #tpu.memory_space<vmem>> -> memref<1x400xi32, #tpu.memory_space<vmem>>
      %dma_wait3A_233 = tpu.memref_squeeze %dma_wait3A_232 : memref<1x400xi32, #tpu.memory_space<vmem>> -> memref<400xi32, #tpu.memory_space<vmem>>
      %dma_wait3A_234 = arith.constant 0 : i32
      %dma_wait3A_235 = tpu.memref_slice %arg4[%add3A, %run_scoped3A_41, %dma_wait3A_234] : memref<32x25x400xi32, #tpu.memory_space<hbm>> -> memref<1x1x400xi32, #tpu.memory_space<hbm>>
      %dma_wait3A_236 = tpu.memref_squeeze %dma_wait3A_235 : memref<1x1x400xi32, #tpu.memory_space<hbm>> -> memref<400xi32, #tpu.memory_space<hbm>>
      %dma_wait3A_237 = arith.constant 0 : i32
      %dma_wait3A_238 = tpu.memref_slice %arg12[%run_scoped3A_42, %dma_wait3A_237] : memref<2x400xi32, #tpu.memory_space<vmem>> -> memref<1x400xi32, #tpu.memory_space<vmem>>
      %dma_wait3A_239 = tpu.memref_squeeze %dma_wait3A_238 : memref<1x400xi32, #tpu.memory_space<vmem>> -> memref<400xi32, #tpu.memory_space<vmem>>
      %dma_wait3A_240 = arith.constant 0 : i32
      %dma_wait3A_241 = tpu.memref_slice %arg4[%add3A, %run_scoped3A_41, %dma_wait3A_240] : memref<32x25x400xi32, #tpu.memory_space<hbm>> -> memref<1x1x400xi32, #tpu.memory_space<hbm>>
      %dma_wait3A_242 = tpu.memref_squeeze %dma_wait3A_241 : memref<1x1x400xi32, #tpu.memory_space<hbm>> -> memref<400xi32, #tpu.memory_space<hbm>>
      tpu.wait_dma2 semaphore(%run_scoped3A_218 : memref<!tpu.dma_semaphore, #tpu.memory_space<semaphore_mem>>) src(%dma_wait3A_242 : memref<400xi32, #tpu.memory_space<hbm>>) dst(%dma_wait3A_239 : memref<400xi32, #tpu.memory_space<vmem>>)
      tpu.yield
    }) : () -> ()
    %run_scoped3A_43 = arith.constant 0 : i32
    %run_scoped3A_44 = arith.constant 0 : i32
    "tpu.region"() ({
      %run_scoped3A_218 = tpu.sem_alloc : memref<!tpu.dma_semaphore, #tpu.memory_space<semaphore_mem>>
      %dma_start3A_219 = arith.constant 0 : i32
      %dma_start3A_220 = tpu.memref_slice %arg13[%run_scoped3A_44, %dma_start3A_219] : memref<2x400xi32, #tpu.memory_space<vmem>> -> memref<1x400xi32, #tpu.memory_space<vmem>>
      %dma_start3A_221 = tpu.memref_squeeze %dma_start3A_220 : memref<1x400xi32, #tpu.memory_space<vmem>> -> memref<400xi32, #tpu.memory_space<vmem>>
      %dma_start3A_222 = arith.constant 0 : i32
      %dma_start3A_223 = tpu.memref_slice %arg5[%add3A, %run_scoped3A_43, %dma_start3A_222] : memref<32x25x400xi32, #tpu.memory_space<hbm>> -> memref<1x1x400xi32, #tpu.memory_space<hbm>>
      %dma_start3A_224 = tpu.memref_squeeze %dma_start3A_223 : memref<1x1x400xi32, #tpu.memory_space<hbm>> -> memref<400xi32, #tpu.memory_space<hbm>>
      %dma_start3A_225 = arith.constant 0 : i32
      %dma_start3A_226 = tpu.memref_slice %arg13[%run_scoped3A_44, %dma_start3A_225] : memref<2x400xi32, #tpu.memory_space<vmem>> -> memref<1x400xi32, #tpu.memory_space<vmem>>
      %dma_start3A_227 = tpu.memref_squeeze %dma_start3A_226 : memref<1x400xi32, #tpu.memory_space<vmem>> -> memref<400xi32, #tpu.memory_space<vmem>>
      %dma_start3A_228 = arith.constant 0 : i32
      %dma_start3A_229 = tpu.memref_slice %arg5[%add3A, %run_scoped3A_43, %dma_start3A_228] : memref<32x25x400xi32, #tpu.memory_space<hbm>> -> memref<1x1x400xi32, #tpu.memory_space<hbm>>
      %dma_start3A_230 = tpu.memref_squeeze %dma_start3A_229 : memref<1x1x400xi32, #tpu.memory_space<hbm>> -> memref<400xi32, #tpu.memory_space<hbm>>
      tpu.enqueue_dma source(%dma_start3A_230 : memref<400xi32, #tpu.memory_space<hbm>>) target(%dma_start3A_227 : memref<400xi32, #tpu.memory_space<vmem>>) target_semaphore(%run_scoped3A_218 : memref<!tpu.dma_semaphore, #tpu.memory_space<semaphore_mem>>)
      %dma_wait3A_231 = arith.constant 0 : i32
      %dma_wait3A_232 = tpu.memref_slice %arg13[%run_scoped3A_44, %dma_wait3A_231] : memref<2x400xi32, #tpu.memory_space<vmem>> -> memref<1x400xi32, #tpu.memory_space<vmem>>
      %dma_wait3A_233 = tpu.memref_squeeze %dma_wait3A_232 : memref<1x400xi32, #tpu.memory_space<vmem>> -> memref<400xi32, #tpu.memory_space<vmem>>
      %dma_wait3A_234 = arith.constant 0 : i32
      %dma_wait3A_235 = tpu.memref_slice %arg5[%add3A, %run_scoped3A_43, %dma_wait3A_234] : memref<32x25x400xi32, #tpu.memory_space<hbm>> -> memref<1x1x400xi32, #tpu.memory_space<hbm>>
      %dma_wait3A_236 = tpu.memref_squeeze %dma_wait3A_235 : memref<1x1x400xi32, #tpu.memory_space<hbm>> -> memref<400xi32, #tpu.memory_space<hbm>>
      %dma_wait3A_237 = arith.constant 0 : i32
      %dma_wait3A_238 = tpu.memref_slice %arg13[%run_scoped3A_44, %dma_wait3A_237] : memref<2x400xi32, #tpu.memory_space<vmem>> -> memref<1x400xi32, #tpu.memory_space<vmem>>
      %dma_wait3A_239 = tpu.memref_squeeze %dma_wait3A_238 : memref<1x400xi32, #tpu.memory_space<vmem>> -> memref<400xi32, #tpu.memory_space<vmem>>
      %dma_wait3A_240 = arith.constant 0 : i32
      %dma_wait3A_241 = tpu.memref_slice %arg5[%add3A, %run_scoped3A_43, %dma_wait3A_240] : memref<32x25x400xi32, #tpu.memory_space<hbm>> -> memref<1x1x400xi32, #tpu.memory_space<hbm>>
      %dma_wait3A_242 = tpu.memref_squeeze %dma_wait3A_241 : memref<1x1x400xi32, #tpu.memory_space<hbm>> -> memref<400xi32, #tpu.memory_space<hbm>>
      tpu.wait_dma2 semaphore(%run_scoped3A_218 : memref<!tpu.dma_semaphore, #tpu.memory_space<semaphore_mem>>) src(%dma_wait3A_242 : memref<400xi32, #tpu.memory_space<hbm>>) dst(%dma_wait3A_239 : memref<400xi32, #tpu.memory_space<vmem>>)
      tpu.yield
    }) : () -> ()
    %dma_start3A = arith.constant 1 : i32
    %dma_start3A_45 = arith.constant 1 : i32
    %dma_start3A_46 = arith.constant 1 : i32
    %dma_start3A_47 = arith.constant 0 : i32
    %dma_start3A_48 = tpu.memref_slice %arg12[%dma_start3A_45, %dma_start3A_47] : memref<2x400xi32, #tpu.memory_space<vmem>> -> memref<1x400xi32, #tpu.memory_space<vmem>>
    %dma_start3A_49 = tpu.memref_squeeze %dma_start3A_48 : memref<1x400xi32, #tpu.memory_space<vmem>> -> memref<400xi32, #tpu.memory_space<vmem>>
    %dma_start3A_50 = arith.constant 0 : i32
    %dma_start3A_51 = tpu.memref_slice %arg4[%add3A, %dma_start3A, %dma_start3A_50] : memref<32x25x400xi32, #tpu.memory_space<hbm>> -> memref<1x1x400xi32, #tpu.memory_space<hbm>>
    %dma_start3A_52 = tpu.memref_squeeze %dma_start3A_51 : memref<1x1x400xi32, #tpu.memory_space<hbm>> -> memref<400xi32, #tpu.memory_space<hbm>>
    %dma_start3A_53 = tpu.memref_slice %arg18[%dma_start3A_46] : memref<2x!tpu.dma_semaphore, #tpu.memory_space<semaphore_mem>> -> memref<1x!tpu.dma_semaphore, #tpu.memory_space<semaphore_mem>>
    %dma_start3A_54 = tpu.memref_squeeze %dma_start3A_53 : memref<1x!tpu.dma_semaphore, #tpu.memory_space<semaphore_mem>> -> memref<!tpu.dma_semaphore, #tpu.memory_space<semaphore_mem>>
    %dma_start3A_55 = arith.constant 0 : i32
    %dma_start3A_56 = tpu.memref_slice %arg12[%dma_start3A_45, %dma_start3A_55] : memref<2x400xi32, #tpu.memory_space<vmem>> -> memref<1x400xi32, #tpu.memory_space<vmem>>
    %dma_start3A_57 = tpu.memref_squeeze %dma_start3A_56 : memref<1x400xi32, #tpu.memory_space<vmem>> -> memref<400xi32, #tpu.memory_space<vmem>>
    %dma_start3A_58 = arith.constant 0 : i32
    %dma_start3A_59 = tpu.memref_slice %arg4[%add3A, %dma_start3A, %dma_start3A_58] : memref<32x25x400xi32, #tpu.memory_space<hbm>> -> memref<1x1x400xi32, #tpu.memory_space<hbm>>
    %dma_start3A_60 = tpu.memref_squeeze %dma_start3A_59 : memref<1x1x400xi32, #tpu.memory_space<hbm>> -> memref<400xi32, #tpu.memory_space<hbm>>
    tpu.enqueue_dma source(%dma_start3A_60 : memref<400xi32, #tpu.memory_space<hbm>>) target(%dma_start3A_57 : memref<400xi32, #tpu.memory_space<vmem>>) target_semaphore(%dma_start3A_54 : memref<!tpu.dma_semaphore, #tpu.memory_space<semaphore_mem>>)
    %dma_start3A_61 = arith.constant 1 : i32
    %dma_start3A_62 = arith.constant 1 : i32
    %dma_start3A_63 = arith.constant 1 : i32
    %dma_start3A_64 = arith.constant 0 : i32
    %dma_start3A_65 = tpu.memref_slice %arg13[%dma_start3A_62, %dma_start3A_64] : memref<2x400xi32, #tpu.memory_space<vmem>> -> memref<1x400xi32, #tpu.memory_space<vmem>>
    %dma_start3A_66 = tpu.memref_squeeze %dma_start3A_65 : memref<1x400xi32, #tpu.memory_space<vmem>> -> memref<400xi32, #tpu.memory_space<vmem>>
    %dma_start3A_67 = arith.constant 0 : i32
    %dma_start3A_68 = tpu.memref_slice %arg5[%add3A, %dma_start3A_61, %dma_start3A_67] : memref<32x25x400xi32, #tpu.memory_space<hbm>> -> memref<1x1x400xi32, #tpu.memory_space<hbm>>
    %dma_start3A_69 = tpu.memref_squeeze %dma_start3A_68 : memref<1x1x400xi32, #tpu.memory_space<hbm>> -> memref<400xi32, #tpu.memory_space<hbm>>
    %dma_start3A_70 = tpu.memref_slice %arg18[%dma_start3A_63] : memref<2x!tpu.dma_semaphore, #tpu.memory_space<semaphore_mem>> -> memref<1x!tpu.dma_semaphore, #tpu.memory_space<semaphore_mem>>
    %dma_start3A_71 = tpu.memref_squeeze %dma_start3A_70 : memref<1x!tpu.dma_semaphore, #tpu.memory_space<semaphore_mem>> -> memref<!tpu.dma_semaphore, #tpu.memory_space<semaphore_mem>>
    %dma_start3A_72 = arith.constant 0 : i32
    %dma_start3A_73 = tpu.memref_slice %arg13[%dma_start3A_62, %dma_start3A_72] : memref<2x400xi32, #tpu.memory_space<vmem>> -> memref<1x400xi32, #tpu.memory_space<vmem>>
    %dma_start3A_74 = tpu.memref_squeeze %dma_start3A_73 : memref<1x400xi32, #tpu.memory_space<vmem>> -> memref<400xi32, #tpu.memory_space<vmem>>
    %dma_start3A_75 = arith.constant 0 : i32
    %dma_start3A_76 = tpu.memref_slice %arg5[%add3A, %dma_start3A_61, %dma_start3A_75] : memref<32x25x400xi32, #tpu.memory_space<hbm>> -> memref<1x1x400xi32, #tpu.memory_space<hbm>>
    %dma_start3A_77 = tpu.memref_squeeze %dma_start3A_76 : memref<1x1x400xi32, #tpu.memory_space<hbm>> -> memref<400xi32, #tpu.memory_space<hbm>>
    tpu.enqueue_dma source(%dma_start3A_77 : memref<400xi32, #tpu.memory_space<hbm>>) target(%dma_start3A_74 : memref<400xi32, #tpu.memory_space<vmem>>) target_semaphore(%dma_start3A_71 : memref<!tpu.dma_semaphore, #tpu.memory_space<semaphore_mem>>)
    %dma_start3A_78 = arith.constant 0 : i32
    %dma_start3A_79 = arith.constant 0 : i32
    %dma_start3A_80 = arith.constant 0 : i32
    %dma_start3A_81 = arith.constant 0 : i32
    %dma_start3A_82 = arith.constant 0 : i32
    %dma_start3A_83 = tpu.memref_slice %arg8[%dma_start3A_79, %dma_start3A_81, %dma_start3A_82] : memref<3x80x128xf32, #tpu.memory_space<vmem>> -> memref<1x80x128xf32, #tpu.memory_space<vmem>>
    %dma_start3A_84 = tpu.memref_squeeze %dma_start3A_83 : memref<1x80x128xf32, #tpu.memory_space<vmem>> -> memref<80x128xf32, #tpu.memory_space<vmem>>
    %dma_start3A_85 = arith.constant 0 : i32
    %dma_start3A_86 = tpu.memref_slice %arg12[%dma_start3A_78, %dma_start3A_85] : memref<2x400xi32, #tpu.memory_space<vmem>> -> memref<1x80xi32, #tpu.memory_space<vmem>>
    %dma_start3A_87 = tpu.memref_squeeze %dma_start3A_86 : memref<1x80xi32, #tpu.memory_space<vmem>> -> memref<80xi32, #tpu.memory_space<vmem>>
    %dma_start3A_88 = arith.constant 0 : i32
    %dma_start3A_89 = arith.constant 0 : i32
    %dma_start3A_90 = tpu.memref_slice %arg2[%dma_start3A_88, %dma_start3A_89] : memref<10000x128xf32, #tpu.memory_space<hbm>> -> memref<10000x128xf32, #tpu.memory_space<hbm>>
    %dma_start3A_91 = tpu.memref_slice %arg16[%dma_start3A_80] : memref<3x!tpu.dma_semaphore, #tpu.memory_space<semaphore_mem>> -> memref<1x!tpu.dma_semaphore, #tpu.memory_space<semaphore_mem>>
    %dma_start3A_92 = tpu.memref_squeeze %dma_start3A_91 : memref<1x!tpu.dma_semaphore, #tpu.memory_space<semaphore_mem>> -> memref<!tpu.dma_semaphore, #tpu.memory_space<semaphore_mem>>
    tpu.enqueue_indirect_dma source(%dma_start3A_90 : memref<10000x128xf32, #tpu.memory_space<hbm>>) target(%dma_start3A_84 : memref<80x128xf32, #tpu.memory_space<vmem>>) offsets(%dma_start3A_87 : memref<80xi32, #tpu.memory_space<vmem>>) semaphore(%dma_start3A_92 : memref<!tpu.dma_semaphore, #tpu.memory_space<semaphore_mem>>)
    %dma_start3A_93 = arith.constant 0 : i32
    %dma_start3A_94 = arith.constant 0 : i32
    %dma_start3A_95 = arith.constant 0 : i32
    %dma_start3A_96 = arith.constant 0 : i32
    %dma_start3A_97 = arith.constant 0 : i32
    %dma_start3A_98 = tpu.memref_slice %arg9[%dma_start3A_94, %dma_start3A_96, %dma_start3A_97] : memref<3x80x8xf32, #tpu.memory_space<vmem>> -> memref<1x80x8xf32, #tpu.memory_space<vmem>>
    %dma_start3A_99 = tpu.memref_squeeze %dma_start3A_98 : memref<1x80x8xf32, #tpu.memory_space<vmem>> -> memref<80x8xf32, #tpu.memory_space<vmem>>
    %dma_start3A_100 = arith.constant 0 : i32
    %dma_start3A_101 = tpu.memref_slice %arg12[%dma_start3A_93, %dma_start3A_100] : memref<2x400xi32, #tpu.memory_space<vmem>> -> memref<1x80xi32, #tpu.memory_space<vmem>>
    %dma_start3A_102 = tpu.memref_squeeze %dma_start3A_101 : memref<1x80xi32, #tpu.memory_space<vmem>> -> memref<80xi32, #tpu.memory_space<vmem>>
    %dma_start3A_103 = arith.constant 0 : i32
    %dma_start3A_104 = arith.constant 0 : i32
    %dma_start3A_105 = tpu.memref_slice %arg3[%dma_start3A_103, %dma_start3A_104] : memref<10000x8xf32, #tpu.memory_space<hbm>> -> memref<10000x8xf32, #tpu.memory_space<hbm>>
    %dma_start3A_106 = tpu.memref_slice %arg16[%dma_start3A_95] : memref<3x!tpu.dma_semaphore, #tpu.memory_space<semaphore_mem>> -> memref<1x!tpu.dma_semaphore, #tpu.memory_space<semaphore_mem>>
    %dma_start3A_107 = tpu.memref_squeeze %dma_start3A_106 : memref<1x!tpu.dma_semaphore, #tpu.memory_space<semaphore_mem>> -> memref<!tpu.dma_semaphore, #tpu.memory_space<semaphore_mem>>
    tpu.enqueue_indirect_dma source(%dma_start3A_105 : memref<10000x8xf32, #tpu.memory_space<hbm>>) target(%dma_start3A_99 : memref<80x8xf32, #tpu.memory_space<vmem>>) offsets(%dma_start3A_102 : memref<80xi32, #tpu.memory_space<vmem>>) semaphore(%dma_start3A_107 : memref<!tpu.dma_semaphore, #tpu.memory_space<semaphore_mem>>)
    %dma_start3A_108 = arith.constant 0 : i32
    %dma_start3A_109 = arith.constant 0 : i32
    %dma_start3A_110 = arith.constant 0 : i32
    %dma_start3A_111 = arith.constant 0 : i32
    %dma_start3A_112 = arith.constant 0 : i32
    %dma_start3A_113 = tpu.memref_slice %arg10[%dma_start3A_109, %dma_start3A_111, %dma_start3A_112] : memref<3x80x8xf32, #tpu.memory_space<vmem>> -> memref<1x80x8xf32, #tpu.memory_space<vmem>>
    %dma_start3A_114 = tpu.memref_squeeze %dma_start3A_113 : memref<1x80x8xf32, #tpu.memory_space<vmem>> -> memref<80x8xf32, #tpu.memory_space<vmem>>
    %dma_start3A_115 = arith.constant 0 : i32
    %dma_start3A_116 = tpu.memref_slice %arg13[%dma_start3A_108, %dma_start3A_115] : memref<2x400xi32, #tpu.memory_space<vmem>> -> memref<1x80xi32, #tpu.memory_space<vmem>>
    %dma_start3A_117 = tpu.memref_squeeze %dma_start3A_116 : memref<1x80xi32, #tpu.memory_space<vmem>> -> memref<80xi32, #tpu.memory_space<vmem>>
    %dma_start3A_118 = arith.constant 0 : i32
    %dma_start3A_119 = arith.constant 0 : i32
    %dma_start3A_120 = tpu.memref_slice %arg3[%dma_start3A_118, %dma_start3A_119] : memref<10000x8xf32, #tpu.memory_space<hbm>> -> memref<10000x8xf32, #tpu.memory_space<hbm>>
    %dma_start3A_121 = tpu.memref_slice %arg16[%dma_start3A_110] : memref<3x!tpu.dma_semaphore, #tpu.memory_space<semaphore_mem>> -> memref<1x!tpu.dma_semaphore, #tpu.memory_space<semaphore_mem>>
    %dma_start3A_122 = tpu.memref_squeeze %dma_start3A_121 : memref<1x!tpu.dma_semaphore, #tpu.memory_space<semaphore_mem>> -> memref<!tpu.dma_semaphore, #tpu.memory_space<semaphore_mem>>
    tpu.enqueue_indirect_dma source(%dma_start3A_120 : memref<10000x8xf32, #tpu.memory_space<hbm>>) target(%dma_start3A_114 : memref<80x8xf32, #tpu.memory_space<vmem>>) offsets(%dma_start3A_117 : memref<80xi32, #tpu.memory_space<vmem>>) semaphore(%dma_start3A_122 : memref<!tpu.dma_semaphore, #tpu.memory_space<semaphore_mem>>)
    %dma_start3A_123 = arith.constant 0 : i32
    %dma_start3A_124 = arith.constant 1 : i32
    %dma_start3A_125 = arith.constant 1 : i32
    %dma_start3A_126 = arith.constant 0 : i32
    %dma_start3A_127 = arith.constant 0 : i32
    %dma_start3A_128 = tpu.memref_slice %arg8[%dma_start3A_124, %dma_start3A_126, %dma_start3A_127] : memref<3x80x128xf32, #tpu.memory_space<vmem>> -> memref<1x80x128xf32, #tpu.memory_space<vmem>>
    %dma_start3A_129 = tpu.memref_squeeze %dma_start3A_128 : memref<1x80x128xf32, #tpu.memory_space<vmem>> -> memref<80x128xf32, #tpu.memory_space<vmem>>
    %dma_start3A_130 = arith.constant 80 : i32
    %dma_start3A_131 = tpu.memref_slice %arg12[%dma_start3A_123, %dma_start3A_130] : memref<2x400xi32, #tpu.memory_space<vmem>> -> memref<1x80xi32, #tpu.memory_space<vmem>>
    %dma_start3A_132 = tpu.memref_squeeze %dma_start3A_131 : memref<1x80xi32, #tpu.memory_space<vmem>> -> memref<80xi32, #tpu.memory_space<vmem>>
    %dma_start3A_133 = arith.constant 0 : i32
    %dma_start3A_134 = arith.constant 0 : i32
    %dma_start3A_135 = tpu.memref_slice %arg2[%dma_start3A_133, %dma_start3A_134] : memref<10000x128xf32, #tpu.memory_space<hbm>> -> memref<10000x128xf32, #tpu.memory_space<hbm>>
    %dma_start3A_136 = tpu.memref_slice %arg16[%dma_start3A_125] : memref<3x!tpu.dma_semaphore, #tpu.memory_space<semaphore_mem>> -> memref<1x!tpu.dma_semaphore, #tpu.memory_space<semaphore_mem>>
    %dma_start3A_137 = tpu.memref_squeeze %dma_start3A_136 : memref<1x!tpu.dma_semaphore, #tpu.memory_space<semaphore_mem>> -> memref<!tpu.dma_semaphore, #tpu.memory_space<semaphore_mem>>
    tpu.enqueue_indirect_dma source(%dma_start3A_135 : memref<10000x128xf32, #tpu.memory_space<hbm>>) target(%dma_start3A_129 : memref<80x128xf32, #tpu.memory_space<vmem>>) offsets(%dma_start3A_132 : memref<80xi32, #tpu.memory_space<vmem>>) semaphore(%dma_start3A_137 : memref<!tpu.dma_semaphore, #tpu.memory_space<semaphore_mem>>)
    %dma_start3A_138 = arith.constant 0 : i32
    %dma_start3A_139 = arith.constant 1 : i32
    %dma_start3A_140 = arith.constant 1 : i32
    %dma_start3A_141 = arith.constant 0 : i32
    %dma_start3A_142 = arith.constant 0 : i32
    %dma_start3A_143 = tpu.memref_slice %arg9[%dma_start3A_139, %dma_start3A_141, %dma_start3A_142] : memref<3x80x8xf32, #tpu.memory_space<vmem>> -> memref<1x80x8xf32, #tpu.memory_space<vmem>>
    %dma_start3A_144 = tpu.memref_squeeze %dma_start3A_143 : memref<1x80x8xf32, #tpu.memory_space<vmem>> -> memref<80x8xf32, #tpu.memory_space<vmem>>
    %dma_start3A_145 = arith.constant 80 : i32
    %dma_start3A_146 = tpu.memref_slice %arg12[%dma_start3A_138, %dma_start3A_145] : memref<2x400xi32, #tpu.memory_space<vmem>> -> memref<1x80xi32, #tpu.memory_space<vmem>>
    %dma_start3A_147 = tpu.memref_squeeze %dma_start3A_146 : memref<1x80xi32, #tpu.memory_space<vmem>> -> memref<80xi32, #tpu.memory_space<vmem>>
    %dma_start3A_148 = arith.constant 0 : i32
    %dma_start3A_149 = arith.constant 0 : i32
    %dma_start3A_150 = tpu.memref_slice %arg3[%dma_start3A_148, %dma_start3A_149] : memref<10000x8xf32, #tpu.memory_space<hbm>> -> memref<10000x8xf32, #tpu.memory_space<hbm>>
    %dma_start3A_151 = tpu.memref_slice %arg16[%dma_start3A_140] : memref<3x!tpu.dma_semaphore, #tpu.memory_space<semaphore_mem>> -> memref<1x!tpu.dma_semaphore, #tpu.memory_space<semaphore_mem>>
    %dma_start3A_152 = tpu.memref_squeeze %dma_start3A_151 : memref<1x!tpu.dma_semaphore, #tpu.memory_space<semaphore_mem>> -> memref<!tpu.dma_semaphore, #tpu.memory_space<semaphore_mem>>
    tpu.enqueue_indirect_dma source(%dma_start3A_150 : memref<10000x8xf32, #tpu.memory_space<hbm>>) target(%dma_start3A_144 : memref<80x8xf32, #tpu.memory_space<vmem>>) offsets(%dma_start3A_147 : memref<80xi32, #tpu.memory_space<vmem>>) semaphore(%dma_start3A_152 : memref<!tpu.dma_semaphore, #tpu.memory_space<semaphore_mem>>)
    %dma_start3A_153 = arith.constant 0 : i32
    %dma_start3A_154 = arith.constant 1 : i32
    %dma_start3A_155 = arith.constant 1 : i32
    %dma_start3A_156 = arith.constant 0 : i32
    %dma_start3A_157 = arith.constant 0 : i32
    %dma_start3A_158 = tpu.memref_slice %arg10[%dma_start3A_154, %dma_start3A_156, %dma_start3A_157] : memref<3x80x8xf32, #tpu.memory_space<vmem>> -> memref<1x80x8xf32, #tpu.memory_space<vmem>>
    %dma_start3A_159 = tpu.memref_squeeze %dma_start3A_158 : memref<1x80x8xf32, #tpu.memory_space<vmem>> -> memref<80x8xf32, #tpu.memory_space<vmem>>
    %dma_start3A_160 = arith.constant 80 : i32
    %dma_start3A_161 = tpu.memref_slice %arg13[%dma_start3A_153, %dma_start3A_160] : memref<2x400xi32, #tpu.memory_space<vmem>> -> memref<1x80xi32, #tpu.memory_space<vmem>>
    %dma_start3A_162 = tpu.memref_squeeze %dma_start3A_161 : memref<1x80xi32, #tpu.memory_space<vmem>> -> memref<80xi32, #tpu.memory_space<vmem>>
    %dma_start3A_163 = arith.constant 0 : i32
    %dma_start3A_164 = arith.constant 0 : i32
    %dma_start3A_165 = tpu.memref_slice %arg3[%dma_start3A_163, %dma_start3A_164] : memref<10000x8xf32, #tpu.memory_space<hbm>> -> memref<10000x8xf32, #tpu.memory_space<hbm>>
    %dma_start3A_166 = tpu.memref_slice %arg16[%dma_start3A_155] : memref<3x!tpu.dma_semaphore, #tpu.memory_space<semaphore_mem>> -> memref<1x!tpu.dma_semaphore, #tpu.memory_space<semaphore_mem>>
    %dma_start3A_167 = tpu.memref_squeeze %dma_start3A_166 : memref<1x!tpu.dma_semaphore, #tpu.memory_space<semaphore_mem>> -> memref<!tpu.dma_semaphore, #tpu.memory_space<semaphore_mem>>
    tpu.enqueue_indirect_dma source(%dma_start3A_165 : memref<10000x8xf32, #tpu.memory_space<hbm>>) target(%dma_start3A_159 : memref<80x8xf32, #tpu.memory_space<vmem>>) offsets(%dma_start3A_162 : memref<80xi32, #tpu.memory_space<vmem>>) semaphore(%dma_start3A_167 : memref<!tpu.dma_semaphore, #tpu.memory_space<semaphore_mem>>)
    %scan3A_168 = arith.constant 0 : i32
    %scan3A_169 = arith.constant 0 : i32
    %scan3A_170 = arith.constant 125 : i32
    %scan3A_171 = arith.addi %scan3A_169, %scan3A_170 : i32
    %scan3A_172 = arith.constant 1 : i32
    %scan3A_173 = scf.for %scan3A_218 = %scan3A_169 to %scan3A_171 step %scan3A_172 iter_args(%scan3A_219 = %scan3A_168) -> (i32)  : i32 {
      %jit3A = arith.constant 3 : i32
      %eq3A = arith.constant 0 : i32
      %eq3A_220 = arith.cmpi eq, %jit3A, %eq3A : i32
      %jit3A_221 = arith.constant 1 : i32
      %select_n3A = arith.select %eq3A_220, %jit3A_221, %jit3A : i32
      %rem3A = arith.remsi %scan3A_218, %select_n3A : i32
      %ne3A = arith.constant 0 : i32
      %ne3A_222 = arith.cmpi ne, %rem3A, %ne3A : i32
      %lt3A = arith.constant 0 : i32
      %lt3A_223 = arith.cmpi slt, %rem3A, %lt3A : i32
      %lt3A_224 = arith.constant 0 : i32
      %lt3A_225 = arith.cmpi slt, %select_n3A, %lt3A_224 : i32
      %ne3A_226 = arith.xori %lt3A_223, %lt3A_225 : i1
      %and3A_227 = arith.andi %ne3A_226, %ne3A_222 : i1
      %add3A_228 = arith.addi %rem3A, %select_n3A : i32
      %select_n3A_229 = arith.select %and3A_227, %add3A_228, %rem3A : i32
      %jit3A_230 = arith.constant 5 : i32
      %div3A = arith.divsi %scan3A_218, %jit3A_230 : i32
      %sign3A = arith.constant 0 : i32
      %sign3A_231 = arith.cmpi sgt, %scan3A_218, %sign3A : i32
      %sign3A_232 = arith.extui %sign3A_231 : i1 to i32
      %sign3A_233 = arith.constant 0 : i32
      %sign3A_234 = arith.cmpi slt, %scan3A_218, %sign3A_233 : i32
      %sign3A_235 = arith.extui %sign3A_234 : i1 to i32
      %sign3A_236 = arith.subi %sign3A_232, %sign3A_235 : i32
      %sign3A_237 = arith.constant 0 : i32
      %sign3A_238 = arith.cmpi sgt, %jit3A_230, %sign3A_237 : i32
      %sign3A_239 = arith.extui %sign3A_238 : i1 to i32
      %sign3A_240 = arith.constant 0 : i32
      %sign3A_241 = arith.cmpi slt, %jit3A_230, %sign3A_240 : i32
      %sign3A_242 = arith.extui %sign3A_241 : i1 to i32
      %sign3A_243 = arith.subi %sign3A_239, %sign3A_242 : i32
      %ne3A_244 = arith.cmpi ne, %sign3A_236, %sign3A_243 : i32
      %rem3A_245 = arith.remsi %scan3A_218, %jit3A_230 : i32
      %ne3A_246 = arith.constant 0 : i32
      %ne3A_247 = arith.cmpi ne, %rem3A_245, %ne3A_246 : i32
      %and3A_248 = arith.andi %ne3A_244, %ne3A_247 : i1
      %sub3A = arith.constant 1 : i32
      %sub3A_249 = arith.subi %div3A, %sub3A : i32
      %select_n3A_250 = arith.select %and3A_248, %sub3A_249, %div3A : i32
      %mul3A_251 = arith.constant 5 : i32
      %mul3A_252 = arith.muli %select_n3A_250, %mul3A_251 : i32
      %sub3A_253 = arith.subi %scan3A_218, %mul3A_252 : i32
      %jit3A_254 = arith.constant 2 : i32
      %eq3A_255 = arith.constant 0 : i32
      %eq3A_256 = arith.cmpi eq, %jit3A_254, %eq3A_255 : i32
      %jit3A_257 = arith.constant 1 : i32
      %select_n3A_258 = arith.select %eq3A_256, %jit3A_257, %jit3A_254 : i32
      %rem3A_259 = arith.remsi %select_n3A_250, %select_n3A_258 : i32
      %ne3A_260 = arith.constant 0 : i32
      %ne3A_261 = arith.cmpi ne, %rem3A_259, %ne3A_260 : i32
      %lt3A_262 = arith.constant 0 : i32
      %lt3A_263 = arith.cmpi slt, %rem3A_259, %lt3A_262 : i32
      %lt3A_264 = arith.constant 0 : i32
      %lt3A_265 = arith.cmpi slt, %select_n3A_258, %lt3A_264 : i32
      %ne3A_266 = arith.xori %lt3A_263, %lt3A_265 : i1
      %and3A_267 = arith.andi %ne3A_266, %ne3A_261 : i1
      %add3A_268 = arith.addi %rem3A_259, %select_n3A_258 : i32
      %select_n3A_269 = arith.select %and3A_267, %add3A_268, %rem3A_259 : i32
      %mul3A_270 = arith.constant 80 : i32
      %mul3A_271 = arith.muli %sub3A_253, %mul3A_270 : i32
      %jit3A_272 = arith.constant 2 : i32
      %eq3A_273 = arith.constant 0 : i32
      %eq3A_274 = arith.cmpi eq, %jit3A_272, %eq3A_273 : i32
      %jit3A_275 = arith.constant 1 : i32
      %select_n3A_276 = arith.select %eq3A_274, %jit3A_275, %jit3A_272 : i32
      %rem3A_277 = arith.remsi %select_n3A_250, %select_n3A_276 : i32
      %ne3A_278 = arith.constant 0 : i32
      %ne3A_279 = arith.cmpi ne, %rem3A_277, %ne3A_278 : i32
      %lt3A_280 = arith.constant 0 : i32
      %lt3A_281 = arith.cmpi slt, %rem3A_277, %lt3A_280 : i32
      %lt3A_282 = arith.constant 0 : i32
      %lt3A_283 = arith.cmpi slt, %select_n3A_276, %lt3A_282 : i32
      %ne3A_284 = arith.xori %lt3A_281, %lt3A_283 : i1
      %and3A_285 = arith.andi %ne3A_284, %ne3A_279 : i1
      %add3A_286 = arith.addi %rem3A_277, %select_n3A_276 : i32
      %select_n3A_287 = arith.select %and3A_285, %add3A_286, %rem3A_277 : i32
      %mul3A_288 = arith.constant 80 : i32
      %mul3A_289 = arith.muli %sub3A_253, %mul3A_288 : i32
      %dma_wait3A_290 = arith.constant 0 : i32
      %dma_wait3A_291 = arith.constant 0 : i32
      %dma_wait3A_292 = tpu.memref_slice %arg8[%select_n3A_229, %dma_wait3A_290, %dma_wait3A_291] : memref<3x80x128xf32, #tpu.memory_space<vmem>> -> memref<1x80x128xf32, #tpu.memory_space<vmem>>
      %dma_wait3A_293 = tpu.memref_squeeze %dma_wait3A_292 : memref<1x80x128xf32, #tpu.memory_space<vmem>> -> memref<80x128xf32, #tpu.memory_space<vmem>>
      %dma_wait3A_294 = tpu.memref_slice %arg12[%select_n3A_269, %mul3A_271] : memref<2x400xi32, #tpu.memory_space<vmem>> -> memref<1x80xi32, #tpu.memory_space<vmem>>
      %dma_wait3A_295 = tpu.memref_squeeze %dma_wait3A_294 : memref<1x80xi32, #tpu.memory_space<vmem>> -> memref<80xi32, #tpu.memory_space<vmem>>
      %dma_wait3A_296 = arith.constant 0 : i32
      %dma_wait3A_297 = arith.constant 0 : i32
      %dma_wait3A_298 = tpu.memref_slice %arg2[%dma_wait3A_296, %dma_wait3A_297] : memref<10000x128xf32, #tpu.memory_space<hbm>> -> memref<10000x128xf32, #tpu.memory_space<hbm>>
      %dma_wait3A_299 = tpu.memref_slice %arg16[%select_n3A_229] : memref<3x!tpu.dma_semaphore, #tpu.memory_space<semaphore_mem>> -> memref<1x!tpu.dma_semaphore, #tpu.memory_space<semaphore_mem>>
      %dma_wait3A_300 = tpu.memref_squeeze %dma_wait3A_299 : memref<1x!tpu.dma_semaphore, #tpu.memory_space<semaphore_mem>> -> memref<!tpu.dma_semaphore, #tpu.memory_space<semaphore_mem>>
      tpu.wait_indirect_dma semaphore(%dma_wait3A_300 : memref<!tpu.dma_semaphore, #tpu.memory_space<semaphore_mem>>) src(%dma_wait3A_298 : memref<10000x128xf32, #tpu.memory_space<hbm>>) dst(%dma_wait3A_293 : memref<80x128xf32, #tpu.memory_space<vmem>>)
      %dma_wait3A_301 = arith.constant 0 : i32
      %dma_wait3A_302 = arith.constant 0 : i32
      %dma_wait3A_303 = tpu.memref_slice %arg9[%select_n3A_229, %dma_wait3A_301, %dma_wait3A_302] : memref<3x80x8xf32, #tpu.memory_space<vmem>> -> memref<1x80x8xf32, #tpu.memory_space<vmem>>
      %dma_wait3A_304 = tpu.memref_squeeze %dma_wait3A_303 : memref<1x80x8xf32, #tpu.memory_space<vmem>> -> memref<80x8xf32, #tpu.memory_space<vmem>>
      %dma_wait3A_305 = tpu.memref_slice %arg12[%select_n3A_269, %mul3A_271] : memref<2x400xi32, #tpu.memory_space<vmem>> -> memref<1x80xi32, #tpu.memory_space<vmem>>
      %dma_wait3A_306 = tpu.memref_squeeze %dma_wait3A_305 : memref<1x80xi32, #tpu.memory_space<vmem>> -> memref<80xi32, #tpu.memory_space<vmem>>
      %dma_wait3A_307 = arith.constant 0 : i32
      %dma_wait3A_308 = arith.constant 0 : i32
      %dma_wait3A_309 = tpu.memref_slice %arg3[%dma_wait3A_307, %dma_wait3A_308] : memref<10000x8xf32, #tpu.memory_space<hbm>> -> memref<10000x8xf32, #tpu.memory_space<hbm>>
      %dma_wait3A_310 = tpu.memref_slice %arg16[%select_n3A_229] : memref<3x!tpu.dma_semaphore, #tpu.memory_space<semaphore_mem>> -> memref<1x!tpu.dma_semaphore, #tpu.memory_space<semaphore_mem>>
      %dma_wait3A_311 = tpu.memref_squeeze %dma_wait3A_310 : memref<1x!tpu.dma_semaphore, #tpu.memory_space<semaphore_mem>> -> memref<!tpu.dma_semaphore, #tpu.memory_space<semaphore_mem>>
      tpu.wait_indirect_dma semaphore(%dma_wait3A_311 : memref<!tpu.dma_semaphore, #tpu.memory_space<semaphore_mem>>) src(%dma_wait3A_309 : memref<10000x8xf32, #tpu.memory_space<hbm>>) dst(%dma_wait3A_304 : memref<80x8xf32, #tpu.memory_space<vmem>>)
      %dma_wait3A_312 = arith.constant 0 : i32
      %dma_wait3A_313 = arith.constant 0 : i32
      %dma_wait3A_314 = tpu.memref_slice %arg10[%select_n3A_229, %dma_wait3A_312, %dma_wait3A_313] : memref<3x80x8xf32, #tpu.memory_space<vmem>> -> memref<1x80x8xf32, #tpu.memory_space<vmem>>
      %dma_wait3A_315 = tpu.memref_squeeze %dma_wait3A_314 : memref<1x80x8xf32, #tpu.memory_space<vmem>> -> memref<80x8xf32, #tpu.memory_space<vmem>>
      %dma_wait3A_316 = tpu.memref_slice %arg13[%select_n3A_287, %mul3A_289] : memref<2x400xi32, #tpu.memory_space<vmem>> -> memref<1x80xi32, #tpu.memory_space<vmem>>
      %dma_wait3A_317 = tpu.memref_squeeze %dma_wait3A_316 : memref<1x80xi32, #tpu.memory_space<vmem>> -> memref<80xi32, #tpu.memory_space<vmem>>
      %dma_wait3A_318 = arith.constant 0 : i32
      %dma_wait3A_319 = arith.constant 0 : i32
      %dma_wait3A_320 = tpu.memref_slice %arg3[%dma_wait3A_318, %dma_wait3A_319] : memref<10000x8xf32, #tpu.memory_space<hbm>> -> memref<10000x8xf32, #tpu.memory_space<hbm>>
      %dma_wait3A_321 = tpu.memref_slice %arg16[%select_n3A_229] : memref<3x!tpu.dma_semaphore, #tpu.memory_space<semaphore_mem>> -> memref<1x!tpu.dma_semaphore, #tpu.memory_space<semaphore_mem>>
      %dma_wait3A_322 = tpu.memref_squeeze %dma_wait3A_321 : memref<1x!tpu.dma_semaphore, #tpu.memory_space<semaphore_mem>> -> memref<!tpu.dma_semaphore, #tpu.memory_space<semaphore_mem>>
      tpu.wait_indirect_dma semaphore(%dma_wait3A_322 : memref<!tpu.dma_semaphore, #tpu.memory_space<semaphore_mem>>) src(%dma_wait3A_320 : memref<10000x8xf32, #tpu.memory_space<hbm>>) dst(%dma_wait3A_315 : memref<80x8xf32, #tpu.memory_space<vmem>>)
      %jit3A_323 = arith.constant 3 : i32
      %eq3A_324 = arith.constant 0 : i32
      %eq3A_325 = arith.cmpi eq, %jit3A_323, %eq3A_324 : i32
      %jit3A_326 = arith.constant 1 : i32
      %select_n3A_327 = arith.select %eq3A_325, %jit3A_326, %jit3A_323 : i32
      %rem3A_328 = arith.remsi %scan3A_218, %select_n3A_327 : i32
      %ne3A_329 = arith.constant 0 : i32
      %ne3A_330 = arith.cmpi ne, %rem3A_328, %ne3A_329 : i32
      %lt3A_331 = arith.constant 0 : i32
      %lt3A_332 = arith.cmpi slt, %rem3A_328, %lt3A_331 : i32
      %lt3A_333 = arith.constant 0 : i32
      %lt3A_334 = arith.cmpi slt, %select_n3A_327, %lt3A_333 : i32
      %ne3A_335 = arith.xori %lt3A_332, %lt3A_334 : i1
      %and3A_336 = arith.andi %ne3A_335, %ne3A_330 : i1
      %add3A_337 = arith.addi %rem3A_328, %select_n3A_327 : i32
      %select_n3A_338 = arith.select %and3A_336, %add3A_337, %rem3A_328 : i32
      %jit3A_339 = arith.constant 3 : i32
      %eq3A_340 = arith.constant 0 : i32
      %eq3A_341 = arith.cmpi eq, %jit3A_339, %eq3A_340 : i32
      %jit3A_342 = arith.constant 1 : i32
      %select_n3A_343 = arith.select %eq3A_341, %jit3A_342, %jit3A_339 : i32
      %rem3A_344 = arith.remsi %scan3A_218, %select_n3A_343 : i32
      %ne3A_345 = arith.constant 0 : i32
      %ne3A_346 = arith.cmpi ne, %rem3A_344, %ne3A_345 : i32
      %lt3A_347 = arith.constant 0 : i32
      %lt3A_348 = arith.cmpi slt, %rem3A_344, %lt3A_347 : i32
      %lt3A_349 = arith.constant 0 : i32
      %lt3A_350 = arith.cmpi slt, %select_n3A_343, %lt3A_349 : i32
      %ne3A_351 = arith.xori %lt3A_348, %lt3A_350 : i1
      %and3A_352 = arith.andi %ne3A_351, %ne3A_346 : i1
      %add3A_353 = arith.addi %rem3A_344, %select_n3A_343 : i32
      %select_n3A_354 = arith.select %and3A_352, %add3A_353, %rem3A_344 : i32
      %jit3A_355 = arith.constant 3 : i32
      %eq3A_356 = arith.constant 0 : i32
      %eq3A_357 = arith.cmpi eq, %jit3A_355, %eq3A_356 : i32
      %jit3A_358 = arith.constant 1 : i32
      %select_n3A_359 = arith.select %eq3A_357, %jit3A_358, %jit3A_355 : i32
      %rem3A_360 = arith.remsi %scan3A_218, %select_n3A_359 : i32
      %ne3A_361 = arith.constant 0 : i32
      %ne3A_362 = arith.cmpi ne, %rem3A_360, %ne3A_361 : i32
      %lt3A_363 = arith.constant 0 : i32
      %lt3A_364 = arith.cmpi slt, %rem3A_360, %lt3A_363 : i32
      %lt3A_365 = arith.constant 0 : i32
      %lt3A_366 = arith.cmpi slt, %select_n3A_359, %lt3A_365 : i32
      %ne3A_367 = arith.xori %lt3A_364, %lt3A_366 : i1
      %and3A_368 = arith.andi %ne3A_367, %ne3A_362 : i1
      %add3A_369 = arith.addi %rem3A_360, %select_n3A_359 : i32
      %select_n3A_370 = arith.select %and3A_368, %add3A_369, %rem3A_360 : i32
      %jit3A_371 = arith.constant 2 : i32
      %eq3A_372 = arith.constant 0 : i32
      %eq3A_373 = arith.cmpi eq, %jit3A_371, %eq3A_372 : i32
      %jit3A_374 = arith.constant 1 : i32
      %select_n3A_375 = arith.select %eq3A_373, %jit3A_374, %jit3A_371 : i32
      %rem3A_376 = arith.remsi %scan3A_218, %select_n3A_375 : i32
      %ne3A_377 = arith.constant 0 : i32
      %ne3A_378 = arith.cmpi ne, %rem3A_376, %ne3A_377 : i32
      %lt3A_379 = arith.constant 0 : i32
      %lt3A_380 = arith.cmpi slt, %rem3A_376, %lt3A_379 : i32
      %lt3A_381 = arith.constant 0 : i32
      %lt3A_382 = arith.cmpi slt, %select_n3A_375, %lt3A_381 : i32
      %ne3A_383 = arith.xori %lt3A_380, %lt3A_382 : i1
      %and3A_384 = arith.andi %ne3A_383, %ne3A_378 : i1
      %add3A_385 = arith.addi %rem3A_376, %select_n3A_375 : i32
      %select_n3A_386 = arith.select %and3A_384, %add3A_385, %rem3A_376 : i32
      %scan3A_387 = arith.constant 0 : i32
      %scan3A_388 = arith.constant 0 : i32
      %scan3A_389 = arith.constant 5 : i32
      %scan3A_390 = arith.addi %scan3A_388, %scan3A_389 : i32
      %scan3A_391 = arith.constant 1 : i32
      %scan3A_392 = scf.for %scan3A_545 = %scan3A_388 to %scan3A_390 step %scan3A_391 iter_args(%scan3A_546 = %scan3A_387) -> (i32)  : i32 {
        %mul3A_547 = arith.constant 16 : i32
        %mul3A_548 = arith.muli %scan3A_545, %mul3A_547 : i32
        %add3A_549 = vector.broadcast %mul3A_548 : i32 to vector<16xi32>
        %add3A_550 = arith.addi %add3A_549, %iota3A_40 : vector<16xi32>
        %broadcast_in_dim3A_551 = arith.constant 0 : i32
        %broadcast_in_dim3A_552 = vector.broadcast %broadcast_in_dim3A_551 : i32 to vector<16xi32>
        %gather3A = arith.constant 0 : i32
        %gather3A_553 = arith.constant 0 : i32
        %gather3A_554 = tpu.memref_slice %arg9[%select_n3A_354, %gather3A, %gather3A_553] : memref<3x80x8xf32, #tpu.memory_space<vmem>> -> memref<1x80x8xf32, #tpu.memory_space<vmem>>
        %gather3A_555 = tpu.memref_squeeze %gather3A_554 : memref<1x80x8xf32, #tpu.memory_space<vmem>> -> memref<80x8xf32, #tpu.memory_space<vmem>>
        %gather3A_556 = tpu.vector_load_idx %gather3A_555[%add3A_550, %broadcast_in_dim3A_552] : memref<80x8xf32, #tpu.memory_space<vmem>>[vector<16xi32>, vector<16xi32>], vector<16xf32>,
        %add3A_557 = arith.constant 4 : i32
        %add3A_558 = vector.broadcast %add3A_557 : i32 to vector<16xi32>
        %add3A_559 = arith.addi %broadcast_in_dim3A_552, %add3A_558 : vector<16xi32>
        %gather3A_560 = arith.constant 0 : i32
        %gather3A_561 = arith.constant 0 : i32
        %gather3A_562 = tpu.memref_slice %arg10[%select_n3A_370, %gather3A_560, %gather3A_561] : memref<3x80x8xf32, #tpu.memory_space<vmem>> -> memref<1x80x8xf32, #tpu.memory_space<vmem>>
        %gather3A_563 = tpu.memref_squeeze %gather3A_562 : memref<1x80x8xf32, #tpu.memory_space<vmem>> -> memref<80x8xf32, #tpu.memory_space<vmem>>
        %gather3A_564 = tpu.vector_load_idx %gather3A_563[%add3A_550, %add3A_559] : memref<80x8xf32, #tpu.memory_space<vmem>>[vector<16xi32>, vector<16xi32>], vector<16xf32>,
        %add3A_565 = arith.addf %gather3A_556, %gather3A_564 : vector<16xf32>
        %gt3A = arith.constant 0.000000e+00 : f32
        %gt3A_566 = vector.broadcast %gt3A : f32 to vector<16xf32>
        %gt3A_567 = arith.cmpf ogt, %add3A_565, %gt3A_566 : vector<16xf32>
        %mul3A_568 = arith.constant 2.000000e-01 : f32
        %mul3A_569 = vector.broadcast %mul3A_568 : f32 to vector<16xf32>
        %mul3A_570 = arith.mulf %add3A_565, %mul3A_569 : vector<16xf32>
        %select_n3A_571 = arith.select %gt3A_567, %add3A_565, %mul3A_570 : vector<16xi1>, vector<16xf32>
        %exp3A = math.exp %select_n3A_571 : vector<16xf32>
        %scatter3A = arith.constant 0 : i32
        %scatter3A_572 = arith.constant 0 : i32
        %scatter3A_573 = tpu.memref_slice %arg11[%select_n3A_386, %scatter3A, %scatter3A_572] : memref<2x80x8xf32, #tpu.memory_space<vmem>> -> memref<1x80x8xf32, #tpu.memory_space<vmem>>
        %scatter3A_574 = tpu.memref_squeeze %scatter3A_573 : memref<1x80x8xf32, #tpu.memory_space<vmem>> -> memref<80x8xf32, #tpu.memory_space<vmem>>
        tpu.vector_store_idx %scatter3A_574[%add3A_550, %broadcast_in_dim3A_552], %exp3A : memref<80x8xf32, #tpu.memory_space<vmem>>[vector<16xi32>, vector<16xi32>], vector<16xf32>,
        %broadcast_in_dim3A_575 = arith.constant 1 : i32
        %broadcast_in_dim3A_576 = vector.broadcast %broadcast_in_dim3A_575 : i32 to vector<16xi32>
        %gather3A_577 = arith.constant 0 : i32
        %gather3A_578 = arith.constant 0 : i32
        %gather3A_579 = tpu.memref_slice %arg9[%select_n3A_354, %gather3A_577, %gather3A_578] : memref<3x80x8xf32, #tpu.memory_space<vmem>> -> memref<1x80x8xf32, #tpu.memory_space<vmem>>
        %gather3A_580 = tpu.memref_squeeze %gather3A_579 : memref<1x80x8xf32, #tpu.memory_space<vmem>> -> memref<80x8xf32, #tpu.memory_space<vmem>>
        %gather3A_581 = tpu.vector_load_idx %gather3A_580[%add3A_550, %broadcast_in_dim3A_576] : memref<80x8xf32, #tpu.memory_space<vmem>>[vector<16xi32>, vector<16xi32>], vector<16xf32>,
        %add3A_582 = arith.constant 4 : i32
        %add3A_583 = vector.broadcast %add3A_582 : i32 to vector<16xi32>
        %add3A_584 = arith.addi %broadcast_in_dim3A_576, %add3A_583 : vector<16xi32>
        %gather3A_585 = arith.constant 0 : i32
        %gather3A_586 = arith.constant 0 : i32
        %gather3A_587 = tpu.memref_slice %arg10[%select_n3A_370, %gather3A_585, %gather3A_586] : memref<3x80x8xf32, #tpu.memory_space<vmem>> -> memref<1x80x8xf32, #tpu.memory_space<vmem>>
        %gather3A_588 = tpu.memref_squeeze %gather3A_587 : memref<1x80x8xf32, #tpu.memory_space<vmem>> -> memref<80x8xf32, #tpu.memory_space<vmem>>
        %gather3A_589 = tpu.vector_load_idx %gather3A_588[%add3A_550, %add3A_584] : memref<80x8xf32, #tpu.memory_space<vmem>>[vector<16xi32>, vector<16xi32>], vector<16xf32>,
        %add3A_590 = arith.addf %gather3A_581, %gather3A_589 : vector<16xf32>
        %gt3A_591 = arith.constant 0.000000e+00 : f32
        %gt3A_592 = vector.broadcast %gt3A_591 : f32 to vector<16xf32>
        %gt3A_593 = arith.cmpf ogt, %add3A_590, %gt3A_592 : vector<16xf32>
        %mul3A_594 = arith.constant 2.000000e-01 : f32
        %mul3A_595 = vector.broadcast %mul3A_594 : f32 to vector<16xf32>
        %mul3A_596 = arith.mulf %add3A_590, %mul3A_595 : vector<16xf32>
        %select_n3A_597 = arith.select %gt3A_593, %add3A_590, %mul3A_596 : vector<16xi1>, vector<16xf32>
        %exp3A_598 = math.exp %select_n3A_597 : vector<16xf32>
        %scatter3A_599 = arith.constant 0 : i32
        %scatter3A_600 = arith.constant 0 : i32
        %scatter3A_601 = tpu.memref_slice %arg11[%select_n3A_386, %scatter3A_599, %scatter3A_600] : memref<2x80x8xf32, #tpu.memory_space<vmem>> -> memref<1x80x8xf32, #tpu.memory_space<vmem>>
        %scatter3A_602 = tpu.memref_squeeze %scatter3A_601 : memref<1x80x8xf32, #tpu.memory_space<vmem>> -> memref<80x8xf32, #tpu.memory_space<vmem>>
        tpu.vector_store_idx %scatter3A_602[%add3A_550, %broadcast_in_dim3A_576], %exp3A_598 : memref<80x8xf32, #tpu.memory_space<vmem>>[vector<16xi32>, vector<16xi32>], vector<16xf32>,
        %broadcast_in_dim3A_603 = arith.constant 2 : i32
        %broadcast_in_dim3A_604 = vector.broadcast %broadcast_in_dim3A_603 : i32 to vector<16xi32>
        %gather3A_605 = arith.constant 0 : i32
        %gather3A_606 = arith.constant 0 : i32
        %gather3A_607 = tpu.memref_slice %arg9[%select_n3A_354, %gather3A_605, %gather3A_606] : memref<3x80x8xf32, #tpu.memory_space<vmem>> -> memref<1x80x8xf32, #tpu.memory_space<vmem>>
        %gather3A_608 = tpu.memref_squeeze %gather3A_607 : memref<1x80x8xf32, #tpu.memory_space<vmem>> -> memref<80x8xf32, #tpu.memory_space<vmem>>
        %gather3A_609 = tpu.vector_load_idx %gather3A_608[%add3A_550, %broadcast_in_dim3A_604] : memref<80x8xf32, #tpu.memory_space<vmem>>[vector<16xi32>, vector<16xi32>], vector<16xf32>,
        %add3A_610 = arith.constant 4 : i32
        %add3A_611 = vector.broadcast %add3A_610 : i32 to vector<16xi32>
        %add3A_612 = arith.addi %broadcast_in_dim3A_604, %add3A_611 : vector<16xi32>
        %gather3A_613 = arith.constant 0 : i32
        %gather3A_614 = arith.constant 0 : i32
        %gather3A_615 = tpu.memref_slice %arg10[%select_n3A_370, %gather3A_613, %gather3A_614] : memref<3x80x8xf32, #tpu.memory_space<vmem>> -> memref<1x80x8xf32, #tpu.memory_space<vmem>>
        %gather3A_616 = tpu.memref_squeeze %gather3A_615 : memref<1x80x8xf32, #tpu.memory_space<vmem>> -> memref<80x8xf32, #tpu.memory_space<vmem>>
        %gather3A_617 = tpu.vector_load_idx %gather3A_616[%add3A_550, %add3A_612] : memref<80x8xf32, #tpu.memory_space<vmem>>[vector<16xi32>, vector<16xi32>], vector<16xf32>,
        %add3A_618 = arith.addf %gather3A_609, %gather3A_617 : vector<16xf32>
        %gt3A_619 = arith.constant 0.000000e+00 : f32
        %gt3A_620 = vector.broadcast %gt3A_619 : f32 to vector<16xf32>
        %gt3A_621 = arith.cmpf ogt, %add3A_618, %gt3A_620 : vector<16xf32>
        %mul3A_622 = arith.constant 2.000000e-01 : f32
        %mul3A_623 = vector.broadcast %mul3A_622 : f32 to vector<16xf32>
        %mul3A_624 = arith.mulf %add3A_618, %mul3A_623 : vector<16xf32>
        %select_n3A_625 = arith.select %gt3A_621, %add3A_618, %mul3A_624 : vector<16xi1>, vector<16xf32>
        %exp3A_626 = math.exp %select_n3A_625 : vector<16xf32>
        %scatter3A_627 = arith.constant 0 : i32
        %scatter3A_628 = arith.constant 0 : i32
        %scatter3A_629 = tpu.memref_slice %arg11[%select_n3A_386, %scatter3A_627, %scatter3A_628] : memref<2x80x8xf32, #tpu.memory_space<vmem>> -> memref<1x80x8xf32, #tpu.memory_space<vmem>>
        %scatter3A_630 = tpu.memref_squeeze %scatter3A_629 : memref<1x80x8xf32, #tpu.memory_space<vmem>> -> memref<80x8xf32, #tpu.memory_space<vmem>>
        tpu.vector_store_idx %scatter3A_630[%add3A_550, %broadcast_in_dim3A_604], %exp3A_626 : memref<80x8xf32, #tpu.memory_space<vmem>>[vector<16xi32>, vector<16xi32>], vector<16xf32>,
        %broadcast_in_dim3A_631 = arith.constant 3 : i32
        %broadcast_in_dim3A_632 = vector.broadcast %broadcast_in_dim3A_631 : i32 to vector<16xi32>
        %gather3A_633 = arith.constant 0 : i32
        %gather3A_634 = arith.constant 0 : i32
        %gather3A_635 = tpu.memref_slice %arg9[%select_n3A_354, %gather3A_633, %gather3A_634] : memref<3x80x8xf32, #tpu.memory_space<vmem>> -> memref<1x80x8xf32, #tpu.memory_space<vmem>>
        %gather3A_636 = tpu.memref_squeeze %gather3A_635 : memref<1x80x8xf32, #tpu.memory_space<vmem>> -> memref<80x8xf32, #tpu.memory_space<vmem>>
        %gather3A_637 = tpu.vector_load_idx %gather3A_636[%add3A_550, %broadcast_in_dim3A_632] : memref<80x8xf32, #tpu.memory_space<vmem>>[vector<16xi32>, vector<16xi32>], vector<16xf32>,
        %add3A_638 = arith.constant 4 : i32
        %add3A_639 = vector.broadcast %add3A_638 : i32 to vector<16xi32>
        %add3A_640 = arith.addi %broadcast_in_dim3A_632, %add3A_639 : vector<16xi32>
        %gather3A_641 = arith.constant 0 : i32
        %gather3A_642 = arith.constant 0 : i32
        %gather3A_643 = tpu.memref_slice %arg10[%select_n3A_370, %gather3A_641, %gather3A_642] : memref<3x80x8xf32, #tpu.memory_space<vmem>> -> memref<1x80x8xf32, #tpu.memory_space<vmem>>
        %gather3A_644 = tpu.memref_squeeze %gather3A_643 : memref<1x80x8xf32, #tpu.memory_space<vmem>> -> memref<80x8xf32, #tpu.memory_space<vmem>>
        %gather3A_645 = tpu.vector_load_idx %gather3A_644[%add3A_550, %add3A_640] : memref<80x8xf32, #tpu.memory_space<vmem>>[vector<16xi32>, vector<16xi32>], vector<16xf32>,
        %add3A_646 = arith.addf %gather3A_637, %gather3A_645 : vector<16xf32>
        %gt3A_647 = arith.constant 0.000000e+00 : f32
        %gt3A_648 = vector.broadcast %gt3A_647 : f32 to vector<16xf32>
        %gt3A_649 = arith.cmpf ogt, %add3A_646, %gt3A_648 : vector<16xf32>
        %mul3A_650 = arith.constant 2.000000e-01 : f32
        %mul3A_651 = vector.broadcast %mul3A_650 : f32 to vector<16xf32>
        %mul3A_652 = arith.mulf %add3A_646, %mul3A_651 : vector<16xf32>
        %select_n3A_653 = arith.select %gt3A_649, %add3A_646, %mul3A_652 : vector<16xi1>, vector<16xf32>
        %exp3A_654 = math.exp %select_n3A_653 : vector<16xf32>
        %scatter3A_655 = arith.constant 0 : i32
        %scatter3A_656 = arith.constant 0 : i32
        %scatter3A_657 = tpu.memref_slice %arg11[%select_n3A_386, %scatter3A_655, %scatter3A_656] : memref<2x80x8xf32, #tpu.memory_space<vmem>> -> memref<1x80x8xf32, #tpu.memory_space<vmem>>
        %scatter3A_658 = tpu.memref_squeeze %scatter3A_657 : memref<1x80x8xf32, #tpu.memory_space<vmem>> -> memref<80x8xf32, #tpu.memory_space<vmem>>
        tpu.vector_store_idx %scatter3A_658[%add3A_550, %broadcast_in_dim3A_632], %exp3A_654 : memref<80x8xf32, #tpu.memory_space<vmem>>[vector<16xi32>, vector<16xi32>], vector<16xf32>,
        %broadcast_in_dim3A_659 = arith.constant 0 : i32
        %broadcast_in_dim3A_660 = vector.broadcast %broadcast_in_dim3A_659 : i32 to vector<16xi32>
        %gather3A_661 = arith.constant 0 : i32
        %gather3A_662 = arith.constant 0 : i32
        %gather3A_663 = tpu.memref_slice %arg8[%select_n3A_338, %gather3A_661, %gather3A_662] : memref<3x80x128xf32, #tpu.memory_space<vmem>> -> memref<1x80x128xf32, #tpu.memory_space<vmem>>
        %gather3A_664 = tpu.memref_squeeze %gather3A_663 : memref<1x80x128xf32, #tpu.memory_space<vmem>> -> memref<80x128xf32, #tpu.memory_space<vmem>>
        %gather3A_665 = tpu.vector_load_idx %gather3A_664[%add3A_550, %broadcast_in_dim3A_660] : memref<80x128xf32, #tpu.memory_space<vmem>>[vector<16xi32>, vector<16xi32>], vector<16xf32>,
        %mul3A_666 = arith.mulf %gather3A_665, %exp3A : vector<16xf32>
        %scatter3A_667 = arith.constant 0 : i32
        %scatter3A_668 = arith.constant 0 : i32
        %scatter3A_669 = tpu.memref_slice %arg8[%select_n3A_338, %scatter3A_667, %scatter3A_668] : memref<3x80x128xf32, #tpu.memory_space<vmem>> -> memref<1x80x128xf32, #tpu.memory_space<vmem>>
        %scatter3A_670 = tpu.memref_squeeze %scatter3A_669 : memref<1x80x128xf32, #tpu.memory_space<vmem>> -> memref<80x128xf32, #tpu.memory_space<vmem>>
        tpu.vector_store_idx %scatter3A_670[%add3A_550, %broadcast_in_dim3A_660], %mul3A_666 : memref<80x128xf32, #tpu.memory_space<vmem>>[vector<16xi32>, vector<16xi32>], vector<16xf32>,
        %broadcast_in_dim3A_671 = arith.constant 1 : i32
        %broadcast_in_dim3A_672 = vector.broadcast %broadcast_in_dim3A_671 : i32 to vector<16xi32>
        %gather3A_673 = arith.constant 0 : i32
        %gather3A_674 = arith.constant 0 : i32
        %gather3A_675 = tpu.memref_slice %arg8[%select_n3A_338, %gather3A_673, %gather3A_674] : memref<3x80x128xf32, #tpu.memory_space<vmem>> -> memref<1x80x128xf32, #tpu.memory_space<vmem>>
        %gather3A_676 = tpu.memref_squeeze %gather3A_675 : memref<1x80x128xf32, #tpu.memory_space<vmem>> -> memref<80x128xf32, #tpu.memory_space<vmem>>
        %gather3A_677 = tpu.vector_load_idx %gather3A_676[%add3A_550, %broadcast_in_dim3A_672] : memref<80x128xf32, #tpu.memory_space<vmem>>[vector<16xi32>, vector<16xi32>], vector<16xf32>,
        %mul3A_678 = arith.mulf %gather3A_677, %exp3A : vector<16xf32>
        %scatter3A_679 = arith.constant 0 : i32
        %scatter3A_680 = arith.constant 0 : i32
        %scatter3A_681 = tpu.memref_slice %arg8[%select_n3A_338, %scatter3A_679, %scatter3A_680] : memref<3x80x128xf32, #tpu.memory_space<vmem>> -> memref<1x80x128xf32, #tpu.memory_space<vmem>>
        %scatter3A_682 = tpu.memref_squeeze %scatter3A_681 : memref<1x80x128xf32, #tpu.memory_space<vmem>> -> memref<80x128xf32, #tpu.memory_space<vmem>>
        tpu.vector_store_idx %scatter3A_682[%add3A_550, %broadcast_in_dim3A_672], %mul3A_678 : memref<80x128xf32, #tpu.memory_space<vmem>>[vector<16xi32>, vector<16xi32>], vector<16xf32>,
        %broadcast_in_dim3A_683 = arith.constant 2 : i32
        %broadcast_in_dim3A_684 = vector.broadcast %broadcast_in_dim3A_683 : i32 to vector<16xi32>
        %gather3A_685 = arith.constant 0 : i32
        %gather3A_686 = arith.constant 0 : i32
        %gather3A_687 = tpu.memref_slice %arg8[%select_n3A_338, %gather3A_685, %gather3A_686] : memref<3x80x128xf32, #tpu.memory_space<vmem>> -> memref<1x80x128xf32, #tpu.memory_space<vmem>>
        %gather3A_688 = tpu.memref_squeeze %gather3A_687 : memref<1x80x128xf32, #tpu.memory_space<vmem>> -> memref<80x128xf32, #tpu.memory_space<vmem>>
        %gather3A_689 = tpu.vector_load_idx %gather3A_688[%add3A_550, %broadcast_in_dim3A_684] : memref<80x128xf32, #tpu.memory_space<vmem>>[vector<16xi32>, vector<16xi32>], vector<16xf32>,
        %mul3A_690 = arith.mulf %gather3A_689, %exp3A : vector<16xf32>
        %scatter3A_691 = arith.constant 0 : i32
        %scatter3A_692 = arith.constant 0 : i32
        %scatter3A_693 = tpu.memref_slice %arg8[%select_n3A_338, %scatter3A_691, %scatter3A_692] : memref<3x80x128xf32, #tpu.memory_space<vmem>> -> memref<1x80x128xf32, #tpu.memory_space<vmem>>
        %scatter3A_694 = tpu.memref_squeeze %scatter3A_693 : memref<1x80x128xf32, #tpu.memory_space<vmem>> -> memref<80x128xf32, #tpu.memory_space<vmem>>
        tpu.vector_store_idx %scatter3A_694[%add3A_550, %broadcast_in_dim3A_684], %mul3A_690 : memref<80x128xf32, #tpu.memory_space<vmem>>[vector<16xi32>, vector<16xi32>], vector<16xf32>,
        %broadcast_in_dim3A_695 = arith.constant 3 : i32
        %broadcast_in_dim3A_696 = vector.broadcast %broadcast_in_dim3A_695 : i32 to vector<16xi32>
        %gather3A_697 = arith.constant 0 : i32
        %gather3A_698 = arith.constant 0 : i32
        %gather3A_699 = tpu.memref_slice %arg8[%select_n3A_338, %gather3A_697, %gather3A_698] : memref<3x80x128xf32, #tpu.memory_space<vmem>> -> memref<1x80x128xf32, #tpu.memory_space<vmem>>
        %gather3A_700 = tpu.memref_squeeze %gather3A_699 : memref<1x80x128xf32, #tpu.memory_space<vmem>> -> memref<80x128xf32, #tpu.memory_space<vmem>>
        %gather3A_701 = tpu.vector_load_idx %gather3A_700[%add3A_550, %broadcast_in_dim3A_696] : memref<80x128xf32, #tpu.memory_space<vmem>>[vector<16xi32>, vector<16xi32>], vector<16xf32>,
        %mul3A_702 = arith.mulf %gather3A_701, %exp3A : vector<16xf32>
        %scatter3A_703 = arith.constant 0 : i32
        %scatter3A_704 = arith.constant 0 : i32
        %scatter3A_705 = tpu.memref_slice %arg8[%select_n3A_338, %scatter3A_703, %scatter3A_704] : memref<3x80x128xf32, #tpu.memory_space<vmem>> -> memref<1x80x128xf32, #tpu.memory_space<vmem>>
        %scatter3A_706 = tpu.memref_squeeze %scatter3A_705 : memref<1x80x128xf32, #tpu.memory_space<vmem>> -> memref<80x128xf32, #tpu.memory_space<vmem>>
        tpu.vector_store_idx %scatter3A_706[%add3A_550, %broadcast_in_dim3A_696], %mul3A_702 : memref<80x128xf32, #tpu.memory_space<vmem>>[vector<16xi32>, vector<16xi32>], vector<16xf32>,
        %broadcast_in_dim3A_707 = arith.constant 4 : i32
        %broadcast_in_dim3A_708 = vector.broadcast %broadcast_in_dim3A_707 : i32 to vector<16xi32>
        %gather3A_709 = arith.constant 0 : i32
        %gather3A_710 = arith.constant 0 : i32
        %gather3A_711 = tpu.memref_slice %arg8[%select_n3A_338, %gather3A_709, %gather3A_710] : memref<3x80x128xf32, #tpu.memory_space<vmem>> -> memref<1x80x128xf32, #tpu.memory_space<vmem>>
        %gather3A_712 = tpu.memref_squeeze %gather3A_711 : memref<1x80x128xf32, #tpu.memory_space<vmem>> -> memref<80x128xf32, #tpu.memory_space<vmem>>
        %gather3A_713 = tpu.vector_load_idx %gather3A_712[%add3A_550, %broadcast_in_dim3A_708] : memref<80x128xf32, #tpu.memory_space<vmem>>[vector<16xi32>, vector<16xi32>], vector<16xf32>,
        %mul3A_714 = arith.mulf %gather3A_713, %exp3A : vector<16xf32>
        %scatter3A_715 = arith.constant 0 : i32
        %scatter3A_716 = arith.constant 0 : i32
        %scatter3A_717 = tpu.memref_slice %arg8[%select_n3A_338, %scatter3A_715, %scatter3A_716] : memref<3x80x128xf32, #tpu.memory_space<vmem>> -> memref<1x80x128xf32, #tpu.memory_space<vmem>>
        %scatter3A_718 = tpu.memref_squeeze %scatter3A_717 : memref<1x80x128xf32, #tpu.memory_space<vmem>> -> memref<80x128xf32, #tpu.memory_space<vmem>>
        tpu.vector_store_idx %scatter3A_718[%add3A_550, %broadcast_in_dim3A_708], %mul3A_714 : memref<80x128xf32, #tpu.memory_space<vmem>>[vector<16xi32>, vector<16xi32>], vector<16xf32>,
        %broadcast_in_dim3A_719 = arith.constant 5 : i32
        %broadcast_in_dim3A_720 = vector.broadcast %broadcast_in_dim3A_719 : i32 to vector<16xi32>
        %gather3A_721 = arith.constant 0 : i32
        %gather3A_722 = arith.constant 0 : i32
        %gather3A_723 = tpu.memref_slice %arg8[%select_n3A_338, %gather3A_721, %gather3A_722] : memref<3x80x128xf32, #tpu.memory_space<vmem>> -> memref<1x80x128xf32, #tpu.memory_space<vmem>>
        %gather3A_724 = tpu.memref_squeeze %gather3A_723 : memref<1x80x128xf32, #tpu.memory_space<vmem>> -> memref<80x128xf32, #tpu.memory_space<vmem>>
        %gather3A_725 = tpu.vector_load_idx %gather3A_724[%add3A_550, %broadcast_in_dim3A_720] : memref<80x128xf32, #tpu.memory_space<vmem>>[vector<16xi32>, vector<16xi32>], vector<16xf32>,
        %mul3A_726 = arith.mulf %gather3A_725, %exp3A : vector<16xf32>
        %scatter3A_727 = arith.constant 0 : i32
        %scatter3A_728 = arith.constant 0 : i32
        %scatter3A_729 = tpu.memref_slice %arg8[%select_n3A_338, %scatter3A_727, %scatter3A_728] : memref<3x80x128xf32, #tpu.memory_space<vmem>> -> memref<1x80x128xf32, #tpu.memory_space<vmem>>
        %scatter3A_730 = tpu.memref_squeeze %scatter3A_729 : memref<1x80x128xf32, #tpu.memory_space<vmem>> -> memref<80x128xf32, #tpu.memory_space<vmem>>
        tpu.vector_store_idx %scatter3A_730[%add3A_550, %broadcast_in_dim3A_720], %mul3A_726 : memref<80x128xf32, #tpu.memory_space<vmem>>[vector<16xi32>, vector<16xi32>], vector<16xf32>,
        %broadcast_in_dim3A_731 = arith.constant 6 : i32
        %broadcast_in_dim3A_732 = vector.broadcast %broadcast_in_dim3A_731 : i32 to vector<16xi32>
        %gather3A_733 = arith.constant 0 : i32
        %gather3A_734 = arith.constant 0 : i32
        %gather3A_735 = tpu.memref_slice %arg8[%select_n3A_338, %gather3A_733, %gather3A_734] : memref<3x80x128xf32, #tpu.memory_space<vmem>> -> memref<1x80x128xf32, #tpu.memory_space<vmem>>
        %gather3A_736 = tpu.memref_squeeze %gather3A_735 : memref<1x80x128xf32, #tpu.memory_space<vmem>> -> memref<80x128xf32, #tpu.memory_space<vmem>>
        %gather3A_737 = tpu.vector_load_idx %gather3A_736[%add3A_550, %broadcast_in_dim3A_732] : memref<80x128xf32, #tpu.memory_space<vmem>>[vector<16xi32>, vector<16xi32>], vector<16xf32>,
        %mul3A_738 = arith.mulf %gather3A_737, %exp3A : vector<16xf32>
        %scatter3A_739 = arith.constant 0 : i32
        %scatter3A_740 = arith.constant 0 : i32
        %scatter3A_741 = tpu.memref_slice %arg8[%select_n3A_338, %scatter3A_739, %scatter3A_740] : memref<3x80x128xf32, #tpu.memory_space<vmem>> -> memref<1x80x128xf32, #tpu.memory_space<vmem>>
        %scatter3A_742 = tpu.memref_squeeze %scatter3A_741 : memref<1x80x128xf32, #tpu.memory_space<vmem>> -> memref<80x128xf32, #tpu.memory_space<vmem>>
        tpu.vector_store_idx %scatter3A_742[%add3A_550, %broadcast_in_dim3A_732], %mul3A_738 : memref<80x128xf32, #tpu.memory_space<vmem>>[vector<16xi32>, vector<16xi32>], vector<16xf32>,
        %broadcast_in_dim3A_743 = arith.constant 7 : i32
        %broadcast_in_dim3A_744 = vector.broadcast %broadcast_in_dim3A_743 : i32 to vector<16xi32>
        %gather3A_745 = arith.constant 0 : i32
        %gather3A_746 = arith.constant 0 : i32
        %gather3A_747 = tpu.memref_slice %arg8[%select_n3A_338, %gather3A_745, %gather3A_746] : memref<3x80x128xf32, #tpu.memory_space<vmem>> -> memref<1x80x128xf32, #tpu.memory_space<vmem>>
        %gather3A_748 = tpu.memref_squeeze %gather3A_747 : memref<1x80x128xf32, #tpu.memory_space<vmem>> -> memref<80x128xf32, #tpu.memory_space<vmem>>
        %gather3A_749 = tpu.vector_load_idx %gather3A_748[%add3A_550, %broadcast_in_dim3A_744] : memref<80x128xf32, #tpu.memory_space<vmem>>[vector<16xi32>, vector<16xi32>], vector<16xf32>,
        %mul3A_750 = arith.mulf %gather3A_749, %exp3A : vector<16xf32>
        %scatter3A_751 = arith.constant 0 : i32
        %scatter3A_752 = arith.constant 0 : i32
        %scatter3A_753 = tpu.memref_slice %arg8[%select_n3A_338, %scatter3A_751, %scatter3A_752] : memref<3x80x128xf32, #tpu.memory_space<vmem>> -> memref<1x80x128xf32, #tpu.memory_space<vmem>>
        %scatter3A_754 = tpu.memref_squeeze %scatter3A_753 : memref<1x80x128xf32, #tpu.memory_space<vmem>> -> memref<80x128xf32, #tpu.memory_space<vmem>>
        tpu.vector_store_idx %scatter3A_754[%add3A_550, %broadcast_in_dim3A_744], %mul3A_750 : memref<80x128xf32, #tpu.memory_space<vmem>>[vector<16xi32>, vector<16xi32>], vector<16xf32>,
        %broadcast_in_dim3A_755 = arith.constant 8 : i32
        %broadcast_in_dim3A_756 = vector.broadcast %broadcast_in_dim3A_755 : i32 to vector<16xi32>
        %gather3A_757 = arith.constant 0 : i32
        %gather3A_758 = arith.constant 0 : i32
        %gather3A_759 = tpu.memref_slice %arg8[%select_n3A_338, %gather3A_757, %gather3A_758] : memref<3x80x128xf32, #tpu.memory_space<vmem>> -> memref<1x80x128xf32, #tpu.memory_space<vmem>>
        %gather3A_760 = tpu.memref_squeeze %gather3A_759 : memref<1x80x128xf32, #tpu.memory_space<vmem>> -> memref<80x128xf32, #tpu.memory_space<vmem>>
        %gather3A_761 = tpu.vector_load_idx %gather3A_760[%add3A_550, %broadcast_in_dim3A_756] : memref<80x128xf32, #tpu.memory_space<vmem>>[vector<16xi32>, vector<16xi32>], vector<16xf32>,
        %mul3A_762 = arith.mulf %gather3A_761, %exp3A : vector<16xf32>
        %scatter3A_763 = arith.constant 0 : i32
        %scatter3A_764 = arith.constant 0 : i32
        %scatter3A_765 = tpu.memref_slice %arg8[%select_n3A_338, %scatter3A_763, %scatter3A_764] : memref<3x80x128xf32, #tpu.memory_space<vmem>> -> memref<1x80x128xf32, #tpu.memory_space<vmem>>
        %scatter3A_766 = tpu.memref_squeeze %scatter3A_765 : memref<1x80x128xf32, #tpu.memory_space<vmem>> -> memref<80x128xf32, #tpu.memory_space<vmem>>
        tpu.vector_store_idx %scatter3A_766[%add3A_550, %broadcast_in_dim3A_756], %mul3A_762 : memref<80x128xf32, #tpu.memory_space<vmem>>[vector<16xi32>, vector<16xi32>], vector<16xf32>,
        %broadcast_in_dim3A_767 = arith.constant 9 : i32
        %broadcast_in_dim3A_768 = vector.broadcast %broadcast_in_dim3A_767 : i32 to vector<16xi32>
        %gather3A_769 = arith.constant 0 : i32
        %gather3A_770 = arith.constant 0 : i32
        %gather3A_771 = tpu.memref_slice %arg8[%select_n3A_338, %gather3A_769, %gather3A_770] : memref<3x80x128xf32, #tpu.memory_space<vmem>> -> memref<1x80x128xf32, #tpu.memory_space<vmem>>
        %gather3A_772 = tpu.memref_squeeze %gather3A_771 : memref<1x80x128xf32, #tpu.memory_space<vmem>> -> memref<80x128xf32, #tpu.memory_space<vmem>>
        %gather3A_773 = tpu.vector_load_idx %gather3A_772[%add3A_550, %broadcast_in_dim3A_768] : memref<80x128xf32, #tpu.memory_space<vmem>>[vector<16xi32>, vector<16xi32>], vector<16xf32>,
        %mul3A_774 = arith.mulf %gather3A_773, %exp3A : vector<16xf32>
        %scatter3A_775 = arith.constant 0 : i32
        %scatter3A_776 = arith.constant 0 : i32
        %scatter3A_777 = tpu.memref_slice %arg8[%select_n3A_338, %scatter3A_775, %scatter3A_776] : memref<3x80x128xf32, #tpu.memory_space<vmem>> -> memref<1x80x128xf32, #tpu.memory_space<vmem>>
        %scatter3A_778 = tpu.memref_squeeze %scatter3A_777 : memref<1x80x128xf32, #tpu.memory_space<vmem>> -> memref<80x128xf32, #tpu.memory_space<vmem>>
        tpu.vector_store_idx %scatter3A_778[%add3A_550, %broadcast_in_dim3A_768], %mul3A_774 : memref<80x128xf32, #tpu.memory_space<vmem>>[vector<16xi32>, vector<16xi32>], vector<16xf32>,
        %broadcast_in_dim3A_779 = arith.constant 10 : i32
        %broadcast_in_dim3A_780 = vector.broadcast %broadcast_in_dim3A_779 : i32 to vector<16xi32>
        %gather3A_781 = arith.constant 0 : i32
        %gather3A_782 = arith.constant 0 : i32
        %gather3A_783 = tpu.memref_slice %arg8[%select_n3A_338, %gather3A_781, %gather3A_782] : memref<3x80x128xf32, #tpu.memory_space<vmem>> -> memref<1x80x128xf32, #tpu.memory_space<vmem>>
        %gather3A_784 = tpu.memref_squeeze %gather3A_783 : memref<1x80x128xf32, #tpu.memory_space<vmem>> -> memref<80x128xf32, #tpu.memory_space<vmem>>
        %gather3A_785 = tpu.vector_load_idx %gather3A_784[%add3A_550, %broadcast_in_dim3A_780] : memref<80x128xf32, #tpu.memory_space<vmem>>[vector<16xi32>, vector<16xi32>], vector<16xf32>,
        %mul3A_786 = arith.mulf %gather3A_785, %exp3A : vector<16xf32>
        %scatter3A_787 = arith.constant 0 : i32
        %scatter3A_788 = arith.constant 0 : i32
        %scatter3A_789 = tpu.memref_slice %arg8[%select_n3A_338, %scatter3A_787, %scatter3A_788] : memref<3x80x128xf32, #tpu.memory_space<vmem>> -> memref<1x80x128xf32, #tpu.memory_space<vmem>>
        %scatter3A_790 = tpu.memref_squeeze %scatter3A_789 : memref<1x80x128xf32, #tpu.memory_space<vmem>> -> memref<80x128xf32, #tpu.memory_space<vmem>>
        tpu.vector_store_idx %scatter3A_790[%add3A_550, %broadcast_in_dim3A_780], %mul3A_786 : memref<80x128xf32, #tpu.memory_space<vmem>>[vector<16xi32>, vector<16xi32>], vector<16xf32>,
        %broadcast_in_dim3A_791 = arith.constant 11 : i32
        %broadcast_in_dim3A_792 = vector.broadcast %broadcast_in_dim3A_791 : i32 to vector<16xi32>
        %gather3A_793 = arith.constant 0 : i32
        %gather3A_794 = arith.constant 0 : i32
        %gather3A_795 = tpu.memref_slice %arg8[%select_n3A_338, %gather3A_793, %gather3A_794] : memref<3x80x128xf32, #tpu.memory_space<vmem>> -> memref<1x80x128xf32, #tpu.memory_space<vmem>>
        %gather3A_796 = tpu.memref_squeeze %gather3A_795 : memref<1x80x128xf32, #tpu.memory_space<vmem>> -> memref<80x128xf32, #tpu.memory_space<vmem>>
        %gather3A_797 = tpu.vector_load_idx %gather3A_796[%add3A_550, %broadcast_in_dim3A_792] : memref<80x128xf32, #tpu.memory_space<vmem>>[vector<16xi32>, vector<16xi32>], vector<16xf32>,
        %mul3A_798 = arith.mulf %gather3A_797, %exp3A : vector<16xf32>
        %scatter3A_799 = arith.constant 0 : i32
        %scatter3A_800 = arith.constant 0 : i32
        %scatter3A_801 = tpu.memref_slice %arg8[%select_n3A_338, %scatter3A_799, %scatter3A_800] : memref<3x80x128xf32, #tpu.memory_space<vmem>> -> memref<1x80x128xf32, #tpu.memory_space<vmem>>
        %scatter3A_802 = tpu.memref_squeeze %scatter3A_801 : memref<1x80x128xf32, #tpu.memory_space<vmem>> -> memref<80x128xf32, #tpu.memory_space<vmem>>
        tpu.vector_store_idx %scatter3A_802[%add3A_550, %broadcast_in_dim3A_792], %mul3A_798 : memref<80x128xf32, #tpu.memory_space<vmem>>[vector<16xi32>, vector<16xi32>], vector<16xf32>,
        %broadcast_in_dim3A_803 = arith.constant 12 : i32
        %broadcast_in_dim3A_804 = vector.broadcast %broadcast_in_dim3A_803 : i32 to vector<16xi32>
        %gather3A_805 = arith.constant 0 : i32
        %gather3A_806 = arith.constant 0 : i32
        %gather3A_807 = tpu.memref_slice %arg8[%select_n3A_338, %gather3A_805, %gather3A_806] : memref<3x80x128xf32, #tpu.memory_space<vmem>> -> memref<1x80x128xf32, #tpu.memory_space<vmem>>
        %gather3A_808 = tpu.memref_squeeze %gather3A_807 : memref<1x80x128xf32, #tpu.memory_space<vmem>> -> memref<80x128xf32, #tpu.memory_space<vmem>>
        %gather3A_809 = tpu.vector_load_idx %gather3A_808[%add3A_550, %broadcast_in_dim3A_804] : memref<80x128xf32, #tpu.memory_space<vmem>>[vector<16xi32>, vector<16xi32>], vector<16xf32>,
        %mul3A_810 = arith.mulf %gather3A_809, %exp3A : vector<16xf32>
        %scatter3A_811 = arith.constant 0 : i32
        %scatter3A_812 = arith.constant 0 : i32
        %scatter3A_813 = tpu.memref_slice %arg8[%select_n3A_338, %scatter3A_811, %scatter3A_812] : memref<3x80x128xf32, #tpu.memory_space<vmem>> -> memref<1x80x128xf32, #tpu.memory_space<vmem>>
        %scatter3A_814 = tpu.memref_squeeze %scatter3A_813 : memref<1x80x128xf32, #tpu.memory_space<vmem>> -> memref<80x128xf32, #tpu.memory_space<vmem>>
        tpu.vector_store_idx %scatter3A_814[%add3A_550, %broadcast_in_dim3A_804], %mul3A_810 : memref<80x128xf32, #tpu.memory_space<vmem>>[vector<16xi32>, vector<16xi32>], vector<16xf32>,
        %broadcast_in_dim3A_815 = arith.constant 13 : i32
        %broadcast_in_dim3A_816 = vector.broadcast %broadcast_in_dim3A_815 : i32 to vector<16xi32>
        %gather3A_817 = arith.constant 0 : i32
        %gather3A_818 = arith.constant 0 : i32
        %gather3A_819 = tpu.memref_slice %arg8[%select_n3A_338, %gather3A_817, %gather3A_818] : memref<3x80x128xf32, #tpu.memory_space<vmem>> -> memref<1x80x128xf32, #tpu.memory_space<vmem>>
        %gather3A_820 = tpu.memref_squeeze %gather3A_819 : memref<1x80x128xf32, #tpu.memory_space<vmem>> -> memref<80x128xf32, #tpu.memory_space<vmem>>
        %gather3A_821 = tpu.vector_load_idx %gather3A_820[%add3A_550, %broadcast_in_dim3A_816] : memref<80x128xf32, #tpu.memory_space<vmem>>[vector<16xi32>, vector<16xi32>], vector<16xf32>,
        %mul3A_822 = arith.mulf %gather3A_821, %exp3A : vector<16xf32>
        %scatter3A_823 = arith.constant 0 : i32
        %scatter3A_824 = arith.constant 0 : i32
        %scatter3A_825 = tpu.memref_slice %arg8[%select_n3A_338, %scatter3A_823, %scatter3A_824] : memref<3x80x128xf32, #tpu.memory_space<vmem>> -> memref<1x80x128xf32, #tpu.memory_space<vmem>>
        %scatter3A_826 = tpu.memref_squeeze %scatter3A_825 : memref<1x80x128xf32, #tpu.memory_space<vmem>> -> memref<80x128xf32, #tpu.memory_space<vmem>>
        tpu.vector_store_idx %scatter3A_826[%add3A_550, %broadcast_in_dim3A_816], %mul3A_822 : memref<80x128xf32, #tpu.memory_space<vmem>>[vector<16xi32>, vector<16xi32>], vector<16xf32>,
        %broadcast_in_dim3A_827 = arith.constant 14 : i32
        %broadcast_in_dim3A_828 = vector.broadcast %broadcast_in_dim3A_827 : i32 to vector<16xi32>
        %gather3A_829 = arith.constant 0 : i32
        %gather3A_830 = arith.constant 0 : i32
        %gather3A_831 = tpu.memref_slice %arg8[%select_n3A_338, %gather3A_829, %gather3A_830] : memref<3x80x128xf32, #tpu.memory_space<vmem>> -> memref<1x80x128xf32, #tpu.memory_space<vmem>>
        %gather3A_832 = tpu.memref_squeeze %gather3A_831 : memref<1x80x128xf32, #tpu.memory_space<vmem>> -> memref<80x128xf32, #tpu.memory_space<vmem>>
        %gather3A_833 = tpu.vector_load_idx %gather3A_832[%add3A_550, %broadcast_in_dim3A_828] : memref<80x128xf32, #tpu.memory_space<vmem>>[vector<16xi32>, vector<16xi32>], vector<16xf32>,
        %mul3A_834 = arith.mulf %gather3A_833, %exp3A : vector<16xf32>
        %scatter3A_835 = arith.constant 0 : i32
        %scatter3A_836 = arith.constant 0 : i32
        %scatter3A_837 = tpu.memref_slice %arg8[%select_n3A_338, %scatter3A_835, %scatter3A_836] : memref<3x80x128xf32, #tpu.memory_space<vmem>> -> memref<1x80x128xf32, #tpu.memory_space<vmem>>
        %scatter3A_838 = tpu.memref_squeeze %scatter3A_837 : memref<1x80x128xf32, #tpu.memory_space<vmem>> -> memref<80x128xf32, #tpu.memory_space<vmem>>
        tpu.vector_store_idx %scatter3A_838[%add3A_550, %broadcast_in_dim3A_828], %mul3A_834 : memref<80x128xf32, #tpu.memory_space<vmem>>[vector<16xi32>, vector<16xi32>], vector<16xf32>,
        %broadcast_in_dim3A_839 = arith.constant 15 : i32
        %broadcast_in_dim3A_840 = vector.broadcast %broadcast_in_dim3A_839 : i32 to vector<16xi32>
        %gather3A_841 = arith.constant 0 : i32
        %gather3A_842 = arith.constant 0 : i32
        %gather3A_843 = tpu.memref_slice %arg8[%select_n3A_338, %gather3A_841, %gather3A_842] : memref<3x80x128xf32, #tpu.memory_space<vmem>> -> memref<1x80x128xf32, #tpu.memory_space<vmem>>
        %gather3A_844 = tpu.memref_squeeze %gather3A_843 : memref<1x80x128xf32, #tpu.memory_space<vmem>> -> memref<80x128xf32, #tpu.memory_space<vmem>>
        %gather3A_845 = tpu.vector_load_idx %gather3A_844[%add3A_550, %broadcast_in_dim3A_840] : memref<80x128xf32, #tpu.memory_space<vmem>>[vector<16xi32>, vector<16xi32>], vector<16xf32>,
        %mul3A_846 = arith.mulf %gather3A_845, %exp3A : vector<16xf32>
        %scatter3A_847 = arith.constant 0 : i32
        %scatter3A_848 = arith.constant 0 : i32
        %scatter3A_849 = tpu.memref_slice %arg8[%select_n3A_338, %scatter3A_847, %scatter3A_848] : memref<3x80x128xf32, #tpu.memory_space<vmem>> -> memref<1x80x128xf32, #tpu.memory_space<vmem>>
        %scatter3A_850 = tpu.memref_squeeze %scatter3A_849 : memref<1x80x128xf32, #tpu.memory_space<vmem>> -> memref<80x128xf32, #tpu.memory_space<vmem>>
        tpu.vector_store_idx %scatter3A_850[%add3A_550, %broadcast_in_dim3A_840], %mul3A_846 : memref<80x128xf32, #tpu.memory_space<vmem>>[vector<16xi32>, vector<16xi32>], vector<16xf32>,
        %broadcast_in_dim3A_851 = arith.constant 16 : i32
        %broadcast_in_dim3A_852 = vector.broadcast %broadcast_in_dim3A_851 : i32 to vector<16xi32>
        %gather3A_853 = arith.constant 0 : i32
        %gather3A_854 = arith.constant 0 : i32
        %gather3A_855 = tpu.memref_slice %arg8[%select_n3A_338, %gather3A_853, %gather3A_854] : memref<3x80x128xf32, #tpu.memory_space<vmem>> -> memref<1x80x128xf32, #tpu.memory_space<vmem>>
        %gather3A_856 = tpu.memref_squeeze %gather3A_855 : memref<1x80x128xf32, #tpu.memory_space<vmem>> -> memref<80x128xf32, #tpu.memory_space<vmem>>
        %gather3A_857 = tpu.vector_load_idx %gather3A_856[%add3A_550, %broadcast_in_dim3A_852] : memref<80x128xf32, #tpu.memory_space<vmem>>[vector<16xi32>, vector<16xi32>], vector<16xf32>,
        %mul3A_858 = arith.mulf %gather3A_857, %exp3A : vector<16xf32>
        %scatter3A_859 = arith.constant 0 : i32
        %scatter3A_860 = arith.constant 0 : i32
        %scatter3A_861 = tpu.memref_slice %arg8[%select_n3A_338, %scatter3A_859, %scatter3A_860] : memref<3x80x128xf32, #tpu.memory_space<vmem>> -> memref<1x80x128xf32, #tpu.memory_space<vmem>>
        %scatter3A_862 = tpu.memref_squeeze %scatter3A_861 : memref<1x80x128xf32, #tpu.memory_space<vmem>> -> memref<80x128xf32, #tpu.memory_space<vmem>>
        tpu.vector_store_idx %scatter3A_862[%add3A_550, %broadcast_in_dim3A_852], %mul3A_858 : memref<80x128xf32, #tpu.memory_space<vmem>>[vector<16xi32>, vector<16xi32>], vector<16xf32>,
        %broadcast_in_dim3A_863 = arith.constant 17 : i32
        %broadcast_in_dim3A_864 = vector.broadcast %broadcast_in_dim3A_863 : i32 to vector<16xi32>
        %gather3A_865 = arith.constant 0 : i32
        %gather3A_866 = arith.constant 0 : i32
        %gather3A_867 = tpu.memref_slice %arg8[%select_n3A_338, %gather3A_865, %gather3A_866] : memref<3x80x128xf32, #tpu.memory_space<vmem>> -> memref<1x80x128xf32, #tpu.memory_space<vmem>>
        %gather3A_868 = tpu.memref_squeeze %gather3A_867 : memref<1x80x128xf32, #tpu.memory_space<vmem>> -> memref<80x128xf32, #tpu.memory_space<vmem>>
        %gather3A_869 = tpu.vector_load_idx %gather3A_868[%add3A_550, %broadcast_in_dim3A_864] : memref<80x128xf32, #tpu.memory_space<vmem>>[vector<16xi32>, vector<16xi32>], vector<16xf32>,
        %mul3A_870 = arith.mulf %gather3A_869, %exp3A : vector<16xf32>
        %scatter3A_871 = arith.constant 0 : i32
        %scatter3A_872 = arith.constant 0 : i32
        %scatter3A_873 = tpu.memref_slice %arg8[%select_n3A_338, %scatter3A_871, %scatter3A_872] : memref<3x80x128xf32, #tpu.memory_space<vmem>> -> memref<1x80x128xf32, #tpu.memory_space<vmem>>
        %scatter3A_874 = tpu.memref_squeeze %scatter3A_873 : memref<1x80x128xf32, #tpu.memory_space<vmem>> -> memref<80x128xf32, #tpu.memory_space<vmem>>
        tpu.vector_store_idx %scatter3A_874[%add3A_550, %broadcast_in_dim3A_864], %mul3A_870 : memref<80x128xf32, #tpu.memory_space<vmem>>[vector<16xi32>, vector<16xi32>], vector<16xf32>,
        %broadcast_in_dim3A_875 = arith.constant 18 : i32
        %broadcast_in_dim3A_876 = vector.broadcast %broadcast_in_dim3A_875 : i32 to vector<16xi32>
        %gather3A_877 = arith.constant 0 : i32
        %gather3A_878 = arith.constant 0 : i32
        %gather3A_879 = tpu.memref_slice %arg8[%select_n3A_338, %gather3A_877, %gather3A_878] : memref<3x80x128xf32, #tpu.memory_space<vmem>> -> memref<1x80x128xf32, #tpu.memory_space<vmem>>
        %gather3A_880 = tpu.memref_squeeze %gather3A_879 : memref<1x80x128xf32, #tpu.memory_space<vmem>> -> memref<80x128xf32, #tpu.memory_space<vmem>>
        %gather3A_881 = tpu.vector_load_idx %gather3A_880[%add3A_550, %broadcast_in_dim3A_876] : memref<80x128xf32, #tpu.memory_space<vmem>>[vector<16xi32>, vector<16xi32>], vector<16xf32>,
        %mul3A_882 = arith.mulf %gather3A_881, %exp3A : vector<16xf32>
        %scatter3A_883 = arith.constant 0 : i32
        %scatter3A_884 = arith.constant 0 : i32
        %scatter3A_885 = tpu.memref_slice %arg8[%select_n3A_338, %scatter3A_883, %scatter3A_884] : memref<3x80x128xf32, #tpu.memory_space<vmem>> -> memref<1x80x128xf32, #tpu.memory_space<vmem>>
        %scatter3A_886 = tpu.memref_squeeze %scatter3A_885 : memref<1x80x128xf32, #tpu.memory_space<vmem>> -> memref<80x128xf32, #tpu.memory_space<vmem>>
        tpu.vector_store_idx %scatter3A_886[%add3A_550, %broadcast_in_dim3A_876], %mul3A_882 : memref<80x128xf32, #tpu.memory_space<vmem>>[vector<16xi32>, vector<16xi32>], vector<16xf32>,
        %broadcast_in_dim3A_887 = arith.constant 19 : i32
        %broadcast_in_dim3A_888 = vector.broadcast %broadcast_in_dim3A_887 : i32 to vector<16xi32>
        %gather3A_889 = arith.constant 0 : i32
        %gather3A_890 = arith.constant 0 : i32
        %gather3A_891 = tpu.memref_slice %arg8[%select_n3A_338, %gather3A_889, %gather3A_890] : memref<3x80x128xf32, #tpu.memory_space<vmem>> -> memref<1x80x128xf32, #tpu.memory_space<vmem>>
        %gather3A_892 = tpu.memref_squeeze %gather3A_891 : memref<1x80x128xf32, #tpu.memory_space<vmem>> -> memref<80x128xf32, #tpu.memory_space<vmem>>
        %gather3A_893 = tpu.vector_load_idx %gather3A_892[%add3A_550, %broadcast_in_dim3A_888] : memref<80x128xf32, #tpu.memory_space<vmem>>[vector<16xi32>, vector<16xi32>], vector<16xf32>,
        %mul3A_894 = arith.mulf %gather3A_893, %exp3A : vector<16xf32>
        %scatter3A_895 = arith.constant 0 : i32
        %scatter3A_896 = arith.constant 0 : i32
        %scatter3A_897 = tpu.memref_slice %arg8[%select_n3A_338, %scatter3A_895, %scatter3A_896] : memref<3x80x128xf32, #tpu.memory_space<vmem>> -> memref<1x80x128xf32, #tpu.memory_space<vmem>>
        %scatter3A_898 = tpu.memref_squeeze %scatter3A_897 : memref<1x80x128xf32, #tpu.memory_space<vmem>> -> memref<80x128xf32, #tpu.memory_space<vmem>>
        tpu.vector_store_idx %scatter3A_898[%add3A_550, %broadcast_in_dim3A_888], %mul3A_894 : memref<80x128xf32, #tpu.memory_space<vmem>>[vector<16xi32>, vector<16xi32>], vector<16xf32>,
        %broadcast_in_dim3A_899 = arith.constant 20 : i32
        %broadcast_in_dim3A_900 = vector.broadcast %broadcast_in_dim3A_899 : i32 to vector<16xi32>
        %gather3A_901 = arith.constant 0 : i32
        %gather3A_902 = arith.constant 0 : i32
        %gather3A_903 = tpu.memref_slice %arg8[%select_n3A_338, %gather3A_901, %gather3A_902] : memref<3x80x128xf32, #tpu.memory_space<vmem>> -> memref<1x80x128xf32, #tpu.memory_space<vmem>>
        %gather3A_904 = tpu.memref_squeeze %gather3A_903 : memref<1x80x128xf32, #tpu.memory_space<vmem>> -> memref<80x128xf32, #tpu.memory_space<vmem>>
        %gather3A_905 = tpu.vector_load_idx %gather3A_904[%add3A_550, %broadcast_in_dim3A_900] : memref<80x128xf32, #tpu.memory_space<vmem>>[vector<16xi32>, vector<16xi32>], vector<16xf32>,
        %mul3A_906 = arith.mulf %gather3A_905, %exp3A : vector<16xf32>
        %scatter3A_907 = arith.constant 0 : i32
        %scatter3A_908 = arith.constant 0 : i32
        %scatter3A_909 = tpu.memref_slice %arg8[%select_n3A_338, %scatter3A_907, %scatter3A_908] : memref<3x80x128xf32, #tpu.memory_space<vmem>> -> memref<1x80x128xf32, #tpu.memory_space<vmem>>
        %scatter3A_910 = tpu.memref_squeeze %scatter3A_909 : memref<1x80x128xf32, #tpu.memory_space<vmem>> -> memref<80x128xf32, #tpu.memory_space<vmem>>
        tpu.vector_store_idx %scatter3A_910[%add3A_550, %broadcast_in_dim3A_900], %mul3A_906 : memref<80x128xf32, #tpu.memory_space<vmem>>[vector<16xi32>, vector<16xi32>], vector<16xf32>,
        %broadcast_in_dim3A_911 = arith.constant 21 : i32
        %broadcast_in_dim3A_912 = vector.broadcast %broadcast_in_dim3A_911 : i32 to vector<16xi32>
        %gather3A_913 = arith.constant 0 : i32
        %gather3A_914 = arith.constant 0 : i32
        %gather3A_915 = tpu.memref_slice %arg8[%select_n3A_338, %gather3A_913, %gather3A_914] : memref<3x80x128xf32, #tpu.memory_space<vmem>> -> memref<1x80x128xf32, #tpu.memory_space<vmem>>
        %gather3A_916 = tpu.memref_squeeze %gather3A_915 : memref<1x80x128xf32, #tpu.memory_space<vmem>> -> memref<80x128xf32, #tpu.memory_space<vmem>>
        %gather3A_917 = tpu.vector_load_idx %gather3A_916[%add3A_550, %broadcast_in_dim3A_912] : memref<80x128xf32, #tpu.memory_space<vmem>>[vector<16xi32>, vector<16xi32>], vector<16xf32>,
        %mul3A_918 = arith.mulf %gather3A_917, %exp3A : vector<16xf32>
        %scatter3A_919 = arith.constant 0 : i32
        %scatter3A_920 = arith.constant 0 : i32
        %scatter3A_921 = tpu.memref_slice %arg8[%select_n3A_338, %scatter3A_919, %scatter3A_920] : memref<3x80x128xf32, #tpu.memory_space<vmem>> -> memref<1x80x128xf32, #tpu.memory_space<vmem>>
        %scatter3A_922 = tpu.memref_squeeze %scatter3A_921 : memref<1x80x128xf32, #tpu.memory_space<vmem>> -> memref<80x128xf32, #tpu.memory_space<vmem>>
        tpu.vector_store_idx %scatter3A_922[%add3A_550, %broadcast_in_dim3A_912], %mul3A_918 : memref<80x128xf32, #tpu.memory_space<vmem>>[vector<16xi32>, vector<16xi32>], vector<16xf32>,
        %broadcast_in_dim3A_923 = arith.constant 22 : i32
        %broadcast_in_dim3A_924 = vector.broadcast %broadcast_in_dim3A_923 : i32 to vector<16xi32>
        %gather3A_925 = arith.constant 0 : i32
        %gather3A_926 = arith.constant 0 : i32
        %gather3A_927 = tpu.memref_slice %arg8[%select_n3A_338, %gather3A_925, %gather3A_926] : memref<3x80x128xf32, #tpu.memory_space<vmem>> -> memref<1x80x128xf32, #tpu.memory_space<vmem>>
        %gather3A_928 = tpu.memref_squeeze %gather3A_927 : memref<1x80x128xf32, #tpu.memory_space<vmem>> -> memref<80x128xf32, #tpu.memory_space<vmem>>
        %gather3A_929 = tpu.vector_load_idx %gather3A_928[%add3A_550, %broadcast_in_dim3A_924] : memref<80x128xf32, #tpu.memory_space<vmem>>[vector<16xi32>, vector<16xi32>], vector<16xf32>,
        %mul3A_930 = arith.mulf %gather3A_929, %exp3A : vector<16xf32>
        %scatter3A_931 = arith.constant 0 : i32
        %scatter3A_932 = arith.constant 0 : i32
        %scatter3A_933 = tpu.memref_slice %arg8[%select_n3A_338, %scatter3A_931, %scatter3A_932] : memref<3x80x128xf32, #tpu.memory_space<vmem>> -> memref<1x80x128xf32, #tpu.memory_space<vmem>>
        %scatter3A_934 = tpu.memref_squeeze %scatter3A_933 : memref<1x80x128xf32, #tpu.memory_space<vmem>> -> memref<80x128xf32, #tpu.memory_space<vmem>>
        tpu.vector_store_idx %scatter3A_934[%add3A_550, %broadcast_in_dim3A_924], %mul3A_930 : memref<80x128xf32, #tpu.memory_space<vmem>>[vector<16xi32>, vector<16xi32>], vector<16xf32>,
        %broadcast_in_dim3A_935 = arith.constant 23 : i32
        %broadcast_in_dim3A_936 = vector.broadcast %broadcast_in_dim3A_935 : i32 to vector<16xi32>
        %gather3A_937 = arith.constant 0 : i32
        %gather3A_938 = arith.constant 0 : i32
        %gather3A_939 = tpu.memref_slice %arg8[%select_n3A_338, %gather3A_937, %gather3A_938] : memref<3x80x128xf32, #tpu.memory_space<vmem>> -> memref<1x80x128xf32, #tpu.memory_space<vmem>>
        %gather3A_940 = tpu.memref_squeeze %gather3A_939 : memref<1x80x128xf32, #tpu.memory_space<vmem>> -> memref<80x128xf32, #tpu.memory_space<vmem>>
        %gather3A_941 = tpu.vector_load_idx %gather3A_940[%add3A_550, %broadcast_in_dim3A_936] : memref<80x128xf32, #tpu.memory_space<vmem>>[vector<16xi32>, vector<16xi32>], vector<16xf32>,
        %mul3A_942 = arith.mulf %gather3A_941, %exp3A : vector<16xf32>
        %scatter3A_943 = arith.constant 0 : i32
        %scatter3A_944 = arith.constant 0 : i32
        %scatter3A_945 = tpu.memref_slice %arg8[%select_n3A_338, %scatter3A_943, %scatter3A_944] : memref<3x80x128xf32, #tpu.memory_space<vmem>> -> memref<1x80x128xf32, #tpu.memory_space<vmem>>
        %scatter3A_946 = tpu.memref_squeeze %scatter3A_945 : memref<1x80x128xf32, #tpu.memory_space<vmem>> -> memref<80x128xf32, #tpu.memory_space<vmem>>
        tpu.vector_store_idx %scatter3A_946[%add3A_550, %broadcast_in_dim3A_936], %mul3A_942 : memref<80x128xf32, #tpu.memory_space<vmem>>[vector<16xi32>, vector<16xi32>], vector<16xf32>,
        %broadcast_in_dim3A_947 = arith.constant 24 : i32
        %broadcast_in_dim3A_948 = vector.broadcast %broadcast_in_dim3A_947 : i32 to vector<16xi32>
        %gather3A_949 = arith.constant 0 : i32
        %gather3A_950 = arith.constant 0 : i32
        %gather3A_951 = tpu.memref_slice %arg8[%select_n3A_338, %gather3A_949, %gather3A_950] : memref<3x80x128xf32, #tpu.memory_space<vmem>> -> memref<1x80x128xf32, #tpu.memory_space<vmem>>
        %gather3A_952 = tpu.memref_squeeze %gather3A_951 : memref<1x80x128xf32, #tpu.memory_space<vmem>> -> memref<80x128xf32, #tpu.memory_space<vmem>>
        %gather3A_953 = tpu.vector_load_idx %gather3A_952[%add3A_550, %broadcast_in_dim3A_948] : memref<80x128xf32, #tpu.memory_space<vmem>>[vector<16xi32>, vector<16xi32>], vector<16xf32>,
        %mul3A_954 = arith.mulf %gather3A_953, %exp3A : vector<16xf32>
        %scatter3A_955 = arith.constant 0 : i32
        %scatter3A_956 = arith.constant 0 : i32
        %scatter3A_957 = tpu.memref_slice %arg8[%select_n3A_338, %scatter3A_955, %scatter3A_956] : memref<3x80x128xf32, #tpu.memory_space<vmem>> -> memref<1x80x128xf32, #tpu.memory_space<vmem>>
        %scatter3A_958 = tpu.memref_squeeze %scatter3A_957 : memref<1x80x128xf32, #tpu.memory_space<vmem>> -> memref<80x128xf32, #tpu.memory_space<vmem>>
        tpu.vector_store_idx %scatter3A_958[%add3A_550, %broadcast_in_dim3A_948], %mul3A_954 : memref<80x128xf32, #tpu.memory_space<vmem>>[vector<16xi32>, vector<16xi32>], vector<16xf32>,
        %broadcast_in_dim3A_959 = arith.constant 25 : i32
        %broadcast_in_dim3A_960 = vector.broadcast %broadcast_in_dim3A_959 : i32 to vector<16xi32>
        %gather3A_961 = arith.constant 0 : i32
        %gather3A_962 = arith.constant 0 : i32
        %gather3A_963 = tpu.memref_slice %arg8[%select_n3A_338, %gather3A_961, %gather3A_962] : memref<3x80x128xf32, #tpu.memory_space<vmem>> -> memref<1x80x128xf32, #tpu.memory_space<vmem>>
        %gather3A_964 = tpu.memref_squeeze %gather3A_963 : memref<1x80x128xf32, #tpu.memory_space<vmem>> -> memref<80x128xf32, #tpu.memory_space<vmem>>
        %gather3A_965 = tpu.vector_load_idx %gather3A_964[%add3A_550, %broadcast_in_dim3A_960] : memref<80x128xf32, #tpu.memory_space<vmem>>[vector<16xi32>, vector<16xi32>], vector<16xf32>,
        %mul3A_966 = arith.mulf %gather3A_965, %exp3A : vector<16xf32>
        %scatter3A_967 = arith.constant 0 : i32
        %scatter3A_968 = arith.constant 0 : i32
        %scatter3A_969 = tpu.memref_slice %arg8[%select_n3A_338, %scatter3A_967, %scatter3A_968] : memref<3x80x128xf32, #tpu.memory_space<vmem>> -> memref<1x80x128xf32, #tpu.memory_space<vmem>>
        %scatter3A_970 = tpu.memref_squeeze %scatter3A_969 : memref<1x80x128xf32, #tpu.memory_space<vmem>> -> memref<80x128xf32, #tpu.memory_space<vmem>>
        tpu.vector_store_idx %scatter3A_970[%add3A_550, %broadcast_in_dim3A_960], %mul3A_966 : memref<80x128xf32, #tpu.memory_space<vmem>>[vector<16xi32>, vector<16xi32>], vector<16xf32>,
        %broadcast_in_dim3A_971 = arith.constant 26 : i32
        %broadcast_in_dim3A_972 = vector.broadcast %broadcast_in_dim3A_971 : i32 to vector<16xi32>
        %gather3A_973 = arith.constant 0 : i32
        %gather3A_974 = arith.constant 0 : i32
        %gather3A_975 = tpu.memref_slice %arg8[%select_n3A_338, %gather3A_973, %gather3A_974] : memref<3x80x128xf32, #tpu.memory_space<vmem>> -> memref<1x80x128xf32, #tpu.memory_space<vmem>>
        %gather3A_976 = tpu.memref_squeeze %gather3A_975 : memref<1x80x128xf32, #tpu.memory_space<vmem>> -> memref<80x128xf32, #tpu.memory_space<vmem>>
        %gather3A_977 = tpu.vector_load_idx %gather3A_976[%add3A_550, %broadcast_in_dim3A_972] : memref<80x128xf32, #tpu.memory_space<vmem>>[vector<16xi32>, vector<16xi32>], vector<16xf32>,
        %mul3A_978 = arith.mulf %gather3A_977, %exp3A : vector<16xf32>
        %scatter3A_979 = arith.constant 0 : i32
        %scatter3A_980 = arith.constant 0 : i32
        %scatter3A_981 = tpu.memref_slice %arg8[%select_n3A_338, %scatter3A_979, %scatter3A_980] : memref<3x80x128xf32, #tpu.memory_space<vmem>> -> memref<1x80x128xf32, #tpu.memory_space<vmem>>
        %scatter3A_982 = tpu.memref_squeeze %scatter3A_981 : memref<1x80x128xf32, #tpu.memory_space<vmem>> -> memref<80x128xf32, #tpu.memory_space<vmem>>
        tpu.vector_store_idx %scatter3A_982[%add3A_550, %broadcast_in_dim3A_972], %mul3A_978 : memref<80x128xf32, #tpu.memory_space<vmem>>[vector<16xi32>, vector<16xi32>], vector<16xf32>,
        %broadcast_in_dim3A_983 = arith.constant 27 : i32
        %broadcast_in_dim3A_984 = vector.broadcast %broadcast_in_dim3A_983 : i32 to vector<16xi32>
        %gather3A_985 = arith.constant 0 : i32
        %gather3A_986 = arith.constant 0 : i32
        %gather3A_987 = tpu.memref_slice %arg8[%select_n3A_338, %gather3A_985, %gather3A_986] : memref<3x80x128xf32, #tpu.memory_space<vmem>> -> memref<1x80x128xf32, #tpu.memory_space<vmem>>
        %gather3A_988 = tpu.memref_squeeze %gather3A_987 : memref<1x80x128xf32, #tpu.memory_space<vmem>> -> memref<80x128xf32, #tpu.memory_space<vmem>>
        %gather3A_989 = tpu.vector_load_idx %gather3A_988[%add3A_550, %broadcast_in_dim3A_984] : memref<80x128xf32, #tpu.memory_space<vmem>>[vector<16xi32>, vector<16xi32>], vector<16xf32>,
        %mul3A_990 = arith.mulf %gather3A_989, %exp3A : vector<16xf32>
        %scatter3A_991 = arith.constant 0 : i32
        %scatter3A_992 = arith.constant 0 : i32
        %scatter3A_993 = tpu.memref_slice %arg8[%select_n3A_338, %scatter3A_991, %scatter3A_992] : memref<3x80x128xf32, #tpu.memory_space<vmem>> -> memref<1x80x128xf32, #tpu.memory_space<vmem>>
        %scatter3A_994 = tpu.memref_squeeze %scatter3A_993 : memref<1x80x128xf32, #tpu.memory_space<vmem>> -> memref<80x128xf32, #tpu.memory_space<vmem>>
        tpu.vector_store_idx %scatter3A_994[%add3A_550, %broadcast_in_dim3A_984], %mul3A_990 : memref<80x128xf32, #tpu.memory_space<vmem>>[vector<16xi32>, vector<16xi32>], vector<16xf32>,
        %broadcast_in_dim3A_995 = arith.constant 28 : i32
        %broadcast_in_dim3A_996 = vector.broadcast %broadcast_in_dim3A_995 : i32 to vector<16xi32>
        %gather3A_997 = arith.constant 0 : i32
        %gather3A_998 = arith.constant 0 : i32
        %gather3A_999 = tpu.memref_slice %arg8[%select_n3A_338, %gather3A_997, %gather3A_998] : memref<3x80x128xf32, #tpu.memory_space<vmem>> -> memref<1x80x128xf32, #tpu.memory_space<vmem>>
        %gather3A_1000 = tpu.memref_squeeze %gather3A_999 : memref<1x80x128xf32, #tpu.memory_space<vmem>> -> memref<80x128xf32, #tpu.memory_space<vmem>>
        %gather3A_1001 = tpu.vector_load_idx %gather3A_1000[%add3A_550, %broadcast_in_dim3A_996] : memref<80x128xf32, #tpu.memory_space<vmem>>[vector<16xi32>, vector<16xi32>], vector<16xf32>,
        %mul3A_1002 = arith.mulf %gather3A_1001, %exp3A : vector<16xf32>
        %scatter3A_1003 = arith.constant 0 : i32
        %scatter3A_1004 = arith.constant 0 : i32
        %scatter3A_1005 = tpu.memref_slice %arg8[%select_n3A_338, %scatter3A_1003, %scatter3A_1004] : memref<3x80x128xf32, #tpu.memory_space<vmem>> -> memref<1x80x128xf32, #tpu.memory_space<vmem>>
        %scatter3A_1006 = tpu.memref_squeeze %scatter3A_1005 : memref<1x80x128xf32, #tpu.memory_space<vmem>> -> memref<80x128xf32, #tpu.memory_space<vmem>>
        tpu.vector_store_idx %scatter3A_1006[%add3A_550, %broadcast_in_dim3A_996], %mul3A_1002 : memref<80x128xf32, #tpu.memory_space<vmem>>[vector<16xi32>, vector<16xi32>], vector<16xf32>,
        %broadcast_in_dim3A_1007 = arith.constant 29 : i32
        %broadcast_in_dim3A_1008 = vector.broadcast %broadcast_in_dim3A_1007 : i32 to vector<16xi32>
        %gather3A_1009 = arith.constant 0 : i32
        %gather3A_1010 = arith.constant 0 : i32
        %gather3A_1011 = tpu.memref_slice %arg8[%select_n3A_338, %gather3A_1009, %gather3A_1010] : memref<3x80x128xf32, #tpu.memory_space<vmem>> -> memref<1x80x128xf32, #tpu.memory_space<vmem>>
        %gather3A_1012 = tpu.memref_squeeze %gather3A_1011 : memref<1x80x128xf32, #tpu.memory_space<vmem>> -> memref<80x128xf32, #tpu.memory_space<vmem>>
        %gather3A_1013 = tpu.vector_load_idx %gather3A_1012[%add3A_550, %broadcast_in_dim3A_1008] : memref<80x128xf32, #tpu.memory_space<vmem>>[vector<16xi32>, vector<16xi32>], vector<16xf32>,
        %mul3A_1014 = arith.mulf %gather3A_1013, %exp3A : vector<16xf32>
        %scatter3A_1015 = arith.constant 0 : i32
        %scatter3A_1016 = arith.constant 0 : i32
        %scatter3A_1017 = tpu.memref_slice %arg8[%select_n3A_338, %scatter3A_1015, %scatter3A_1016] : memref<3x80x128xf32, #tpu.memory_space<vmem>> -> memref<1x80x128xf32, #tpu.memory_space<vmem>>
        %scatter3A_1018 = tpu.memref_squeeze %scatter3A_1017 : memref<1x80x128xf32, #tpu.memory_space<vmem>> -> memref<80x128xf32, #tpu.memory_space<vmem>>
        tpu.vector_store_idx %scatter3A_1018[%add3A_550, %broadcast_in_dim3A_1008], %mul3A_1014 : memref<80x128xf32, #tpu.memory_space<vmem>>[vector<16xi32>, vector<16xi32>], vector<16xf32>,
        %broadcast_in_dim3A_1019 = arith.constant 30 : i32
        %broadcast_in_dim3A_1020 = vector.broadcast %broadcast_in_dim3A_1019 : i32 to vector<16xi32>
        %gather3A_1021 = arith.constant 0 : i32
        %gather3A_1022 = arith.constant 0 : i32
        %gather3A_1023 = tpu.memref_slice %arg8[%select_n3A_338, %gather3A_1021, %gather3A_1022] : memref<3x80x128xf32, #tpu.memory_space<vmem>> -> memref<1x80x128xf32, #tpu.memory_space<vmem>>
        %gather3A_1024 = tpu.memref_squeeze %gather3A_1023 : memref<1x80x128xf32, #tpu.memory_space<vmem>> -> memref<80x128xf32, #tpu.memory_space<vmem>>
        %gather3A_1025 = tpu.vector_load_idx %gather3A_1024[%add3A_550, %broadcast_in_dim3A_1020] : memref<80x128xf32, #tpu.memory_space<vmem>>[vector<16xi32>, vector<16xi32>], vector<16xf32>,
        %mul3A_1026 = arith.mulf %gather3A_1025, %exp3A : vector<16xf32>
        %scatter3A_1027 = arith.constant 0 : i32
        %scatter3A_1028 = arith.constant 0 : i32
        %scatter3A_1029 = tpu.memref_slice %arg8[%select_n3A_338, %scatter3A_1027, %scatter3A_1028] : memref<3x80x128xf32, #tpu.memory_space<vmem>> -> memref<1x80x128xf32, #tpu.memory_space<vmem>>
        %scatter3A_1030 = tpu.memref_squeeze %scatter3A_1029 : memref<1x80x128xf32, #tpu.memory_space<vmem>> -> memref<80x128xf32, #tpu.memory_space<vmem>>
        tpu.vector_store_idx %scatter3A_1030[%add3A_550, %broadcast_in_dim3A_1020], %mul3A_1026 : memref<80x128xf32, #tpu.memory_space<vmem>>[vector<16xi32>, vector<16xi32>], vector<16xf32>,
        %broadcast_in_dim3A_1031 = arith.constant 31 : i32
        %broadcast_in_dim3A_1032 = vector.broadcast %broadcast_in_dim3A_1031 : i32 to vector<16xi32>
        %gather3A_1033 = arith.constant 0 : i32
        %gather3A_1034 = arith.constant 0 : i32
        %gather3A_1035 = tpu.memref_slice %arg8[%select_n3A_338, %gather3A_1033, %gather3A_1034] : memref<3x80x128xf32, #tpu.memory_space<vmem>> -> memref<1x80x128xf32, #tpu.memory_space<vmem>>
        %gather3A_1036 = tpu.memref_squeeze %gather3A_1035 : memref<1x80x128xf32, #tpu.memory_space<vmem>> -> memref<80x128xf32, #tpu.memory_space<vmem>>
        %gather3A_1037 = tpu.vector_load_idx %gather3A_1036[%add3A_550, %broadcast_in_dim3A_1032] : memref<80x128xf32, #tpu.memory_space<vmem>>[vector<16xi32>, vector<16xi32>], vector<16xf32>,
        %mul3A_1038 = arith.mulf %gather3A_1037, %exp3A : vector<16xf32>
        %scatter3A_1039 = arith.constant 0 : i32
        %scatter3A_1040 = arith.constant 0 : i32
        %scatter3A_1041 = tpu.memref_slice %arg8[%select_n3A_338, %scatter3A_1039, %scatter3A_1040] : memref<3x80x128xf32, #tpu.memory_space<vmem>> -> memref<1x80x128xf32, #tpu.memory_space<vmem>>
        %scatter3A_1042 = tpu.memref_squeeze %scatter3A_1041 : memref<1x80x128xf32, #tpu.memory_space<vmem>> -> memref<80x128xf32, #tpu.memory_space<vmem>>
        tpu.vector_store_idx %scatter3A_1042[%add3A_550, %broadcast_in_dim3A_1032], %mul3A_1038 : memref<80x128xf32, #tpu.memory_space<vmem>>[vector<16xi32>, vector<16xi32>], vector<16xf32>,
        %broadcast_in_dim3A_1043 = arith.constant 32 : i32
        %broadcast_in_dim3A_1044 = vector.broadcast %broadcast_in_dim3A_1043 : i32 to vector<16xi32>
        %gather3A_1045 = arith.constant 0 : i32
        %gather3A_1046 = arith.constant 0 : i32
        %gather3A_1047 = tpu.memref_slice %arg8[%select_n3A_338, %gather3A_1045, %gather3A_1046] : memref<3x80x128xf32, #tpu.memory_space<vmem>> -> memref<1x80x128xf32, #tpu.memory_space<vmem>>
        %gather3A_1048 = tpu.memref_squeeze %gather3A_1047 : memref<1x80x128xf32, #tpu.memory_space<vmem>> -> memref<80x128xf32, #tpu.memory_space<vmem>>
        %gather3A_1049 = tpu.vector_load_idx %gather3A_1048[%add3A_550, %broadcast_in_dim3A_1044] : memref<80x128xf32, #tpu.memory_space<vmem>>[vector<16xi32>, vector<16xi32>], vector<16xf32>,
        %mul3A_1050 = arith.mulf %gather3A_1049, %exp3A_598 : vector<16xf32>
        %scatter3A_1051 = arith.constant 0 : i32
        %scatter3A_1052 = arith.constant 0 : i32
        %scatter3A_1053 = tpu.memref_slice %arg8[%select_n3A_338, %scatter3A_1051, %scatter3A_1052] : memref<3x80x128xf32, #tpu.memory_space<vmem>> -> memref<1x80x128xf32, #tpu.memory_space<vmem>>
        %scatter3A_1054 = tpu.memref_squeeze %scatter3A_1053 : memref<1x80x128xf32, #tpu.memory_space<vmem>> -> memref<80x128xf32, #tpu.memory_space<vmem>>
        tpu.vector_store_idx %scatter3A_1054[%add3A_550, %broadcast_in_dim3A_1044], %mul3A_1050 : memref<80x128xf32, #tpu.memory_space<vmem>>[vector<16xi32>, vector<16xi32>], vector<16xf32>,
        %broadcast_in_dim3A_1055 = arith.constant 33 : i32
        %broadcast_in_dim3A_1056 = vector.broadcast %broadcast_in_dim3A_1055 : i32 to vector<16xi32>
        %gather3A_1057 = arith.constant 0 : i32
        %gather3A_1058 = arith.constant 0 : i32
        %gather3A_1059 = tpu.memref_slice %arg8[%select_n3A_338, %gather3A_1057, %gather3A_1058] : memref<3x80x128xf32, #tpu.memory_space<vmem>> -> memref<1x80x128xf32, #tpu.memory_space<vmem>>
        %gather3A_1060 = tpu.memref_squeeze %gather3A_1059 : memref<1x80x128xf32, #tpu.memory_space<vmem>> -> memref<80x128xf32, #tpu.memory_space<vmem>>
        %gather3A_1061 = tpu.vector_load_idx %gather3A_1060[%add3A_550, %broadcast_in_dim3A_1056] : memref<80x128xf32, #tpu.memory_space<vmem>>[vector<16xi32>, vector<16xi32>], vector<16xf32>,
        %mul3A_1062 = arith.mulf %gather3A_1061, %exp3A_598 : vector<16xf32>
        %scatter3A_1063 = arith.constant 0 : i32
        %scatter3A_1064 = arith.constant 0 : i32
        %scatter3A_1065 = tpu.memref_slice %arg8[%select_n3A_338, %scatter3A_1063, %scatter3A_1064] : memref<3x80x128xf32, #tpu.memory_space<vmem>> -> memref<1x80x128xf32, #tpu.memory_space<vmem>>
        %scatter3A_1066 = tpu.memref_squeeze %scatter3A_1065 : memref<1x80x128xf32, #tpu.memory_space<vmem>> -> memref<80x128xf32, #tpu.memory_space<vmem>>
        tpu.vector_store_idx %scatter3A_1066[%add3A_550, %broadcast_in_dim3A_1056], %mul3A_1062 : memref<80x128xf32, #tpu.memory_space<vmem>>[vector<16xi32>, vector<16xi32>], vector<16xf32>,
        %broadcast_in_dim3A_1067 = arith.constant 34 : i32
        %broadcast_in_dim3A_1068 = vector.broadcast %broadcast_in_dim3A_1067 : i32 to vector<16xi32>
        %gather3A_1069 = arith.constant 0 : i32
        %gather3A_1070 = arith.constant 0 : i32
        %gather3A_1071 = tpu.memref_slice %arg8[%select_n3A_338, %gather3A_1069, %gather3A_1070] : memref<3x80x128xf32, #tpu.memory_space<vmem>> -> memref<1x80x128xf32, #tpu.memory_space<vmem>>
        %gather3A_1072 = tpu.memref_squeeze %gather3A_1071 : memref<1x80x128xf32, #tpu.memory_space<vmem>> -> memref<80x128xf32, #tpu.memory_space<vmem>>
        %gather3A_1073 = tpu.vector_load_idx %gather3A_1072[%add3A_550, %broadcast_in_dim3A_1068] : memref<80x128xf32, #tpu.memory_space<vmem>>[vector<16xi32>, vector<16xi32>], vector<16xf32>,
        %mul3A_1074 = arith.mulf %gather3A_1073, %exp3A_598 : vector<16xf32>
        %scatter3A_1075 = arith.constant 0 : i32
        %scatter3A_1076 = arith.constant 0 : i32
        %scatter3A_1077 = tpu.memref_slice %arg8[%select_n3A_338, %scatter3A_1075, %scatter3A_1076] : memref<3x80x128xf32, #tpu.memory_space<vmem>> -> memref<1x80x128xf32, #tpu.memory_space<vmem>>
        %scatter3A_1078 = tpu.memref_squeeze %scatter3A_1077 : memref<1x80x128xf32, #tpu.memory_space<vmem>> -> memref<80x128xf32, #tpu.memory_space<vmem>>
        tpu.vector_store_idx %scatter3A_1078[%add3A_550, %broadcast_in_dim3A_1068], %mul3A_1074 : memref<80x128xf32, #tpu.memory_space<vmem>>[vector<16xi32>, vector<16xi32>], vector<16xf32>,
        %broadcast_in_dim3A_1079 = arith.constant 35 : i32
        %broadcast_in_dim3A_1080 = vector.broadcast %broadcast_in_dim3A_1079 : i32 to vector<16xi32>
        %gather3A_1081 = arith.constant 0 : i32
        %gather3A_1082 = arith.constant 0 : i32
        %gather3A_1083 = tpu.memref_slice %arg8[%select_n3A_338, %gather3A_1081, %gather3A_1082] : memref<3x80x128xf32, #tpu.memory_space<vmem>> -> memref<1x80x128xf32, #tpu.memory_space<vmem>>
        %gather3A_1084 = tpu.memref_squeeze %gather3A_1083 : memref<1x80x128xf32, #tpu.memory_space<vmem>> -> memref<80x128xf32, #tpu.memory_space<vmem>>
        %gather3A_1085 = tpu.vector_load_idx %gather3A_1084[%add3A_550, %broadcast_in_dim3A_1080] : memref<80x128xf32, #tpu.memory_space<vmem>>[vector<16xi32>, vector<16xi32>], vector<16xf32>,
        %mul3A_1086 = arith.mulf %gather3A_1085, %exp3A_598 : vector<16xf32>
        %scatter3A_1087 = arith.constant 0 : i32
        %scatter3A_1088 = arith.constant 0 : i32
        %scatter3A_1089 = tpu.memref_slice %arg8[%select_n3A_338, %scatter3A_1087, %scatter3A_1088] : memref<3x80x128xf32, #tpu.memory_space<vmem>> -> memref<1x80x128xf32, #tpu.memory_space<vmem>>
        %scatter3A_1090 = tpu.memref_squeeze %scatter3A_1089 : memref<1x80x128xf32, #tpu.memory_space<vmem>> -> memref<80x128xf32, #tpu.memory_space<vmem>>
        tpu.vector_store_idx %scatter3A_1090[%add3A_550, %broadcast_in_dim3A_1080], %mul3A_1086 : memref<80x128xf32, #tpu.memory_space<vmem>>[vector<16xi32>, vector<16xi32>], vector<16xf32>,
        %broadcast_in_dim3A_1091 = arith.constant 36 : i32
        %broadcast_in_dim3A_1092 = vector.broadcast %broadcast_in_dim3A_1091 : i32 to vector<16xi32>
        %gather3A_1093 = arith.constant 0 : i32
        %gather3A_1094 = arith.constant 0 : i32
        %gather3A_1095 = tpu.memref_slice %arg8[%select_n3A_338, %gather3A_1093, %gather3A_1094] : memref<3x80x128xf32, #tpu.memory_space<vmem>> -> memref<1x80x128xf32, #tpu.memory_space<vmem>>
        %gather3A_1096 = tpu.memref_squeeze %gather3A_1095 : memref<1x80x128xf32, #tpu.memory_space<vmem>> -> memref<80x128xf32, #tpu.memory_space<vmem>>
        %gather3A_1097 = tpu.vector_load_idx %gather3A_1096[%add3A_550, %broadcast_in_dim3A_1092] : memref<80x128xf32, #tpu.memory_space<vmem>>[vector<16xi32>, vector<16xi32>], vector<16xf32>,
        %mul3A_1098 = arith.mulf %gather3A_1097, %exp3A_598 : vector<16xf32>
        %scatter3A_1099 = arith.constant 0 : i32
        %scatter3A_1100 = arith.constant 0 : i32
        %scatter3A_1101 = tpu.memref_slice %arg8[%select_n3A_338, %scatter3A_1099, %scatter3A_1100] : memref<3x80x128xf32, #tpu.memory_space<vmem>> -> memref<1x80x128xf32, #tpu.memory_space<vmem>>
        %scatter3A_1102 = tpu.memref_squeeze %scatter3A_1101 : memref<1x80x128xf32, #tpu.memory_space<vmem>> -> memref<80x128xf32, #tpu.memory_space<vmem>>
        tpu.vector_store_idx %scatter3A_1102[%add3A_550, %broadcast_in_dim3A_1092], %mul3A_1098 : memref<80x128xf32, #tpu.memory_space<vmem>>[vector<16xi32>, vector<16xi32>], vector<16xf32>,
        %broadcast_in_dim3A_1103 = arith.constant 37 : i32
        %broadcast_in_dim3A_1104 = vector.broadcast %broadcast_in_dim3A_1103 : i32 to vector<16xi32>
        %gather3A_1105 = arith.constant 0 : i32
        %gather3A_1106 = arith.constant 0 : i32
        %gather3A_1107 = tpu.memref_slice %arg8[%select_n3A_338, %gather3A_1105, %gather3A_1106] : memref<3x80x128xf32, #tpu.memory_space<vmem>> -> memref<1x80x128xf32, #tpu.memory_space<vmem>>
        %gather3A_1108 = tpu.memref_squeeze %gather3A_1107 : memref<1x80x128xf32, #tpu.memory_space<vmem>> -> memref<80x128xf32, #tpu.memory_space<vmem>>
        %gather3A_1109 = tpu.vector_load_idx %gather3A_1108[%add3A_550, %broadcast_in_dim3A_1104] : memref<80x128xf32, #tpu.memory_space<vmem>>[vector<16xi32>, vector<16xi32>], vector<16xf32>,
        %mul3A_1110 = arith.mulf %gather3A_1109, %exp3A_598 : vector<16xf32>
        %scatter3A_1111 = arith.constant 0 : i32
        %scatter3A_1112 = arith.constant 0 : i32
        %scatter3A_1113 = tpu.memref_slice %arg8[%select_n3A_338, %scatter3A_1111, %scatter3A_1112] : memref<3x80x128xf32, #tpu.memory_space<vmem>> -> memref<1x80x128xf32, #tpu.memory_space<vmem>>
        %scatter3A_1114 = tpu.memref_squeeze %scatter3A_1113 : memref<1x80x128xf32, #tpu.memory_space<vmem>> -> memref<80x128xf32, #tpu.memory_space<vmem>>
        tpu.vector_store_idx %scatter3A_1114[%add3A_550, %broadcast_in_dim3A_1104], %mul3A_1110 : memref<80x128xf32, #tpu.memory_space<vmem>>[vector<16xi32>, vector<16xi32>], vector<16xf32>,
        %broadcast_in_dim3A_1115 = arith.constant 38 : i32
        %broadcast_in_dim3A_1116 = vector.broadcast %broadcast_in_dim3A_1115 : i32 to vector<16xi32>
        %gather3A_1117 = arith.constant 0 : i32
        %gather3A_1118 = arith.constant 0 : i32
        %gather3A_1119 = tpu.memref_slice %arg8[%select_n3A_338, %gather3A_1117, %gather3A_1118] : memref<3x80x128xf32, #tpu.memory_space<vmem>> -> memref<1x80x128xf32, #tpu.memory_space<vmem>>
        %gather3A_1120 = tpu.memref_squeeze %gather3A_1119 : memref<1x80x128xf32, #tpu.memory_space<vmem>> -> memref<80x128xf32, #tpu.memory_space<vmem>>
        %gather3A_1121 = tpu.vector_load_idx %gather3A_1120[%add3A_550, %broadcast_in_dim3A_1116] : memref<80x128xf32, #tpu.memory_space<vmem>>[vector<16xi32>, vector<16xi32>], vector<16xf32>,
        %mul3A_1122 = arith.mulf %gather3A_1121, %exp3A_598 : vector<16xf32>
        %scatter3A_1123 = arith.constant 0 : i32
        %scatter3A_1124 = arith.constant 0 : i32
        %scatter3A_1125 = tpu.memref_slice %arg8[%select_n3A_338, %scatter3A_1123, %scatter3A_1124] : memref<3x80x128xf32, #tpu.memory_space<vmem>> -> memref<1x80x128xf32, #tpu.memory_space<vmem>>
        %scatter3A_1126 = tpu.memref_squeeze %scatter3A_1125 : memref<1x80x128xf32, #tpu.memory_space<vmem>> -> memref<80x128xf32, #tpu.memory_space<vmem>>
        tpu.vector_store_idx %scatter3A_1126[%add3A_550, %broadcast_in_dim3A_1116], %mul3A_1122 : memref<80x128xf32, #tpu.memory_space<vmem>>[vector<16xi32>, vector<16xi32>], vector<16xf32>,
        %broadcast_in_dim3A_1127 = arith.constant 39 : i32
        %broadcast_in_dim3A_1128 = vector.broadcast %broadcast_in_dim3A_1127 : i32 to vector<16xi32>
        %gather3A_1129 = arith.constant 0 : i32
        %gather3A_1130 = arith.constant 0 : i32
        %gather3A_1131 = tpu.memref_slice %arg8[%select_n3A_338, %gather3A_1129, %gather3A_1130] : memref<3x80x128xf32, #tpu.memory_space<vmem>> -> memref<1x80x128xf32, #tpu.memory_space<vmem>>
        %gather3A_1132 = tpu.memref_squeeze %gather3A_1131 : memref<1x80x128xf32, #tpu.memory_space<vmem>> -> memref<80x128xf32, #tpu.memory_space<vmem>>
        %gather3A_1133 = tpu.vector_load_idx %gather3A_1132[%add3A_550, %broadcast_in_dim3A_1128] : memref<80x128xf32, #tpu.memory_space<vmem>>[vector<16xi32>, vector<16xi32>], vector<16xf32>,
        %mul3A_1134 = arith.mulf %gather3A_1133, %exp3A_598 : vector<16xf32>
        %scatter3A_1135 = arith.constant 0 : i32
        %scatter3A_1136 = arith.constant 0 : i32
        %scatter3A_1137 = tpu.memref_slice %arg8[%select_n3A_338, %scatter3A_1135, %scatter3A_1136] : memref<3x80x128xf32, #tpu.memory_space<vmem>> -> memref<1x80x128xf32, #tpu.memory_space<vmem>>
        %scatter3A_1138 = tpu.memref_squeeze %scatter3A_1137 : memref<1x80x128xf32, #tpu.memory_space<vmem>> -> memref<80x128xf32, #tpu.memory_space<vmem>>
        tpu.vector_store_idx %scatter3A_1138[%add3A_550, %broadcast_in_dim3A_1128], %mul3A_1134 : memref<80x128xf32, #tpu.memory_space<vmem>>[vector<16xi32>, vector<16xi32>], vector<16xf32>,
        %broadcast_in_dim3A_1139 = arith.constant 40 : i32
        %broadcast_in_dim3A_1140 = vector.broadcast %broadcast_in_dim3A_1139 : i32 to vector<16xi32>
        %gather3A_1141 = arith.constant 0 : i32
        %gather3A_1142 = arith.constant 0 : i32
        %gather3A_1143 = tpu.memref_slice %arg8[%select_n3A_338, %gather3A_1141, %gather3A_1142] : memref<3x80x128xf32, #tpu.memory_space<vmem>> -> memref<1x80x128xf32, #tpu.memory_space<vmem>>
        %gather3A_1144 = tpu.memref_squeeze %gather3A_1143 : memref<1x80x128xf32, #tpu.memory_space<vmem>> -> memref<80x128xf32, #tpu.memory_space<vmem>>
        %gather3A_1145 = tpu.vector_load_idx %gather3A_1144[%add3A_550, %broadcast_in_dim3A_1140] : memref<80x128xf32, #tpu.memory_space<vmem>>[vector<16xi32>, vector<16xi32>], vector<16xf32>,
        %mul3A_1146 = arith.mulf %gather3A_1145, %exp3A_598 : vector<16xf32>
        %scatter3A_1147 = arith.constant 0 : i32
        %scatter3A_1148 = arith.constant 0 : i32
        %scatter3A_1149 = tpu.memref_slice %arg8[%select_n3A_338, %scatter3A_1147, %scatter3A_1148] : memref<3x80x128xf32, #tpu.memory_space<vmem>> -> memref<1x80x128xf32, #tpu.memory_space<vmem>>
        %scatter3A_1150 = tpu.memref_squeeze %scatter3A_1149 : memref<1x80x128xf32, #tpu.memory_space<vmem>> -> memref<80x128xf32, #tpu.memory_space<vmem>>
        tpu.vector_store_idx %scatter3A_1150[%add3A_550, %broadcast_in_dim3A_1140], %mul3A_1146 : memref<80x128xf32, #tpu.memory_space<vmem>>[vector<16xi32>, vector<16xi32>], vector<16xf32>,
        %broadcast_in_dim3A_1151 = arith.constant 41 : i32
        %broadcast_in_dim3A_1152 = vector.broadcast %broadcast_in_dim3A_1151 : i32 to vector<16xi32>
        %gather3A_1153 = arith.constant 0 : i32
        %gather3A_1154 = arith.constant 0 : i32
        %gather3A_1155 = tpu.memref_slice %arg8[%select_n3A_338, %gather3A_1153, %gather3A_1154] : memref<3x80x128xf32, #tpu.memory_space<vmem>> -> memref<1x80x128xf32, #tpu.memory_space<vmem>>
        %gather3A_1156 = tpu.memref_squeeze %gather3A_1155 : memref<1x80x128xf32, #tpu.memory_space<vmem>> -> memref<80x128xf32, #tpu.memory_space<vmem>>
        %gather3A_1157 = tpu.vector_load_idx %gather3A_1156[%add3A_550, %broadcast_in_dim3A_1152] : memref<80x128xf32, #tpu.memory_space<vmem>>[vector<16xi32>, vector<16xi32>], vector<16xf32>,
        %mul3A_1158 = arith.mulf %gather3A_1157, %exp3A_598 : vector<16xf32>
        %scatter3A_1159 = arith.constant 0 : i32
        %scatter3A_1160 = arith.constant 0 : i32
        %scatter3A_1161 = tpu.memref_slice %arg8[%select_n3A_338, %scatter3A_1159, %scatter3A_1160] : memref<3x80x128xf32, #tpu.memory_space<vmem>> -> memref<1x80x128xf32, #tpu.memory_space<vmem>>
        %scatter3A_1162 = tpu.memref_squeeze %scatter3A_1161 : memref<1x80x128xf32, #tpu.memory_space<vmem>> -> memref<80x128xf32, #tpu.memory_space<vmem>>
        tpu.vector_store_idx %scatter3A_1162[%add3A_550, %broadcast_in_dim3A_1152], %mul3A_1158 : memref<80x128xf32, #tpu.memory_space<vmem>>[vector<16xi32>, vector<16xi32>], vector<16xf32>,
        %broadcast_in_dim3A_1163 = arith.constant 42 : i32
        %broadcast_in_dim3A_1164 = vector.broadcast %broadcast_in_dim3A_1163 : i32 to vector<16xi32>
        %gather3A_1165 = arith.constant 0 : i32
        %gather3A_1166 = arith.constant 0 : i32
        %gather3A_1167 = tpu.memref_slice %arg8[%select_n3A_338, %gather3A_1165, %gather3A_1166] : memref<3x80x128xf32, #tpu.memory_space<vmem>> -> memref<1x80x128xf32, #tpu.memory_space<vmem>>
        %gather3A_1168 = tpu.memref_squeeze %gather3A_1167 : memref<1x80x128xf32, #tpu.memory_space<vmem>> -> memref<80x128xf32, #tpu.memory_space<vmem>>
        %gather3A_1169 = tpu.vector_load_idx %gather3A_1168[%add3A_550, %broadcast_in_dim3A_1164] : memref<80x128xf32, #tpu.memory_space<vmem>>[vector<16xi32>, vector<16xi32>], vector<16xf32>,
        %mul3A_1170 = arith.mulf %gather3A_1169, %exp3A_598 : vector<16xf32>
        %scatter3A_1171 = arith.constant 0 : i32
        %scatter3A_1172 = arith.constant 0 : i32
        %scatter3A_1173 = tpu.memref_slice %arg8[%select_n3A_338, %scatter3A_1171, %scatter3A_1172] : memref<3x80x128xf32, #tpu.memory_space<vmem>> -> memref<1x80x128xf32, #tpu.memory_space<vmem>>
        %scatter3A_1174 = tpu.memref_squeeze %scatter3A_1173 : memref<1x80x128xf32, #tpu.memory_space<vmem>> -> memref<80x128xf32, #tpu.memory_space<vmem>>
        tpu.vector_store_idx %scatter3A_1174[%add3A_550, %broadcast_in_dim3A_1164], %mul3A_1170 : memref<80x128xf32, #tpu.memory_space<vmem>>[vector<16xi32>, vector<16xi32>], vector<16xf32>,
        %broadcast_in_dim3A_1175 = arith.constant 43 : i32
        %broadcast_in_dim3A_1176 = vector.broadcast %broadcast_in_dim3A_1175 : i32 to vector<16xi32>
        %gather3A_1177 = arith.constant 0 : i32
        %gather3A_1178 = arith.constant 0 : i32
        %gather3A_1179 = tpu.memref_slice %arg8[%select_n3A_338, %gather3A_1177, %gather3A_1178] : memref<3x80x128xf32, #tpu.memory_space<vmem>> -> memref<1x80x128xf32, #tpu.memory_space<vmem>>
        %gather3A_1180 = tpu.memref_squeeze %gather3A_1179 : memref<1x80x128xf32, #tpu.memory_space<vmem>> -> memref<80x128xf32, #tpu.memory_space<vmem>>
        %gather3A_1181 = tpu.vector_load_idx %gather3A_1180[%add3A_550, %broadcast_in_dim3A_1176] : memref<80x128xf32, #tpu.memory_space<vmem>>[vector<16xi32>, vector<16xi32>], vector<16xf32>,
        %mul3A_1182 = arith.mulf %gather3A_1181, %exp3A_598 : vector<16xf32>
        %scatter3A_1183 = arith.constant 0 : i32
        %scatter3A_1184 = arith.constant 0 : i32
        %scatter3A_1185 = tpu.memref_slice %arg8[%select_n3A_338, %scatter3A_1183, %scatter3A_1184] : memref<3x80x128xf32, #tpu.memory_space<vmem>> -> memref<1x80x128xf32, #tpu.memory_space<vmem>>
        %scatter3A_1186 = tpu.memref_squeeze %scatter3A_1185 : memref<1x80x128xf32, #tpu.memory_space<vmem>> -> memref<80x128xf32, #tpu.memory_space<vmem>>
        tpu.vector_store_idx %scatter3A_1186[%add3A_550, %broadcast_in_dim3A_1176], %mul3A_1182 : memref<80x128xf32, #tpu.memory_space<vmem>>[vector<16xi32>, vector<16xi32>], vector<16xf32>,
        %broadcast_in_dim3A_1187 = arith.constant 44 : i32
        %broadcast_in_dim3A_1188 = vector.broadcast %broadcast_in_dim3A_1187 : i32 to vector<16xi32>
        %gather3A_1189 = arith.constant 0 : i32
        %gather3A_1190 = arith.constant 0 : i32
        %gather3A_1191 = tpu.memref_slice %arg8[%select_n3A_338, %gather3A_1189, %gather3A_1190] : memref<3x80x128xf32, #tpu.memory_space<vmem>> -> memref<1x80x128xf32, #tpu.memory_space<vmem>>
        %gather3A_1192 = tpu.memref_squeeze %gather3A_1191 : memref<1x80x128xf32, #tpu.memory_space<vmem>> -> memref<80x128xf32, #tpu.memory_space<vmem>>
        %gather3A_1193 = tpu.vector_load_idx %gather3A_1192[%add3A_550, %broadcast_in_dim3A_1188] : memref<80x128xf32, #tpu.memory_space<vmem>>[vector<16xi32>, vector<16xi32>], vector<16xf32>,
        %mul3A_1194 = arith.mulf %gather3A_1193, %exp3A_598 : vector<16xf32>
        %scatter3A_1195 = arith.constant 0 : i32
        %scatter3A_1196 = arith.constant 0 : i32
        %scatter3A_1197 = tpu.memref_slice %arg8[%select_n3A_338, %scatter3A_1195, %scatter3A_1196] : memref<3x80x128xf32, #tpu.memory_space<vmem>> -> memref<1x80x128xf32, #tpu.memory_space<vmem>>
        %scatter3A_1198 = tpu.memref_squeeze %scatter3A_1197 : memref<1x80x128xf32, #tpu.memory_space<vmem>> -> memref<80x128xf32, #tpu.memory_space<vmem>>
        tpu.vector_store_idx %scatter3A_1198[%add3A_550, %broadcast_in_dim3A_1188], %mul3A_1194 : memref<80x128xf32, #tpu.memory_space<vmem>>[vector<16xi32>, vector<16xi32>], vector<16xf32>,
        %broadcast_in_dim3A_1199 = arith.constant 45 : i32
        %broadcast_in_dim3A_1200 = vector.broadcast %broadcast_in_dim3A_1199 : i32 to vector<16xi32>
        %gather3A_1201 = arith.constant 0 : i32
        %gather3A_1202 = arith.constant 0 : i32
        %gather3A_1203 = tpu.memref_slice %arg8[%select_n3A_338, %gather3A_1201, %gather3A_1202] : memref<3x80x128xf32, #tpu.memory_space<vmem>> -> memref<1x80x128xf32, #tpu.memory_space<vmem>>
        %gather3A_1204 = tpu.memref_squeeze %gather3A_1203 : memref<1x80x128xf32, #tpu.memory_space<vmem>> -> memref<80x128xf32, #tpu.memory_space<vmem>>
        %gather3A_1205 = tpu.vector_load_idx %gather3A_1204[%add3A_550, %broadcast_in_dim3A_1200] : memref<80x128xf32, #tpu.memory_space<vmem>>[vector<16xi32>, vector<16xi32>], vector<16xf32>,
        %mul3A_1206 = arith.mulf %gather3A_1205, %exp3A_598 : vector<16xf32>
        %scatter3A_1207 = arith.constant 0 : i32
        %scatter3A_1208 = arith.constant 0 : i32
        %scatter3A_1209 = tpu.memref_slice %arg8[%select_n3A_338, %scatter3A_1207, %scatter3A_1208] : memref<3x80x128xf32, #tpu.memory_space<vmem>> -> memref<1x80x128xf32, #tpu.memory_space<vmem>>
        %scatter3A_1210 = tpu.memref_squeeze %scatter3A_1209 : memref<1x80x128xf32, #tpu.memory_space<vmem>> -> memref<80x128xf32, #tpu.memory_space<vmem>>
        tpu.vector_store_idx %scatter3A_1210[%add3A_550, %broadcast_in_dim3A_1200], %mul3A_1206 : memref<80x128xf32, #tpu.memory_space<vmem>>[vector<16xi32>, vector<16xi32>], vector<16xf32>,
        %broadcast_in_dim3A_1211 = arith.constant 46 : i32
        %broadcast_in_dim3A_1212 = vector.broadcast %broadcast_in_dim3A_1211 : i32 to vector<16xi32>
        %gather3A_1213 = arith.constant 0 : i32
        %gather3A_1214 = arith.constant 0 : i32
        %gather3A_1215 = tpu.memref_slice %arg8[%select_n3A_338, %gather3A_1213, %gather3A_1214] : memref<3x80x128xf32, #tpu.memory_space<vmem>> -> memref<1x80x128xf32, #tpu.memory_space<vmem>>
        %gather3A_1216 = tpu.memref_squeeze %gather3A_1215 : memref<1x80x128xf32, #tpu.memory_space<vmem>> -> memref<80x128xf32, #tpu.memory_space<vmem>>
        %gather3A_1217 = tpu.vector_load_idx %gather3A_1216[%add3A_550, %broadcast_in_dim3A_1212] : memref<80x128xf32, #tpu.memory_space<vmem>>[vector<16xi32>, vector<16xi32>], vector<16xf32>,
        %mul3A_1218 = arith.mulf %gather3A_1217, %exp3A_598 : vector<16xf32>
        %scatter3A_1219 = arith.constant 0 : i32
        %scatter3A_1220 = arith.constant 0 : i32
        %scatter3A_1221 = tpu.memref_slice %arg8[%select_n3A_338, %scatter3A_1219, %scatter3A_1220] : memref<3x80x128xf32, #tpu.memory_space<vmem>> -> memref<1x80x128xf32, #tpu.memory_space<vmem>>
        %scatter3A_1222 = tpu.memref_squeeze %scatter3A_1221 : memref<1x80x128xf32, #tpu.memory_space<vmem>> -> memref<80x128xf32, #tpu.memory_space<vmem>>
        tpu.vector_store_idx %scatter3A_1222[%add3A_550, %broadcast_in_dim3A_1212], %mul3A_1218 : memref<80x128xf32, #tpu.memory_space<vmem>>[vector<16xi32>, vector<16xi32>], vector<16xf32>,
        %broadcast_in_dim3A_1223 = arith.constant 47 : i32
        %broadcast_in_dim3A_1224 = vector.broadcast %broadcast_in_dim3A_1223 : i32 to vector<16xi32>
        %gather3A_1225 = arith.constant 0 : i32
        %gather3A_1226 = arith.constant 0 : i32
        %gather3A_1227 = tpu.memref_slice %arg8[%select_n3A_338, %gather3A_1225, %gather3A_1226] : memref<3x80x128xf32, #tpu.memory_space<vmem>> -> memref<1x80x128xf32, #tpu.memory_space<vmem>>
        %gather3A_1228 = tpu.memref_squeeze %gather3A_1227 : memref<1x80x128xf32, #tpu.memory_space<vmem>> -> memref<80x128xf32, #tpu.memory_space<vmem>>
        %gather3A_1229 = tpu.vector_load_idx %gather3A_1228[%add3A_550, %broadcast_in_dim3A_1224] : memref<80x128xf32, #tpu.memory_space<vmem>>[vector<16xi32>, vector<16xi32>], vector<16xf32>,
        %mul3A_1230 = arith.mulf %gather3A_1229, %exp3A_598 : vector<16xf32>
        %scatter3A_1231 = arith.constant 0 : i32
        %scatter3A_1232 = arith.constant 0 : i32
        %scatter3A_1233 = tpu.memref_slice %arg8[%select_n3A_338, %scatter3A_1231, %scatter3A_1232] : memref<3x80x128xf32, #tpu.memory_space<vmem>> -> memref<1x80x128xf32, #tpu.memory_space<vmem>>
        %scatter3A_1234 = tpu.memref_squeeze %scatter3A_1233 : memref<1x80x128xf32, #tpu.memory_space<vmem>> -> memref<80x128xf32, #tpu.memory_space<vmem>>
        tpu.vector_store_idx %scatter3A_1234[%add3A_550, %broadcast_in_dim3A_1224], %mul3A_1230 : memref<80x128xf32, #tpu.memory_space<vmem>>[vector<16xi32>, vector<16xi32>], vector<16xf32>,
        %broadcast_in_dim3A_1235 = arith.constant 48 : i32
        %broadcast_in_dim3A_1236 = vector.broadcast %broadcast_in_dim3A_1235 : i32 to vector<16xi32>
        %gather3A_1237 = arith.constant 0 : i32
        %gather3A_1238 = arith.constant 0 : i32
        %gather3A_1239 = tpu.memref_slice %arg8[%select_n3A_338, %gather3A_1237, %gather3A_1238] : memref<3x80x128xf32, #tpu.memory_space<vmem>> -> memref<1x80x128xf32, #tpu.memory_space<vmem>>
        %gather3A_1240 = tpu.memref_squeeze %gather3A_1239 : memref<1x80x128xf32, #tpu.memory_space<vmem>> -> memref<80x128xf32, #tpu.memory_space<vmem>>
        %gather3A_1241 = tpu.vector_load_idx %gather3A_1240[%add3A_550, %broadcast_in_dim3A_1236] : memref<80x128xf32, #tpu.memory_space<vmem>>[vector<16xi32>, vector<16xi32>], vector<16xf32>,
        %mul3A_1242 = arith.mulf %gather3A_1241, %exp3A_598 : vector<16xf32>
        %scatter3A_1243 = arith.constant 0 : i32
        %scatter3A_1244 = arith.constant 0 : i32
        %scatter3A_1245 = tpu.memref_slice %arg8[%select_n3A_338, %scatter3A_1243, %scatter3A_1244] : memref<3x80x128xf32, #tpu.memory_space<vmem>> -> memref<1x80x128xf32, #tpu.memory_space<vmem>>
        %scatter3A_1246 = tpu.memref_squeeze %scatter3A_1245 : memref<1x80x128xf32, #tpu.memory_space<vmem>> -> memref<80x128xf32, #tpu.memory_space<vmem>>
        tpu.vector_store_idx %scatter3A_1246[%add3A_550, %broadcast_in_dim3A_1236], %mul3A_1242 : memref<80x128xf32, #tpu.memory_space<vmem>>[vector<16xi32>, vector<16xi32>], vector<16xf32>,
        %broadcast_in_dim3A_1247 = arith.constant 49 : i32
        %broadcast_in_dim3A_1248 = vector.broadcast %broadcast_in_dim3A_1247 : i32 to vector<16xi32>
        %gather3A_1249 = arith.constant 0 : i32
        %gather3A_1250 = arith.constant 0 : i32
        %gather3A_1251 = tpu.memref_slice %arg8[%select_n3A_338, %gather3A_1249, %gather3A_1250] : memref<3x80x128xf32, #tpu.memory_space<vmem>> -> memref<1x80x128xf32, #tpu.memory_space<vmem>>
        %gather3A_1252 = tpu.memref_squeeze %gather3A_1251 : memref<1x80x128xf32, #tpu.memory_space<vmem>> -> memref<80x128xf32, #tpu.memory_space<vmem>>
        %gather3A_1253 = tpu.vector_load_idx %gather3A_1252[%add3A_550, %broadcast_in_dim3A_1248] : memref<80x128xf32, #tpu.memory_space<vmem>>[vector<16xi32>, vector<16xi32>], vector<16xf32>,
        %mul3A_1254 = arith.mulf %gather3A_1253, %exp3A_598 : vector<16xf32>
        %scatter3A_1255 = arith.constant 0 : i32
        %scatter3A_1256 = arith.constant 0 : i32
        %scatter3A_1257 = tpu.memref_slice %arg8[%select_n3A_338, %scatter3A_1255, %scatter3A_1256] : memref<3x80x128xf32, #tpu.memory_space<vmem>> -> memref<1x80x128xf32, #tpu.memory_space<vmem>>
        %scatter3A_1258 = tpu.memref_squeeze %scatter3A_1257 : memref<1x80x128xf32, #tpu.memory_space<vmem>> -> memref<80x128xf32, #tpu.memory_space<vmem>>
        tpu.vector_store_idx %scatter3A_1258[%add3A_550, %broadcast_in_dim3A_1248], %mul3A_1254 : memref<80x128xf32, #tpu.memory_space<vmem>>[vector<16xi32>, vector<16xi32>], vector<16xf32>,
        %broadcast_in_dim3A_1259 = arith.constant 50 : i32
        %broadcast_in_dim3A_1260 = vector.broadcast %broadcast_in_dim3A_1259 : i32 to vector<16xi32>
        %gather3A_1261 = arith.constant 0 : i32
        %gather3A_1262 = arith.constant 0 : i32
        %gather3A_1263 = tpu.memref_slice %arg8[%select_n3A_338, %gather3A_1261, %gather3A_1262] : memref<3x80x128xf32, #tpu.memory_space<vmem>> -> memref<1x80x128xf32, #tpu.memory_space<vmem>>
        %gather3A_1264 = tpu.memref_squeeze %gather3A_1263 : memref<1x80x128xf32, #tpu.memory_space<vmem>> -> memref<80x128xf32, #tpu.memory_space<vmem>>
        %gather3A_1265 = tpu.vector_load_idx %gather3A_1264[%add3A_550, %broadcast_in_dim3A_1260] : memref<80x128xf32, #tpu.memory_space<vmem>>[vector<16xi32>, vector<16xi32>], vector<16xf32>,
        %mul3A_1266 = arith.mulf %gather3A_1265, %exp3A_598 : vector<16xf32>
        %scatter3A_1267 = arith.constant 0 : i32
        %scatter3A_1268 = arith.constant 0 : i32
        %scatter3A_1269 = tpu.memref_slice %arg8[%select_n3A_338, %scatter3A_1267, %scatter3A_1268] : memref<3x80x128xf32, #tpu.memory_space<vmem>> -> memref<1x80x128xf32, #tpu.memory_space<vmem>>
        %scatter3A_1270 = tpu.memref_squeeze %scatter3A_1269 : memref<1x80x128xf32, #tpu.memory_space<vmem>> -> memref<80x128xf32, #tpu.memory_space<vmem>>
        tpu.vector_store_idx %scatter3A_1270[%add3A_550, %broadcast_in_dim3A_1260], %mul3A_1266 : memref<80x128xf32, #tpu.memory_space<vmem>>[vector<16xi32>, vector<16xi32>], vector<16xf32>,
        %broadcast_in_dim3A_1271 = arith.constant 51 : i32
        %broadcast_in_dim3A_1272 = vector.broadcast %broadcast_in_dim3A_1271 : i32 to vector<16xi32>
        %gather3A_1273 = arith.constant 0 : i32
        %gather3A_1274 = arith.constant 0 : i32
        %gather3A_1275 = tpu.memref_slice %arg8[%select_n3A_338, %gather3A_1273, %gather3A_1274] : memref<3x80x128xf32, #tpu.memory_space<vmem>> -> memref<1x80x128xf32, #tpu.memory_space<vmem>>
        %gather3A_1276 = tpu.memref_squeeze %gather3A_1275 : memref<1x80x128xf32, #tpu.memory_space<vmem>> -> memref<80x128xf32, #tpu.memory_space<vmem>>
        %gather3A_1277 = tpu.vector_load_idx %gather3A_1276[%add3A_550, %broadcast_in_dim3A_1272] : memref<80x128xf32, #tpu.memory_space<vmem>>[vector<16xi32>, vector<16xi32>], vector<16xf32>,
        %mul3A_1278 = arith.mulf %gather3A_1277, %exp3A_598 : vector<16xf32>
        %scatter3A_1279 = arith.constant 0 : i32
        %scatter3A_1280 = arith.constant 0 : i32
        %scatter3A_1281 = tpu.memref_slice %arg8[%select_n3A_338, %scatter3A_1279, %scatter3A_1280] : memref<3x80x128xf32, #tpu.memory_space<vmem>> -> memref<1x80x128xf32, #tpu.memory_space<vmem>>
        %scatter3A_1282 = tpu.memref_squeeze %scatter3A_1281 : memref<1x80x128xf32, #tpu.memory_space<vmem>> -> memref<80x128xf32, #tpu.memory_space<vmem>>
        tpu.vector_store_idx %scatter3A_1282[%add3A_550, %broadcast_in_dim3A_1272], %mul3A_1278 : memref<80x128xf32, #tpu.memory_space<vmem>>[vector<16xi32>, vector<16xi32>], vector<16xf32>,
        %broadcast_in_dim3A_1283 = arith.constant 52 : i32
        %broadcast_in_dim3A_1284 = vector.broadcast %broadcast_in_dim3A_1283 : i32 to vector<16xi32>
        %gather3A_1285 = arith.constant 0 : i32
        %gather3A_1286 = arith.constant 0 : i32
        %gather3A_1287 = tpu.memref_slice %arg8[%select_n3A_338, %gather3A_1285, %gather3A_1286] : memref<3x80x128xf32, #tpu.memory_space<vmem>> -> memref<1x80x128xf32, #tpu.memory_space<vmem>>
        %gather3A_1288 = tpu.memref_squeeze %gather3A_1287 : memref<1x80x128xf32, #tpu.memory_space<vmem>> -> memref<80x128xf32, #tpu.memory_space<vmem>>
        %gather3A_1289 = tpu.vector_load_idx %gather3A_1288[%add3A_550, %broadcast_in_dim3A_1284] : memref<80x128xf32, #tpu.memory_space<vmem>>[vector<16xi32>, vector<16xi32>], vector<16xf32>,
        %mul3A_1290 = arith.mulf %gather3A_1289, %exp3A_598 : vector<16xf32>
        %scatter3A_1291 = arith.constant 0 : i32
        %scatter3A_1292 = arith.constant 0 : i32
        %scatter3A_1293 = tpu.memref_slice %arg8[%select_n3A_338, %scatter3A_1291, %scatter3A_1292] : memref<3x80x128xf32, #tpu.memory_space<vmem>> -> memref<1x80x128xf32, #tpu.memory_space<vmem>>
        %scatter3A_1294 = tpu.memref_squeeze %scatter3A_1293 : memref<1x80x128xf32, #tpu.memory_space<vmem>> -> memref<80x128xf32, #tpu.memory_space<vmem>>
        tpu.vector_store_idx %scatter3A_1294[%add3A_550, %broadcast_in_dim3A_1284], %mul3A_1290 : memref<80x128xf32, #tpu.memory_space<vmem>>[vector<16xi32>, vector<16xi32>], vector<16xf32>,
        %broadcast_in_dim3A_1295 = arith.constant 53 : i32
        %broadcast_in_dim3A_1296 = vector.broadcast %broadcast_in_dim3A_1295 : i32 to vector<16xi32>
        %gather3A_1297 = arith.constant 0 : i32
        %gather3A_1298 = arith.constant 0 : i32
        %gather3A_1299 = tpu.memref_slice %arg8[%select_n3A_338, %gather3A_1297, %gather3A_1298] : memref<3x80x128xf32, #tpu.memory_space<vmem>> -> memref<1x80x128xf32, #tpu.memory_space<vmem>>
        %gather3A_1300 = tpu.memref_squeeze %gather3A_1299 : memref<1x80x128xf32, #tpu.memory_space<vmem>> -> memref<80x128xf32, #tpu.memory_space<vmem>>
        %gather3A_1301 = tpu.vector_load_idx %gather3A_1300[%add3A_550, %broadcast_in_dim3A_1296] : memref<80x128xf32, #tpu.memory_space<vmem>>[vector<16xi32>, vector<16xi32>], vector<16xf32>,
        %mul3A_1302 = arith.mulf %gather3A_1301, %exp3A_598 : vector<16xf32>
        %scatter3A_1303 = arith.constant 0 : i32
        %scatter3A_1304 = arith.constant 0 : i32
        %scatter3A_1305 = tpu.memref_slice %arg8[%select_n3A_338, %scatter3A_1303, %scatter3A_1304] : memref<3x80x128xf32, #tpu.memory_space<vmem>> -> memref<1x80x128xf32, #tpu.memory_space<vmem>>
        %scatter3A_1306 = tpu.memref_squeeze %scatter3A_1305 : memref<1x80x128xf32, #tpu.memory_space<vmem>> -> memref<80x128xf32, #tpu.memory_space<vmem>>
        tpu.vector_store_idx %scatter3A_1306[%add3A_550, %broadcast_in_dim3A_1296], %mul3A_1302 : memref<80x128xf32, #tpu.memory_space<vmem>>[vector<16xi32>, vector<16xi32>], vector<16xf32>,
        %broadcast_in_dim3A_1307 = arith.constant 54 : i32
        %broadcast_in_dim3A_1308 = vector.broadcast %broadcast_in_dim3A_1307 : i32 to vector<16xi32>
        %gather3A_1309 = arith.constant 0 : i32
        %gather3A_1310 = arith.constant 0 : i32
        %gather3A_1311 = tpu.memref_slice %arg8[%select_n3A_338, %gather3A_1309, %gather3A_1310] : memref<3x80x128xf32, #tpu.memory_space<vmem>> -> memref<1x80x128xf32, #tpu.memory_space<vmem>>
        %gather3A_1312 = tpu.memref_squeeze %gather3A_1311 : memref<1x80x128xf32, #tpu.memory_space<vmem>> -> memref<80x128xf32, #tpu.memory_space<vmem>>
        %gather3A_1313 = tpu.vector_load_idx %gather3A_1312[%add3A_550, %broadcast_in_dim3A_1308] : memref<80x128xf32, #tpu.memory_space<vmem>>[vector<16xi32>, vector<16xi32>], vector<16xf32>,
        %mul3A_1314 = arith.mulf %gather3A_1313, %exp3A_598 : vector<16xf32>
        %scatter3A_1315 = arith.constant 0 : i32
        %scatter3A_1316 = arith.constant 0 : i32
        %scatter3A_1317 = tpu.memref_slice %arg8[%select_n3A_338, %scatter3A_1315, %scatter3A_1316] : memref<3x80x128xf32, #tpu.memory_space<vmem>> -> memref<1x80x128xf32, #tpu.memory_space<vmem>>
        %scatter3A_1318 = tpu.memref_squeeze %scatter3A_1317 : memref<1x80x128xf32, #tpu.memory_space<vmem>> -> memref<80x128xf32, #tpu.memory_space<vmem>>
        tpu.vector_store_idx %scatter3A_1318[%add3A_550, %broadcast_in_dim3A_1308], %mul3A_1314 : memref<80x128xf32, #tpu.memory_space<vmem>>[vector<16xi32>, vector<16xi32>], vector<16xf32>,
        %broadcast_in_dim3A_1319 = arith.constant 55 : i32
        %broadcast_in_dim3A_1320 = vector.broadcast %broadcast_in_dim3A_1319 : i32 to vector<16xi32>
        %gather3A_1321 = arith.constant 0 : i32
        %gather3A_1322 = arith.constant 0 : i32
        %gather3A_1323 = tpu.memref_slice %arg8[%select_n3A_338, %gather3A_1321, %gather3A_1322] : memref<3x80x128xf32, #tpu.memory_space<vmem>> -> memref<1x80x128xf32, #tpu.memory_space<vmem>>
        %gather3A_1324 = tpu.memref_squeeze %gather3A_1323 : memref<1x80x128xf32, #tpu.memory_space<vmem>> -> memref<80x128xf32, #tpu.memory_space<vmem>>
        %gather3A_1325 = tpu.vector_load_idx %gather3A_1324[%add3A_550, %broadcast_in_dim3A_1320] : memref<80x128xf32, #tpu.memory_space<vmem>>[vector<16xi32>, vector<16xi32>], vector<16xf32>,
        %mul3A_1326 = arith.mulf %gather3A_1325, %exp3A_598 : vector<16xf32>
        %scatter3A_1327 = arith.constant 0 : i32
        %scatter3A_1328 = arith.constant 0 : i32
        %scatter3A_1329 = tpu.memref_slice %arg8[%select_n3A_338, %scatter3A_1327, %scatter3A_1328] : memref<3x80x128xf32, #tpu.memory_space<vmem>> -> memref<1x80x128xf32, #tpu.memory_space<vmem>>
        %scatter3A_1330 = tpu.memref_squeeze %scatter3A_1329 : memref<1x80x128xf32, #tpu.memory_space<vmem>> -> memref<80x128xf32, #tpu.memory_space<vmem>>
        tpu.vector_store_idx %scatter3A_1330[%add3A_550, %broadcast_in_dim3A_1320], %mul3A_1326 : memref<80x128xf32, #tpu.memory_space<vmem>>[vector<16xi32>, vector<16xi32>], vector<16xf32>,
        %broadcast_in_dim3A_1331 = arith.constant 56 : i32
        %broadcast_in_dim3A_1332 = vector.broadcast %broadcast_in_dim3A_1331 : i32 to vector<16xi32>
        %gather3A_1333 = arith.constant 0 : i32
        %gather3A_1334 = arith.constant 0 : i32
        %gather3A_1335 = tpu.memref_slice %arg8[%select_n3A_338, %gather3A_1333, %gather3A_1334] : memref<3x80x128xf32, #tpu.memory_space<vmem>> -> memref<1x80x128xf32, #tpu.memory_space<vmem>>
        %gather3A_1336 = tpu.memref_squeeze %gather3A_1335 : memref<1x80x128xf32, #tpu.memory_space<vmem>> -> memref<80x128xf32, #tpu.memory_space<vmem>>
        %gather3A_1337 = tpu.vector_load_idx %gather3A_1336[%add3A_550, %broadcast_in_dim3A_1332] : memref<80x128xf32, #tpu.memory_space<vmem>>[vector<16xi32>, vector<16xi32>], vector<16xf32>,
        %mul3A_1338 = arith.mulf %gather3A_1337, %exp3A_598 : vector<16xf32>
        %scatter3A_1339 = arith.constant 0 : i32
        %scatter3A_1340 = arith.constant 0 : i32
        %scatter3A_1341 = tpu.memref_slice %arg8[%select_n3A_338, %scatter3A_1339, %scatter3A_1340] : memref<3x80x128xf32, #tpu.memory_space<vmem>> -> memref<1x80x128xf32, #tpu.memory_space<vmem>>
        %scatter3A_1342 = tpu.memref_squeeze %scatter3A_1341 : memref<1x80x128xf32, #tpu.memory_space<vmem>> -> memref<80x128xf32, #tpu.memory_space<vmem>>
        tpu.vector_store_idx %scatter3A_1342[%add3A_550, %broadcast_in_dim3A_1332], %mul3A_1338 : memref<80x128xf32, #tpu.memory_space<vmem>>[vector<16xi32>, vector<16xi32>], vector<16xf32>,
        %broadcast_in_dim3A_1343 = arith.constant 57 : i32
        %broadcast_in_dim3A_1344 = vector.broadcast %broadcast_in_dim3A_1343 : i32 to vector<16xi32>
        %gather3A_1345 = arith.constant 0 : i32
        %gather3A_1346 = arith.constant 0 : i32
        %gather3A_1347 = tpu.memref_slice %arg8[%select_n3A_338, %gather3A_1345, %gather3A_1346] : memref<3x80x128xf32, #tpu.memory_space<vmem>> -> memref<1x80x128xf32, #tpu.memory_space<vmem>>
        %gather3A_1348 = tpu.memref_squeeze %gather3A_1347 : memref<1x80x128xf32, #tpu.memory_space<vmem>> -> memref<80x128xf32, #tpu.memory_space<vmem>>
        %gather3A_1349 = tpu.vector_load_idx %gather3A_1348[%add3A_550, %broadcast_in_dim3A_1344] : memref<80x128xf32, #tpu.memory_space<vmem>>[vector<16xi32>, vector<16xi32>], vector<16xf32>,
        %mul3A_1350 = arith.mulf %gather3A_1349, %exp3A_598 : vector<16xf32>
        %scatter3A_1351 = arith.constant 0 : i32
        %scatter3A_1352 = arith.constant 0 : i32
        %scatter3A_1353 = tpu.memref_slice %arg8[%select_n3A_338, %scatter3A_1351, %scatter3A_1352] : memref<3x80x128xf32, #tpu.memory_space<vmem>> -> memref<1x80x128xf32, #tpu.memory_space<vmem>>
        %scatter3A_1354 = tpu.memref_squeeze %scatter3A_1353 : memref<1x80x128xf32, #tpu.memory_space<vmem>> -> memref<80x128xf32, #tpu.memory_space<vmem>>
        tpu.vector_store_idx %scatter3A_1354[%add3A_550, %broadcast_in_dim3A_1344], %mul3A_1350 : memref<80x128xf32, #tpu.memory_space<vmem>>[vector<16xi32>, vector<16xi32>], vector<16xf32>,
        %broadcast_in_dim3A_1355 = arith.constant 58 : i32
        %broadcast_in_dim3A_1356 = vector.broadcast %broadcast_in_dim3A_1355 : i32 to vector<16xi32>
        %gather3A_1357 = arith.constant 0 : i32
        %gather3A_1358 = arith.constant 0 : i32
        %gather3A_1359 = tpu.memref_slice %arg8[%select_n3A_338, %gather3A_1357, %gather3A_1358] : memref<3x80x128xf32, #tpu.memory_space<vmem>> -> memref<1x80x128xf32, #tpu.memory_space<vmem>>
        %gather3A_1360 = tpu.memref_squeeze %gather3A_1359 : memref<1x80x128xf32, #tpu.memory_space<vmem>> -> memref<80x128xf32, #tpu.memory_space<vmem>>
        %gather3A_1361 = tpu.vector_load_idx %gather3A_1360[%add3A_550, %broadcast_in_dim3A_1356] : memref<80x128xf32, #tpu.memory_space<vmem>>[vector<16xi32>, vector<16xi32>], vector<16xf32>,
        %mul3A_1362 = arith.mulf %gather3A_1361, %exp3A_598 : vector<16xf32>
        %scatter3A_1363 = arith.constant 0 : i32
        %scatter3A_1364 = arith.constant 0 : i32
        %scatter3A_1365 = tpu.memref_slice %arg8[%select_n3A_338, %scatter3A_1363, %scatter3A_1364] : memref<3x80x128xf32, #tpu.memory_space<vmem>> -> memref<1x80x128xf32, #tpu.memory_space<vmem>>
        %scatter3A_1366 = tpu.memref_squeeze %scatter3A_1365 : memref<1x80x128xf32, #tpu.memory_space<vmem>> -> memref<80x128xf32, #tpu.memory_space<vmem>>
        tpu.vector_store_idx %scatter3A_1366[%add3A_550, %broadcast_in_dim3A_1356], %mul3A_1362 : memref<80x128xf32, #tpu.memory_space<vmem>>[vector<16xi32>, vector<16xi32>], vector<16xf32>,
        %broadcast_in_dim3A_1367 = arith.constant 59 : i32
        %broadcast_in_dim3A_1368 = vector.broadcast %broadcast_in_dim3A_1367 : i32 to vector<16xi32>
        %gather3A_1369 = arith.constant 0 : i32
        %gather3A_1370 = arith.constant 0 : i32
        %gather3A_1371 = tpu.memref_slice %arg8[%select_n3A_338, %gather3A_1369, %gather3A_1370] : memref<3x80x128xf32, #tpu.memory_space<vmem>> -> memref<1x80x128xf32, #tpu.memory_space<vmem>>
        %gather3A_1372 = tpu.memref_squeeze %gather3A_1371 : memref<1x80x128xf32, #tpu.memory_space<vmem>> -> memref<80x128xf32, #tpu.memory_space<vmem>>
        %gather3A_1373 = tpu.vector_load_idx %gather3A_1372[%add3A_550, %broadcast_in_dim3A_1368] : memref<80x128xf32, #tpu.memory_space<vmem>>[vector<16xi32>, vector<16xi32>], vector<16xf32>,
        %mul3A_1374 = arith.mulf %gather3A_1373, %exp3A_598 : vector<16xf32>
        %scatter3A_1375 = arith.constant 0 : i32
        %scatter3A_1376 = arith.constant 0 : i32
        %scatter3A_1377 = tpu.memref_slice %arg8[%select_n3A_338, %scatter3A_1375, %scatter3A_1376] : memref<3x80x128xf32, #tpu.memory_space<vmem>> -> memref<1x80x128xf32, #tpu.memory_space<vmem>>
        %scatter3A_1378 = tpu.memref_squeeze %scatter3A_1377 : memref<1x80x128xf32, #tpu.memory_space<vmem>> -> memref<80x128xf32, #tpu.memory_space<vmem>>
        tpu.vector_store_idx %scatter3A_1378[%add3A_550, %broadcast_in_dim3A_1368], %mul3A_1374 : memref<80x128xf32, #tpu.memory_space<vmem>>[vector<16xi32>, vector<16xi32>], vector<16xf32>,
        %broadcast_in_dim3A_1379 = arith.constant 60 : i32
        %broadcast_in_dim3A_1380 = vector.broadcast %broadcast_in_dim3A_1379 : i32 to vector<16xi32>
        %gather3A_1381 = arith.constant 0 : i32
        %gather3A_1382 = arith.constant 0 : i32
        %gather3A_1383 = tpu.memref_slice %arg8[%select_n3A_338, %gather3A_1381, %gather3A_1382] : memref<3x80x128xf32, #tpu.memory_space<vmem>> -> memref<1x80x128xf32, #tpu.memory_space<vmem>>
        %gather3A_1384 = tpu.memref_squeeze %gather3A_1383 : memref<1x80x128xf32, #tpu.memory_space<vmem>> -> memref<80x128xf32, #tpu.memory_space<vmem>>
        %gather3A_1385 = tpu.vector_load_idx %gather3A_1384[%add3A_550, %broadcast_in_dim3A_1380] : memref<80x128xf32, #tpu.memory_space<vmem>>[vector<16xi32>, vector<16xi32>], vector<16xf32>,
        %mul3A_1386 = arith.mulf %gather3A_1385, %exp3A_598 : vector<16xf32>
        %scatter3A_1387 = arith.constant 0 : i32
        %scatter3A_1388 = arith.constant 0 : i32
        %scatter3A_1389 = tpu.memref_slice %arg8[%select_n3A_338, %scatter3A_1387, %scatter3A_1388] : memref<3x80x128xf32, #tpu.memory_space<vmem>> -> memref<1x80x128xf32, #tpu.memory_space<vmem>>
        %scatter3A_1390 = tpu.memref_squeeze %scatter3A_1389 : memref<1x80x128xf32, #tpu.memory_space<vmem>> -> memref<80x128xf32, #tpu.memory_space<vmem>>
        tpu.vector_store_idx %scatter3A_1390[%add3A_550, %broadcast_in_dim3A_1380], %mul3A_1386 : memref<80x128xf32, #tpu.memory_space<vmem>>[vector<16xi32>, vector<16xi32>], vector<16xf32>,
        %broadcast_in_dim3A_1391 = arith.constant 61 : i32
        %broadcast_in_dim3A_1392 = vector.broadcast %broadcast_in_dim3A_1391 : i32 to vector<16xi32>
        %gather3A_1393 = arith.constant 0 : i32
        %gather3A_1394 = arith.constant 0 : i32
        %gather3A_1395 = tpu.memref_slice %arg8[%select_n3A_338, %gather3A_1393, %gather3A_1394] : memref<3x80x128xf32, #tpu.memory_space<vmem>> -> memref<1x80x128xf32, #tpu.memory_space<vmem>>
        %gather3A_1396 = tpu.memref_squeeze %gather3A_1395 : memref<1x80x128xf32, #tpu.memory_space<vmem>> -> memref<80x128xf32, #tpu.memory_space<vmem>>
        %gather3A_1397 = tpu.vector_load_idx %gather3A_1396[%add3A_550, %broadcast_in_dim3A_1392] : memref<80x128xf32, #tpu.memory_space<vmem>>[vector<16xi32>, vector<16xi32>], vector<16xf32>,
        %mul3A_1398 = arith.mulf %gather3A_1397, %exp3A_598 : vector<16xf32>
        %scatter3A_1399 = arith.constant 0 : i32
        %scatter3A_1400 = arith.constant 0 : i32
        %scatter3A_1401 = tpu.memref_slice %arg8[%select_n3A_338, %scatter3A_1399, %scatter3A_1400] : memref<3x80x128xf32, #tpu.memory_space<vmem>> -> memref<1x80x128xf32, #tpu.memory_space<vmem>>
        %scatter3A_1402 = tpu.memref_squeeze %scatter3A_1401 : memref<1x80x128xf32, #tpu.memory_space<vmem>> -> memref<80x128xf32, #tpu.memory_space<vmem>>
        tpu.vector_store_idx %scatter3A_1402[%add3A_550, %broadcast_in_dim3A_1392], %mul3A_1398 : memref<80x128xf32, #tpu.memory_space<vmem>>[vector<16xi32>, vector<16xi32>], vector<16xf32>,
        %broadcast_in_dim3A_1403 = arith.constant 62 : i32
        %broadcast_in_dim3A_1404 = vector.broadcast %broadcast_in_dim3A_1403 : i32 to vector<16xi32>
        %gather3A_1405 = arith.constant 0 : i32
        %gather3A_1406 = arith.constant 0 : i32
        %gather3A_1407 = tpu.memref_slice %arg8[%select_n3A_338, %gather3A_1405, %gather3A_1406] : memref<3x80x128xf32, #tpu.memory_space<vmem>> -> memref<1x80x128xf32, #tpu.memory_space<vmem>>
        %gather3A_1408 = tpu.memref_squeeze %gather3A_1407 : memref<1x80x128xf32, #tpu.memory_space<vmem>> -> memref<80x128xf32, #tpu.memory_space<vmem>>
        %gather3A_1409 = tpu.vector_load_idx %gather3A_1408[%add3A_550, %broadcast_in_dim3A_1404] : memref<80x128xf32, #tpu.memory_space<vmem>>[vector<16xi32>, vector<16xi32>], vector<16xf32>,
        %mul3A_1410 = arith.mulf %gather3A_1409, %exp3A_598 : vector<16xf32>
        %scatter3A_1411 = arith.constant 0 : i32
        %scatter3A_1412 = arith.constant 0 : i32
        %scatter3A_1413 = tpu.memref_slice %arg8[%select_n3A_338, %scatter3A_1411, %scatter3A_1412] : memref<3x80x128xf32, #tpu.memory_space<vmem>> -> memref<1x80x128xf32, #tpu.memory_space<vmem>>
        %scatter3A_1414 = tpu.memref_squeeze %scatter3A_1413 : memref<1x80x128xf32, #tpu.memory_space<vmem>> -> memref<80x128xf32, #tpu.memory_space<vmem>>
        tpu.vector_store_idx %scatter3A_1414[%add3A_550, %broadcast_in_dim3A_1404], %mul3A_1410 : memref<80x128xf32, #tpu.memory_space<vmem>>[vector<16xi32>, vector<16xi32>], vector<16xf32>,
        %broadcast_in_dim3A_1415 = arith.constant 63 : i32
        %broadcast_in_dim3A_1416 = vector.broadcast %broadcast_in_dim3A_1415 : i32 to vector<16xi32>
        %gather3A_1417 = arith.constant 0 : i32
        %gather3A_1418 = arith.constant 0 : i32
        %gather3A_1419 = tpu.memref_slice %arg8[%select_n3A_338, %gather3A_1417, %gather3A_1418] : memref<3x80x128xf32, #tpu.memory_space<vmem>> -> memref<1x80x128xf32, #tpu.memory_space<vmem>>
        %gather3A_1420 = tpu.memref_squeeze %gather3A_1419 : memref<1x80x128xf32, #tpu.memory_space<vmem>> -> memref<80x128xf32, #tpu.memory_space<vmem>>
        %gather3A_1421 = tpu.vector_load_idx %gather3A_1420[%add3A_550, %broadcast_in_dim3A_1416] : memref<80x128xf32, #tpu.memory_space<vmem>>[vector<16xi32>, vector<16xi32>], vector<16xf32>,
        %mul3A_1422 = arith.mulf %gather3A_1421, %exp3A_598 : vector<16xf32>
        %scatter3A_1423 = arith.constant 0 : i32
        %scatter3A_1424 = arith.constant 0 : i32
        %scatter3A_1425 = tpu.memref_slice %arg8[%select_n3A_338, %scatter3A_1423, %scatter3A_1424] : memref<3x80x128xf32, #tpu.memory_space<vmem>> -> memref<1x80x128xf32, #tpu.memory_space<vmem>>
        %scatter3A_1426 = tpu.memref_squeeze %scatter3A_1425 : memref<1x80x128xf32, #tpu.memory_space<vmem>> -> memref<80x128xf32, #tpu.memory_space<vmem>>
        tpu.vector_store_idx %scatter3A_1426[%add3A_550, %broadcast_in_dim3A_1416], %mul3A_1422 : memref<80x128xf32, #tpu.memory_space<vmem>>[vector<16xi32>, vector<16xi32>], vector<16xf32>,
        %broadcast_in_dim3A_1427 = arith.constant 64 : i32
        %broadcast_in_dim3A_1428 = vector.broadcast %broadcast_in_dim3A_1427 : i32 to vector<16xi32>
        %gather3A_1429 = arith.constant 0 : i32
        %gather3A_1430 = arith.constant 0 : i32
        %gather3A_1431 = tpu.memref_slice %arg8[%select_n3A_338, %gather3A_1429, %gather3A_1430] : memref<3x80x128xf32, #tpu.memory_space<vmem>> -> memref<1x80x128xf32, #tpu.memory_space<vmem>>
        %gather3A_1432 = tpu.memref_squeeze %gather3A_1431 : memref<1x80x128xf32, #tpu.memory_space<vmem>> -> memref<80x128xf32, #tpu.memory_space<vmem>>
        %gather3A_1433 = tpu.vector_load_idx %gather3A_1432[%add3A_550, %broadcast_in_dim3A_1428] : memref<80x128xf32, #tpu.memory_space<vmem>>[vector<16xi32>, vector<16xi32>], vector<16xf32>,
        %mul3A_1434 = arith.mulf %gather3A_1433, %exp3A_626 : vector<16xf32>
        %scatter3A_1435 = arith.constant 0 : i32
        %scatter3A_1436 = arith.constant 0 : i32
        %scatter3A_1437 = tpu.memref_slice %arg8[%select_n3A_338, %scatter3A_1435, %scatter3A_1436] : memref<3x80x128xf32, #tpu.memory_space<vmem>> -> memref<1x80x128xf32, #tpu.memory_space<vmem>>
        %scatter3A_1438 = tpu.memref_squeeze %scatter3A_1437 : memref<1x80x128xf32, #tpu.memory_space<vmem>> -> memref<80x128xf32, #tpu.memory_space<vmem>>
        tpu.vector_store_idx %scatter3A_1438[%add3A_550, %broadcast_in_dim3A_1428], %mul3A_1434 : memref<80x128xf32, #tpu.memory_space<vmem>>[vector<16xi32>, vector<16xi32>], vector<16xf32>,
        %broadcast_in_dim3A_1439 = arith.constant 65 : i32
        %broadcast_in_dim3A_1440 = vector.broadcast %broadcast_in_dim3A_1439 : i32 to vector<16xi32>
        %gather3A_1441 = arith.constant 0 : i32
        %gather3A_1442 = arith.constant 0 : i32
        %gather3A_1443 = tpu.memref_slice %arg8[%select_n3A_338, %gather3A_1441, %gather3A_1442] : memref<3x80x128xf32, #tpu.memory_space<vmem>> -> memref<1x80x128xf32, #tpu.memory_space<vmem>>
        %gather3A_1444 = tpu.memref_squeeze %gather3A_1443 : memref<1x80x128xf32, #tpu.memory_space<vmem>> -> memref<80x128xf32, #tpu.memory_space<vmem>>
        %gather3A_1445 = tpu.vector_load_idx %gather3A_1444[%add3A_550, %broadcast_in_dim3A_1440] : memref<80x128xf32, #tpu.memory_space<vmem>>[vector<16xi32>, vector<16xi32>], vector<16xf32>,
        %mul3A_1446 = arith.mulf %gather3A_1445, %exp3A_626 : vector<16xf32>
        %scatter3A_1447 = arith.constant 0 : i32
        %scatter3A_1448 = arith.constant 0 : i32
        %scatter3A_1449 = tpu.memref_slice %arg8[%select_n3A_338, %scatter3A_1447, %scatter3A_1448] : memref<3x80x128xf32, #tpu.memory_space<vmem>> -> memref<1x80x128xf32, #tpu.memory_space<vmem>>
        %scatter3A_1450 = tpu.memref_squeeze %scatter3A_1449 : memref<1x80x128xf32, #tpu.memory_space<vmem>> -> memref<80x128xf32, #tpu.memory_space<vmem>>
        tpu.vector_store_idx %scatter3A_1450[%add3A_550, %broadcast_in_dim3A_1440], %mul3A_1446 : memref<80x128xf32, #tpu.memory_space<vmem>>[vector<16xi32>, vector<16xi32>], vector<16xf32>,
        %broadcast_in_dim3A_1451 = arith.constant 66 : i32
        %broadcast_in_dim3A_1452 = vector.broadcast %broadcast_in_dim3A_1451 : i32 to vector<16xi32>
        %gather3A_1453 = arith.constant 0 : i32
        %gather3A_1454 = arith.constant 0 : i32
        %gather3A_1455 = tpu.memref_slice %arg8[%select_n3A_338, %gather3A_1453, %gather3A_1454] : memref<3x80x128xf32, #tpu.memory_space<vmem>> -> memref<1x80x128xf32, #tpu.memory_space<vmem>>
        %gather3A_1456 = tpu.memref_squeeze %gather3A_1455 : memref<1x80x128xf32, #tpu.memory_space<vmem>> -> memref<80x128xf32, #tpu.memory_space<vmem>>
        %gather3A_1457 = tpu.vector_load_idx %gather3A_1456[%add3A_550, %broadcast_in_dim3A_1452] : memref<80x128xf32, #tpu.memory_space<vmem>>[vector<16xi32>, vector<16xi32>], vector<16xf32>,
        %mul3A_1458 = arith.mulf %gather3A_1457, %exp3A_626 : vector<16xf32>
        %scatter3A_1459 = arith.constant 0 : i32
        %scatter3A_1460 = arith.constant 0 : i32
        %scatter3A_1461 = tpu.memref_slice %arg8[%select_n3A_338, %scatter3A_1459, %scatter3A_1460] : memref<3x80x128xf32, #tpu.memory_space<vmem>> -> memref<1x80x128xf32, #tpu.memory_space<vmem>>
        %scatter3A_1462 = tpu.memref_squeeze %scatter3A_1461 : memref<1x80x128xf32, #tpu.memory_space<vmem>> -> memref<80x128xf32, #tpu.memory_space<vmem>>
        tpu.vector_store_idx %scatter3A_1462[%add3A_550, %broadcast_in_dim3A_1452], %mul3A_1458 : memref<80x128xf32, #tpu.memory_space<vmem>>[vector<16xi32>, vector<16xi32>], vector<16xf32>,
        %broadcast_in_dim3A_1463 = arith.constant 67 : i32
        %broadcast_in_dim3A_1464 = vector.broadcast %broadcast_in_dim3A_1463 : i32 to vector<16xi32>
        %gather3A_1465 = arith.constant 0 : i32
        %gather3A_1466 = arith.constant 0 : i32
        %gather3A_1467 = tpu.memref_slice %arg8[%select_n3A_338, %gather3A_1465, %gather3A_1466] : memref<3x80x128xf32, #tpu.memory_space<vmem>> -> memref<1x80x128xf32, #tpu.memory_space<vmem>>
        %gather3A_1468 = tpu.memref_squeeze %gather3A_1467 : memref<1x80x128xf32, #tpu.memory_space<vmem>> -> memref<80x128xf32, #tpu.memory_space<vmem>>
        %gather3A_1469 = tpu.vector_load_idx %gather3A_1468[%add3A_550, %broadcast_in_dim3A_1464] : memref<80x128xf32, #tpu.memory_space<vmem>>[vector<16xi32>, vector<16xi32>], vector<16xf32>,
        %mul3A_1470 = arith.mulf %gather3A_1469, %exp3A_626 : vector<16xf32>
        %scatter3A_1471 = arith.constant 0 : i32
        %scatter3A_1472 = arith.constant 0 : i32
        %scatter3A_1473 = tpu.memref_slice %arg8[%select_n3A_338, %scatter3A_1471, %scatter3A_1472] : memref<3x80x128xf32, #tpu.memory_space<vmem>> -> memref<1x80x128xf32, #tpu.memory_space<vmem>>
        %scatter3A_1474 = tpu.memref_squeeze %scatter3A_1473 : memref<1x80x128xf32, #tpu.memory_space<vmem>> -> memref<80x128xf32, #tpu.memory_space<vmem>>
        tpu.vector_store_idx %scatter3A_1474[%add3A_550, %broadcast_in_dim3A_1464], %mul3A_1470 : memref<80x128xf32, #tpu.memory_space<vmem>>[vector<16xi32>, vector<16xi32>], vector<16xf32>,
        %broadcast_in_dim3A_1475 = arith.constant 68 : i32
        %broadcast_in_dim3A_1476 = vector.broadcast %broadcast_in_dim3A_1475 : i32 to vector<16xi32>
        %gather3A_1477 = arith.constant 0 : i32
        %gather3A_1478 = arith.constant 0 : i32
        %gather3A_1479 = tpu.memref_slice %arg8[%select_n3A_338, %gather3A_1477, %gather3A_1478] : memref<3x80x128xf32, #tpu.memory_space<vmem>> -> memref<1x80x128xf32, #tpu.memory_space<vmem>>
        %gather3A_1480 = tpu.memref_squeeze %gather3A_1479 : memref<1x80x128xf32, #tpu.memory_space<vmem>> -> memref<80x128xf32, #tpu.memory_space<vmem>>
        %gather3A_1481 = tpu.vector_load_idx %gather3A_1480[%add3A_550, %broadcast_in_dim3A_1476] : memref<80x128xf32, #tpu.memory_space<vmem>>[vector<16xi32>, vector<16xi32>], vector<16xf32>,
        %mul3A_1482 = arith.mulf %gather3A_1481, %exp3A_626 : vector<16xf32>
        %scatter3A_1483 = arith.constant 0 : i32
        %scatter3A_1484 = arith.constant 0 : i32
        %scatter3A_1485 = tpu.memref_slice %arg8[%select_n3A_338, %scatter3A_1483, %scatter3A_1484] : memref<3x80x128xf32, #tpu.memory_space<vmem>> -> memref<1x80x128xf32, #tpu.memory_space<vmem>>
        %scatter3A_1486 = tpu.memref_squeeze %scatter3A_1485 : memref<1x80x128xf32, #tpu.memory_space<vmem>> -> memref<80x128xf32, #tpu.memory_space<vmem>>
        tpu.vector_store_idx %scatter3A_1486[%add3A_550, %broadcast_in_dim3A_1476], %mul3A_1482 : memref<80x128xf32, #tpu.memory_space<vmem>>[vector<16xi32>, vector<16xi32>], vector<16xf32>,
        %broadcast_in_dim3A_1487 = arith.constant 69 : i32
        %broadcast_in_dim3A_1488 = vector.broadcast %broadcast_in_dim3A_1487 : i32 to vector<16xi32>
        %gather3A_1489 = arith.constant 0 : i32
        %gather3A_1490 = arith.constant 0 : i32
        %gather3A_1491 = tpu.memref_slice %arg8[%select_n3A_338, %gather3A_1489, %gather3A_1490] : memref<3x80x128xf32, #tpu.memory_space<vmem>> -> memref<1x80x128xf32, #tpu.memory_space<vmem>>
        %gather3A_1492 = tpu.memref_squeeze %gather3A_1491 : memref<1x80x128xf32, #tpu.memory_space<vmem>> -> memref<80x128xf32, #tpu.memory_space<vmem>>
        %gather3A_1493 = tpu.vector_load_idx %gather3A_1492[%add3A_550, %broadcast_in_dim3A_1488] : memref<80x128xf32, #tpu.memory_space<vmem>>[vector<16xi32>, vector<16xi32>], vector<16xf32>,
        %mul3A_1494 = arith.mulf %gather3A_1493, %exp3A_626 : vector<16xf32>
        %scatter3A_1495 = arith.constant 0 : i32
        %scatter3A_1496 = arith.constant 0 : i32
        %scatter3A_1497 = tpu.memref_slice %arg8[%select_n3A_338, %scatter3A_1495, %scatter3A_1496] : memref<3x80x128xf32, #tpu.memory_space<vmem>> -> memref<1x80x128xf32, #tpu.memory_space<vmem>>
        %scatter3A_1498 = tpu.memref_squeeze %scatter3A_1497 : memref<1x80x128xf32, #tpu.memory_space<vmem>> -> memref<80x128xf32, #tpu.memory_space<vmem>>
        tpu.vector_store_idx %scatter3A_1498[%add3A_550, %broadcast_in_dim3A_1488], %mul3A_1494 : memref<80x128xf32, #tpu.memory_space<vmem>>[vector<16xi32>, vector<16xi32>], vector<16xf32>,
        %broadcast_in_dim3A_1499 = arith.constant 70 : i32
        %broadcast_in_dim3A_1500 = vector.broadcast %broadcast_in_dim3A_1499 : i32 to vector<16xi32>
        %gather3A_1501 = arith.constant 0 : i32
        %gather3A_1502 = arith.constant 0 : i32
        %gather3A_1503 = tpu.memref_slice %arg8[%select_n3A_338, %gather3A_1501, %gather3A_1502] : memref<3x80x128xf32, #tpu.memory_space<vmem>> -> memref<1x80x128xf32, #tpu.memory_space<vmem>>
        %gather3A_1504 = tpu.memref_squeeze %gather3A_1503 : memref<1x80x128xf32, #tpu.memory_space<vmem>> -> memref<80x128xf32, #tpu.memory_space<vmem>>
        %gather3A_1505 = tpu.vector_load_idx %gather3A_1504[%add3A_550, %broadcast_in_dim3A_1500] : memref<80x128xf32, #tpu.memory_space<vmem>>[vector<16xi32>, vector<16xi32>], vector<16xf32>,
        %mul3A_1506 = arith.mulf %gather3A_1505, %exp3A_626 : vector<16xf32>
        %scatter3A_1507 = arith.constant 0 : i32
        %scatter3A_1508 = arith.constant 0 : i32
        %scatter3A_1509 = tpu.memref_slice %arg8[%select_n3A_338, %scatter3A_1507, %scatter3A_1508] : memref<3x80x128xf32, #tpu.memory_space<vmem>> -> memref<1x80x128xf32, #tpu.memory_space<vmem>>
        %scatter3A_1510 = tpu.memref_squeeze %scatter3A_1509 : memref<1x80x128xf32, #tpu.memory_space<vmem>> -> memref<80x128xf32, #tpu.memory_space<vmem>>
        tpu.vector_store_idx %scatter3A_1510[%add3A_550, %broadcast_in_dim3A_1500], %mul3A_1506 : memref<80x128xf32, #tpu.memory_space<vmem>>[vector<16xi32>, vector<16xi32>], vector<16xf32>,
        %broadcast_in_dim3A_1511 = arith.constant 71 : i32
        %broadcast_in_dim3A_1512 = vector.broadcast %broadcast_in_dim3A_1511 : i32 to vector<16xi32>
        %gather3A_1513 = arith.constant 0 : i32
        %gather3A_1514 = arith.constant 0 : i32
        %gather3A_1515 = tpu.memref_slice %arg8[%select_n3A_338, %gather3A_1513, %gather3A_1514] : memref<3x80x128xf32, #tpu.memory_space<vmem>> -> memref<1x80x128xf32, #tpu.memory_space<vmem>>
        %gather3A_1516 = tpu.memref_squeeze %gather3A_1515 : memref<1x80x128xf32, #tpu.memory_space<vmem>> -> memref<80x128xf32, #tpu.memory_space<vmem>>
        %gather3A_1517 = tpu.vector_load_idx %gather3A_1516[%add3A_550, %broadcast_in_dim3A_1512] : memref<80x128xf32, #tpu.memory_space<vmem>>[vector<16xi32>, vector<16xi32>], vector<16xf32>,
        %mul3A_1518 = arith.mulf %gather3A_1517, %exp3A_626 : vector<16xf32>
        %scatter3A_1519 = arith.constant 0 : i32
        %scatter3A_1520 = arith.constant 0 : i32
        %scatter3A_1521 = tpu.memref_slice %arg8[%select_n3A_338, %scatter3A_1519, %scatter3A_1520] : memref<3x80x128xf32, #tpu.memory_space<vmem>> -> memref<1x80x128xf32, #tpu.memory_space<vmem>>
        %scatter3A_1522 = tpu.memref_squeeze %scatter3A_1521 : memref<1x80x128xf32, #tpu.memory_space<vmem>> -> memref<80x128xf32, #tpu.memory_space<vmem>>
        tpu.vector_store_idx %scatter3A_1522[%add3A_550, %broadcast_in_dim3A_1512], %mul3A_1518 : memref<80x128xf32, #tpu.memory_space<vmem>>[vector<16xi32>, vector<16xi32>], vector<16xf32>,
        %broadcast_in_dim3A_1523 = arith.constant 72 : i32
        %broadcast_in_dim3A_1524 = vector.broadcast %broadcast_in_dim3A_1523 : i32 to vector<16xi32>
        %gather3A_1525 = arith.constant 0 : i32
        %gather3A_1526 = arith.constant 0 : i32
        %gather3A_1527 = tpu.memref_slice %arg8[%select_n3A_338, %gather3A_1525, %gather3A_1526] : memref<3x80x128xf32, #tpu.memory_space<vmem>> -> memref<1x80x128xf32, #tpu.memory_space<vmem>>
        %gather3A_1528 = tpu.memref_squeeze %gather3A_1527 : memref<1x80x128xf32, #tpu.memory_space<vmem>> -> memref<80x128xf32, #tpu.memory_space<vmem>>
        %gather3A_1529 = tpu.vector_load_idx %gather3A_1528[%add3A_550, %broadcast_in_dim3A_1524] : memref<80x128xf32, #tpu.memory_space<vmem>>[vector<16xi32>, vector<16xi32>], vector<16xf32>,
        %mul3A_1530 = arith.mulf %gather3A_1529, %exp3A_626 : vector<16xf32>
        %scatter3A_1531 = arith.constant 0 : i32
        %scatter3A_1532 = arith.constant 0 : i32
        %scatter3A_1533 = tpu.memref_slice %arg8[%select_n3A_338, %scatter3A_1531, %scatter3A_1532] : memref<3x80x128xf32, #tpu.memory_space<vmem>> -> memref<1x80x128xf32, #tpu.memory_space<vmem>>
        %scatter3A_1534 = tpu.memref_squeeze %scatter3A_1533 : memref<1x80x128xf32, #tpu.memory_space<vmem>> -> memref<80x128xf32, #tpu.memory_space<vmem>>
        tpu.vector_store_idx %scatter3A_1534[%add3A_550, %broadcast_in_dim3A_1524], %mul3A_1530 : memref<80x128xf32, #tpu.memory_space<vmem>>[vector<16xi32>, vector<16xi32>], vector<16xf32>,
        %broadcast_in_dim3A_1535 = arith.constant 73 : i32
        %broadcast_in_dim3A_1536 = vector.broadcast %broadcast_in_dim3A_1535 : i32 to vector<16xi32>
        %gather3A_1537 = arith.constant 0 : i32
        %gather3A_1538 = arith.constant 0 : i32
        %gather3A_1539 = tpu.memref_slice %arg8[%select_n3A_338, %gather3A_1537, %gather3A_1538] : memref<3x80x128xf32, #tpu.memory_space<vmem>> -> memref<1x80x128xf32, #tpu.memory_space<vmem>>
        %gather3A_1540 = tpu.memref_squeeze %gather3A_1539 : memref<1x80x128xf32, #tpu.memory_space<vmem>> -> memref<80x128xf32, #tpu.memory_space<vmem>>
        %gather3A_1541 = tpu.vector_load_idx %gather3A_1540[%add3A_550, %broadcast_in_dim3A_1536] : memref<80x128xf32, #tpu.memory_space<vmem>>[vector<16xi32>, vector<16xi32>], vector<16xf32>,
        %mul3A_1542 = arith.mulf %gather3A_1541, %exp3A_626 : vector<16xf32>
        %scatter3A_1543 = arith.constant 0 : i32
        %scatter3A_1544 = arith.constant 0 : i32
        %scatter3A_1545 = tpu.memref_slice %arg8[%select_n3A_338, %scatter3A_1543, %scatter3A_1544] : memref<3x80x128xf32, #tpu.memory_space<vmem>> -> memref<1x80x128xf32, #tpu.memory_space<vmem>>
        %scatter3A_1546 = tpu.memref_squeeze %scatter3A_1545 : memref<1x80x128xf32, #tpu.memory_space<vmem>> -> memref<80x128xf32, #tpu.memory_space<vmem>>
        tpu.vector_store_idx %scatter3A_1546[%add3A_550, %broadcast_in_dim3A_1536], %mul3A_1542 : memref<80x128xf32, #tpu.memory_space<vmem>>[vector<16xi32>, vector<16xi32>], vector<16xf32>,
        %broadcast_in_dim3A_1547 = arith.constant 74 : i32
        %broadcast_in_dim3A_1548 = vector.broadcast %broadcast_in_dim3A_1547 : i32 to vector<16xi32>
        %gather3A_1549 = arith.constant 0 : i32
        %gather3A_1550 = arith.constant 0 : i32
        %gather3A_1551 = tpu.memref_slice %arg8[%select_n3A_338, %gather3A_1549, %gather3A_1550] : memref<3x80x128xf32, #tpu.memory_space<vmem>> -> memref<1x80x128xf32, #tpu.memory_space<vmem>>
        %gather3A_1552 = tpu.memref_squeeze %gather3A_1551 : memref<1x80x128xf32, #tpu.memory_space<vmem>> -> memref<80x128xf32, #tpu.memory_space<vmem>>
        %gather3A_1553 = tpu.vector_load_idx %gather3A_1552[%add3A_550, %broadcast_in_dim3A_1548] : memref<80x128xf32, #tpu.memory_space<vmem>>[vector<16xi32>, vector<16xi32>], vector<16xf32>,
        %mul3A_1554 = arith.mulf %gather3A_1553, %exp3A_626 : vector<16xf32>
        %scatter3A_1555 = arith.constant 0 : i32
        %scatter3A_1556 = arith.constant 0 : i32
        %scatter3A_1557 = tpu.memref_slice %arg8[%select_n3A_338, %scatter3A_1555, %scatter3A_1556] : memref<3x80x128xf32, #tpu.memory_space<vmem>> -> memref<1x80x128xf32, #tpu.memory_space<vmem>>
        %scatter3A_1558 = tpu.memref_squeeze %scatter3A_1557 : memref<1x80x128xf32, #tpu.memory_space<vmem>> -> memref<80x128xf32, #tpu.memory_space<vmem>>
        tpu.vector_store_idx %scatter3A_1558[%add3A_550, %broadcast_in_dim3A_1548], %mul3A_1554 : memref<80x128xf32, #tpu.memory_space<vmem>>[vector<16xi32>, vector<16xi32>], vector<16xf32>,
        %broadcast_in_dim3A_1559 = arith.constant 75 : i32
        %broadcast_in_dim3A_1560 = vector.broadcast %broadcast_in_dim3A_1559 : i32 to vector<16xi32>
        %gather3A_1561 = arith.constant 0 : i32
        %gather3A_1562 = arith.constant 0 : i32
        %gather3A_1563 = tpu.memref_slice %arg8[%select_n3A_338, %gather3A_1561, %gather3A_1562] : memref<3x80x128xf32, #tpu.memory_space<vmem>> -> memref<1x80x128xf32, #tpu.memory_space<vmem>>
        %gather3A_1564 = tpu.memref_squeeze %gather3A_1563 : memref<1x80x128xf32, #tpu.memory_space<vmem>> -> memref<80x128xf32, #tpu.memory_space<vmem>>
        %gather3A_1565 = tpu.vector_load_idx %gather3A_1564[%add3A_550, %broadcast_in_dim3A_1560] : memref<80x128xf32, #tpu.memory_space<vmem>>[vector<16xi32>, vector<16xi32>], vector<16xf32>,
        %mul3A_1566 = arith.mulf %gather3A_1565, %exp3A_626 : vector<16xf32>
        %scatter3A_1567 = arith.constant 0 : i32
        %scatter3A_1568 = arith.constant 0 : i32
        %scatter3A_1569 = tpu.memref_slice %arg8[%select_n3A_338, %scatter3A_1567, %scatter3A_1568] : memref<3x80x128xf32, #tpu.memory_space<vmem>> -> memref<1x80x128xf32, #tpu.memory_space<vmem>>
        %scatter3A_1570 = tpu.memref_squeeze %scatter3A_1569 : memref<1x80x128xf32, #tpu.memory_space<vmem>> -> memref<80x128xf32, #tpu.memory_space<vmem>>
        tpu.vector_store_idx %scatter3A_1570[%add3A_550, %broadcast_in_dim3A_1560], %mul3A_1566 : memref<80x128xf32, #tpu.memory_space<vmem>>[vector<16xi32>, vector<16xi32>], vector<16xf32>,
        %broadcast_in_dim3A_1571 = arith.constant 76 : i32
        %broadcast_in_dim3A_1572 = vector.broadcast %broadcast_in_dim3A_1571 : i32 to vector<16xi32>
        %gather3A_1573 = arith.constant 0 : i32
        %gather3A_1574 = arith.constant 0 : i32
        %gather3A_1575 = tpu.memref_slice %arg8[%select_n3A_338, %gather3A_1573, %gather3A_1574] : memref<3x80x128xf32, #tpu.memory_space<vmem>> -> memref<1x80x128xf32, #tpu.memory_space<vmem>>
        %gather3A_1576 = tpu.memref_squeeze %gather3A_1575 : memref<1x80x128xf32, #tpu.memory_space<vmem>> -> memref<80x128xf32, #tpu.memory_space<vmem>>
        %gather3A_1577 = tpu.vector_load_idx %gather3A_1576[%add3A_550, %broadcast_in_dim3A_1572] : memref<80x128xf32, #tpu.memory_space<vmem>>[vector<16xi32>, vector<16xi32>], vector<16xf32>,
        %mul3A_1578 = arith.mulf %gather3A_1577, %exp3A_626 : vector<16xf32>
        %scatter3A_1579 = arith.constant 0 : i32
        %scatter3A_1580 = arith.constant 0 : i32
        %scatter3A_1581 = tpu.memref_slice %arg8[%select_n3A_338, %scatter3A_1579, %scatter3A_1580] : memref<3x80x128xf32, #tpu.memory_space<vmem>> -> memref<1x80x128xf32, #tpu.memory_space<vmem>>
        %scatter3A_1582 = tpu.memref_squeeze %scatter3A_1581 : memref<1x80x128xf32, #tpu.memory_space<vmem>> -> memref<80x128xf32, #tpu.memory_space<vmem>>
        tpu.vector_store_idx %scatter3A_1582[%add3A_550, %broadcast_in_dim3A_1572], %mul3A_1578 : memref<80x128xf32, #tpu.memory_space<vmem>>[vector<16xi32>, vector<16xi32>], vector<16xf32>,
        %broadcast_in_dim3A_1583 = arith.constant 77 : i32
        %broadcast_in_dim3A_1584 = vector.broadcast %broadcast_in_dim3A_1583 : i32 to vector<16xi32>
        %gather3A_1585 = arith.constant 0 : i32
        %gather3A_1586 = arith.constant 0 : i32
        %gather3A_1587 = tpu.memref_slice %arg8[%select_n3A_338, %gather3A_1585, %gather3A_1586] : memref<3x80x128xf32, #tpu.memory_space<vmem>> -> memref<1x80x128xf32, #tpu.memory_space<vmem>>
        %gather3A_1588 = tpu.memref_squeeze %gather3A_1587 : memref<1x80x128xf32, #tpu.memory_space<vmem>> -> memref<80x128xf32, #tpu.memory_space<vmem>>
        %gather3A_1589 = tpu.vector_load_idx %gather3A_1588[%add3A_550, %broadcast_in_dim3A_1584] : memref<80x128xf32, #tpu.memory_space<vmem>>[vector<16xi32>, vector<16xi32>], vector<16xf32>,
        %mul3A_1590 = arith.mulf %gather3A_1589, %exp3A_626 : vector<16xf32>
        %scatter3A_1591 = arith.constant 0 : i32
        %scatter3A_1592 = arith.constant 0 : i32
        %scatter3A_1593 = tpu.memref_slice %arg8[%select_n3A_338, %scatter3A_1591, %scatter3A_1592] : memref<3x80x128xf32, #tpu.memory_space<vmem>> -> memref<1x80x128xf32, #tpu.memory_space<vmem>>
        %scatter3A_1594 = tpu.memref_squeeze %scatter3A_1593 : memref<1x80x128xf32, #tpu.memory_space<vmem>> -> memref<80x128xf32, #tpu.memory_space<vmem>>
        tpu.vector_store_idx %scatter3A_1594[%add3A_550, %broadcast_in_dim3A_1584], %mul3A_1590 : memref<80x128xf32, #tpu.memory_space<vmem>>[vector<16xi32>, vector<16xi32>], vector<16xf32>,
        %broadcast_in_dim3A_1595 = arith.constant 78 : i32
        %broadcast_in_dim3A_1596 = vector.broadcast %broadcast_in_dim3A_1595 : i32 to vector<16xi32>
        %gather3A_1597 = arith.constant 0 : i32
        %gather3A_1598 = arith.constant 0 : i32
        %gather3A_1599 = tpu.memref_slice %arg8[%select_n3A_338, %gather3A_1597, %gather3A_1598] : memref<3x80x128xf32, #tpu.memory_space<vmem>> -> memref<1x80x128xf32, #tpu.memory_space<vmem>>
        %gather3A_1600 = tpu.memref_squeeze %gather3A_1599 : memref<1x80x128xf32, #tpu.memory_space<vmem>> -> memref<80x128xf32, #tpu.memory_space<vmem>>
        %gather3A_1601 = tpu.vector_load_idx %gather3A_1600[%add3A_550, %broadcast_in_dim3A_1596] : memref<80x128xf32, #tpu.memory_space<vmem>>[vector<16xi32>, vector<16xi32>], vector<16xf32>,
        %mul3A_1602 = arith.mulf %gather3A_1601, %exp3A_626 : vector<16xf32>
        %scatter3A_1603 = arith.constant 0 : i32
        %scatter3A_1604 = arith.constant 0 : i32
        %scatter3A_1605 = tpu.memref_slice %arg8[%select_n3A_338, %scatter3A_1603, %scatter3A_1604] : memref<3x80x128xf32, #tpu.memory_space<vmem>> -> memref<1x80x128xf32, #tpu.memory_space<vmem>>
        %scatter3A_1606 = tpu.memref_squeeze %scatter3A_1605 : memref<1x80x128xf32, #tpu.memory_space<vmem>> -> memref<80x128xf32, #tpu.memory_space<vmem>>
        tpu.vector_store_idx %scatter3A_1606[%add3A_550, %broadcast_in_dim3A_1596], %mul3A_1602 : memref<80x128xf32, #tpu.memory_space<vmem>>[vector<16xi32>, vector<16xi32>], vector<16xf32>,
        %broadcast_in_dim3A_1607 = arith.constant 79 : i32
        %broadcast_in_dim3A_1608 = vector.broadcast %broadcast_in_dim3A_1607 : i32 to vector<16xi32>
        %gather3A_1609 = arith.constant 0 : i32
        %gather3A_1610 = arith.constant 0 : i32
        %gather3A_1611 = tpu.memref_slice %arg8[%select_n3A_338, %gather3A_1609, %gather3A_1610] : memref<3x80x128xf32, #tpu.memory_space<vmem>> -> memref<1x80x128xf32, #tpu.memory_space<vmem>>
        %gather3A_1612 = tpu.memref_squeeze %gather3A_1611 : memref<1x80x128xf32, #tpu.memory_space<vmem>> -> memref<80x128xf32, #tpu.memory_space<vmem>>
        %gather3A_1613 = tpu.vector_load_idx %gather3A_1612[%add3A_550, %broadcast_in_dim3A_1608] : memref<80x128xf32, #tpu.memory_space<vmem>>[vector<16xi32>, vector<16xi32>], vector<16xf32>,
        %mul3A_1614 = arith.mulf %gather3A_1613, %exp3A_626 : vector<16xf32>
        %scatter3A_1615 = arith.constant 0 : i32
        %scatter3A_1616 = arith.constant 0 : i32
        %scatter3A_1617 = tpu.memref_slice %arg8[%select_n3A_338, %scatter3A_1615, %scatter3A_1616] : memref<3x80x128xf32, #tpu.memory_space<vmem>> -> memref<1x80x128xf32, #tpu.memory_space<vmem>>
        %scatter3A_1618 = tpu.memref_squeeze %scatter3A_1617 : memref<1x80x128xf32, #tpu.memory_space<vmem>> -> memref<80x128xf32, #tpu.memory_space<vmem>>
        tpu.vector_store_idx %scatter3A_1618[%add3A_550, %broadcast_in_dim3A_1608], %mul3A_1614 : memref<80x128xf32, #tpu.memory_space<vmem>>[vector<16xi32>, vector<16xi32>], vector<16xf32>,
        %broadcast_in_dim3A_1619 = arith.constant 80 : i32
        %broadcast_in_dim3A_1620 = vector.broadcast %broadcast_in_dim3A_1619 : i32 to vector<16xi32>
        %gather3A_1621 = arith.constant 0 : i32
        %gather3A_1622 = arith.constant 0 : i32
        %gather3A_1623 = tpu.memref_slice %arg8[%select_n3A_338, %gather3A_1621, %gather3A_1622] : memref<3x80x128xf32, #tpu.memory_space<vmem>> -> memref<1x80x128xf32, #tpu.memory_space<vmem>>
        %gather3A_1624 = tpu.memref_squeeze %gather3A_1623 : memref<1x80x128xf32, #tpu.memory_space<vmem>> -> memref<80x128xf32, #tpu.memory_space<vmem>>
        %gather3A_1625 = tpu.vector_load_idx %gather3A_1624[%add3A_550, %broadcast_in_dim3A_1620] : memref<80x128xf32, #tpu.memory_space<vmem>>[vector<16xi32>, vector<16xi32>], vector<16xf32>,
        %mul3A_1626 = arith.mulf %gather3A_1625, %exp3A_626 : vector<16xf32>
        %scatter3A_1627 = arith.constant 0 : i32
        %scatter3A_1628 = arith.constant 0 : i32
        %scatter3A_1629 = tpu.memref_slice %arg8[%select_n3A_338, %scatter3A_1627, %scatter3A_1628] : memref<3x80x128xf32, #tpu.memory_space<vmem>> -> memref<1x80x128xf32, #tpu.memory_space<vmem>>
        %scatter3A_1630 = tpu.memref_squeeze %scatter3A_1629 : memref<1x80x128xf32, #tpu.memory_space<vmem>> -> memref<80x128xf32, #tpu.memory_space<vmem>>
        tpu.vector_store_idx %scatter3A_1630[%add3A_550, %broadcast_in_dim3A_1620], %mul3A_1626 : memref<80x128xf32, #tpu.memory_space<vmem>>[vector<16xi32>, vector<16xi32>], vector<16xf32>,
        %broadcast_in_dim3A_1631 = arith.constant 81 : i32
        %broadcast_in_dim3A_1632 = vector.broadcast %broadcast_in_dim3A_1631 : i32 to vector<16xi32>
        %gather3A_1633 = arith.constant 0 : i32
        %gather3A_1634 = arith.constant 0 : i32
        %gather3A_1635 = tpu.memref_slice %arg8[%select_n3A_338, %gather3A_1633, %gather3A_1634] : memref<3x80x128xf32, #tpu.memory_space<vmem>> -> memref<1x80x128xf32, #tpu.memory_space<vmem>>
        %gather3A_1636 = tpu.memref_squeeze %gather3A_1635 : memref<1x80x128xf32, #tpu.memory_space<vmem>> -> memref<80x128xf32, #tpu.memory_space<vmem>>
        %gather3A_1637 = tpu.vector_load_idx %gather3A_1636[%add3A_550, %broadcast_in_dim3A_1632] : memref<80x128xf32, #tpu.memory_space<vmem>>[vector<16xi32>, vector<16xi32>], vector<16xf32>,
        %mul3A_1638 = arith.mulf %gather3A_1637, %exp3A_626 : vector<16xf32>
        %scatter3A_1639 = arith.constant 0 : i32
        %scatter3A_1640 = arith.constant 0 : i32
        %scatter3A_1641 = tpu.memref_slice %arg8[%select_n3A_338, %scatter3A_1639, %scatter3A_1640] : memref<3x80x128xf32, #tpu.memory_space<vmem>> -> memref<1x80x128xf32, #tpu.memory_space<vmem>>
        %scatter3A_1642 = tpu.memref_squeeze %scatter3A_1641 : memref<1x80x128xf32, #tpu.memory_space<vmem>> -> memref<80x128xf32, #tpu.memory_space<vmem>>
        tpu.vector_store_idx %scatter3A_1642[%add3A_550, %broadcast_in_dim3A_1632], %mul3A_1638 : memref<80x128xf32, #tpu.memory_space<vmem>>[vector<16xi32>, vector<16xi32>], vector<16xf32>,
        %broadcast_in_dim3A_1643 = arith.constant 82 : i32
        %broadcast_in_dim3A_1644 = vector.broadcast %broadcast_in_dim3A_1643 : i32 to vector<16xi32>
        %gather3A_1645 = arith.constant 0 : i32
        %gather3A_1646 = arith.constant 0 : i32
        %gather3A_1647 = tpu.memref_slice %arg8[%select_n3A_338, %gather3A_1645, %gather3A_1646] : memref<3x80x128xf32, #tpu.memory_space<vmem>> -> memref<1x80x128xf32, #tpu.memory_space<vmem>>
        %gather3A_1648 = tpu.memref_squeeze %gather3A_1647 : memref<1x80x128xf32, #tpu.memory_space<vmem>> -> memref<80x128xf32, #tpu.memory_space<vmem>>
        %gather3A_1649 = tpu.vector_load_idx %gather3A_1648[%add3A_550, %broadcast_in_dim3A_1644] : memref<80x128xf32, #tpu.memory_space<vmem>>[vector<16xi32>, vector<16xi32>], vector<16xf32>,
        %mul3A_1650 = arith.mulf %gather3A_1649, %exp3A_626 : vector<16xf32>
        %scatter3A_1651 = arith.constant 0 : i32
        %scatter3A_1652 = arith.constant 0 : i32
        %scatter3A_1653 = tpu.memref_slice %arg8[%select_n3A_338, %scatter3A_1651, %scatter3A_1652] : memref<3x80x128xf32, #tpu.memory_space<vmem>> -> memref<1x80x128xf32, #tpu.memory_space<vmem>>
        %scatter3A_1654 = tpu.memref_squeeze %scatter3A_1653 : memref<1x80x128xf32, #tpu.memory_space<vmem>> -> memref<80x128xf32, #tpu.memory_space<vmem>>
        tpu.vector_store_idx %scatter3A_1654[%add3A_550, %broadcast_in_dim3A_1644], %mul3A_1650 : memref<80x128xf32, #tpu.memory_space<vmem>>[vector<16xi32>, vector<16xi32>], vector<16xf32>,
        %broadcast_in_dim3A_1655 = arith.constant 83 : i32
        %broadcast_in_dim3A_1656 = vector.broadcast %broadcast_in_dim3A_1655 : i32 to vector<16xi32>
        %gather3A_1657 = arith.constant 0 : i32
        %gather3A_1658 = arith.constant 0 : i32
        %gather3A_1659 = tpu.memref_slice %arg8[%select_n3A_338, %gather3A_1657, %gather3A_1658] : memref<3x80x128xf32, #tpu.memory_space<vmem>> -> memref<1x80x128xf32, #tpu.memory_space<vmem>>
        %gather3A_1660 = tpu.memref_squeeze %gather3A_1659 : memref<1x80x128xf32, #tpu.memory_space<vmem>> -> memref<80x128xf32, #tpu.memory_space<vmem>>
        %gather3A_1661 = tpu.vector_load_idx %gather3A_1660[%add3A_550, %broadcast_in_dim3A_1656] : memref<80x128xf32, #tpu.memory_space<vmem>>[vector<16xi32>, vector<16xi32>], vector<16xf32>,
        %mul3A_1662 = arith.mulf %gather3A_1661, %exp3A_626 : vector<16xf32>
        %scatter3A_1663 = arith.constant 0 : i32
        %scatter3A_1664 = arith.constant 0 : i32
        %scatter3A_1665 = tpu.memref_slice %arg8[%select_n3A_338, %scatter3A_1663, %scatter3A_1664] : memref<3x80x128xf32, #tpu.memory_space<vmem>> -> memref<1x80x128xf32, #tpu.memory_space<vmem>>
        %scatter3A_1666 = tpu.memref_squeeze %scatter3A_1665 : memref<1x80x128xf32, #tpu.memory_space<vmem>> -> memref<80x128xf32, #tpu.memory_space<vmem>>
        tpu.vector_store_idx %scatter3A_1666[%add3A_550, %broadcast_in_dim3A_1656], %mul3A_1662 : memref<80x128xf32, #tpu.memory_space<vmem>>[vector<16xi32>, vector<16xi32>], vector<16xf32>,
        %broadcast_in_dim3A_1667 = arith.constant 84 : i32
        %broadcast_in_dim3A_1668 = vector.broadcast %broadcast_in_dim3A_1667 : i32 to vector<16xi32>
        %gather3A_1669 = arith.constant 0 : i32
        %gather3A_1670 = arith.constant 0 : i32
        %gather3A_1671 = tpu.memref_slice %arg8[%select_n3A_338, %gather3A_1669, %gather3A_1670] : memref<3x80x128xf32, #tpu.memory_space<vmem>> -> memref<1x80x128xf32, #tpu.memory_space<vmem>>
        %gather3A_1672 = tpu.memref_squeeze %gather3A_1671 : memref<1x80x128xf32, #tpu.memory_space<vmem>> -> memref<80x128xf32, #tpu.memory_space<vmem>>
        %gather3A_1673 = tpu.vector_load_idx %gather3A_1672[%add3A_550, %broadcast_in_dim3A_1668] : memref<80x128xf32, #tpu.memory_space<vmem>>[vector<16xi32>, vector<16xi32>], vector<16xf32>,
        %mul3A_1674 = arith.mulf %gather3A_1673, %exp3A_626 : vector<16xf32>
        %scatter3A_1675 = arith.constant 0 : i32
        %scatter3A_1676 = arith.constant 0 : i32
        %scatter3A_1677 = tpu.memref_slice %arg8[%select_n3A_338, %scatter3A_1675, %scatter3A_1676] : memref<3x80x128xf32, #tpu.memory_space<vmem>> -> memref<1x80x128xf32, #tpu.memory_space<vmem>>
        %scatter3A_1678 = tpu.memref_squeeze %scatter3A_1677 : memref<1x80x128xf32, #tpu.memory_space<vmem>> -> memref<80x128xf32, #tpu.memory_space<vmem>>
        tpu.vector_store_idx %scatter3A_1678[%add3A_550, %broadcast_in_dim3A_1668], %mul3A_1674 : memref<80x128xf32, #tpu.memory_space<vmem>>[vector<16xi32>, vector<16xi32>], vector<16xf32>,
        %broadcast_in_dim3A_1679 = arith.constant 85 : i32
        %broadcast_in_dim3A_1680 = vector.broadcast %broadcast_in_dim3A_1679 : i32 to vector<16xi32>
        %gather3A_1681 = arith.constant 0 : i32
        %gather3A_1682 = arith.constant 0 : i32
        %gather3A_1683 = tpu.memref_slice %arg8[%select_n3A_338, %gather3A_1681, %gather3A_1682] : memref<3x80x128xf32, #tpu.memory_space<vmem>> -> memref<1x80x128xf32, #tpu.memory_space<vmem>>
        %gather3A_1684 = tpu.memref_squeeze %gather3A_1683 : memref<1x80x128xf32, #tpu.memory_space<vmem>> -> memref<80x128xf32, #tpu.memory_space<vmem>>
        %gather3A_1685 = tpu.vector_load_idx %gather3A_1684[%add3A_550, %broadcast_in_dim3A_1680] : memref<80x128xf32, #tpu.memory_space<vmem>>[vector<16xi32>, vector<16xi32>], vector<16xf32>,
        %mul3A_1686 = arith.mulf %gather3A_1685, %exp3A_626 : vector<16xf32>
        %scatter3A_1687 = arith.constant 0 : i32
        %scatter3A_1688 = arith.constant 0 : i32
        %scatter3A_1689 = tpu.memref_slice %arg8[%select_n3A_338, %scatter3A_1687, %scatter3A_1688] : memref<3x80x128xf32, #tpu.memory_space<vmem>> -> memref<1x80x128xf32, #tpu.memory_space<vmem>>
        %scatter3A_1690 = tpu.memref_squeeze %scatter3A_1689 : memref<1x80x128xf32, #tpu.memory_space<vmem>> -> memref<80x128xf32, #tpu.memory_space<vmem>>
        tpu.vector_store_idx %scatter3A_1690[%add3A_550, %broadcast_in_dim3A_1680], %mul3A_1686 : memref<80x128xf32, #tpu.memory_space<vmem>>[vector<16xi32>, vector<16xi32>], vector<16xf32>,
        %broadcast_in_dim3A_1691 = arith.constant 86 : i32
        %broadcast_in_dim3A_1692 = vector.broadcast %broadcast_in_dim3A_1691 : i32 to vector<16xi32>
        %gather3A_1693 = arith.constant 0 : i32
        %gather3A_1694 = arith.constant 0 : i32
        %gather3A_1695 = tpu.memref_slice %arg8[%select_n3A_338, %gather3A_1693, %gather3A_1694] : memref<3x80x128xf32, #tpu.memory_space<vmem>> -> memref<1x80x128xf32, #tpu.memory_space<vmem>>
        %gather3A_1696 = tpu.memref_squeeze %gather3A_1695 : memref<1x80x128xf32, #tpu.memory_space<vmem>> -> memref<80x128xf32, #tpu.memory_space<vmem>>
        %gather3A_1697 = tpu.vector_load_idx %gather3A_1696[%add3A_550, %broadcast_in_dim3A_1692] : memref<80x128xf32, #tpu.memory_space<vmem>>[vector<16xi32>, vector<16xi32>], vector<16xf32>,
        %mul3A_1698 = arith.mulf %gather3A_1697, %exp3A_626 : vector<16xf32>
        %scatter3A_1699 = arith.constant 0 : i32
        %scatter3A_1700 = arith.constant 0 : i32
        %scatter3A_1701 = tpu.memref_slice %arg8[%select_n3A_338, %scatter3A_1699, %scatter3A_1700] : memref<3x80x128xf32, #tpu.memory_space<vmem>> -> memref<1x80x128xf32, #tpu.memory_space<vmem>>
        %scatter3A_1702 = tpu.memref_squeeze %scatter3A_1701 : memref<1x80x128xf32, #tpu.memory_space<vmem>> -> memref<80x128xf32, #tpu.memory_space<vmem>>
        tpu.vector_store_idx %scatter3A_1702[%add3A_550, %broadcast_in_dim3A_1692], %mul3A_1698 : memref<80x128xf32, #tpu.memory_space<vmem>>[vector<16xi32>, vector<16xi32>], vector<16xf32>,
        %broadcast_in_dim3A_1703 = arith.constant 87 : i32
        %broadcast_in_dim3A_1704 = vector.broadcast %broadcast_in_dim3A_1703 : i32 to vector<16xi32>
        %gather3A_1705 = arith.constant 0 : i32
        %gather3A_1706 = arith.constant 0 : i32
        %gather3A_1707 = tpu.memref_slice %arg8[%select_n3A_338, %gather3A_1705, %gather3A_1706] : memref<3x80x128xf32, #tpu.memory_space<vmem>> -> memref<1x80x128xf32, #tpu.memory_space<vmem>>
        %gather3A_1708 = tpu.memref_squeeze %gather3A_1707 : memref<1x80x128xf32, #tpu.memory_space<vmem>> -> memref<80x128xf32, #tpu.memory_space<vmem>>
        %gather3A_1709 = tpu.vector_load_idx %gather3A_1708[%add3A_550, %broadcast_in_dim3A_1704] : memref<80x128xf32, #tpu.memory_space<vmem>>[vector<16xi32>, vector<16xi32>], vector<16xf32>,
        %mul3A_1710 = arith.mulf %gather3A_1709, %exp3A_626 : vector<16xf32>
        %scatter3A_1711 = arith.constant 0 : i32
        %scatter3A_1712 = arith.constant 0 : i32
        %scatter3A_1713 = tpu.memref_slice %arg8[%select_n3A_338, %scatter3A_1711, %scatter3A_1712] : memref<3x80x128xf32, #tpu.memory_space<vmem>> -> memref<1x80x128xf32, #tpu.memory_space<vmem>>
        %scatter3A_1714 = tpu.memref_squeeze %scatter3A_1713 : memref<1x80x128xf32, #tpu.memory_space<vmem>> -> memref<80x128xf32, #tpu.memory_space<vmem>>
        tpu.vector_store_idx %scatter3A_1714[%add3A_550, %broadcast_in_dim3A_1704], %mul3A_1710 : memref<80x128xf32, #tpu.memory_space<vmem>>[vector<16xi32>, vector<16xi32>], vector<16xf32>,
        %broadcast_in_dim3A_1715 = arith.constant 88 : i32
        %broadcast_in_dim3A_1716 = vector.broadcast %broadcast_in_dim3A_1715 : i32 to vector<16xi32>
        %gather3A_1717 = arith.constant 0 : i32
        %gather3A_1718 = arith.constant 0 : i32
        %gather3A_1719 = tpu.memref_slice %arg8[%select_n3A_338, %gather3A_1717, %gather3A_1718] : memref<3x80x128xf32, #tpu.memory_space<vmem>> -> memref<1x80x128xf32, #tpu.memory_space<vmem>>
        %gather3A_1720 = tpu.memref_squeeze %gather3A_1719 : memref<1x80x128xf32, #tpu.memory_space<vmem>> -> memref<80x128xf32, #tpu.memory_space<vmem>>
        %gather3A_1721 = tpu.vector_load_idx %gather3A_1720[%add3A_550, %broadcast_in_dim3A_1716] : memref<80x128xf32, #tpu.memory_space<vmem>>[vector<16xi32>, vector<16xi32>], vector<16xf32>,
        %mul3A_1722 = arith.mulf %gather3A_1721, %exp3A_626 : vector<16xf32>
        %scatter3A_1723 = arith.constant 0 : i32
        %scatter3A_1724 = arith.constant 0 : i32
        %scatter3A_1725 = tpu.memref_slice %arg8[%select_n3A_338, %scatter3A_1723, %scatter3A_1724] : memref<3x80x128xf32, #tpu.memory_space<vmem>> -> memref<1x80x128xf32, #tpu.memory_space<vmem>>
        %scatter3A_1726 = tpu.memref_squeeze %scatter3A_1725 : memref<1x80x128xf32, #tpu.memory_space<vmem>> -> memref<80x128xf32, #tpu.memory_space<vmem>>
        tpu.vector_store_idx %scatter3A_1726[%add3A_550, %broadcast_in_dim3A_1716], %mul3A_1722 : memref<80x128xf32, #tpu.memory_space<vmem>>[vector<16xi32>, vector<16xi32>], vector<16xf32>,
        %broadcast_in_dim3A_1727 = arith.constant 89 : i32
        %broadcast_in_dim3A_1728 = vector.broadcast %broadcast_in_dim3A_1727 : i32 to vector<16xi32>
        %gather3A_1729 = arith.constant 0 : i32
        %gather3A_1730 = arith.constant 0 : i32
        %gather3A_1731 = tpu.memref_slice %arg8[%select_n3A_338, %gather3A_1729, %gather3A_1730] : memref<3x80x128xf32, #tpu.memory_space<vmem>> -> memref<1x80x128xf32, #tpu.memory_space<vmem>>
        %gather3A_1732 = tpu.memref_squeeze %gather3A_1731 : memref<1x80x128xf32, #tpu.memory_space<vmem>> -> memref<80x128xf32, #tpu.memory_space<vmem>>
        %gather3A_1733 = tpu.vector_load_idx %gather3A_1732[%add3A_550, %broadcast_in_dim3A_1728] : memref<80x128xf32, #tpu.memory_space<vmem>>[vector<16xi32>, vector<16xi32>], vector<16xf32>,
        %mul3A_1734 = arith.mulf %gather3A_1733, %exp3A_626 : vector<16xf32>
        %scatter3A_1735 = arith.constant 0 : i32
        %scatter3A_1736 = arith.constant 0 : i32
        %scatter3A_1737 = tpu.memref_slice %arg8[%select_n3A_338, %scatter3A_1735, %scatter3A_1736] : memref<3x80x128xf32, #tpu.memory_space<vmem>> -> memref<1x80x128xf32, #tpu.memory_space<vmem>>
        %scatter3A_1738 = tpu.memref_squeeze %scatter3A_1737 : memref<1x80x128xf32, #tpu.memory_space<vmem>> -> memref<80x128xf32, #tpu.memory_space<vmem>>
        tpu.vector_store_idx %scatter3A_1738[%add3A_550, %broadcast_in_dim3A_1728], %mul3A_1734 : memref<80x128xf32, #tpu.memory_space<vmem>>[vector<16xi32>, vector<16xi32>], vector<16xf32>,
        %broadcast_in_dim3A_1739 = arith.constant 90 : i32
        %broadcast_in_dim3A_1740 = vector.broadcast %broadcast_in_dim3A_1739 : i32 to vector<16xi32>
        %gather3A_1741 = arith.constant 0 : i32
        %gather3A_1742 = arith.constant 0 : i32
        %gather3A_1743 = tpu.memref_slice %arg8[%select_n3A_338, %gather3A_1741, %gather3A_1742] : memref<3x80x128xf32, #tpu.memory_space<vmem>> -> memref<1x80x128xf32, #tpu.memory_space<vmem>>
        %gather3A_1744 = tpu.memref_squeeze %gather3A_1743 : memref<1x80x128xf32, #tpu.memory_space<vmem>> -> memref<80x128xf32, #tpu.memory_space<vmem>>
        %gather3A_1745 = tpu.vector_load_idx %gather3A_1744[%add3A_550, %broadcast_in_dim3A_1740] : memref<80x128xf32, #tpu.memory_space<vmem>>[vector<16xi32>, vector<16xi32>], vector<16xf32>,
        %mul3A_1746 = arith.mulf %gather3A_1745, %exp3A_626 : vector<16xf32>
        %scatter3A_1747 = arith.constant 0 : i32
        %scatter3A_1748 = arith.constant 0 : i32
        %scatter3A_1749 = tpu.memref_slice %arg8[%select_n3A_338, %scatter3A_1747, %scatter3A_1748] : memref<3x80x128xf32, #tpu.memory_space<vmem>> -> memref<1x80x128xf32, #tpu.memory_space<vmem>>
        %scatter3A_1750 = tpu.memref_squeeze %scatter3A_1749 : memref<1x80x128xf32, #tpu.memory_space<vmem>> -> memref<80x128xf32, #tpu.memory_space<vmem>>
        tpu.vector_store_idx %scatter3A_1750[%add3A_550, %broadcast_in_dim3A_1740], %mul3A_1746 : memref<80x128xf32, #tpu.memory_space<vmem>>[vector<16xi32>, vector<16xi32>], vector<16xf32>,
        %broadcast_in_dim3A_1751 = arith.constant 91 : i32
        %broadcast_in_dim3A_1752 = vector.broadcast %broadcast_in_dim3A_1751 : i32 to vector<16xi32>
        %gather3A_1753 = arith.constant 0 : i32
        %gather3A_1754 = arith.constant 0 : i32
        %gather3A_1755 = tpu.memref_slice %arg8[%select_n3A_338, %gather3A_1753, %gather3A_1754] : memref<3x80x128xf32, #tpu.memory_space<vmem>> -> memref<1x80x128xf32, #tpu.memory_space<vmem>>
        %gather3A_1756 = tpu.memref_squeeze %gather3A_1755 : memref<1x80x128xf32, #tpu.memory_space<vmem>> -> memref<80x128xf32, #tpu.memory_space<vmem>>
        %gather3A_1757 = tpu.vector_load_idx %gather3A_1756[%add3A_550, %broadcast_in_dim3A_1752] : memref<80x128xf32, #tpu.memory_space<vmem>>[vector<16xi32>, vector<16xi32>], vector<16xf32>,
        %mul3A_1758 = arith.mulf %gather3A_1757, %exp3A_626 : vector<16xf32>
        %scatter3A_1759 = arith.constant 0 : i32
        %scatter3A_1760 = arith.constant 0 : i32
        %scatter3A_1761 = tpu.memref_slice %arg8[%select_n3A_338, %scatter3A_1759, %scatter3A_1760] : memref<3x80x128xf32, #tpu.memory_space<vmem>> -> memref<1x80x128xf32, #tpu.memory_space<vmem>>
        %scatter3A_1762 = tpu.memref_squeeze %scatter3A_1761 : memref<1x80x128xf32, #tpu.memory_space<vmem>> -> memref<80x128xf32, #tpu.memory_space<vmem>>
        tpu.vector_store_idx %scatter3A_1762[%add3A_550, %broadcast_in_dim3A_1752], %mul3A_1758 : memref<80x128xf32, #tpu.memory_space<vmem>>[vector<16xi32>, vector<16xi32>], vector<16xf32>,
        %broadcast_in_dim3A_1763 = arith.constant 92 : i32
        %broadcast_in_dim3A_1764 = vector.broadcast %broadcast_in_dim3A_1763 : i32 to vector<16xi32>
        %gather3A_1765 = arith.constant 0 : i32
        %gather3A_1766 = arith.constant 0 : i32
        %gather3A_1767 = tpu.memref_slice %arg8[%select_n3A_338, %gather3A_1765, %gather3A_1766] : memref<3x80x128xf32, #tpu.memory_space<vmem>> -> memref<1x80x128xf32, #tpu.memory_space<vmem>>
        %gather3A_1768 = tpu.memref_squeeze %gather3A_1767 : memref<1x80x128xf32, #tpu.memory_space<vmem>> -> memref<80x128xf32, #tpu.memory_space<vmem>>
        %gather3A_1769 = tpu.vector_load_idx %gather3A_1768[%add3A_550, %broadcast_in_dim3A_1764] : memref<80x128xf32, #tpu.memory_space<vmem>>[vector<16xi32>, vector<16xi32>], vector<16xf32>,
        %mul3A_1770 = arith.mulf %gather3A_1769, %exp3A_626 : vector<16xf32>
        %scatter3A_1771 = arith.constant 0 : i32
        %scatter3A_1772 = arith.constant 0 : i32
        %scatter3A_1773 = tpu.memref_slice %arg8[%select_n3A_338, %scatter3A_1771, %scatter3A_1772] : memref<3x80x128xf32, #tpu.memory_space<vmem>> -> memref<1x80x128xf32, #tpu.memory_space<vmem>>
        %scatter3A_1774 = tpu.memref_squeeze %scatter3A_1773 : memref<1x80x128xf32, #tpu.memory_space<vmem>> -> memref<80x128xf32, #tpu.memory_space<vmem>>
        tpu.vector_store_idx %scatter3A_1774[%add3A_550, %broadcast_in_dim3A_1764], %mul3A_1770 : memref<80x128xf32, #tpu.memory_space<vmem>>[vector<16xi32>, vector<16xi32>], vector<16xf32>,
        %broadcast_in_dim3A_1775 = arith.constant 93 : i32
        %broadcast_in_dim3A_1776 = vector.broadcast %broadcast_in_dim3A_1775 : i32 to vector<16xi32>
        %gather3A_1777 = arith.constant 0 : i32
        %gather3A_1778 = arith.constant 0 : i32
        %gather3A_1779 = tpu.memref_slice %arg8[%select_n3A_338, %gather3A_1777, %gather3A_1778] : memref<3x80x128xf32, #tpu.memory_space<vmem>> -> memref<1x80x128xf32, #tpu.memory_space<vmem>>
        %gather3A_1780 = tpu.memref_squeeze %gather3A_1779 : memref<1x80x128xf32, #tpu.memory_space<vmem>> -> memref<80x128xf32, #tpu.memory_space<vmem>>
        %gather3A_1781 = tpu.vector_load_idx %gather3A_1780[%add3A_550, %broadcast_in_dim3A_1776] : memref<80x128xf32, #tpu.memory_space<vmem>>[vector<16xi32>, vector<16xi32>], vector<16xf32>,
        %mul3A_1782 = arith.mulf %gather3A_1781, %exp3A_626 : vector<16xf32>
        %scatter3A_1783 = arith.constant 0 : i32
        %scatter3A_1784 = arith.constant 0 : i32
        %scatter3A_1785 = tpu.memref_slice %arg8[%select_n3A_338, %scatter3A_1783, %scatter3A_1784] : memref<3x80x128xf32, #tpu.memory_space<vmem>> -> memref<1x80x128xf32, #tpu.memory_space<vmem>>
        %scatter3A_1786 = tpu.memref_squeeze %scatter3A_1785 : memref<1x80x128xf32, #tpu.memory_space<vmem>> -> memref<80x128xf32, #tpu.memory_space<vmem>>
        tpu.vector_store_idx %scatter3A_1786[%add3A_550, %broadcast_in_dim3A_1776], %mul3A_1782 : memref<80x128xf32, #tpu.memory_space<vmem>>[vector<16xi32>, vector<16xi32>], vector<16xf32>,
        %broadcast_in_dim3A_1787 = arith.constant 94 : i32
        %broadcast_in_dim3A_1788 = vector.broadcast %broadcast_in_dim3A_1787 : i32 to vector<16xi32>
        %gather3A_1789 = arith.constant 0 : i32
        %gather3A_1790 = arith.constant 0 : i32
        %gather3A_1791 = tpu.memref_slice %arg8[%select_n3A_338, %gather3A_1789, %gather3A_1790] : memref<3x80x128xf32, #tpu.memory_space<vmem>> -> memref<1x80x128xf32, #tpu.memory_space<vmem>>
        %gather3A_1792 = tpu.memref_squeeze %gather3A_1791 : memref<1x80x128xf32, #tpu.memory_space<vmem>> -> memref<80x128xf32, #tpu.memory_space<vmem>>
        %gather3A_1793 = tpu.vector_load_idx %gather3A_1792[%add3A_550, %broadcast_in_dim3A_1788] : memref<80x128xf32, #tpu.memory_space<vmem>>[vector<16xi32>, vector<16xi32>], vector<16xf32>,
        %mul3A_1794 = arith.mulf %gather3A_1793, %exp3A_626 : vector<16xf32>
        %scatter3A_1795 = arith.constant 0 : i32
        %scatter3A_1796 = arith.constant 0 : i32
        %scatter3A_1797 = tpu.memref_slice %arg8[%select_n3A_338, %scatter3A_1795, %scatter3A_1796] : memref<3x80x128xf32, #tpu.memory_space<vmem>> -> memref<1x80x128xf32, #tpu.memory_space<vmem>>
        %scatter3A_1798 = tpu.memref_squeeze %scatter3A_1797 : memref<1x80x128xf32, #tpu.memory_space<vmem>> -> memref<80x128xf32, #tpu.memory_space<vmem>>
        tpu.vector_store_idx %scatter3A_1798[%add3A_550, %broadcast_in_dim3A_1788], %mul3A_1794 : memref<80x128xf32, #tpu.memory_space<vmem>>[vector<16xi32>, vector<16xi32>], vector<16xf32>,
        %broadcast_in_dim3A_1799 = arith.constant 95 : i32
        %broadcast_in_dim3A_1800 = vector.broadcast %broadcast_in_dim3A_1799 : i32 to vector<16xi32>
        %gather3A_1801 = arith.constant 0 : i32
        %gather3A_1802 = arith.constant 0 : i32
        %gather3A_1803 = tpu.memref_slice %arg8[%select_n3A_338, %gather3A_1801, %gather3A_1802] : memref<3x80x128xf32, #tpu.memory_space<vmem>> -> memref<1x80x128xf32, #tpu.memory_space<vmem>>
        %gather3A_1804 = tpu.memref_squeeze %gather3A_1803 : memref<1x80x128xf32, #tpu.memory_space<vmem>> -> memref<80x128xf32, #tpu.memory_space<vmem>>
        %gather3A_1805 = tpu.vector_load_idx %gather3A_1804[%add3A_550, %broadcast_in_dim3A_1800] : memref<80x128xf32, #tpu.memory_space<vmem>>[vector<16xi32>, vector<16xi32>], vector<16xf32>,
        %mul3A_1806 = arith.mulf %gather3A_1805, %exp3A_626 : vector<16xf32>
        %scatter3A_1807 = arith.constant 0 : i32
        %scatter3A_1808 = arith.constant 0 : i32
        %scatter3A_1809 = tpu.memref_slice %arg8[%select_n3A_338, %scatter3A_1807, %scatter3A_1808] : memref<3x80x128xf32, #tpu.memory_space<vmem>> -> memref<1x80x128xf32, #tpu.memory_space<vmem>>
        %scatter3A_1810 = tpu.memref_squeeze %scatter3A_1809 : memref<1x80x128xf32, #tpu.memory_space<vmem>> -> memref<80x128xf32, #tpu.memory_space<vmem>>
        tpu.vector_store_idx %scatter3A_1810[%add3A_550, %broadcast_in_dim3A_1800], %mul3A_1806 : memref<80x128xf32, #tpu.memory_space<vmem>>[vector<16xi32>, vector<16xi32>], vector<16xf32>,
        %broadcast_in_dim3A_1811 = arith.constant 96 : i32
        %broadcast_in_dim3A_1812 = vector.broadcast %broadcast_in_dim3A_1811 : i32 to vector<16xi32>
        %gather3A_1813 = arith.constant 0 : i32
        %gather3A_1814 = arith.constant 0 : i32
        %gather3A_1815 = tpu.memref_slice %arg8[%select_n3A_338, %gather3A_1813, %gather3A_1814] : memref<3x80x128xf32, #tpu.memory_space<vmem>> -> memref<1x80x128xf32, #tpu.memory_space<vmem>>
        %gather3A_1816 = tpu.memref_squeeze %gather3A_1815 : memref<1x80x128xf32, #tpu.memory_space<vmem>> -> memref<80x128xf32, #tpu.memory_space<vmem>>
        %gather3A_1817 = tpu.vector_load_idx %gather3A_1816[%add3A_550, %broadcast_in_dim3A_1812] : memref<80x128xf32, #tpu.memory_space<vmem>>[vector<16xi32>, vector<16xi32>], vector<16xf32>,
        %mul3A_1818 = arith.mulf %gather3A_1817, %exp3A_654 : vector<16xf32>
        %scatter3A_1819 = arith.constant 0 : i32
        %scatter3A_1820 = arith.constant 0 : i32
        %scatter3A_1821 = tpu.memref_slice %arg8[%select_n3A_338, %scatter3A_1819, %scatter3A_1820] : memref<3x80x128xf32, #tpu.memory_space<vmem>> -> memref<1x80x128xf32, #tpu.memory_space<vmem>>
        %scatter3A_1822 = tpu.memref_squeeze %scatter3A_1821 : memref<1x80x128xf32, #tpu.memory_space<vmem>> -> memref<80x128xf32, #tpu.memory_space<vmem>>
        tpu.vector_store_idx %scatter3A_1822[%add3A_550, %broadcast_in_dim3A_1812], %mul3A_1818 : memref<80x128xf32, #tpu.memory_space<vmem>>[vector<16xi32>, vector<16xi32>], vector<16xf32>,
        %broadcast_in_dim3A_1823 = arith.constant 97 : i32
        %broadcast_in_dim3A_1824 = vector.broadcast %broadcast_in_dim3A_1823 : i32 to vector<16xi32>
        %gather3A_1825 = arith.constant 0 : i32
        %gather3A_1826 = arith.constant 0 : i32
        %gather3A_1827 = tpu.memref_slice %arg8[%select_n3A_338, %gather3A_1825, %gather3A_1826] : memref<3x80x128xf32, #tpu.memory_space<vmem>> -> memref<1x80x128xf32, #tpu.memory_space<vmem>>
        %gather3A_1828 = tpu.memref_squeeze %gather3A_1827 : memref<1x80x128xf32, #tpu.memory_space<vmem>> -> memref<80x128xf32, #tpu.memory_space<vmem>>
        %gather3A_1829 = tpu.vector_load_idx %gather3A_1828[%add3A_550, %broadcast_in_dim3A_1824] : memref<80x128xf32, #tpu.memory_space<vmem>>[vector<16xi32>, vector<16xi32>], vector<16xf32>,
        %mul3A_1830 = arith.mulf %gather3A_1829, %exp3A_654 : vector<16xf32>
        %scatter3A_1831 = arith.constant 0 : i32
        %scatter3A_1832 = arith.constant 0 : i32
        %scatter3A_1833 = tpu.memref_slice %arg8[%select_n3A_338, %scatter3A_1831, %scatter3A_1832] : memref<3x80x128xf32, #tpu.memory_space<vmem>> -> memref<1x80x128xf32, #tpu.memory_space<vmem>>
        %scatter3A_1834 = tpu.memref_squeeze %scatter3A_1833 : memref<1x80x128xf32, #tpu.memory_space<vmem>> -> memref<80x128xf32, #tpu.memory_space<vmem>>
        tpu.vector_store_idx %scatter3A_1834[%add3A_550, %broadcast_in_dim3A_1824], %mul3A_1830 : memref<80x128xf32, #tpu.memory_space<vmem>>[vector<16xi32>, vector<16xi32>], vector<16xf32>,
        %broadcast_in_dim3A_1835 = arith.constant 98 : i32
        %broadcast_in_dim3A_1836 = vector.broadcast %broadcast_in_dim3A_1835 : i32 to vector<16xi32>
        %gather3A_1837 = arith.constant 0 : i32
        %gather3A_1838 = arith.constant 0 : i32
        %gather3A_1839 = tpu.memref_slice %arg8[%select_n3A_338, %gather3A_1837, %gather3A_1838] : memref<3x80x128xf32, #tpu.memory_space<vmem>> -> memref<1x80x128xf32, #tpu.memory_space<vmem>>
        %gather3A_1840 = tpu.memref_squeeze %gather3A_1839 : memref<1x80x128xf32, #tpu.memory_space<vmem>> -> memref<80x128xf32, #tpu.memory_space<vmem>>
        %gather3A_1841 = tpu.vector_load_idx %gather3A_1840[%add3A_550, %broadcast_in_dim3A_1836] : memref<80x128xf32, #tpu.memory_space<vmem>>[vector<16xi32>, vector<16xi32>], vector<16xf32>,
        %mul3A_1842 = arith.mulf %gather3A_1841, %exp3A_654 : vector<16xf32>
        %scatter3A_1843 = arith.constant 0 : i32
        %scatter3A_1844 = arith.constant 0 : i32
        %scatter3A_1845 = tpu.memref_slice %arg8[%select_n3A_338, %scatter3A_1843, %scatter3A_1844] : memref<3x80x128xf32, #tpu.memory_space<vmem>> -> memref<1x80x128xf32, #tpu.memory_space<vmem>>
        %scatter3A_1846 = tpu.memref_squeeze %scatter3A_1845 : memref<1x80x128xf32, #tpu.memory_space<vmem>> -> memref<80x128xf32, #tpu.memory_space<vmem>>
        tpu.vector_store_idx %scatter3A_1846[%add3A_550, %broadcast_in_dim3A_1836], %mul3A_1842 : memref<80x128xf32, #tpu.memory_space<vmem>>[vector<16xi32>, vector<16xi32>], vector<16xf32>,
        %broadcast_in_dim3A_1847 = arith.constant 99 : i32
        %broadcast_in_dim3A_1848 = vector.broadcast %broadcast_in_dim3A_1847 : i32 to vector<16xi32>
        %gather3A_1849 = arith.constant 0 : i32
        %gather3A_1850 = arith.constant 0 : i32
        %gather3A_1851 = tpu.memref_slice %arg8[%select_n3A_338, %gather3A_1849, %gather3A_1850] : memref<3x80x128xf32, #tpu.memory_space<vmem>> -> memref<1x80x128xf32, #tpu.memory_space<vmem>>
        %gather3A_1852 = tpu.memref_squeeze %gather3A_1851 : memref<1x80x128xf32, #tpu.memory_space<vmem>> -> memref<80x128xf32, #tpu.memory_space<vmem>>
        %gather3A_1853 = tpu.vector_load_idx %gather3A_1852[%add3A_550, %broadcast_in_dim3A_1848] : memref<80x128xf32, #tpu.memory_space<vmem>>[vector<16xi32>, vector<16xi32>], vector<16xf32>,
        %mul3A_1854 = arith.mulf %gather3A_1853, %exp3A_654 : vector<16xf32>
        %scatter3A_1855 = arith.constant 0 : i32
        %scatter3A_1856 = arith.constant 0 : i32
        %scatter3A_1857 = tpu.memref_slice %arg8[%select_n3A_338, %scatter3A_1855, %scatter3A_1856] : memref<3x80x128xf32, #tpu.memory_space<vmem>> -> memref<1x80x128xf32, #tpu.memory_space<vmem>>
        %scatter3A_1858 = tpu.memref_squeeze %scatter3A_1857 : memref<1x80x128xf32, #tpu.memory_space<vmem>> -> memref<80x128xf32, #tpu.memory_space<vmem>>
        tpu.vector_store_idx %scatter3A_1858[%add3A_550, %broadcast_in_dim3A_1848], %mul3A_1854 : memref<80x128xf32, #tpu.memory_space<vmem>>[vector<16xi32>, vector<16xi32>], vector<16xf32>,
        %broadcast_in_dim3A_1859 = arith.constant 100 : i32
        %broadcast_in_dim3A_1860 = vector.broadcast %broadcast_in_dim3A_1859 : i32 to vector<16xi32>
        %gather3A_1861 = arith.constant 0 : i32
        %gather3A_1862 = arith.constant 0 : i32
        %gather3A_1863 = tpu.memref_slice %arg8[%select_n3A_338, %gather3A_1861, %gather3A_1862] : memref<3x80x128xf32, #tpu.memory_space<vmem>> -> memref<1x80x128xf32, #tpu.memory_space<vmem>>
        %gather3A_1864 = tpu.memref_squeeze %gather3A_1863 : memref<1x80x128xf32, #tpu.memory_space<vmem>> -> memref<80x128xf32, #tpu.memory_space<vmem>>
        %gather3A_1865 = tpu.vector_load_idx %gather3A_1864[%add3A_550, %broadcast_in_dim3A_1860] : memref<80x128xf32, #tpu.memory_space<vmem>>[vector<16xi32>, vector<16xi32>], vector<16xf32>,
        %mul3A_1866 = arith.mulf %gather3A_1865, %exp3A_654 : vector<16xf32>
        %scatter3A_1867 = arith.constant 0 : i32
        %scatter3A_1868 = arith.constant 0 : i32
        %scatter3A_1869 = tpu.memref_slice %arg8[%select_n3A_338, %scatter3A_1867, %scatter3A_1868] : memref<3x80x128xf32, #tpu.memory_space<vmem>> -> memref<1x80x128xf32, #tpu.memory_space<vmem>>
        %scatter3A_1870 = tpu.memref_squeeze %scatter3A_1869 : memref<1x80x128xf32, #tpu.memory_space<vmem>> -> memref<80x128xf32, #tpu.memory_space<vmem>>
        tpu.vector_store_idx %scatter3A_1870[%add3A_550, %broadcast_in_dim3A_1860], %mul3A_1866 : memref<80x128xf32, #tpu.memory_space<vmem>>[vector<16xi32>, vector<16xi32>], vector<16xf32>,
        %broadcast_in_dim3A_1871 = arith.constant 101 : i32
        %broadcast_in_dim3A_1872 = vector.broadcast %broadcast_in_dim3A_1871 : i32 to vector<16xi32>
        %gather3A_1873 = arith.constant 0 : i32
        %gather3A_1874 = arith.constant 0 : i32
        %gather3A_1875 = tpu.memref_slice %arg8[%select_n3A_338, %gather3A_1873, %gather3A_1874] : memref<3x80x128xf32, #tpu.memory_space<vmem>> -> memref<1x80x128xf32, #tpu.memory_space<vmem>>
        %gather3A_1876 = tpu.memref_squeeze %gather3A_1875 : memref<1x80x128xf32, #tpu.memory_space<vmem>> -> memref<80x128xf32, #tpu.memory_space<vmem>>
        %gather3A_1877 = tpu.vector_load_idx %gather3A_1876[%add3A_550, %broadcast_in_dim3A_1872] : memref<80x128xf32, #tpu.memory_space<vmem>>[vector<16xi32>, vector<16xi32>], vector<16xf32>,
        %mul3A_1878 = arith.mulf %gather3A_1877, %exp3A_654 : vector<16xf32>
        %scatter3A_1879 = arith.constant 0 : i32
        %scatter3A_1880 = arith.constant 0 : i32
        %scatter3A_1881 = tpu.memref_slice %arg8[%select_n3A_338, %scatter3A_1879, %scatter3A_1880] : memref<3x80x128xf32, #tpu.memory_space<vmem>> -> memref<1x80x128xf32, #tpu.memory_space<vmem>>
        %scatter3A_1882 = tpu.memref_squeeze %scatter3A_1881 : memref<1x80x128xf32, #tpu.memory_space<vmem>> -> memref<80x128xf32, #tpu.memory_space<vmem>>
        tpu.vector_store_idx %scatter3A_1882[%add3A_550, %broadcast_in_dim3A_1872], %mul3A_1878 : memref<80x128xf32, #tpu.memory_space<vmem>>[vector<16xi32>, vector<16xi32>], vector<16xf32>,
        %broadcast_in_dim3A_1883 = arith.constant 102 : i32
        %broadcast_in_dim3A_1884 = vector.broadcast %broadcast_in_dim3A_1883 : i32 to vector<16xi32>
        %gather3A_1885 = arith.constant 0 : i32
        %gather3A_1886 = arith.constant 0 : i32
        %gather3A_1887 = tpu.memref_slice %arg8[%select_n3A_338, %gather3A_1885, %gather3A_1886] : memref<3x80x128xf32, #tpu.memory_space<vmem>> -> memref<1x80x128xf32, #tpu.memory_space<vmem>>
        %gather3A_1888 = tpu.memref_squeeze %gather3A_1887 : memref<1x80x128xf32, #tpu.memory_space<vmem>> -> memref<80x128xf32, #tpu.memory_space<vmem>>
        %gather3A_1889 = tpu.vector_load_idx %gather3A_1888[%add3A_550, %broadcast_in_dim3A_1884] : memref<80x128xf32, #tpu.memory_space<vmem>>[vector<16xi32>, vector<16xi32>], vector<16xf32>,
        %mul3A_1890 = arith.mulf %gather3A_1889, %exp3A_654 : vector<16xf32>
        %scatter3A_1891 = arith.constant 0 : i32
        %scatter3A_1892 = arith.constant 0 : i32
        %scatter3A_1893 = tpu.memref_slice %arg8[%select_n3A_338, %scatter3A_1891, %scatter3A_1892] : memref<3x80x128xf32, #tpu.memory_space<vmem>> -> memref<1x80x128xf32, #tpu.memory_space<vmem>>
        %scatter3A_1894 = tpu.memref_squeeze %scatter3A_1893 : memref<1x80x128xf32, #tpu.memory_space<vmem>> -> memref<80x128xf32, #tpu.memory_space<vmem>>
        tpu.vector_store_idx %scatter3A_1894[%add3A_550, %broadcast_in_dim3A_1884], %mul3A_1890 : memref<80x128xf32, #tpu.memory_space<vmem>>[vector<16xi32>, vector<16xi32>], vector<16xf32>,
        %broadcast_in_dim3A_1895 = arith.constant 103 : i32
        %broadcast_in_dim3A_1896 = vector.broadcast %broadcast_in_dim3A_1895 : i32 to vector<16xi32>
        %gather3A_1897 = arith.constant 0 : i32
        %gather3A_1898 = arith.constant 0 : i32
        %gather3A_1899 = tpu.memref_slice %arg8[%select_n3A_338, %gather3A_1897, %gather3A_1898] : memref<3x80x128xf32, #tpu.memory_space<vmem>> -> memref<1x80x128xf32, #tpu.memory_space<vmem>>
        %gather3A_1900 = tpu.memref_squeeze %gather3A_1899 : memref<1x80x128xf32, #tpu.memory_space<vmem>> -> memref<80x128xf32, #tpu.memory_space<vmem>>
        %gather3A_1901 = tpu.vector_load_idx %gather3A_1900[%add3A_550, %broadcast_in_dim3A_1896] : memref<80x128xf32, #tpu.memory_space<vmem>>[vector<16xi32>, vector<16xi32>], vector<16xf32>,
        %mul3A_1902 = arith.mulf %gather3A_1901, %exp3A_654 : vector<16xf32>
        %scatter3A_1903 = arith.constant 0 : i32
        %scatter3A_1904 = arith.constant 0 : i32
        %scatter3A_1905 = tpu.memref_slice %arg8[%select_n3A_338, %scatter3A_1903, %scatter3A_1904] : memref<3x80x128xf32, #tpu.memory_space<vmem>> -> memref<1x80x128xf32, #tpu.memory_space<vmem>>
        %scatter3A_1906 = tpu.memref_squeeze %scatter3A_1905 : memref<1x80x128xf32, #tpu.memory_space<vmem>> -> memref<80x128xf32, #tpu.memory_space<vmem>>
        tpu.vector_store_idx %scatter3A_1906[%add3A_550, %broadcast_in_dim3A_1896], %mul3A_1902 : memref<80x128xf32, #tpu.memory_space<vmem>>[vector<16xi32>, vector<16xi32>], vector<16xf32>,
        %broadcast_in_dim3A_1907 = arith.constant 104 : i32
        %broadcast_in_dim3A_1908 = vector.broadcast %broadcast_in_dim3A_1907 : i32 to vector<16xi32>
        %gather3A_1909 = arith.constant 0 : i32
        %gather3A_1910 = arith.constant 0 : i32
        %gather3A_1911 = tpu.memref_slice %arg8[%select_n3A_338, %gather3A_1909, %gather3A_1910] : memref<3x80x128xf32, #tpu.memory_space<vmem>> -> memref<1x80x128xf32, #tpu.memory_space<vmem>>
        %gather3A_1912 = tpu.memref_squeeze %gather3A_1911 : memref<1x80x128xf32, #tpu.memory_space<vmem>> -> memref<80x128xf32, #tpu.memory_space<vmem>>
        %gather3A_1913 = tpu.vector_load_idx %gather3A_1912[%add3A_550, %broadcast_in_dim3A_1908] : memref<80x128xf32, #tpu.memory_space<vmem>>[vector<16xi32>, vector<16xi32>], vector<16xf32>,
        %mul3A_1914 = arith.mulf %gather3A_1913, %exp3A_654 : vector<16xf32>
        %scatter3A_1915 = arith.constant 0 : i32
        %scatter3A_1916 = arith.constant 0 : i32
        %scatter3A_1917 = tpu.memref_slice %arg8[%select_n3A_338, %scatter3A_1915, %scatter3A_1916] : memref<3x80x128xf32, #tpu.memory_space<vmem>> -> memref<1x80x128xf32, #tpu.memory_space<vmem>>
        %scatter3A_1918 = tpu.memref_squeeze %scatter3A_1917 : memref<1x80x128xf32, #tpu.memory_space<vmem>> -> memref<80x128xf32, #tpu.memory_space<vmem>>
        tpu.vector_store_idx %scatter3A_1918[%add3A_550, %broadcast_in_dim3A_1908], %mul3A_1914 : memref<80x128xf32, #tpu.memory_space<vmem>>[vector<16xi32>, vector<16xi32>], vector<16xf32>,
        %broadcast_in_dim3A_1919 = arith.constant 105 : i32
        %broadcast_in_dim3A_1920 = vector.broadcast %broadcast_in_dim3A_1919 : i32 to vector<16xi32>
        %gather3A_1921 = arith.constant 0 : i32
        %gather3A_1922 = arith.constant 0 : i32
        %gather3A_1923 = tpu.memref_slice %arg8[%select_n3A_338, %gather3A_1921, %gather3A_1922] : memref<3x80x128xf32, #tpu.memory_space<vmem>> -> memref<1x80x128xf32, #tpu.memory_space<vmem>>
        %gather3A_1924 = tpu.memref_squeeze %gather3A_1923 : memref<1x80x128xf32, #tpu.memory_space<vmem>> -> memref<80x128xf32, #tpu.memory_space<vmem>>
        %gather3A_1925 = tpu.vector_load_idx %gather3A_1924[%add3A_550, %broadcast_in_dim3A_1920] : memref<80x128xf32, #tpu.memory_space<vmem>>[vector<16xi32>, vector<16xi32>], vector<16xf32>,
        %mul3A_1926 = arith.mulf %gather3A_1925, %exp3A_654 : vector<16xf32>
        %scatter3A_1927 = arith.constant 0 : i32
        %scatter3A_1928 = arith.constant 0 : i32
        %scatter3A_1929 = tpu.memref_slice %arg8[%select_n3A_338, %scatter3A_1927, %scatter3A_1928] : memref<3x80x128xf32, #tpu.memory_space<vmem>> -> memref<1x80x128xf32, #tpu.memory_space<vmem>>
        %scatter3A_1930 = tpu.memref_squeeze %scatter3A_1929 : memref<1x80x128xf32, #tpu.memory_space<vmem>> -> memref<80x128xf32, #tpu.memory_space<vmem>>
        tpu.vector_store_idx %scatter3A_1930[%add3A_550, %broadcast_in_dim3A_1920], %mul3A_1926 : memref<80x128xf32, #tpu.memory_space<vmem>>[vector<16xi32>, vector<16xi32>], vector<16xf32>,
        %broadcast_in_dim3A_1931 = arith.constant 106 : i32
        %broadcast_in_dim3A_1932 = vector.broadcast %broadcast_in_dim3A_1931 : i32 to vector<16xi32>
        %gather3A_1933 = arith.constant 0 : i32
        %gather3A_1934 = arith.constant 0 : i32
        %gather3A_1935 = tpu.memref_slice %arg8[%select_n3A_338, %gather3A_1933, %gather3A_1934] : memref<3x80x128xf32, #tpu.memory_space<vmem>> -> memref<1x80x128xf32, #tpu.memory_space<vmem>>
        %gather3A_1936 = tpu.memref_squeeze %gather3A_1935 : memref<1x80x128xf32, #tpu.memory_space<vmem>> -> memref<80x128xf32, #tpu.memory_space<vmem>>
        %gather3A_1937 = tpu.vector_load_idx %gather3A_1936[%add3A_550, %broadcast_in_dim3A_1932] : memref<80x128xf32, #tpu.memory_space<vmem>>[vector<16xi32>, vector<16xi32>], vector<16xf32>,
        %mul3A_1938 = arith.mulf %gather3A_1937, %exp3A_654 : vector<16xf32>
        %scatter3A_1939 = arith.constant 0 : i32
        %scatter3A_1940 = arith.constant 0 : i32
        %scatter3A_1941 = tpu.memref_slice %arg8[%select_n3A_338, %scatter3A_1939, %scatter3A_1940] : memref<3x80x128xf32, #tpu.memory_space<vmem>> -> memref<1x80x128xf32, #tpu.memory_space<vmem>>
        %scatter3A_1942 = tpu.memref_squeeze %scatter3A_1941 : memref<1x80x128xf32, #tpu.memory_space<vmem>> -> memref<80x128xf32, #tpu.memory_space<vmem>>
        tpu.vector_store_idx %scatter3A_1942[%add3A_550, %broadcast_in_dim3A_1932], %mul3A_1938 : memref<80x128xf32, #tpu.memory_space<vmem>>[vector<16xi32>, vector<16xi32>], vector<16xf32>,
        %broadcast_in_dim3A_1943 = arith.constant 107 : i32
        %broadcast_in_dim3A_1944 = vector.broadcast %broadcast_in_dim3A_1943 : i32 to vector<16xi32>
        %gather3A_1945 = arith.constant 0 : i32
        %gather3A_1946 = arith.constant 0 : i32
        %gather3A_1947 = tpu.memref_slice %arg8[%select_n3A_338, %gather3A_1945, %gather3A_1946] : memref<3x80x128xf32, #tpu.memory_space<vmem>> -> memref<1x80x128xf32, #tpu.memory_space<vmem>>
        %gather3A_1948 = tpu.memref_squeeze %gather3A_1947 : memref<1x80x128xf32, #tpu.memory_space<vmem>> -> memref<80x128xf32, #tpu.memory_space<vmem>>
        %gather3A_1949 = tpu.vector_load_idx %gather3A_1948[%add3A_550, %broadcast_in_dim3A_1944] : memref<80x128xf32, #tpu.memory_space<vmem>>[vector<16xi32>, vector<16xi32>], vector<16xf32>,
        %mul3A_1950 = arith.mulf %gather3A_1949, %exp3A_654 : vector<16xf32>
        %scatter3A_1951 = arith.constant 0 : i32
        %scatter3A_1952 = arith.constant 0 : i32
        %scatter3A_1953 = tpu.memref_slice %arg8[%select_n3A_338, %scatter3A_1951, %scatter3A_1952] : memref<3x80x128xf32, #tpu.memory_space<vmem>> -> memref<1x80x128xf32, #tpu.memory_space<vmem>>
        %scatter3A_1954 = tpu.memref_squeeze %scatter3A_1953 : memref<1x80x128xf32, #tpu.memory_space<vmem>> -> memref<80x128xf32, #tpu.memory_space<vmem>>
        tpu.vector_store_idx %scatter3A_1954[%add3A_550, %broadcast_in_dim3A_1944], %mul3A_1950 : memref<80x128xf32, #tpu.memory_space<vmem>>[vector<16xi32>, vector<16xi32>], vector<16xf32>,
        %broadcast_in_dim3A_1955 = arith.constant 108 : i32
        %broadcast_in_dim3A_1956 = vector.broadcast %broadcast_in_dim3A_1955 : i32 to vector<16xi32>
        %gather3A_1957 = arith.constant 0 : i32
        %gather3A_1958 = arith.constant 0 : i32
        %gather3A_1959 = tpu.memref_slice %arg8[%select_n3A_338, %gather3A_1957, %gather3A_1958] : memref<3x80x128xf32, #tpu.memory_space<vmem>> -> memref<1x80x128xf32, #tpu.memory_space<vmem>>
        %gather3A_1960 = tpu.memref_squeeze %gather3A_1959 : memref<1x80x128xf32, #tpu.memory_space<vmem>> -> memref<80x128xf32, #tpu.memory_space<vmem>>
        %gather3A_1961 = tpu.vector_load_idx %gather3A_1960[%add3A_550, %broadcast_in_dim3A_1956] : memref<80x128xf32, #tpu.memory_space<vmem>>[vector<16xi32>, vector<16xi32>], vector<16xf32>,
        %mul3A_1962 = arith.mulf %gather3A_1961, %exp3A_654 : vector<16xf32>
        %scatter3A_1963 = arith.constant 0 : i32
        %scatter3A_1964 = arith.constant 0 : i32
        %scatter3A_1965 = tpu.memref_slice %arg8[%select_n3A_338, %scatter3A_1963, %scatter3A_1964] : memref<3x80x128xf32, #tpu.memory_space<vmem>> -> memref<1x80x128xf32, #tpu.memory_space<vmem>>
        %scatter3A_1966 = tpu.memref_squeeze %scatter3A_1965 : memref<1x80x128xf32, #tpu.memory_space<vmem>> -> memref<80x128xf32, #tpu.memory_space<vmem>>
        tpu.vector_store_idx %scatter3A_1966[%add3A_550, %broadcast_in_dim3A_1956], %mul3A_1962 : memref<80x128xf32, #tpu.memory_space<vmem>>[vector<16xi32>, vector<16xi32>], vector<16xf32>,
        %broadcast_in_dim3A_1967 = arith.constant 109 : i32
        %broadcast_in_dim3A_1968 = vector.broadcast %broadcast_in_dim3A_1967 : i32 to vector<16xi32>
        %gather3A_1969 = arith.constant 0 : i32
        %gather3A_1970 = arith.constant 0 : i32
        %gather3A_1971 = tpu.memref_slice %arg8[%select_n3A_338, %gather3A_1969, %gather3A_1970] : memref<3x80x128xf32, #tpu.memory_space<vmem>> -> memref<1x80x128xf32, #tpu.memory_space<vmem>>
        %gather3A_1972 = tpu.memref_squeeze %gather3A_1971 : memref<1x80x128xf32, #tpu.memory_space<vmem>> -> memref<80x128xf32, #tpu.memory_space<vmem>>
        %gather3A_1973 = tpu.vector_load_idx %gather3A_1972[%add3A_550, %broadcast_in_dim3A_1968] : memref<80x128xf32, #tpu.memory_space<vmem>>[vector<16xi32>, vector<16xi32>], vector<16xf32>,
        %mul3A_1974 = arith.mulf %gather3A_1973, %exp3A_654 : vector<16xf32>
        %scatter3A_1975 = arith.constant 0 : i32
        %scatter3A_1976 = arith.constant 0 : i32
        %scatter3A_1977 = tpu.memref_slice %arg8[%select_n3A_338, %scatter3A_1975, %scatter3A_1976] : memref<3x80x128xf32, #tpu.memory_space<vmem>> -> memref<1x80x128xf32, #tpu.memory_space<vmem>>
        %scatter3A_1978 = tpu.memref_squeeze %scatter3A_1977 : memref<1x80x128xf32, #tpu.memory_space<vmem>> -> memref<80x128xf32, #tpu.memory_space<vmem>>
        tpu.vector_store_idx %scatter3A_1978[%add3A_550, %broadcast_in_dim3A_1968], %mul3A_1974 : memref<80x128xf32, #tpu.memory_space<vmem>>[vector<16xi32>, vector<16xi32>], vector<16xf32>,
        %broadcast_in_dim3A_1979 = arith.constant 110 : i32
        %broadcast_in_dim3A_1980 = vector.broadcast %broadcast_in_dim3A_1979 : i32 to vector<16xi32>
        %gather3A_1981 = arith.constant 0 : i32
        %gather3A_1982 = arith.constant 0 : i32
        %gather3A_1983 = tpu.memref_slice %arg8[%select_n3A_338, %gather3A_1981, %gather3A_1982] : memref<3x80x128xf32, #tpu.memory_space<vmem>> -> memref<1x80x128xf32, #tpu.memory_space<vmem>>
        %gather3A_1984 = tpu.memref_squeeze %gather3A_1983 : memref<1x80x128xf32, #tpu.memory_space<vmem>> -> memref<80x128xf32, #tpu.memory_space<vmem>>
        %gather3A_1985 = tpu.vector_load_idx %gather3A_1984[%add3A_550, %broadcast_in_dim3A_1980] : memref<80x128xf32, #tpu.memory_space<vmem>>[vector<16xi32>, vector<16xi32>], vector<16xf32>,
        %mul3A_1986 = arith.mulf %gather3A_1985, %exp3A_654 : vector<16xf32>
        %scatter3A_1987 = arith.constant 0 : i32
        %scatter3A_1988 = arith.constant 0 : i32
        %scatter3A_1989 = tpu.memref_slice %arg8[%select_n3A_338, %scatter3A_1987, %scatter3A_1988] : memref<3x80x128xf32, #tpu.memory_space<vmem>> -> memref<1x80x128xf32, #tpu.memory_space<vmem>>
        %scatter3A_1990 = tpu.memref_squeeze %scatter3A_1989 : memref<1x80x128xf32, #tpu.memory_space<vmem>> -> memref<80x128xf32, #tpu.memory_space<vmem>>
        tpu.vector_store_idx %scatter3A_1990[%add3A_550, %broadcast_in_dim3A_1980], %mul3A_1986 : memref<80x128xf32, #tpu.memory_space<vmem>>[vector<16xi32>, vector<16xi32>], vector<16xf32>,
        %broadcast_in_dim3A_1991 = arith.constant 111 : i32
        %broadcast_in_dim3A_1992 = vector.broadcast %broadcast_in_dim3A_1991 : i32 to vector<16xi32>
        %gather3A_1993 = arith.constant 0 : i32
        %gather3A_1994 = arith.constant 0 : i32
        %gather3A_1995 = tpu.memref_slice %arg8[%select_n3A_338, %gather3A_1993, %gather3A_1994] : memref<3x80x128xf32, #tpu.memory_space<vmem>> -> memref<1x80x128xf32, #tpu.memory_space<vmem>>
        %gather3A_1996 = tpu.memref_squeeze %gather3A_1995 : memref<1x80x128xf32, #tpu.memory_space<vmem>> -> memref<80x128xf32, #tpu.memory_space<vmem>>
        %gather3A_1997 = tpu.vector_load_idx %gather3A_1996[%add3A_550, %broadcast_in_dim3A_1992] : memref<80x128xf32, #tpu.memory_space<vmem>>[vector<16xi32>, vector<16xi32>], vector<16xf32>,
        %mul3A_1998 = arith.mulf %gather3A_1997, %exp3A_654 : vector<16xf32>
        %scatter3A_1999 = arith.constant 0 : i32
        %scatter3A_2000 = arith.constant 0 : i32
        %scatter3A_2001 = tpu.memref_slice %arg8[%select_n3A_338, %scatter3A_1999, %scatter3A_2000] : memref<3x80x128xf32, #tpu.memory_space<vmem>> -> memref<1x80x128xf32, #tpu.memory_space<vmem>>
        %scatter3A_2002 = tpu.memref_squeeze %scatter3A_2001 : memref<1x80x128xf32, #tpu.memory_space<vmem>> -> memref<80x128xf32, #tpu.memory_space<vmem>>
        tpu.vector_store_idx %scatter3A_2002[%add3A_550, %broadcast_in_dim3A_1992], %mul3A_1998 : memref<80x128xf32, #tpu.memory_space<vmem>>[vector<16xi32>, vector<16xi32>], vector<16xf32>,
        %broadcast_in_dim3A_2003 = arith.constant 112 : i32
        %broadcast_in_dim3A_2004 = vector.broadcast %broadcast_in_dim3A_2003 : i32 to vector<16xi32>
        %gather3A_2005 = arith.constant 0 : i32
        %gather3A_2006 = arith.constant 0 : i32
        %gather3A_2007 = tpu.memref_slice %arg8[%select_n3A_338, %gather3A_2005, %gather3A_2006] : memref<3x80x128xf32, #tpu.memory_space<vmem>> -> memref<1x80x128xf32, #tpu.memory_space<vmem>>
        %gather3A_2008 = tpu.memref_squeeze %gather3A_2007 : memref<1x80x128xf32, #tpu.memory_space<vmem>> -> memref<80x128xf32, #tpu.memory_space<vmem>>
        %gather3A_2009 = tpu.vector_load_idx %gather3A_2008[%add3A_550, %broadcast_in_dim3A_2004] : memref<80x128xf32, #tpu.memory_space<vmem>>[vector<16xi32>, vector<16xi32>], vector<16xf32>,
        %mul3A_2010 = arith.mulf %gather3A_2009, %exp3A_654 : vector<16xf32>
        %scatter3A_2011 = arith.constant 0 : i32
        %scatter3A_2012 = arith.constant 0 : i32
        %scatter3A_2013 = tpu.memref_slice %arg8[%select_n3A_338, %scatter3A_2011, %scatter3A_2012] : memref<3x80x128xf32, #tpu.memory_space<vmem>> -> memref<1x80x128xf32, #tpu.memory_space<vmem>>
        %scatter3A_2014 = tpu.memref_squeeze %scatter3A_2013 : memref<1x80x128xf32, #tpu.memory_space<vmem>> -> memref<80x128xf32, #tpu.memory_space<vmem>>
        tpu.vector_store_idx %scatter3A_2014[%add3A_550, %broadcast_in_dim3A_2004], %mul3A_2010 : memref<80x128xf32, #tpu.memory_space<vmem>>[vector<16xi32>, vector<16xi32>], vector<16xf32>,
        %broadcast_in_dim3A_2015 = arith.constant 113 : i32
        %broadcast_in_dim3A_2016 = vector.broadcast %broadcast_in_dim3A_2015 : i32 to vector<16xi32>
        %gather3A_2017 = arith.constant 0 : i32
        %gather3A_2018 = arith.constant 0 : i32
        %gather3A_2019 = tpu.memref_slice %arg8[%select_n3A_338, %gather3A_2017, %gather3A_2018] : memref<3x80x128xf32, #tpu.memory_space<vmem>> -> memref<1x80x128xf32, #tpu.memory_space<vmem>>
        %gather3A_2020 = tpu.memref_squeeze %gather3A_2019 : memref<1x80x128xf32, #tpu.memory_space<vmem>> -> memref<80x128xf32, #tpu.memory_space<vmem>>
        %gather3A_2021 = tpu.vector_load_idx %gather3A_2020[%add3A_550, %broadcast_in_dim3A_2016] : memref<80x128xf32, #tpu.memory_space<vmem>>[vector<16xi32>, vector<16xi32>], vector<16xf32>,
        %mul3A_2022 = arith.mulf %gather3A_2021, %exp3A_654 : vector<16xf32>
        %scatter3A_2023 = arith.constant 0 : i32
        %scatter3A_2024 = arith.constant 0 : i32
        %scatter3A_2025 = tpu.memref_slice %arg8[%select_n3A_338, %scatter3A_2023, %scatter3A_2024] : memref<3x80x128xf32, #tpu.memory_space<vmem>> -> memref<1x80x128xf32, #tpu.memory_space<vmem>>
        %scatter3A_2026 = tpu.memref_squeeze %scatter3A_2025 : memref<1x80x128xf32, #tpu.memory_space<vmem>> -> memref<80x128xf32, #tpu.memory_space<vmem>>
        tpu.vector_store_idx %scatter3A_2026[%add3A_550, %broadcast_in_dim3A_2016], %mul3A_2022 : memref<80x128xf32, #tpu.memory_space<vmem>>[vector<16xi32>, vector<16xi32>], vector<16xf32>,
        %broadcast_in_dim3A_2027 = arith.constant 114 : i32
        %broadcast_in_dim3A_2028 = vector.broadcast %broadcast_in_dim3A_2027 : i32 to vector<16xi32>
        %gather3A_2029 = arith.constant 0 : i32
        %gather3A_2030 = arith.constant 0 : i32
        %gather3A_2031 = tpu.memref_slice %arg8[%select_n3A_338, %gather3A_2029, %gather3A_2030] : memref<3x80x128xf32, #tpu.memory_space<vmem>> -> memref<1x80x128xf32, #tpu.memory_space<vmem>>
        %gather3A_2032 = tpu.memref_squeeze %gather3A_2031 : memref<1x80x128xf32, #tpu.memory_space<vmem>> -> memref<80x128xf32, #tpu.memory_space<vmem>>
        %gather3A_2033 = tpu.vector_load_idx %gather3A_2032[%add3A_550, %broadcast_in_dim3A_2028] : memref<80x128xf32, #tpu.memory_space<vmem>>[vector<16xi32>, vector<16xi32>], vector<16xf32>,
        %mul3A_2034 = arith.mulf %gather3A_2033, %exp3A_654 : vector<16xf32>
        %scatter3A_2035 = arith.constant 0 : i32
        %scatter3A_2036 = arith.constant 0 : i32
        %scatter3A_2037 = tpu.memref_slice %arg8[%select_n3A_338, %scatter3A_2035, %scatter3A_2036] : memref<3x80x128xf32, #tpu.memory_space<vmem>> -> memref<1x80x128xf32, #tpu.memory_space<vmem>>
        %scatter3A_2038 = tpu.memref_squeeze %scatter3A_2037 : memref<1x80x128xf32, #tpu.memory_space<vmem>> -> memref<80x128xf32, #tpu.memory_space<vmem>>
        tpu.vector_store_idx %scatter3A_2038[%add3A_550, %broadcast_in_dim3A_2028], %mul3A_2034 : memref<80x128xf32, #tpu.memory_space<vmem>>[vector<16xi32>, vector<16xi32>], vector<16xf32>,
        %broadcast_in_dim3A_2039 = arith.constant 115 : i32
        %broadcast_in_dim3A_2040 = vector.broadcast %broadcast_in_dim3A_2039 : i32 to vector<16xi32>
        %gather3A_2041 = arith.constant 0 : i32
        %gather3A_2042 = arith.constant 0 : i32
        %gather3A_2043 = tpu.memref_slice %arg8[%select_n3A_338, %gather3A_2041, %gather3A_2042] : memref<3x80x128xf32, #tpu.memory_space<vmem>> -> memref<1x80x128xf32, #tpu.memory_space<vmem>>
        %gather3A_2044 = tpu.memref_squeeze %gather3A_2043 : memref<1x80x128xf32, #tpu.memory_space<vmem>> -> memref<80x128xf32, #tpu.memory_space<vmem>>
        %gather3A_2045 = tpu.vector_load_idx %gather3A_2044[%add3A_550, %broadcast_in_dim3A_2040] : memref<80x128xf32, #tpu.memory_space<vmem>>[vector<16xi32>, vector<16xi32>], vector<16xf32>,
        %mul3A_2046 = arith.mulf %gather3A_2045, %exp3A_654 : vector<16xf32>
        %scatter3A_2047 = arith.constant 0 : i32
        %scatter3A_2048 = arith.constant 0 : i32
        %scatter3A_2049 = tpu.memref_slice %arg8[%select_n3A_338, %scatter3A_2047, %scatter3A_2048] : memref<3x80x128xf32, #tpu.memory_space<vmem>> -> memref<1x80x128xf32, #tpu.memory_space<vmem>>
        %scatter3A_2050 = tpu.memref_squeeze %scatter3A_2049 : memref<1x80x128xf32, #tpu.memory_space<vmem>> -> memref<80x128xf32, #tpu.memory_space<vmem>>
        tpu.vector_store_idx %scatter3A_2050[%add3A_550, %broadcast_in_dim3A_2040], %mul3A_2046 : memref<80x128xf32, #tpu.memory_space<vmem>>[vector<16xi32>, vector<16xi32>], vector<16xf32>,
        %broadcast_in_dim3A_2051 = arith.constant 116 : i32
        %broadcast_in_dim3A_2052 = vector.broadcast %broadcast_in_dim3A_2051 : i32 to vector<16xi32>
        %gather3A_2053 = arith.constant 0 : i32
        %gather3A_2054 = arith.constant 0 : i32
        %gather3A_2055 = tpu.memref_slice %arg8[%select_n3A_338, %gather3A_2053, %gather3A_2054] : memref<3x80x128xf32, #tpu.memory_space<vmem>> -> memref<1x80x128xf32, #tpu.memory_space<vmem>>
        %gather3A_2056 = tpu.memref_squeeze %gather3A_2055 : memref<1x80x128xf32, #tpu.memory_space<vmem>> -> memref<80x128xf32, #tpu.memory_space<vmem>>
        %gather3A_2057 = tpu.vector_load_idx %gather3A_2056[%add3A_550, %broadcast_in_dim3A_2052] : memref<80x128xf32, #tpu.memory_space<vmem>>[vector<16xi32>, vector<16xi32>], vector<16xf32>,
        %mul3A_2058 = arith.mulf %gather3A_2057, %exp3A_654 : vector<16xf32>
        %scatter3A_2059 = arith.constant 0 : i32
        %scatter3A_2060 = arith.constant 0 : i32
        %scatter3A_2061 = tpu.memref_slice %arg8[%select_n3A_338, %scatter3A_2059, %scatter3A_2060] : memref<3x80x128xf32, #tpu.memory_space<vmem>> -> memref<1x80x128xf32, #tpu.memory_space<vmem>>
        %scatter3A_2062 = tpu.memref_squeeze %scatter3A_2061 : memref<1x80x128xf32, #tpu.memory_space<vmem>> -> memref<80x128xf32, #tpu.memory_space<vmem>>
        tpu.vector_store_idx %scatter3A_2062[%add3A_550, %broadcast_in_dim3A_2052], %mul3A_2058 : memref<80x128xf32, #tpu.memory_space<vmem>>[vector<16xi32>, vector<16xi32>], vector<16xf32>,
        %broadcast_in_dim3A_2063 = arith.constant 117 : i32
        %broadcast_in_dim3A_2064 = vector.broadcast %broadcast_in_dim3A_2063 : i32 to vector<16xi32>
        %gather3A_2065 = arith.constant 0 : i32
        %gather3A_2066 = arith.constant 0 : i32
        %gather3A_2067 = tpu.memref_slice %arg8[%select_n3A_338, %gather3A_2065, %gather3A_2066] : memref<3x80x128xf32, #tpu.memory_space<vmem>> -> memref<1x80x128xf32, #tpu.memory_space<vmem>>
        %gather3A_2068 = tpu.memref_squeeze %gather3A_2067 : memref<1x80x128xf32, #tpu.memory_space<vmem>> -> memref<80x128xf32, #tpu.memory_space<vmem>>
        %gather3A_2069 = tpu.vector_load_idx %gather3A_2068[%add3A_550, %broadcast_in_dim3A_2064] : memref<80x128xf32, #tpu.memory_space<vmem>>[vector<16xi32>, vector<16xi32>], vector<16xf32>,
        %mul3A_2070 = arith.mulf %gather3A_2069, %exp3A_654 : vector<16xf32>
        %scatter3A_2071 = arith.constant 0 : i32
        %scatter3A_2072 = arith.constant 0 : i32
        %scatter3A_2073 = tpu.memref_slice %arg8[%select_n3A_338, %scatter3A_2071, %scatter3A_2072] : memref<3x80x128xf32, #tpu.memory_space<vmem>> -> memref<1x80x128xf32, #tpu.memory_space<vmem>>
        %scatter3A_2074 = tpu.memref_squeeze %scatter3A_2073 : memref<1x80x128xf32, #tpu.memory_space<vmem>> -> memref<80x128xf32, #tpu.memory_space<vmem>>
        tpu.vector_store_idx %scatter3A_2074[%add3A_550, %broadcast_in_dim3A_2064], %mul3A_2070 : memref<80x128xf32, #tpu.memory_space<vmem>>[vector<16xi32>, vector<16xi32>], vector<16xf32>,
        %broadcast_in_dim3A_2075 = arith.constant 118 : i32
        %broadcast_in_dim3A_2076 = vector.broadcast %broadcast_in_dim3A_2075 : i32 to vector<16xi32>
        %gather3A_2077 = arith.constant 0 : i32
        %gather3A_2078 = arith.constant 0 : i32
        %gather3A_2079 = tpu.memref_slice %arg8[%select_n3A_338, %gather3A_2077, %gather3A_2078] : memref<3x80x128xf32, #tpu.memory_space<vmem>> -> memref<1x80x128xf32, #tpu.memory_space<vmem>>
        %gather3A_2080 = tpu.memref_squeeze %gather3A_2079 : memref<1x80x128xf32, #tpu.memory_space<vmem>> -> memref<80x128xf32, #tpu.memory_space<vmem>>
        %gather3A_2081 = tpu.vector_load_idx %gather3A_2080[%add3A_550, %broadcast_in_dim3A_2076] : memref<80x128xf32, #tpu.memory_space<vmem>>[vector<16xi32>, vector<16xi32>], vector<16xf32>,
        %mul3A_2082 = arith.mulf %gather3A_2081, %exp3A_654 : vector<16xf32>
        %scatter3A_2083 = arith.constant 0 : i32
        %scatter3A_2084 = arith.constant 0 : i32
        %scatter3A_2085 = tpu.memref_slice %arg8[%select_n3A_338, %scatter3A_2083, %scatter3A_2084] : memref<3x80x128xf32, #tpu.memory_space<vmem>> -> memref<1x80x128xf32, #tpu.memory_space<vmem>>
        %scatter3A_2086 = tpu.memref_squeeze %scatter3A_2085 : memref<1x80x128xf32, #tpu.memory_space<vmem>> -> memref<80x128xf32, #tpu.memory_space<vmem>>
        tpu.vector_store_idx %scatter3A_2086[%add3A_550, %broadcast_in_dim3A_2076], %mul3A_2082 : memref<80x128xf32, #tpu.memory_space<vmem>>[vector<16xi32>, vector<16xi32>], vector<16xf32>,
        %broadcast_in_dim3A_2087 = arith.constant 119 : i32
        %broadcast_in_dim3A_2088 = vector.broadcast %broadcast_in_dim3A_2087 : i32 to vector<16xi32>
        %gather3A_2089 = arith.constant 0 : i32
        %gather3A_2090 = arith.constant 0 : i32
        %gather3A_2091 = tpu.memref_slice %arg8[%select_n3A_338, %gather3A_2089, %gather3A_2090] : memref<3x80x128xf32, #tpu.memory_space<vmem>> -> memref<1x80x128xf32, #tpu.memory_space<vmem>>
        %gather3A_2092 = tpu.memref_squeeze %gather3A_2091 : memref<1x80x128xf32, #tpu.memory_space<vmem>> -> memref<80x128xf32, #tpu.memory_space<vmem>>
        %gather3A_2093 = tpu.vector_load_idx %gather3A_2092[%add3A_550, %broadcast_in_dim3A_2088] : memref<80x128xf32, #tpu.memory_space<vmem>>[vector<16xi32>, vector<16xi32>], vector<16xf32>,
        %mul3A_2094 = arith.mulf %gather3A_2093, %exp3A_654 : vector<16xf32>
        %scatter3A_2095 = arith.constant 0 : i32
        %scatter3A_2096 = arith.constant 0 : i32
        %scatter3A_2097 = tpu.memref_slice %arg8[%select_n3A_338, %scatter3A_2095, %scatter3A_2096] : memref<3x80x128xf32, #tpu.memory_space<vmem>> -> memref<1x80x128xf32, #tpu.memory_space<vmem>>
        %scatter3A_2098 = tpu.memref_squeeze %scatter3A_2097 : memref<1x80x128xf32, #tpu.memory_space<vmem>> -> memref<80x128xf32, #tpu.memory_space<vmem>>
        tpu.vector_store_idx %scatter3A_2098[%add3A_550, %broadcast_in_dim3A_2088], %mul3A_2094 : memref<80x128xf32, #tpu.memory_space<vmem>>[vector<16xi32>, vector<16xi32>], vector<16xf32>,
        %broadcast_in_dim3A_2099 = arith.constant 120 : i32
        %broadcast_in_dim3A_2100 = vector.broadcast %broadcast_in_dim3A_2099 : i32 to vector<16xi32>
        %gather3A_2101 = arith.constant 0 : i32
        %gather3A_2102 = arith.constant 0 : i32
        %gather3A_2103 = tpu.memref_slice %arg8[%select_n3A_338, %gather3A_2101, %gather3A_2102] : memref<3x80x128xf32, #tpu.memory_space<vmem>> -> memref<1x80x128xf32, #tpu.memory_space<vmem>>
        %gather3A_2104 = tpu.memref_squeeze %gather3A_2103 : memref<1x80x128xf32, #tpu.memory_space<vmem>> -> memref<80x128xf32, #tpu.memory_space<vmem>>
        %gather3A_2105 = tpu.vector_load_idx %gather3A_2104[%add3A_550, %broadcast_in_dim3A_2100] : memref<80x128xf32, #tpu.memory_space<vmem>>[vector<16xi32>, vector<16xi32>], vector<16xf32>,
        %mul3A_2106 = arith.mulf %gather3A_2105, %exp3A_654 : vector<16xf32>
        %scatter3A_2107 = arith.constant 0 : i32
        %scatter3A_2108 = arith.constant 0 : i32
        %scatter3A_2109 = tpu.memref_slice %arg8[%select_n3A_338, %scatter3A_2107, %scatter3A_2108] : memref<3x80x128xf32, #tpu.memory_space<vmem>> -> memref<1x80x128xf32, #tpu.memory_space<vmem>>
        %scatter3A_2110 = tpu.memref_squeeze %scatter3A_2109 : memref<1x80x128xf32, #tpu.memory_space<vmem>> -> memref<80x128xf32, #tpu.memory_space<vmem>>
        tpu.vector_store_idx %scatter3A_2110[%add3A_550, %broadcast_in_dim3A_2100], %mul3A_2106 : memref<80x128xf32, #tpu.memory_space<vmem>>[vector<16xi32>, vector<16xi32>], vector<16xf32>,
        %broadcast_in_dim3A_2111 = arith.constant 121 : i32
        %broadcast_in_dim3A_2112 = vector.broadcast %broadcast_in_dim3A_2111 : i32 to vector<16xi32>
        %gather3A_2113 = arith.constant 0 : i32
        %gather3A_2114 = arith.constant 0 : i32
        %gather3A_2115 = tpu.memref_slice %arg8[%select_n3A_338, %gather3A_2113, %gather3A_2114] : memref<3x80x128xf32, #tpu.memory_space<vmem>> -> memref<1x80x128xf32, #tpu.memory_space<vmem>>
        %gather3A_2116 = tpu.memref_squeeze %gather3A_2115 : memref<1x80x128xf32, #tpu.memory_space<vmem>> -> memref<80x128xf32, #tpu.memory_space<vmem>>
        %gather3A_2117 = tpu.vector_load_idx %gather3A_2116[%add3A_550, %broadcast_in_dim3A_2112] : memref<80x128xf32, #tpu.memory_space<vmem>>[vector<16xi32>, vector<16xi32>], vector<16xf32>,
        %mul3A_2118 = arith.mulf %gather3A_2117, %exp3A_654 : vector<16xf32>
        %scatter3A_2119 = arith.constant 0 : i32
        %scatter3A_2120 = arith.constant 0 : i32
        %scatter3A_2121 = tpu.memref_slice %arg8[%select_n3A_338, %scatter3A_2119, %scatter3A_2120] : memref<3x80x128xf32, #tpu.memory_space<vmem>> -> memref<1x80x128xf32, #tpu.memory_space<vmem>>
        %scatter3A_2122 = tpu.memref_squeeze %scatter3A_2121 : memref<1x80x128xf32, #tpu.memory_space<vmem>> -> memref<80x128xf32, #tpu.memory_space<vmem>>
        tpu.vector_store_idx %scatter3A_2122[%add3A_550, %broadcast_in_dim3A_2112], %mul3A_2118 : memref<80x128xf32, #tpu.memory_space<vmem>>[vector<16xi32>, vector<16xi32>], vector<16xf32>,
        %broadcast_in_dim3A_2123 = arith.constant 122 : i32
        %broadcast_in_dim3A_2124 = vector.broadcast %broadcast_in_dim3A_2123 : i32 to vector<16xi32>
        %gather3A_2125 = arith.constant 0 : i32
        %gather3A_2126 = arith.constant 0 : i32
        %gather3A_2127 = tpu.memref_slice %arg8[%select_n3A_338, %gather3A_2125, %gather3A_2126] : memref<3x80x128xf32, #tpu.memory_space<vmem>> -> memref<1x80x128xf32, #tpu.memory_space<vmem>>
        %gather3A_2128 = tpu.memref_squeeze %gather3A_2127 : memref<1x80x128xf32, #tpu.memory_space<vmem>> -> memref<80x128xf32, #tpu.memory_space<vmem>>
        %gather3A_2129 = tpu.vector_load_idx %gather3A_2128[%add3A_550, %broadcast_in_dim3A_2124] : memref<80x128xf32, #tpu.memory_space<vmem>>[vector<16xi32>, vector<16xi32>], vector<16xf32>,
        %mul3A_2130 = arith.mulf %gather3A_2129, %exp3A_654 : vector<16xf32>
        %scatter3A_2131 = arith.constant 0 : i32
        %scatter3A_2132 = arith.constant 0 : i32
        %scatter3A_2133 = tpu.memref_slice %arg8[%select_n3A_338, %scatter3A_2131, %scatter3A_2132] : memref<3x80x128xf32, #tpu.memory_space<vmem>> -> memref<1x80x128xf32, #tpu.memory_space<vmem>>
        %scatter3A_2134 = tpu.memref_squeeze %scatter3A_2133 : memref<1x80x128xf32, #tpu.memory_space<vmem>> -> memref<80x128xf32, #tpu.memory_space<vmem>>
        tpu.vector_store_idx %scatter3A_2134[%add3A_550, %broadcast_in_dim3A_2124], %mul3A_2130 : memref<80x128xf32, #tpu.memory_space<vmem>>[vector<16xi32>, vector<16xi32>], vector<16xf32>,
        %broadcast_in_dim3A_2135 = arith.constant 123 : i32
        %broadcast_in_dim3A_2136 = vector.broadcast %broadcast_in_dim3A_2135 : i32 to vector<16xi32>
        %gather3A_2137 = arith.constant 0 : i32
        %gather3A_2138 = arith.constant 0 : i32
        %gather3A_2139 = tpu.memref_slice %arg8[%select_n3A_338, %gather3A_2137, %gather3A_2138] : memref<3x80x128xf32, #tpu.memory_space<vmem>> -> memref<1x80x128xf32, #tpu.memory_space<vmem>>
        %gather3A_2140 = tpu.memref_squeeze %gather3A_2139 : memref<1x80x128xf32, #tpu.memory_space<vmem>> -> memref<80x128xf32, #tpu.memory_space<vmem>>
        %gather3A_2141 = tpu.vector_load_idx %gather3A_2140[%add3A_550, %broadcast_in_dim3A_2136] : memref<80x128xf32, #tpu.memory_space<vmem>>[vector<16xi32>, vector<16xi32>], vector<16xf32>,
        %mul3A_2142 = arith.mulf %gather3A_2141, %exp3A_654 : vector<16xf32>
        %scatter3A_2143 = arith.constant 0 : i32
        %scatter3A_2144 = arith.constant 0 : i32
        %scatter3A_2145 = tpu.memref_slice %arg8[%select_n3A_338, %scatter3A_2143, %scatter3A_2144] : memref<3x80x128xf32, #tpu.memory_space<vmem>> -> memref<1x80x128xf32, #tpu.memory_space<vmem>>
        %scatter3A_2146 = tpu.memref_squeeze %scatter3A_2145 : memref<1x80x128xf32, #tpu.memory_space<vmem>> -> memref<80x128xf32, #tpu.memory_space<vmem>>
        tpu.vector_store_idx %scatter3A_2146[%add3A_550, %broadcast_in_dim3A_2136], %mul3A_2142 : memref<80x128xf32, #tpu.memory_space<vmem>>[vector<16xi32>, vector<16xi32>], vector<16xf32>,
        %broadcast_in_dim3A_2147 = arith.constant 124 : i32
        %broadcast_in_dim3A_2148 = vector.broadcast %broadcast_in_dim3A_2147 : i32 to vector<16xi32>
        %gather3A_2149 = arith.constant 0 : i32
        %gather3A_2150 = arith.constant 0 : i32
        %gather3A_2151 = tpu.memref_slice %arg8[%select_n3A_338, %gather3A_2149, %gather3A_2150] : memref<3x80x128xf32, #tpu.memory_space<vmem>> -> memref<1x80x128xf32, #tpu.memory_space<vmem>>
        %gather3A_2152 = tpu.memref_squeeze %gather3A_2151 : memref<1x80x128xf32, #tpu.memory_space<vmem>> -> memref<80x128xf32, #tpu.memory_space<vmem>>
        %gather3A_2153 = tpu.vector_load_idx %gather3A_2152[%add3A_550, %broadcast_in_dim3A_2148] : memref<80x128xf32, #tpu.memory_space<vmem>>[vector<16xi32>, vector<16xi32>], vector<16xf32>,
        %mul3A_2154 = arith.mulf %gather3A_2153, %exp3A_654 : vector<16xf32>
        %scatter3A_2155 = arith.constant 0 : i32
        %scatter3A_2156 = arith.constant 0 : i32
        %scatter3A_2157 = tpu.memref_slice %arg8[%select_n3A_338, %scatter3A_2155, %scatter3A_2156] : memref<3x80x128xf32, #tpu.memory_space<vmem>> -> memref<1x80x128xf32, #tpu.memory_space<vmem>>
        %scatter3A_2158 = tpu.memref_squeeze %scatter3A_2157 : memref<1x80x128xf32, #tpu.memory_space<vmem>> -> memref<80x128xf32, #tpu.memory_space<vmem>>
        tpu.vector_store_idx %scatter3A_2158[%add3A_550, %broadcast_in_dim3A_2148], %mul3A_2154 : memref<80x128xf32, #tpu.memory_space<vmem>>[vector<16xi32>, vector<16xi32>], vector<16xf32>,
        %broadcast_in_dim3A_2159 = arith.constant 125 : i32
        %broadcast_in_dim3A_2160 = vector.broadcast %broadcast_in_dim3A_2159 : i32 to vector<16xi32>
        %gather3A_2161 = arith.constant 0 : i32
        %gather3A_2162 = arith.constant 0 : i32
        %gather3A_2163 = tpu.memref_slice %arg8[%select_n3A_338, %gather3A_2161, %gather3A_2162] : memref<3x80x128xf32, #tpu.memory_space<vmem>> -> memref<1x80x128xf32, #tpu.memory_space<vmem>>
        %gather3A_2164 = tpu.memref_squeeze %gather3A_2163 : memref<1x80x128xf32, #tpu.memory_space<vmem>> -> memref<80x128xf32, #tpu.memory_space<vmem>>
        %gather3A_2165 = tpu.vector_load_idx %gather3A_2164[%add3A_550, %broadcast_in_dim3A_2160] : memref<80x128xf32, #tpu.memory_space<vmem>>[vector<16xi32>, vector<16xi32>], vector<16xf32>,
        %mul3A_2166 = arith.mulf %gather3A_2165, %exp3A_654 : vector<16xf32>
        %scatter3A_2167 = arith.constant 0 : i32
        %scatter3A_2168 = arith.constant 0 : i32
        %scatter3A_2169 = tpu.memref_slice %arg8[%select_n3A_338, %scatter3A_2167, %scatter3A_2168] : memref<3x80x128xf32, #tpu.memory_space<vmem>> -> memref<1x80x128xf32, #tpu.memory_space<vmem>>
        %scatter3A_2170 = tpu.memref_squeeze %scatter3A_2169 : memref<1x80x128xf32, #tpu.memory_space<vmem>> -> memref<80x128xf32, #tpu.memory_space<vmem>>
        tpu.vector_store_idx %scatter3A_2170[%add3A_550, %broadcast_in_dim3A_2160], %mul3A_2166 : memref<80x128xf32, #tpu.memory_space<vmem>>[vector<16xi32>, vector<16xi32>], vector<16xf32>,
        %broadcast_in_dim3A_2171 = arith.constant 126 : i32
        %broadcast_in_dim3A_2172 = vector.broadcast %broadcast_in_dim3A_2171 : i32 to vector<16xi32>
        %gather3A_2173 = arith.constant 0 : i32
        %gather3A_2174 = arith.constant 0 : i32
        %gather3A_2175 = tpu.memref_slice %arg8[%select_n3A_338, %gather3A_2173, %gather3A_2174] : memref<3x80x128xf32, #tpu.memory_space<vmem>> -> memref<1x80x128xf32, #tpu.memory_space<vmem>>
        %gather3A_2176 = tpu.memref_squeeze %gather3A_2175 : memref<1x80x128xf32, #tpu.memory_space<vmem>> -> memref<80x128xf32, #tpu.memory_space<vmem>>
        %gather3A_2177 = tpu.vector_load_idx %gather3A_2176[%add3A_550, %broadcast_in_dim3A_2172] : memref<80x128xf32, #tpu.memory_space<vmem>>[vector<16xi32>, vector<16xi32>], vector<16xf32>,
        %mul3A_2178 = arith.mulf %gather3A_2177, %exp3A_654 : vector<16xf32>
        %scatter3A_2179 = arith.constant 0 : i32
        %scatter3A_2180 = arith.constant 0 : i32
        %scatter3A_2181 = tpu.memref_slice %arg8[%select_n3A_338, %scatter3A_2179, %scatter3A_2180] : memref<3x80x128xf32, #tpu.memory_space<vmem>> -> memref<1x80x128xf32, #tpu.memory_space<vmem>>
        %scatter3A_2182 = tpu.memref_squeeze %scatter3A_2181 : memref<1x80x128xf32, #tpu.memory_space<vmem>> -> memref<80x128xf32, #tpu.memory_space<vmem>>
        tpu.vector_store_idx %scatter3A_2182[%add3A_550, %broadcast_in_dim3A_2172], %mul3A_2178 : memref<80x128xf32, #tpu.memory_space<vmem>>[vector<16xi32>, vector<16xi32>], vector<16xf32>,
        %broadcast_in_dim3A_2183 = arith.constant 127 : i32
        %broadcast_in_dim3A_2184 = vector.broadcast %broadcast_in_dim3A_2183 : i32 to vector<16xi32>
        %gather3A_2185 = arith.constant 0 : i32
        %gather3A_2186 = arith.constant 0 : i32
        %gather3A_2187 = tpu.memref_slice %arg8[%select_n3A_338, %gather3A_2185, %gather3A_2186] : memref<3x80x128xf32, #tpu.memory_space<vmem>> -> memref<1x80x128xf32, #tpu.memory_space<vmem>>
        %gather3A_2188 = tpu.memref_squeeze %gather3A_2187 : memref<1x80x128xf32, #tpu.memory_space<vmem>> -> memref<80x128xf32, #tpu.memory_space<vmem>>
        %gather3A_2189 = tpu.vector_load_idx %gather3A_2188[%add3A_550, %broadcast_in_dim3A_2184] : memref<80x128xf32, #tpu.memory_space<vmem>>[vector<16xi32>, vector<16xi32>], vector<16xf32>,
        %mul3A_2190 = arith.mulf %gather3A_2189, %exp3A_654 : vector<16xf32>
        %scatter3A_2191 = arith.constant 0 : i32
        %scatter3A_2192 = arith.constant 0 : i32
        %scatter3A_2193 = tpu.memref_slice %arg8[%select_n3A_338, %scatter3A_2191, %scatter3A_2192] : memref<3x80x128xf32, #tpu.memory_space<vmem>> -> memref<1x80x128xf32, #tpu.memory_space<vmem>>
        %scatter3A_2194 = tpu.memref_squeeze %scatter3A_2193 : memref<1x80x128xf32, #tpu.memory_space<vmem>> -> memref<80x128xf32, #tpu.memory_space<vmem>>
        tpu.vector_store_idx %scatter3A_2194[%add3A_550, %broadcast_in_dim3A_2184], %mul3A_2190 : memref<80x128xf32, #tpu.memory_space<vmem>>[vector<16xi32>, vector<16xi32>], vector<16xf32>,
        %scan3A_2195 = arith.constant 0 : i32
        scf.yield %scan3A_2195 : i32
      }
      %scan3A_393 = arith.constant 5 : i32
      %ge3A = arith.constant 1 : i32
      %ge3A_394 = arith.cmpi sge, %scan3A_218, %ge3A : i32
      %convert_element_type3A = arith.extui %ge3A_394 : i1 to i32
      %cond3A = arith.constant 0 : i32
      %cond3A_395 = arith.cmpi ne, %convert_element_type3A, %cond3A : i32
      scf.if %cond3A_395 {
        %sub3A_545 = arith.constant 1 : i32
        %sub3A_546 = arith.subi %scan3A_218, %sub3A_545 : i32
        %jit3A_547 = arith.constant 2 : i32
        %eq3A_548 = arith.constant 0 : i32
        %eq3A_549 = arith.cmpi eq, %jit3A_547, %eq3A_548 : i32
        %jit3A_550 = arith.constant 1 : i32
        %select_n3A_551 = arith.select %eq3A_549, %jit3A_550, %jit3A_547 : i32
        %rem3A_552 = arith.remsi %sub3A_546, %select_n3A_551 : i32
        %ne3A_553 = arith.constant 0 : i32
        %ne3A_554 = arith.cmpi ne, %rem3A_552, %ne3A_553 : i32
        %lt3A_555 = arith.constant 0 : i32
        %lt3A_556 = arith.cmpi slt, %rem3A_552, %lt3A_555 : i32
        %lt3A_557 = arith.constant 0 : i32
        %lt3A_558 = arith.cmpi slt, %select_n3A_551, %lt3A_557 : i32
        %ne3A_559 = arith.xori %lt3A_556, %lt3A_558 : i1
        %and3A_560 = arith.andi %ne3A_559, %ne3A_554 : i1
        %add3A_561 = arith.addi %rem3A_552, %select_n3A_551 : i32
        %select_n3A_562 = arith.select %and3A_560, %add3A_561, %rem3A_552 : i32
        %jit3A_563 = arith.constant 5 : i32
        %div3A_564 = arith.divsi %sub3A_546, %jit3A_563 : i32
        %sign3A_565 = arith.constant 0 : i32
        %sign3A_566 = arith.cmpi sgt, %sub3A_546, %sign3A_565 : i32
        %sign3A_567 = arith.extui %sign3A_566 : i1 to i32
        %sign3A_568 = arith.constant 0 : i32
        %sign3A_569 = arith.cmpi slt, %sub3A_546, %sign3A_568 : i32
        %sign3A_570 = arith.extui %sign3A_569 : i1 to i32
        %sign3A_571 = arith.subi %sign3A_567, %sign3A_570 : i32
        %sign3A_572 = arith.constant 0 : i32
        %sign3A_573 = arith.cmpi sgt, %jit3A_563, %sign3A_572 : i32
        %sign3A_574 = arith.extui %sign3A_573 : i1 to i32
        %sign3A_575 = arith.constant 0 : i32
        %sign3A_576 = arith.cmpi slt, %jit3A_563, %sign3A_575 : i32
        %sign3A_577 = arith.extui %sign3A_576 : i1 to i32
        %sign3A_578 = arith.subi %sign3A_574, %sign3A_577 : i32
        %ne3A_579 = arith.cmpi ne, %sign3A_571, %sign3A_578 : i32
        %rem3A_580 = arith.remsi %sub3A_546, %jit3A_563 : i32
        %ne3A_581 = arith.constant 0 : i32
        %ne3A_582 = arith.cmpi ne, %rem3A_580, %ne3A_581 : i32
        %and3A_583 = arith.andi %ne3A_579, %ne3A_582 : i1
        %sub3A_584 = arith.constant 1 : i32
        %sub3A_585 = arith.subi %div3A_564, %sub3A_584 : i32
        %select_n3A_586 = arith.select %and3A_583, %sub3A_585, %div3A_564 : i32
        %mul3A_587 = arith.constant 5 : i32
        %mul3A_588 = arith.muli %select_n3A_586, %mul3A_587 : i32
        %sub3A_589 = arith.subi %sub3A_546, %mul3A_588 : i32
        %jit3A_590 = arith.constant 2 : i32
        %eq3A_591 = arith.constant 0 : i32
        %eq3A_592 = arith.cmpi eq, %jit3A_590, %eq3A_591 : i32
        %jit3A_593 = arith.constant 1 : i32
        %select_n3A_594 = arith.select %eq3A_592, %jit3A_593, %jit3A_590 : i32
        %rem3A_595 = arith.remsi %select_n3A_586, %select_n3A_594 : i32
        %ne3A_596 = arith.constant 0 : i32
        %ne3A_597 = arith.cmpi ne, %rem3A_595, %ne3A_596 : i32
        %lt3A_598 = arith.constant 0 : i32
        %lt3A_599 = arith.cmpi slt, %rem3A_595, %lt3A_598 : i32
        %lt3A_600 = arith.constant 0 : i32
        %lt3A_601 = arith.cmpi slt, %select_n3A_594, %lt3A_600 : i32
        %ne3A_602 = arith.xori %lt3A_599, %lt3A_601 : i1
        %and3A_603 = arith.andi %ne3A_602, %ne3A_597 : i1
        %add3A_604 = arith.addi %rem3A_595, %select_n3A_594 : i32
        %select_n3A_605 = arith.select %and3A_603, %add3A_604, %rem3A_595 : i32
        %mul3A_606 = arith.constant 80 : i32
        %mul3A_607 = arith.muli %sub3A_589, %mul3A_606 : i32
        %jit3A_608 = arith.constant 2 : i32
        %eq3A_609 = arith.constant 0 : i32
        %eq3A_610 = arith.cmpi eq, %jit3A_608, %eq3A_609 : i32
        %jit3A_611 = arith.constant 1 : i32
        %select_n3A_612 = arith.select %eq3A_610, %jit3A_611, %jit3A_608 : i32
        %rem3A_613 = arith.remsi %select_n3A_586, %select_n3A_612 : i32
        %ne3A_614 = arith.constant 0 : i32
        %ne3A_615 = arith.cmpi ne, %rem3A_613, %ne3A_614 : i32
        %lt3A_616 = arith.constant 0 : i32
        %lt3A_617 = arith.cmpi slt, %rem3A_613, %lt3A_616 : i32
        %lt3A_618 = arith.constant 0 : i32
        %lt3A_619 = arith.cmpi slt, %select_n3A_612, %lt3A_618 : i32
        %ne3A_620 = arith.xori %lt3A_617, %lt3A_619 : i1
        %and3A_621 = arith.andi %ne3A_620, %ne3A_615 : i1
        %add3A_622 = arith.addi %rem3A_613, %select_n3A_612 : i32
        %select_n3A_623 = arith.select %and3A_621, %add3A_622, %rem3A_613 : i32
        %mul3A_624 = arith.constant 80 : i32
        %mul3A_625 = arith.muli %sub3A_589, %mul3A_624 : i32
        %jit3A_626 = arith.constant 3 : i32
        %eq3A_627 = arith.constant 0 : i32
        %eq3A_628 = arith.cmpi eq, %jit3A_626, %eq3A_627 : i32
        %jit3A_629 = arith.constant 1 : i32
        %select_n3A_630 = arith.select %eq3A_628, %jit3A_629, %jit3A_626 : i32
        %rem3A_631 = arith.remsi %sub3A_546, %select_n3A_630 : i32
        %ne3A_632 = arith.constant 0 : i32
        %ne3A_633 = arith.cmpi ne, %rem3A_631, %ne3A_632 : i32
        %lt3A_634 = arith.constant 0 : i32
        %lt3A_635 = arith.cmpi slt, %rem3A_631, %lt3A_634 : i32
        %lt3A_636 = arith.constant 0 : i32
        %lt3A_637 = arith.cmpi slt, %select_n3A_630, %lt3A_636 : i32
        %ne3A_638 = arith.xori %lt3A_635, %lt3A_637 : i1
        %and3A_639 = arith.andi %ne3A_638, %ne3A_633 : i1
        %add3A_640 = arith.addi %rem3A_631, %select_n3A_630 : i32
        %select_n3A_641 = arith.select %and3A_639, %add3A_640, %rem3A_631 : i32
        %dma_wait3A_642 = arith.constant 0 : i32
        %dma_wait3A_643 = arith.constant 0 : i32
        %dma_wait3A_644 = tpu.memref_slice %arg8[%select_n3A_641, %dma_wait3A_642, %dma_wait3A_643] : memref<3x80x128xf32, #tpu.memory_space<vmem>> -> memref<1x80x128xf32, #tpu.memory_space<vmem>>
        %dma_wait3A_645 = tpu.memref_squeeze %dma_wait3A_644 : memref<1x80x128xf32, #tpu.memory_space<vmem>> -> memref<80x128xf32, #tpu.memory_space<vmem>>
        %dma_wait3A_646 = tpu.memref_slice %arg13[%select_n3A_623, %mul3A_625] : memref<2x400xi32, #tpu.memory_space<vmem>> -> memref<1x80xi32, #tpu.memory_space<vmem>>
        %dma_wait3A_647 = tpu.memref_squeeze %dma_wait3A_646 : memref<1x80xi32, #tpu.memory_space<vmem>> -> memref<80xi32, #tpu.memory_space<vmem>>
        %dma_wait3A_648 = arith.constant 0 : i32
        %dma_wait3A_649 = arith.constant 0 : i32
        %dma_wait3A_650 = tpu.memref_slice %arg14[%dma_wait3A_648, %dma_wait3A_649] : memref<10000x128xf32, #tpu.memory_space<vmem_shared>> -> memref<10000x128xf32, #tpu.memory_space<vmem_shared>>
        %dma_wait3A_651 = tpu.memref_slice %arg17[%select_n3A_562] : memref<2x!tpu.dma_semaphore, #tpu.memory_space<semaphore_mem>> -> memref<1x!tpu.dma_semaphore, #tpu.memory_space<semaphore_mem>>
        %dma_wait3A_652 = tpu.memref_squeeze %dma_wait3A_651 : memref<1x!tpu.dma_semaphore, #tpu.memory_space<semaphore_mem>> -> memref<!tpu.dma_semaphore, #tpu.memory_space<semaphore_mem>>
        tpu.wait_indirect_dma semaphore(%dma_wait3A_652 : memref<!tpu.dma_semaphore, #tpu.memory_space<semaphore_mem>>) src(%dma_wait3A_645 : memref<80x128xf32, #tpu.memory_space<vmem>>) dst(%dma_wait3A_650 : memref<10000x128xf32, #tpu.memory_space<vmem_shared>>)
        %dma_wait3A_653 = arith.constant 0 : i32
        %dma_wait3A_654 = arith.constant 0 : i32
        %dma_wait3A_655 = tpu.memref_slice %arg11[%select_n3A_562, %dma_wait3A_653, %dma_wait3A_654] : memref<2x80x8xf32, #tpu.memory_space<vmem>> -> memref<1x80x8xf32, #tpu.memory_space<vmem>>
        %dma_wait3A_656 = tpu.memref_squeeze %dma_wait3A_655 : memref<1x80x8xf32, #tpu.memory_space<vmem>> -> memref<80x8xf32, #tpu.memory_space<vmem>>
        %dma_wait3A_657 = tpu.memref_slice %arg13[%select_n3A_623, %mul3A_625] : memref<2x400xi32, #tpu.memory_space<vmem>> -> memref<1x80xi32, #tpu.memory_space<vmem>>
        %dma_wait3A_658 = tpu.memref_squeeze %dma_wait3A_657 : memref<1x80xi32, #tpu.memory_space<vmem>> -> memref<80xi32, #tpu.memory_space<vmem>>
        %dma_wait3A_659 = arith.constant 0 : i32
        %dma_wait3A_660 = arith.constant 0 : i32
        %dma_wait3A_661 = tpu.memref_slice %arg15[%dma_wait3A_659, %dma_wait3A_660] : memref<10000x8xf32, #tpu.memory_space<vmem_shared>> -> memref<10000x8xf32, #tpu.memory_space<vmem_shared>>
        %dma_wait3A_662 = tpu.memref_slice %arg17[%select_n3A_562] : memref<2x!tpu.dma_semaphore, #tpu.memory_space<semaphore_mem>> -> memref<1x!tpu.dma_semaphore, #tpu.memory_space<semaphore_mem>>
        %dma_wait3A_663 = tpu.memref_squeeze %dma_wait3A_662 : memref<1x!tpu.dma_semaphore, #tpu.memory_space<semaphore_mem>> -> memref<!tpu.dma_semaphore, #tpu.memory_space<semaphore_mem>>
        tpu.wait_indirect_dma semaphore(%dma_wait3A_663 : memref<!tpu.dma_semaphore, #tpu.memory_space<semaphore_mem>>) src(%dma_wait3A_656 : memref<80x8xf32, #tpu.memory_space<vmem>>) dst(%dma_wait3A_661 : memref<10000x8xf32, #tpu.memory_space<vmem_shared>>)
      } else {
      }
      %jit3A_396 = arith.constant 2 : i32
      %eq3A_397 = arith.constant 0 : i32
      %eq3A_398 = arith.cmpi eq, %jit3A_396, %eq3A_397 : i32
      %jit3A_399 = arith.constant 1 : i32
      %select_n3A_400 = arith.select %eq3A_398, %jit3A_399, %jit3A_396 : i32
      %rem3A_401 = arith.remsi %scan3A_218, %select_n3A_400 : i32
      %ne3A_402 = arith.constant 0 : i32
      %ne3A_403 = arith.cmpi ne, %rem3A_401, %ne3A_402 : i32
      %lt3A_404 = arith.constant 0 : i32
      %lt3A_405 = arith.cmpi slt, %rem3A_401, %lt3A_404 : i32
      %lt3A_406 = arith.constant 0 : i32
      %lt3A_407 = arith.cmpi slt, %select_n3A_400, %lt3A_406 : i32
      %ne3A_408 = arith.xori %lt3A_405, %lt3A_407 : i1
      %and3A_409 = arith.andi %ne3A_408, %ne3A_403 : i1
      %add3A_410 = arith.addi %rem3A_401, %select_n3A_400 : i32
      %select_n3A_411 = arith.select %and3A_409, %add3A_410, %rem3A_401 : i32
      %jit3A_412 = arith.constant 5 : i32
      %div3A_413 = arith.divsi %scan3A_218, %jit3A_412 : i32
      %sign3A_414 = arith.constant 0 : i32
      %sign3A_415 = arith.cmpi sgt, %scan3A_218, %sign3A_414 : i32
      %sign3A_416 = arith.extui %sign3A_415 : i1 to i32
      %sign3A_417 = arith.constant 0 : i32
      %sign3A_418 = arith.cmpi slt, %scan3A_218, %sign3A_417 : i32
      %sign3A_419 = arith.extui %sign3A_418 : i1 to i32
      %sign3A_420 = arith.subi %sign3A_416, %sign3A_419 : i32
      %sign3A_421 = arith.constant 0 : i32
      %sign3A_422 = arith.cmpi sgt, %jit3A_412, %sign3A_421 : i32
      %sign3A_423 = arith.extui %sign3A_422 : i1 to i32
      %sign3A_424 = arith.constant 0 : i32
      %sign3A_425 = arith.cmpi slt, %jit3A_412, %sign3A_424 : i32
      %sign3A_426 = arith.extui %sign3A_425 : i1 to i32
      %sign3A_427 = arith.subi %sign3A_423, %sign3A_426 : i32
      %ne3A_428 = arith.cmpi ne, %sign3A_420, %sign3A_427 : i32
      %rem3A_429 = arith.remsi %scan3A_218, %jit3A_412 : i32
      %ne3A_430 = arith.constant 0 : i32
      %ne3A_431 = arith.cmpi ne, %rem3A_429, %ne3A_430 : i32
      %and3A_432 = arith.andi %ne3A_428, %ne3A_431 : i1
      %sub3A_433 = arith.constant 1 : i32
      %sub3A_434 = arith.subi %div3A_413, %sub3A_433 : i32
      %select_n3A_435 = arith.select %and3A_432, %sub3A_434, %div3A_413 : i32
      %mul3A_436 = arith.constant 5 : i32
      %mul3A_437 = arith.muli %select_n3A_435, %mul3A_436 : i32
      %sub3A_438 = arith.subi %scan3A_218, %mul3A_437 : i32
      %jit3A_439 = arith.constant 2 : i32
      %eq3A_440 = arith.constant 0 : i32
      %eq3A_441 = arith.cmpi eq, %jit3A_439, %eq3A_440 : i32
      %jit3A_442 = arith.constant 1 : i32
      %select_n3A_443 = arith.select %eq3A_441, %jit3A_442, %jit3A_439 : i32
      %rem3A_444 = arith.remsi %select_n3A_435, %select_n3A_443 : i32
      %ne3A_445 = arith.constant 0 : i32
      %ne3A_446 = arith.cmpi ne, %rem3A_444, %ne3A_445 : i32
      %lt3A_447 = arith.constant 0 : i32
      %lt3A_448 = arith.cmpi slt, %rem3A_444, %lt3A_447 : i32
      %lt3A_449 = arith.constant 0 : i32
      %lt3A_450 = arith.cmpi slt, %select_n3A_443, %lt3A_449 : i32
      %ne3A_451 = arith.xori %lt3A_448, %lt3A_450 : i1
      %and3A_452 = arith.andi %ne3A_451, %ne3A_446 : i1
      %add3A_453 = arith.addi %rem3A_444, %select_n3A_443 : i32
      %select_n3A_454 = arith.select %and3A_452, %add3A_453, %rem3A_444 : i32
      %mul3A_455 = arith.constant 80 : i32
      %mul3A_456 = arith.muli %sub3A_438, %mul3A_455 : i32
      %jit3A_457 = arith.constant 2 : i32
      %eq3A_458 = arith.constant 0 : i32
      %eq3A_459 = arith.cmpi eq, %jit3A_457, %eq3A_458 : i32
      %jit3A_460 = arith.constant 1 : i32
      %select_n3A_461 = arith.select %eq3A_459, %jit3A_460, %jit3A_457 : i32
      %rem3A_462 = arith.remsi %select_n3A_435, %select_n3A_461 : i32
      %ne3A_463 = arith.constant 0 : i32
      %ne3A_464 = arith.cmpi ne, %rem3A_462, %ne3A_463 : i32
      %lt3A_465 = arith.constant 0 : i32
      %lt3A_466 = arith.cmpi slt, %rem3A_462, %lt3A_465 : i32
      %lt3A_467 = arith.constant 0 : i32
      %lt3A_468 = arith.cmpi slt, %select_n3A_461, %lt3A_467 : i32
      %ne3A_469 = arith.xori %lt3A_466, %lt3A_468 : i1
      %and3A_470 = arith.andi %ne3A_469, %ne3A_464 : i1
      %add3A_471 = arith.addi %rem3A_462, %select_n3A_461 : i32
      %select_n3A_472 = arith.select %and3A_470, %add3A_471, %rem3A_462 : i32
      %mul3A_473 = arith.constant 80 : i32
      %mul3A_474 = arith.muli %sub3A_438, %mul3A_473 : i32
      %jit3A_475 = arith.constant 3 : i32
      %eq3A_476 = arith.constant 0 : i32
      %eq3A_477 = arith.cmpi eq, %jit3A_475, %eq3A_476 : i32
      %jit3A_478 = arith.constant 1 : i32
      %select_n3A_479 = arith.select %eq3A_477, %jit3A_478, %jit3A_475 : i32
      %rem3A_480 = arith.remsi %scan3A_218, %select_n3A_479 : i32
      %ne3A_481 = arith.constant 0 : i32
      %ne3A_482 = arith.cmpi ne, %rem3A_480, %ne3A_481 : i32
      %lt3A_483 = arith.constant 0 : i32
      %lt3A_484 = arith.cmpi slt, %rem3A_480, %lt3A_483 : i32
      %lt3A_485 = arith.constant 0 : i32
      %lt3A_486 = arith.cmpi slt, %select_n3A_479, %lt3A_485 : i32
      %ne3A_487 = arith.xori %lt3A_484, %lt3A_486 : i1
      %and3A_488 = arith.andi %ne3A_487, %ne3A_482 : i1
      %add3A_489 = arith.addi %rem3A_480, %select_n3A_479 : i32
      %select_n3A_490 = arith.select %and3A_488, %add3A_489, %rem3A_480 : i32
      %dma_start3A_491 = arith.constant 0 : i32
      %dma_start3A_492 = arith.constant 0 : i32
      %dma_start3A_493 = tpu.memref_slice %arg8[%select_n3A_490, %dma_start3A_491, %dma_start3A_492] : memref<3x80x128xf32, #tpu.memory_space<vmem>> -> memref<1x80x128xf32, #tpu.memory_space<vmem>>
      %dma_start3A_494 = tpu.memref_squeeze %dma_start3A_493 : memref<1x80x128xf32, #tpu.memory_space<vmem>> -> memref<80x128xf32, #tpu.memory_space<vmem>>
      %dma_start3A_495 = tpu.memref_slice %arg13[%select_n3A_472, %mul3A_474] : memref<2x400xi32, #tpu.memory_space<vmem>> -> memref<1x80xi32, #tpu.memory_space<vmem>>
      %dma_start3A_496 = tpu.memref_squeeze %dma_start3A_495 : memref<1x80xi32, #tpu.memory_space<vmem>> -> memref<80xi32, #tpu.memory_space<vmem>>
      %dma_start3A_497 = arith.constant 0 : i32
      %dma_start3A_498 = arith.constant 0 : i32
      %dma_start3A_499 = tpu.memref_slice %arg14[%dma_start3A_497, %dma_start3A_498] : memref<10000x128xf32, #tpu.memory_space<vmem_shared>> -> memref<10000x128xf32, #tpu.memory_space<vmem_shared>>
      %dma_start3A_500 = tpu.memref_slice %arg17[%select_n3A_411] : memref<2x!tpu.dma_semaphore, #tpu.memory_space<semaphore_mem>> -> memref<1x!tpu.dma_semaphore, #tpu.memory_space<semaphore_mem>>
      %dma_start3A_501 = tpu.memref_squeeze %dma_start3A_500 : memref<1x!tpu.dma_semaphore, #tpu.memory_space<semaphore_mem>> -> memref<!tpu.dma_semaphore, #tpu.memory_space<semaphore_mem>>
      tpu.enqueue_indirect_dma source(%dma_start3A_494 : memref<80x128xf32, #tpu.memory_space<vmem>>) target(%dma_start3A_499 : memref<10000x128xf32, #tpu.memory_space<vmem_shared>>) offsets(%dma_start3A_496 : memref<80xi32, #tpu.memory_space<vmem>>) semaphore(%dma_start3A_501 : memref<!tpu.dma_semaphore, #tpu.memory_space<semaphore_mem>>) {add = true}
      %dma_start3A_502 = arith.constant 0 : i32
      %dma_start3A_503 = arith.constant 0 : i32
      %dma_start3A_504 = tpu.memref_slice %arg11[%select_n3A_411, %dma_start3A_502, %dma_start3A_503] : memref<2x80x8xf32, #tpu.memory_space<vmem>> -> memref<1x80x8xf32, #tpu.memory_space<vmem>>
      %dma_start3A_505 = tpu.memref_squeeze %dma_start3A_504 : memref<1x80x8xf32, #tpu.memory_space<vmem>> -> memref<80x8xf32, #tpu.memory_space<vmem>>
      %dma_start3A_506 = tpu.memref_slice %arg13[%select_n3A_472, %mul3A_474] : memref<2x400xi32, #tpu.memory_space<vmem>> -> memref<1x80xi32, #tpu.memory_space<vmem>>
      %dma_start3A_507 = tpu.memref_squeeze %dma_start3A_506 : memref<1x80xi32, #tpu.memory_space<vmem>> -> memref<80xi32, #tpu.memory_space<vmem>>
      %dma_start3A_508 = arith.constant 0 : i32
      %dma_start3A_509 = arith.constant 0 : i32
      %dma_start3A_510 = tpu.memref_slice %arg15[%dma_start3A_508, %dma_start3A_509] : memref<10000x8xf32, #tpu.memory_space<vmem_shared>> -> memref<10000x8xf32, #tpu.memory_space<vmem_shared>>
      %dma_start3A_511 = tpu.memref_slice %arg17[%select_n3A_411] : memref<2x!tpu.dma_semaphore, #tpu.memory_space<semaphore_mem>> -> memref<1x!tpu.dma_semaphore, #tpu.memory_space<semaphore_mem>>
      %dma_start3A_512 = tpu.memref_squeeze %dma_start3A_511 : memref<1x!tpu.dma_semaphore, #tpu.memory_space<semaphore_mem>> -> memref<!tpu.dma_semaphore, #tpu.memory_space<semaphore_mem>>
      tpu.enqueue_indirect_dma source(%dma_start3A_505 : memref<80x8xf32, #tpu.memory_space<vmem>>) target(%dma_start3A_510 : memref<10000x8xf32, #tpu.memory_space<vmem_shared>>) offsets(%dma_start3A_507 : memref<80xi32, #tpu.memory_space<vmem>>) semaphore(%dma_start3A_512 : memref<!tpu.dma_semaphore, #tpu.memory_space<semaphore_mem>>) {add = true}
      %add3A_513 = arith.constant 2 : i32
      %add3A_514 = arith.addi %scan3A_218, %add3A_513 : i32
      %lt3A_515 = arith.constant 125 : i32
      %lt3A_516 = arith.cmpi slt, %add3A_514, %lt3A_515 : i32
      %convert_element_type3A_517 = arith.extui %lt3A_516 : i1 to i32
      %cond3A_518 = arith.constant 0 : i32
      %cond3A_519 = arith.cmpi ne, %convert_element_type3A_517, %cond3A_518 : i32
      scf.if %cond3A_519 {
        %jit3A_545 = arith.constant 5 : i32
        %eq3A_546 = arith.constant 0 : i32
        %eq3A_547 = arith.cmpi eq, %jit3A_545, %eq3A_546 : i32
        %jit3A_548 = arith.constant 1 : i32
        %select_n3A_549 = arith.select %eq3A_547, %jit3A_548, %jit3A_545 : i32
        %rem3A_550 = arith.remsi %add3A_514, %select_n3A_549 : i32
        %ne3A_551 = arith.constant 0 : i32
        %ne3A_552 = arith.cmpi ne, %rem3A_550, %ne3A_551 : i32
        %lt3A_553 = arith.constant 0 : i32
        %lt3A_554 = arith.cmpi slt, %rem3A_550, %lt3A_553 : i32
        %lt3A_555 = arith.constant 0 : i32
        %lt3A_556 = arith.cmpi slt, %select_n3A_549, %lt3A_555 : i32
        %ne3A_557 = arith.xori %lt3A_554, %lt3A_556 : i1
        %and3A_558 = arith.andi %ne3A_557, %ne3A_552 : i1
        %add3A_559 = arith.addi %rem3A_550, %select_n3A_549 : i32
        %select_n3A_560 = arith.select %and3A_558, %add3A_559, %rem3A_550 : i32
        %eq3A_561 = arith.constant 0 : i32
        %eq3A_562 = arith.cmpi eq, %select_n3A_560, %eq3A_561 : i32
        %convert_element_type3A_563 = arith.extui %eq3A_562 : i1 to i32
        %cond3A_564 = arith.constant 0 : i32
        %cond3A_565 = arith.cmpi ne, %convert_element_type3A_563, %cond3A_564 : i32
        scf.if %cond3A_565 {
          %jit3A_678 = arith.constant 5 : i32
          %div3A_679 = arith.divsi %add3A_514, %jit3A_678 : i32
          %sign3A_680 = arith.constant 0 : i32
          %sign3A_681 = arith.cmpi sgt, %add3A_514, %sign3A_680 : i32
          %sign3A_682 = arith.extui %sign3A_681 : i1 to i32
          %sign3A_683 = arith.constant 0 : i32
          %sign3A_684 = arith.cmpi slt, %add3A_514, %sign3A_683 : i32
          %sign3A_685 = arith.extui %sign3A_684 : i1 to i32
          %sign3A_686 = arith.subi %sign3A_682, %sign3A_685 : i32
          %sign3A_687 = arith.constant 0 : i32
          %sign3A_688 = arith.cmpi sgt, %jit3A_678, %sign3A_687 : i32
          %sign3A_689 = arith.extui %sign3A_688 : i1 to i32
          %sign3A_690 = arith.constant 0 : i32
          %sign3A_691 = arith.cmpi slt, %jit3A_678, %sign3A_690 : i32
          %sign3A_692 = arith.extui %sign3A_691 : i1 to i32
          %sign3A_693 = arith.subi %sign3A_689, %sign3A_692 : i32
          %ne3A_694 = arith.cmpi ne, %sign3A_686, %sign3A_693 : i32
          %rem3A_695 = arith.remsi %add3A_514, %jit3A_678 : i32
          %ne3A_696 = arith.constant 0 : i32
          %ne3A_697 = arith.cmpi ne, %rem3A_695, %ne3A_696 : i32
          %and3A_698 = arith.andi %ne3A_694, %ne3A_697 : i1
          %sub3A_699 = arith.constant 1 : i32
          %sub3A_700 = arith.subi %div3A_679, %sub3A_699 : i32
          %select_n3A_701 = arith.select %and3A_698, %sub3A_700, %div3A_679 : i32
          %jit3A_702 = arith.constant 2 : i32
          %eq3A_703 = arith.constant 0 : i32
          %eq3A_704 = arith.cmpi eq, %jit3A_702, %eq3A_703 : i32
          %jit3A_705 = arith.constant 1 : i32
          %select_n3A_706 = arith.select %eq3A_704, %jit3A_705, %jit3A_702 : i32
          %rem3A_707 = arith.remsi %select_n3A_701, %select_n3A_706 : i32
          %ne3A_708 = arith.constant 0 : i32
          %ne3A_709 = arith.cmpi ne, %rem3A_707, %ne3A_708 : i32
          %lt3A_710 = arith.constant 0 : i32
          %lt3A_711 = arith.cmpi slt, %rem3A_707, %lt3A_710 : i32
          %lt3A_712 = arith.constant 0 : i32
          %lt3A_713 = arith.cmpi slt, %select_n3A_706, %lt3A_712 : i32
          %ne3A_714 = arith.xori %lt3A_711, %lt3A_713 : i1
          %and3A_715 = arith.andi %ne3A_714, %ne3A_709 : i1
          %add3A_716 = arith.addi %rem3A_707, %select_n3A_706 : i32
          %select_n3A_717 = arith.select %and3A_715, %add3A_716, %rem3A_707 : i32
          %dma_wait3A_718 = arith.constant 0 : i32
          %dma_wait3A_719 = tpu.memref_slice %arg12[%select_n3A_717, %dma_wait3A_718] : memref<2x400xi32, #tpu.memory_space<vmem>> -> memref<1x400xi32, #tpu.memory_space<vmem>>
          %dma_wait3A_720 = tpu.memref_squeeze %dma_wait3A_719 : memref<1x400xi32, #tpu.memory_space<vmem>> -> memref<400xi32, #tpu.memory_space<vmem>>
          %dma_wait3A_721 = arith.constant 0 : i32
          %dma_wait3A_722 = tpu.memref_slice %arg4[%add3A, %select_n3A_701, %dma_wait3A_721] : memref<32x25x400xi32, #tpu.memory_space<hbm>> -> memref<1x1x400xi32, #tpu.memory_space<hbm>>
          %dma_wait3A_723 = tpu.memref_squeeze %dma_wait3A_722 : memref<1x1x400xi32, #tpu.memory_space<hbm>> -> memref<400xi32, #tpu.memory_space<hbm>>
          %dma_wait3A_724 = tpu.memref_slice %arg18[%select_n3A_717] : memref<2x!tpu.dma_semaphore, #tpu.memory_space<semaphore_mem>> -> memref<1x!tpu.dma_semaphore, #tpu.memory_space<semaphore_mem>>
          %dma_wait3A_725 = tpu.memref_squeeze %dma_wait3A_724 : memref<1x!tpu.dma_semaphore, #tpu.memory_space<semaphore_mem>> -> memref<!tpu.dma_semaphore, #tpu.memory_space<semaphore_mem>>
          %dma_wait3A_726 = arith.constant 0 : i32
          %dma_wait3A_727 = tpu.memref_slice %arg12[%select_n3A_717, %dma_wait3A_726] : memref<2x400xi32, #tpu.memory_space<vmem>> -> memref<1x400xi32, #tpu.memory_space<vmem>>
          %dma_wait3A_728 = tpu.memref_squeeze %dma_wait3A_727 : memref<1x400xi32, #tpu.memory_space<vmem>> -> memref<400xi32, #tpu.memory_space<vmem>>
          %dma_wait3A_729 = arith.constant 0 : i32
          %dma_wait3A_730 = tpu.memref_slice %arg4[%add3A, %select_n3A_701, %dma_wait3A_729] : memref<32x25x400xi32, #tpu.memory_space<hbm>> -> memref<1x1x400xi32, #tpu.memory_space<hbm>>
          %dma_wait3A_731 = tpu.memref_squeeze %dma_wait3A_730 : memref<1x1x400xi32, #tpu.memory_space<hbm>> -> memref<400xi32, #tpu.memory_space<hbm>>
          tpu.wait_dma2 semaphore(%dma_wait3A_725 : memref<!tpu.dma_semaphore, #tpu.memory_space<semaphore_mem>>) src(%dma_wait3A_731 : memref<400xi32, #tpu.memory_space<hbm>>) dst(%dma_wait3A_728 : memref<400xi32, #tpu.memory_space<vmem>>)
          %dma_wait3A_732 = arith.constant 0 : i32
          %dma_wait3A_733 = tpu.memref_slice %arg13[%select_n3A_717, %dma_wait3A_732] : memref<2x400xi32, #tpu.memory_space<vmem>> -> memref<1x400xi32, #tpu.memory_space<vmem>>
          %dma_wait3A_734 = tpu.memref_squeeze %dma_wait3A_733 : memref<1x400xi32, #tpu.memory_space<vmem>> -> memref<400xi32, #tpu.memory_space<vmem>>
          %dma_wait3A_735 = arith.constant 0 : i32
          %dma_wait3A_736 = tpu.memref_slice %arg5[%add3A, %select_n3A_701, %dma_wait3A_735] : memref<32x25x400xi32, #tpu.memory_space<hbm>> -> memref<1x1x400xi32, #tpu.memory_space<hbm>>
          %dma_wait3A_737 = tpu.memref_squeeze %dma_wait3A_736 : memref<1x1x400xi32, #tpu.memory_space<hbm>> -> memref<400xi32, #tpu.memory_space<hbm>>
          %dma_wait3A_738 = tpu.memref_slice %arg18[%select_n3A_717] : memref<2x!tpu.dma_semaphore, #tpu.memory_space<semaphore_mem>> -> memref<1x!tpu.dma_semaphore, #tpu.memory_space<semaphore_mem>>
          %dma_wait3A_739 = tpu.memref_squeeze %dma_wait3A_738 : memref<1x!tpu.dma_semaphore, #tpu.memory_space<semaphore_mem>> -> memref<!tpu.dma_semaphore, #tpu.memory_space<semaphore_mem>>
          %dma_wait3A_740 = arith.constant 0 : i32
          %dma_wait3A_741 = tpu.memref_slice %arg13[%select_n3A_717, %dma_wait3A_740] : memref<2x400xi32, #tpu.memory_space<vmem>> -> memref<1x400xi32, #tpu.memory_space<vmem>>
          %dma_wait3A_742 = tpu.memref_squeeze %dma_wait3A_741 : memref<1x400xi32, #tpu.memory_space<vmem>> -> memref<400xi32, #tpu.memory_space<vmem>>
          %dma_wait3A_743 = arith.constant 0 : i32
          %dma_wait3A_744 = tpu.memref_slice %arg5[%add3A, %select_n3A_701, %dma_wait3A_743] : memref<32x25x400xi32, #tpu.memory_space<hbm>> -> memref<1x1x400xi32, #tpu.memory_space<hbm>>
          %dma_wait3A_745 = tpu.memref_squeeze %dma_wait3A_744 : memref<1x1x400xi32, #tpu.memory_space<hbm>> -> memref<400xi32, #tpu.memory_space<hbm>>
          tpu.wait_dma2 semaphore(%dma_wait3A_739 : memref<!tpu.dma_semaphore, #tpu.memory_space<semaphore_mem>>) src(%dma_wait3A_745 : memref<400xi32, #tpu.memory_space<hbm>>) dst(%dma_wait3A_742 : memref<400xi32, #tpu.memory_space<vmem>>)
        } else {
        }
        %jit3A_566 = arith.constant 3 : i32
        %eq3A_567 = arith.constant 0 : i32
        %eq3A_568 = arith.cmpi eq, %jit3A_566, %eq3A_567 : i32
        %jit3A_569 = arith.constant 1 : i32
        %select_n3A_570 = arith.select %eq3A_568, %jit3A_569, %jit3A_566 : i32
        %rem3A_571 = arith.remsi %add3A_514, %select_n3A_570 : i32
        %ne3A_572 = arith.constant 0 : i32
        %ne3A_573 = arith.cmpi ne, %rem3A_571, %ne3A_572 : i32
        %lt3A_574 = arith.constant 0 : i32
        %lt3A_575 = arith.cmpi slt, %rem3A_571, %lt3A_574 : i32
        %lt3A_576 = arith.constant 0 : i32
        %lt3A_577 = arith.cmpi slt, %select_n3A_570, %lt3A_576 : i32
        %ne3A_578 = arith.xori %lt3A_575, %lt3A_577 : i1
        %and3A_579 = arith.andi %ne3A_578, %ne3A_573 : i1
        %add3A_580 = arith.addi %rem3A_571, %select_n3A_570 : i32
        %select_n3A_581 = arith.select %and3A_579, %add3A_580, %rem3A_571 : i32
        %jit3A_582 = arith.constant 5 : i32
        %div3A_583 = arith.divsi %add3A_514, %jit3A_582 : i32
        %sign3A_584 = arith.constant 0 : i32
        %sign3A_585 = arith.cmpi sgt, %add3A_514, %sign3A_584 : i32
        %sign3A_586 = arith.extui %sign3A_585 : i1 to i32
        %sign3A_587 = arith.constant 0 : i32
        %sign3A_588 = arith.cmpi slt, %add3A_514, %sign3A_587 : i32
        %sign3A_589 = arith.extui %sign3A_588 : i1 to i32
        %sign3A_590 = arith.subi %sign3A_586, %sign3A_589 : i32
        %sign3A_591 = arith.constant 0 : i32
        %sign3A_592 = arith.cmpi sgt, %jit3A_582, %sign3A_591 : i32
        %sign3A_593 = arith.extui %sign3A_592 : i1 to i32
        %sign3A_594 = arith.constant 0 : i32
        %sign3A_595 = arith.cmpi slt, %jit3A_582, %sign3A_594 : i32
        %sign3A_596 = arith.extui %sign3A_595 : i1 to i32
        %sign3A_597 = arith.subi %sign3A_593, %sign3A_596 : i32
        %ne3A_598 = arith.cmpi ne, %sign3A_590, %sign3A_597 : i32
        %rem3A_599 = arith.remsi %add3A_514, %jit3A_582 : i32
        %ne3A_600 = arith.constant 0 : i32
        %ne3A_601 = arith.cmpi ne, %rem3A_599, %ne3A_600 : i32
        %and3A_602 = arith.andi %ne3A_598, %ne3A_601 : i1
        %sub3A_603 = arith.constant 1 : i32
        %sub3A_604 = arith.subi %div3A_583, %sub3A_603 : i32
        %select_n3A_605 = arith.select %and3A_602, %sub3A_604, %div3A_583 : i32
        %mul3A_606 = arith.constant 5 : i32
        %mul3A_607 = arith.muli %select_n3A_605, %mul3A_606 : i32
        %sub3A_608 = arith.subi %add3A_514, %mul3A_607 : i32
        %jit3A_609 = arith.constant 2 : i32
        %eq3A_610 = arith.constant 0 : i32
        %eq3A_611 = arith.cmpi eq, %jit3A_609, %eq3A_610 : i32
        %jit3A_612 = arith.constant 1 : i32
        %select_n3A_613 = arith.select %eq3A_611, %jit3A_612, %jit3A_609 : i32
        %rem3A_614 = arith.remsi %select_n3A_605, %select_n3A_613 : i32
        %ne3A_615 = arith.constant 0 : i32
        %ne3A_616 = arith.cmpi ne, %rem3A_614, %ne3A_615 : i32
        %lt3A_617 = arith.constant 0 : i32
        %lt3A_618 = arith.cmpi slt, %rem3A_614, %lt3A_617 : i32
        %lt3A_619 = arith.constant 0 : i32
        %lt3A_620 = arith.cmpi slt, %select_n3A_613, %lt3A_619 : i32
        %ne3A_621 = arith.xori %lt3A_618, %lt3A_620 : i1
        %and3A_622 = arith.andi %ne3A_621, %ne3A_616 : i1
        %add3A_623 = arith.addi %rem3A_614, %select_n3A_613 : i32
        %select_n3A_624 = arith.select %and3A_622, %add3A_623, %rem3A_614 : i32
        %mul3A_625 = arith.constant 80 : i32
        %mul3A_626 = arith.muli %sub3A_608, %mul3A_625 : i32
        %jit3A_627 = arith.constant 2 : i32
        %eq3A_628 = arith.constant 0 : i32
        %eq3A_629 = arith.cmpi eq, %jit3A_627, %eq3A_628 : i32
        %jit3A_630 = arith.constant 1 : i32
        %select_n3A_631 = arith.select %eq3A_629, %jit3A_630, %jit3A_627 : i32
        %rem3A_632 = arith.remsi %select_n3A_605, %select_n3A_631 : i32
        %ne3A_633 = arith.constant 0 : i32
        %ne3A_634 = arith.cmpi ne, %rem3A_632, %ne3A_633 : i32
        %lt3A_635 = arith.constant 0 : i32
        %lt3A_636 = arith.cmpi slt, %rem3A_632, %lt3A_635 : i32
        %lt3A_637 = arith.constant 0 : i32
        %lt3A_638 = arith.cmpi slt, %select_n3A_631, %lt3A_637 : i32
        %ne3A_639 = arith.xori %lt3A_636, %lt3A_638 : i1
        %and3A_640 = arith.andi %ne3A_639, %ne3A_634 : i1
        %add3A_641 = arith.addi %rem3A_632, %select_n3A_631 : i32
        %select_n3A_642 = arith.select %and3A_640, %add3A_641, %rem3A_632 : i32
        %mul3A_643 = arith.constant 80 : i32
        %mul3A_644 = arith.muli %sub3A_608, %mul3A_643 : i32
        %dma_start3A_645 = arith.constant 0 : i32
        %dma_start3A_646 = arith.constant 0 : i32
        %dma_start3A_647 = tpu.memref_slice %arg8[%select_n3A_581, %dma_start3A_645, %dma_start3A_646] : memref<3x80x128xf32, #tpu.memory_space<vmem>> -> memref<1x80x128xf32, #tpu.memory_space<vmem>>
        %dma_start3A_648 = tpu.memref_squeeze %dma_start3A_647 : memref<1x80x128xf32, #tpu.memory_space<vmem>> -> memref<80x128xf32, #tpu.memory_space<vmem>>
        %dma_start3A_649 = tpu.memref_slice %arg12[%select_n3A_624, %mul3A_626] : memref<2x400xi32, #tpu.memory_space<vmem>> -> memref<1x80xi32, #tpu.memory_space<vmem>>
        %dma_start3A_650 = tpu.memref_squeeze %dma_start3A_649 : memref<1x80xi32, #tpu.memory_space<vmem>> -> memref<80xi32, #tpu.memory_space<vmem>>
        %dma_start3A_651 = arith.constant 0 : i32
        %dma_start3A_652 = arith.constant 0 : i32
        %dma_start3A_653 = tpu.memref_slice %arg2[%dma_start3A_651, %dma_start3A_652] : memref<10000x128xf32, #tpu.memory_space<hbm>> -> memref<10000x128xf32, #tpu.memory_space<hbm>>
        %dma_start3A_654 = tpu.memref_slice %arg16[%select_n3A_581] : memref<3x!tpu.dma_semaphore, #tpu.memory_space<semaphore_mem>> -> memref<1x!tpu.dma_semaphore, #tpu.memory_space<semaphore_mem>>
        %dma_start3A_655 = tpu.memref_squeeze %dma_start3A_654 : memref<1x!tpu.dma_semaphore, #tpu.memory_space<semaphore_mem>> -> memref<!tpu.dma_semaphore, #tpu.memory_space<semaphore_mem>>
        tpu.enqueue_indirect_dma source(%dma_start3A_653 : memref<10000x128xf32, #tpu.memory_space<hbm>>) target(%dma_start3A_648 : memref<80x128xf32, #tpu.memory_space<vmem>>) offsets(%dma_start3A_650 : memref<80xi32, #tpu.memory_space<vmem>>) semaphore(%dma_start3A_655 : memref<!tpu.dma_semaphore, #tpu.memory_space<semaphore_mem>>)
        %dma_start3A_656 = arith.constant 0 : i32
        %dma_start3A_657 = arith.constant 0 : i32
        %dma_start3A_658 = tpu.memref_slice %arg9[%select_n3A_581, %dma_start3A_656, %dma_start3A_657] : memref<3x80x8xf32, #tpu.memory_space<vmem>> -> memref<1x80x8xf32, #tpu.memory_space<vmem>>
        %dma_start3A_659 = tpu.memref_squeeze %dma_start3A_658 : memref<1x80x8xf32, #tpu.memory_space<vmem>> -> memref<80x8xf32, #tpu.memory_space<vmem>>
        %dma_start3A_660 = tpu.memref_slice %arg12[%select_n3A_624, %mul3A_626] : memref<2x400xi32, #tpu.memory_space<vmem>> -> memref<1x80xi32, #tpu.memory_space<vmem>>
        %dma_start3A_661 = tpu.memref_squeeze %dma_start3A_660 : memref<1x80xi32, #tpu.memory_space<vmem>> -> memref<80xi32, #tpu.memory_space<vmem>>
        %dma_start3A_662 = arith.constant 0 : i32
        %dma_start3A_663 = arith.constant 0 : i32
        %dma_start3A_664 = tpu.memref_slice %arg3[%dma_start3A_662, %dma_start3A_663] : memref<10000x8xf32, #tpu.memory_space<hbm>> -> memref<10000x8xf32, #tpu.memory_space<hbm>>
        %dma_start3A_665 = tpu.memref_slice %arg16[%select_n3A_581] : memref<3x!tpu.dma_semaphore, #tpu.memory_space<semaphore_mem>> -> memref<1x!tpu.dma_semaphore, #tpu.memory_space<semaphore_mem>>
        %dma_start3A_666 = tpu.memref_squeeze %dma_start3A_665 : memref<1x!tpu.dma_semaphore, #tpu.memory_space<semaphore_mem>> -> memref<!tpu.dma_semaphore, #tpu.memory_space<semaphore_mem>>
        tpu.enqueue_indirect_dma source(%dma_start3A_664 : memref<10000x8xf32, #tpu.memory_space<hbm>>) target(%dma_start3A_659 : memref<80x8xf32, #tpu.memory_space<vmem>>) offsets(%dma_start3A_661 : memref<80xi32, #tpu.memory_space<vmem>>) semaphore(%dma_start3A_666 : memref<!tpu.dma_semaphore, #tpu.memory_space<semaphore_mem>>)
        %dma_start3A_667 = arith.constant 0 : i32
        %dma_start3A_668 = arith.constant 0 : i32
        %dma_start3A_669 = tpu.memref_slice %arg10[%select_n3A_581, %dma_start3A_667, %dma_start3A_668] : memref<3x80x8xf32, #tpu.memory_space<vmem>> -> memref<1x80x8xf32, #tpu.memory_space<vmem>>
        %dma_start3A_670 = tpu.memref_squeeze %dma_start3A_669 : memref<1x80x8xf32, #tpu.memory_space<vmem>> -> memref<80x8xf32, #tpu.memory_space<vmem>>
        %dma_start3A_671 = tpu.memref_slice %arg13[%select_n3A_642, %mul3A_644] : memref<2x400xi32, #tpu.memory_space<vmem>> -> memref<1x80xi32, #tpu.memory_space<vmem>>
        %dma_start3A_672 = tpu.memref_squeeze %dma_start3A_671 : memref<1x80xi32, #tpu.memory_space<vmem>> -> memref<80xi32, #tpu.memory_space<vmem>>
        %dma_start3A_673 = arith.constant 0 : i32
        %dma_start3A_674 = arith.constant 0 : i32
        %dma_start3A_675 = tpu.memref_slice %arg3[%dma_start3A_673, %dma_start3A_674] : memref<10000x8xf32, #tpu.memory_space<hbm>> -> memref<10000x8xf32, #tpu.memory_space<hbm>>
        %dma_start3A_676 = tpu.memref_slice %arg16[%select_n3A_581] : memref<3x!tpu.dma_semaphore, #tpu.memory_space<semaphore_mem>> -> memref<1x!tpu.dma_semaphore, #tpu.memory_space<semaphore_mem>>
        %dma_start3A_677 = tpu.memref_squeeze %dma_start3A_676 : memref<1x!tpu.dma_semaphore, #tpu.memory_space<semaphore_mem>> -> memref<!tpu.dma_semaphore, #tpu.memory_space<semaphore_mem>>
        tpu.enqueue_indirect_dma source(%dma_start3A_675 : memref<10000x8xf32, #tpu.memory_space<hbm>>) target(%dma_start3A_670 : memref<80x8xf32, #tpu.memory_space<vmem>>) offsets(%dma_start3A_672 : memref<80xi32, #tpu.memory_space<vmem>>) semaphore(%dma_start3A_677 : memref<!tpu.dma_semaphore, #tpu.memory_space<semaphore_mem>>)
      } else {
      }
      %jit3A_520 = arith.constant 5 : i32
      %eq3A_521 = arith.constant 0 : i32
      %eq3A_522 = arith.cmpi eq, %jit3A_520, %eq3A_521 : i32
      %jit3A_523 = arith.constant 1 : i32
      %select_n3A_524 = arith.select %eq3A_522, %jit3A_523, %jit3A_520 : i32
      %rem3A_525 = arith.remsi %scan3A_218, %select_n3A_524 : i32
      %ne3A_526 = arith.constant 0 : i32
      %ne3A_527 = arith.cmpi ne, %rem3A_525, %ne3A_526 : i32
      %lt3A_528 = arith.constant 0 : i32
      %lt3A_529 = arith.cmpi slt, %rem3A_525, %lt3A_528 : i32
      %lt3A_530 = arith.constant 0 : i32
      %lt3A_531 = arith.cmpi slt, %select_n3A_524, %lt3A_530 : i32
      %ne3A_532 = arith.xori %lt3A_529, %lt3A_531 : i1
      %and3A_533 = arith.andi %ne3A_532, %ne3A_527 : i1
      %add3A_534 = arith.addi %rem3A_525, %select_n3A_524 : i32
      %select_n3A_535 = arith.select %and3A_533, %add3A_534, %rem3A_525 : i32
      %eq3A_536 = arith.constant 0 : i32
      %eq3A_537 = arith.cmpi eq, %select_n3A_535, %eq3A_536 : i32
      %ge3A_538 = arith.constant 1 : i32
      %ge3A_539 = arith.cmpi sge, %scan3A_218, %ge3A_538 : i32
      %and3A_540 = arith.andi %eq3A_537, %ge3A_539 : i1
      %convert_element_type3A_541 = arith.extui %and3A_540 : i1 to i32
      %cond3A_542 = arith.constant 0 : i32
      %cond3A_543 = arith.cmpi ne, %convert_element_type3A_541, %cond3A_542 : i32
      scf.if %cond3A_543 {
        %jit3A_545 = arith.constant 5 : i32
        %div3A_546 = arith.divsi %scan3A_218, %jit3A_545 : i32
        %sign3A_547 = arith.constant 0 : i32
        %sign3A_548 = arith.cmpi sgt, %scan3A_218, %sign3A_547 : i32
        %sign3A_549 = arith.extui %sign3A_548 : i1 to i32
        %sign3A_550 = arith.constant 0 : i32
        %sign3A_551 = arith.cmpi slt, %scan3A_218, %sign3A_550 : i32
        %sign3A_552 = arith.extui %sign3A_551 : i1 to i32
        %sign3A_553 = arith.subi %sign3A_549, %sign3A_552 : i32
        %sign3A_554 = arith.constant 0 : i32
        %sign3A_555 = arith.cmpi sgt, %jit3A_545, %sign3A_554 : i32
        %sign3A_556 = arith.extui %sign3A_555 : i1 to i32
        %sign3A_557 = arith.constant 0 : i32
        %sign3A_558 = arith.cmpi slt, %jit3A_545, %sign3A_557 : i32
        %sign3A_559 = arith.extui %sign3A_558 : i1 to i32
        %sign3A_560 = arith.subi %sign3A_556, %sign3A_559 : i32
        %ne3A_561 = arith.cmpi ne, %sign3A_553, %sign3A_560 : i32
        %rem3A_562 = arith.remsi %scan3A_218, %jit3A_545 : i32
        %ne3A_563 = arith.constant 0 : i32
        %ne3A_564 = arith.cmpi ne, %rem3A_562, %ne3A_563 : i32
        %and3A_565 = arith.andi %ne3A_561, %ne3A_564 : i1
        %sub3A_566 = arith.constant 1 : i32
        %sub3A_567 = arith.subi %div3A_546, %sub3A_566 : i32
        %select_n3A_568 = arith.select %and3A_565, %sub3A_567, %div3A_546 : i32
        %add3A_569 = arith.constant 1 : i32
        %add3A_570 = arith.addi %select_n3A_568, %add3A_569 : i32
        %lt3A_571 = arith.constant 25 : i32
        %lt3A_572 = arith.cmpi slt, %add3A_570, %lt3A_571 : i32
        %convert_element_type3A_573 = arith.extui %lt3A_572 : i1 to i32
        %cond3A_574 = arith.constant 0 : i32
        %cond3A_575 = arith.cmpi ne, %convert_element_type3A_573, %cond3A_574 : i32
        scf.if %cond3A_575 {
          %jit3A_576 = arith.constant 2 : i32
          %eq3A_577 = arith.constant 0 : i32
          %eq3A_578 = arith.cmpi eq, %jit3A_576, %eq3A_577 : i32
          %jit3A_579 = arith.constant 1 : i32
          %select_n3A_580 = arith.select %eq3A_578, %jit3A_579, %jit3A_576 : i32
          %rem3A_581 = arith.remsi %add3A_570, %select_n3A_580 : i32
          %ne3A_582 = arith.constant 0 : i32
          %ne3A_583 = arith.cmpi ne, %rem3A_581, %ne3A_582 : i32
          %lt3A_584 = arith.constant 0 : i32
          %lt3A_585 = arith.cmpi slt, %rem3A_581, %lt3A_584 : i32
          %lt3A_586 = arith.constant 0 : i32
          %lt3A_587 = arith.cmpi slt, %select_n3A_580, %lt3A_586 : i32
          %ne3A_588 = arith.xori %lt3A_585, %lt3A_587 : i1
          %and3A_589 = arith.andi %ne3A_588, %ne3A_583 : i1
          %add3A_590 = arith.addi %rem3A_581, %select_n3A_580 : i32
          %select_n3A_591 = arith.select %and3A_589, %add3A_590, %rem3A_581 : i32
          %dma_start3A_592 = arith.constant 0 : i32
          %dma_start3A_593 = tpu.memref_slice %arg12[%select_n3A_591, %dma_start3A_592] : memref<2x400xi32, #tpu.memory_space<vmem>> -> memref<1x400xi32, #tpu.memory_space<vmem>>
          %dma_start3A_594 = tpu.memref_squeeze %dma_start3A_593 : memref<1x400xi32, #tpu.memory_space<vmem>> -> memref<400xi32, #tpu.memory_space<vmem>>
          %dma_start3A_595 = arith.constant 0 : i32
          %dma_start3A_596 = tpu.memref_slice %arg4[%add3A, %add3A_570, %dma_start3A_595] : memref<32x25x400xi32, #tpu.memory_space<hbm>> -> memref<1x1x400xi32, #tpu.memory_space<hbm>>
          %dma_start3A_597 = tpu.memref_squeeze %dma_start3A_596 : memref<1x1x400xi32, #tpu.memory_space<hbm>> -> memref<400xi32, #tpu.memory_space<hbm>>
          %dma_start3A_598 = tpu.memref_slice %arg18[%select_n3A_591] : memref<2x!tpu.dma_semaphore, #tpu.memory_space<semaphore_mem>> -> memref<1x!tpu.dma_semaphore, #tpu.memory_space<semaphore_mem>>
          %dma_start3A_599 = tpu.memref_squeeze %dma_start3A_598 : memref<1x!tpu.dma_semaphore, #tpu.memory_space<semaphore_mem>> -> memref<!tpu.dma_semaphore, #tpu.memory_space<semaphore_mem>>
          %dma_start3A_600 = arith.constant 0 : i32
          %dma_start3A_601 = tpu.memref_slice %arg12[%select_n3A_591, %dma_start3A_600] : memref<2x400xi32, #tpu.memory_space<vmem>> -> memref<1x400xi32, #tpu.memory_space<vmem>>
          %dma_start3A_602 = tpu.memref_squeeze %dma_start3A_601 : memref<1x400xi32, #tpu.memory_space<vmem>> -> memref<400xi32, #tpu.memory_space<vmem>>
          %dma_start3A_603 = arith.constant 0 : i32
          %dma_start3A_604 = tpu.memref_slice %arg4[%add3A, %add3A_570, %dma_start3A_603] : memref<32x25x400xi32, #tpu.memory_space<hbm>> -> memref<1x1x400xi32, #tpu.memory_space<hbm>>
          %dma_start3A_605 = tpu.memref_squeeze %dma_start3A_604 : memref<1x1x400xi32, #tpu.memory_space<hbm>> -> memref<400xi32, #tpu.memory_space<hbm>>
          tpu.enqueue_dma source(%dma_start3A_605 : memref<400xi32, #tpu.memory_space<hbm>>) target(%dma_start3A_602 : memref<400xi32, #tpu.memory_space<vmem>>) target_semaphore(%dma_start3A_599 : memref<!tpu.dma_semaphore, #tpu.memory_space<semaphore_mem>>)
          %dma_start3A_606 = arith.constant 0 : i32
          %dma_start3A_607 = tpu.memref_slice %arg13[%select_n3A_591, %dma_start3A_606] : memref<2x400xi32, #tpu.memory_space<vmem>> -> memref<1x400xi32, #tpu.memory_space<vmem>>
          %dma_start3A_608 = tpu.memref_squeeze %dma_start3A_607 : memref<1x400xi32, #tpu.memory_space<vmem>> -> memref<400xi32, #tpu.memory_space<vmem>>
          %dma_start3A_609 = arith.constant 0 : i32
          %dma_start3A_610 = tpu.memref_slice %arg5[%add3A, %add3A_570, %dma_start3A_609] : memref<32x25x400xi32, #tpu.memory_space<hbm>> -> memref<1x1x400xi32, #tpu.memory_space<hbm>>
          %dma_start3A_611 = tpu.memref_squeeze %dma_start3A_610 : memref<1x1x400xi32, #tpu.memory_space<hbm>> -> memref<400xi32, #tpu.memory_space<hbm>>
          %dma_start3A_612 = tpu.memref_slice %arg18[%select_n3A_591] : memref<2x!tpu.dma_semaphore, #tpu.memory_space<semaphore_mem>> -> memref<1x!tpu.dma_semaphore, #tpu.memory_space<semaphore_mem>>
          %dma_start3A_613 = tpu.memref_squeeze %dma_start3A_612 : memref<1x!tpu.dma_semaphore, #tpu.memory_space<semaphore_mem>> -> memref<!tpu.dma_semaphore, #tpu.memory_space<semaphore_mem>>
          %dma_start3A_614 = arith.constant 0 : i32
          %dma_start3A_615 = tpu.memref_slice %arg13[%select_n3A_591, %dma_start3A_614] : memref<2x400xi32, #tpu.memory_space<vmem>> -> memref<1x400xi32, #tpu.memory_space<vmem>>
          %dma_start3A_616 = tpu.memref_squeeze %dma_start3A_615 : memref<1x400xi32, #tpu.memory_space<vmem>> -> memref<400xi32, #tpu.memory_space<vmem>>
          %dma_start3A_617 = arith.constant 0 : i32
          %dma_start3A_618 = tpu.memref_slice %arg5[%add3A, %add3A_570, %dma_start3A_617] : memref<32x25x400xi32, #tpu.memory_space<hbm>> -> memref<1x1x400xi32, #tpu.memory_space<hbm>>
          %dma_start3A_619 = tpu.memref_squeeze %dma_start3A_618 : memref<1x1x400xi32, #tpu.memory_space<hbm>> -> memref<400xi32, #tpu.memory_space<hbm>>
          tpu.enqueue_dma source(%dma_start3A_619 : memref<400xi32, #tpu.memory_space<hbm>>) target(%dma_start3A_616 : memref<400xi32, #tpu.memory_space<vmem>>) target_semaphore(%dma_start3A_613 : memref<!tpu.dma_semaphore, #tpu.memory_space<semaphore_mem>>)
        } else {
        }
      } else {
      }
      %scan3A_544 = arith.constant 0 : i32
      scf.yield %scan3A_544 : i32
    }
    %scan3A_174 = arith.constant 125 : i32
    %dma_wait3A = arith.constant 1 : i32
    %dma_wait3A_175 = arith.constant 0 : i32
    %dma_wait3A_176 = arith.constant 0 : i32
    %dma_wait3A_177 = arith.constant 0 : i32
    %dma_wait3A_178 = arith.constant 0 : i32
    %dma_wait3A_179 = tpu.memref_slice %arg8[%dma_wait3A, %dma_wait3A_177, %dma_wait3A_178] : memref<3x80x128xf32, #tpu.memory_space<vmem>> -> memref<1x80x128xf32, #tpu.memory_space<vmem>>
    %dma_wait3A_180 = tpu.memref_squeeze %dma_wait3A_179 : memref<1x80x128xf32, #tpu.memory_space<vmem>> -> memref<80x128xf32, #tpu.memory_space<vmem>>
    %dma_wait3A_181 = arith.constant 320 : i32
    %dma_wait3A_182 = tpu.memref_slice %arg13[%dma_wait3A_175, %dma_wait3A_181] : memref<2x400xi32, #tpu.memory_space<vmem>> -> memref<1x80xi32, #tpu.memory_space<vmem>>
    %dma_wait3A_183 = tpu.memref_squeeze %dma_wait3A_182 : memref<1x80xi32, #tpu.memory_space<vmem>> -> memref<80xi32, #tpu.memory_space<vmem>>
    %dma_wait3A_184 = arith.constant 0 : i32
    %dma_wait3A_185 = arith.constant 0 : i32
    %dma_wait3A_186 = tpu.memref_slice %arg14[%dma_wait3A_184, %dma_wait3A_185] : memref<10000x128xf32, #tpu.memory_space<vmem_shared>> -> memref<10000x128xf32, #tpu.memory_space<vmem_shared>>
    %dma_wait3A_187 = tpu.memref_slice %arg17[%dma_wait3A_176] : memref<2x!tpu.dma_semaphore, #tpu.memory_space<semaphore_mem>> -> memref<1x!tpu.dma_semaphore, #tpu.memory_space<semaphore_mem>>
    %dma_wait3A_188 = tpu.memref_squeeze %dma_wait3A_187 : memref<1x!tpu.dma_semaphore, #tpu.memory_space<semaphore_mem>> -> memref<!tpu.dma_semaphore, #tpu.memory_space<semaphore_mem>>
    tpu.wait_indirect_dma semaphore(%dma_wait3A_188 : memref<!tpu.dma_semaphore, #tpu.memory_space<semaphore_mem>>) src(%dma_wait3A_180 : memref<80x128xf32, #tpu.memory_space<vmem>>) dst(%dma_wait3A_186 : memref<10000x128xf32, #tpu.memory_space<vmem_shared>>)
    %dma_wait3A_189 = arith.constant 0 : i32
    %dma_wait3A_190 = arith.constant 0 : i32
    %dma_wait3A_191 = arith.constant 0 : i32
    %dma_wait3A_192 = arith.constant 0 : i32
    %dma_wait3A_193 = arith.constant 0 : i32
    %dma_wait3A_194 = tpu.memref_slice %arg11[%dma_wait3A_189, %dma_wait3A_192, %dma_wait3A_193] : memref<2x80x8xf32, #tpu.memory_space<vmem>> -> memref<1x80x8xf32, #tpu.memory_space<vmem>>
    %dma_wait3A_195 = tpu.memref_squeeze %dma_wait3A_194 : memref<1x80x8xf32, #tpu.memory_space<vmem>> -> memref<80x8xf32, #tpu.memory_space<vmem>>
    %dma_wait3A_196 = arith.constant 320 : i32
    %dma_wait3A_197 = tpu.memref_slice %arg13[%dma_wait3A_190, %dma_wait3A_196] : memref<2x400xi32, #tpu.memory_space<vmem>> -> memref<1x80xi32, #tpu.memory_space<vmem>>
    %dma_wait3A_198 = tpu.memref_squeeze %dma_wait3A_197 : memref<1x80xi32, #tpu.memory_space<vmem>> -> memref<80xi32, #tpu.memory_space<vmem>>
    %dma_wait3A_199 = arith.constant 0 : i32
    %dma_wait3A_200 = arith.constant 0 : i32
    %dma_wait3A_201 = tpu.memref_slice %arg15[%dma_wait3A_199, %dma_wait3A_200] : memref<10000x8xf32, #tpu.memory_space<vmem_shared>> -> memref<10000x8xf32, #tpu.memory_space<vmem_shared>>
    %dma_wait3A_202 = tpu.memref_slice %arg17[%dma_wait3A_191] : memref<2x!tpu.dma_semaphore, #tpu.memory_space<semaphore_mem>> -> memref<1x!tpu.dma_semaphore, #tpu.memory_space<semaphore_mem>>
    %dma_wait3A_203 = tpu.memref_squeeze %dma_wait3A_202 : memref<1x!tpu.dma_semaphore, #tpu.memory_space<semaphore_mem>> -> memref<!tpu.dma_semaphore, #tpu.memory_space<semaphore_mem>>
    tpu.wait_indirect_dma semaphore(%dma_wait3A_203 : memref<!tpu.dma_semaphore, #tpu.memory_space<semaphore_mem>>) src(%dma_wait3A_195 : memref<80x8xf32, #tpu.memory_space<vmem>>) dst(%dma_wait3A_201 : memref<10000x8xf32, #tpu.memory_space<vmem_shared>>)
    %barrier3A_204 = arith.constant 0 : index
    tpu.barrier barrier_id(%barrier3A_204)
    %scan3A_205 = arith.constant 0 : i32
    %scan3A_206 = arith.constant 0 : i32
    %scan3A_207 = arith.constant 7 : i32
    %scan3A_208 = arith.addi %scan3A_206, %scan3A_207 : i32
    %scan3A_209 = arith.constant 1 : i32
    %scan3A_210 = scf.for %scan3A_218 = %scan3A_206 to %scan3A_208 step %scan3A_209 iter_args(%scan3A_219 = %scan3A_205) -> (i32)  : i32 {
      %mul3A_220 = arith.constant 80 : i32
      %mul3A_221 = arith.muli %scan3A_218, %mul3A_220 : i32
      %add3A_222 = arith.addi %mul3A_2, %mul3A_221 : i32
      %run_scoped3A_223 = arith.constant 0 : i32
      "tpu.region"() ({
        %run_scoped3A_228 = tpu.sem_alloc : memref<!tpu.dma_semaphore, #tpu.memory_space<semaphore_mem>>
        %dma_start3A_229 = arith.constant 0 : i32
        %dma_start3A_230 = arith.constant 0 : i32
        %dma_start3A_231 = tpu.memref_slice %arg8[%run_scoped3A_223, %dma_start3A_229, %dma_start3A_230] : memref<3x80x128xf32, #tpu.memory_space<vmem>> -> memref<1x80x128xf32, #tpu.memory_space<vmem>>
        %dma_start3A_232 = tpu.memref_squeeze %dma_start3A_231 : memref<1x80x128xf32, #tpu.memory_space<vmem>> -> memref<80x128xf32, #tpu.memory_space<vmem>>
        %dma_start3A_233 = arith.constant 0 : i32
        %dma_start3A_234 = tpu.memref_slice %arg14[%add3A_222, %dma_start3A_233] : memref<10000x128xf32, #tpu.memory_space<vmem_shared>> -> memref<80x128xf32, #tpu.memory_space<vmem_shared>>
        %dma_start3A_235 = arith.constant 0 : i32
        %dma_start3A_236 = arith.constant 0 : i32
        %dma_start3A_237 = tpu.memref_slice %arg8[%run_scoped3A_223, %dma_start3A_235, %dma_start3A_236] : memref<3x80x128xf32, #tpu.memory_space<vmem>> -> memref<1x80x128xf32, #tpu.memory_space<vmem>>
        %dma_start3A_238 = tpu.memref_squeeze %dma_start3A_237 : memref<1x80x128xf32, #tpu.memory_space<vmem>> -> memref<80x128xf32, #tpu.memory_space<vmem>>
        %dma_start3A_239 = arith.constant 0 : i32
        %dma_start3A_240 = tpu.memref_slice %arg14[%add3A_222, %dma_start3A_239] : memref<10000x128xf32, #tpu.memory_space<vmem_shared>> -> memref<80x128xf32, #tpu.memory_space<vmem_shared>>
        tpu.enqueue_dma source(%dma_start3A_240 : memref<80x128xf32, #tpu.memory_space<vmem_shared>>) target(%dma_start3A_238 : memref<80x128xf32, #tpu.memory_space<vmem>>) target_semaphore(%run_scoped3A_228 : memref<!tpu.dma_semaphore, #tpu.memory_space<semaphore_mem>>)
        %dma_wait3A_241 = arith.constant 0 : i32
        %dma_wait3A_242 = arith.constant 0 : i32
        %dma_wait3A_243 = tpu.memref_slice %arg8[%run_scoped3A_223, %dma_wait3A_241, %dma_wait3A_242] : memref<3x80x128xf32, #tpu.memory_space<vmem>> -> memref<1x80x128xf32, #tpu.memory_space<vmem>>
        %dma_wait3A_244 = tpu.memref_squeeze %dma_wait3A_243 : memref<1x80x128xf32, #tpu.memory_space<vmem>> -> memref<80x128xf32, #tpu.memory_space<vmem>>
        %dma_wait3A_245 = arith.constant 0 : i32
        %dma_wait3A_246 = tpu.memref_slice %arg14[%add3A_222, %dma_wait3A_245] : memref<10000x128xf32, #tpu.memory_space<vmem_shared>> -> memref<80x128xf32, #tpu.memory_space<vmem_shared>>
        %dma_wait3A_247 = arith.constant 0 : i32
        %dma_wait3A_248 = arith.constant 0 : i32
        %dma_wait3A_249 = tpu.memref_slice %arg8[%run_scoped3A_223, %dma_wait3A_247, %dma_wait3A_248] : memref<3x80x128xf32, #tpu.memory_space<vmem>> -> memref<1x80x128xf32, #tpu.memory_space<vmem>>
        %dma_wait3A_250 = tpu.memref_squeeze %dma_wait3A_249 : memref<1x80x128xf32, #tpu.memory_space<vmem>> -> memref<80x128xf32, #tpu.memory_space<vmem>>
        %dma_wait3A_251 = arith.constant 0 : i32
        %dma_wait3A_252 = tpu.memref_slice %arg14[%add3A_222, %dma_wait3A_251] : memref<10000x128xf32, #tpu.memory_space<vmem_shared>> -> memref<80x128xf32, #tpu.memory_space<vmem_shared>>
        tpu.wait_dma2 semaphore(%run_scoped3A_228 : memref<!tpu.dma_semaphore, #tpu.memory_space<semaphore_mem>>) src(%dma_wait3A_252 : memref<80x128xf32, #tpu.memory_space<vmem_shared>>) dst(%dma_wait3A_250 : memref<80x128xf32, #tpu.memory_space<vmem>>)
        tpu.yield
      }) : () -> ()
      %run_scoped3A_224 = arith.constant 0 : i32
      "tpu.region"() ({
        %run_scoped3A_228 = tpu.sem_alloc : memref<!tpu.dma_semaphore, #tpu.memory_space<semaphore_mem>>
        %dma_start3A_229 = arith.constant 0 : i32
        %dma_start3A_230 = arith.constant 0 : i32
        %dma_start3A_231 = tpu.memref_slice %arg8[%run_scoped3A_224, %dma_start3A_229, %dma_start3A_230] : memref<3x80x128xf32, #tpu.memory_space<vmem>> -> memref<1x80x128xf32, #tpu.memory_space<vmem>>
        %dma_start3A_232 = tpu.memref_squeeze %dma_start3A_231 : memref<1x80x128xf32, #tpu.memory_space<vmem>> -> memref<80x128xf32, #tpu.memory_space<vmem>>
        %dma_start3A_233 = arith.constant 0 : i32
        %dma_start3A_234 = tpu.memref_slice %arg6[%arg0, %add3A_222, %dma_start3A_233] : memref<2x10000x128xf32, #tpu.memory_space<hbm>> -> memref<1x80x128xf32, #tpu.memory_space<hbm>>
        %dma_start3A_235 = tpu.memref_squeeze %dma_start3A_234 : memref<1x80x128xf32, #tpu.memory_space<hbm>> -> memref<80x128xf32, #tpu.memory_space<hbm>>
        %dma_start3A_236 = arith.constant 0 : i32
        %dma_start3A_237 = tpu.memref_slice %arg6[%arg0, %add3A_222, %dma_start3A_236] : memref<2x10000x128xf32, #tpu.memory_space<hbm>> -> memref<1x80x128xf32, #tpu.memory_space<hbm>>
        %dma_start3A_238 = tpu.memref_squeeze %dma_start3A_237 : memref<1x80x128xf32, #tpu.memory_space<hbm>> -> memref<80x128xf32, #tpu.memory_space<hbm>>
        %dma_start3A_239 = arith.constant 0 : i32
        %dma_start3A_240 = arith.constant 0 : i32
        %dma_start3A_241 = tpu.memref_slice %arg8[%run_scoped3A_224, %dma_start3A_239, %dma_start3A_240] : memref<3x80x128xf32, #tpu.memory_space<vmem>> -> memref<1x80x128xf32, #tpu.memory_space<vmem>>
        %dma_start3A_242 = tpu.memref_squeeze %dma_start3A_241 : memref<1x80x128xf32, #tpu.memory_space<vmem>> -> memref<80x128xf32, #tpu.memory_space<vmem>>
        tpu.enqueue_dma source(%dma_start3A_242 : memref<80x128xf32, #tpu.memory_space<vmem>>) target(%dma_start3A_238 : memref<80x128xf32, #tpu.memory_space<hbm>>) target_semaphore(%run_scoped3A_228 : memref<!tpu.dma_semaphore, #tpu.memory_space<semaphore_mem>>)
        %dma_wait3A_243 = arith.constant 0 : i32
        %dma_wait3A_244 = arith.constant 0 : i32
        %dma_wait3A_245 = tpu.memref_slice %arg8[%run_scoped3A_224, %dma_wait3A_243, %dma_wait3A_244] : memref<3x80x128xf32, #tpu.memory_space<vmem>> -> memref<1x80x128xf32, #tpu.memory_space<vmem>>
        %dma_wait3A_246 = tpu.memref_squeeze %dma_wait3A_245 : memref<1x80x128xf32, #tpu.memory_space<vmem>> -> memref<80x128xf32, #tpu.memory_space<vmem>>
        %dma_wait3A_247 = arith.constant 0 : i32
        %dma_wait3A_248 = tpu.memref_slice %arg6[%arg0, %add3A_222, %dma_wait3A_247] : memref<2x10000x128xf32, #tpu.memory_space<hbm>> -> memref<1x80x128xf32, #tpu.memory_space<hbm>>
        %dma_wait3A_249 = tpu.memref_squeeze %dma_wait3A_248 : memref<1x80x128xf32, #tpu.memory_space<hbm>> -> memref<80x128xf32, #tpu.memory_space<hbm>>
        %dma_wait3A_250 = arith.constant 0 : i32
        %dma_wait3A_251 = tpu.memref_slice %arg6[%arg0, %add3A_222, %dma_wait3A_250] : memref<2x10000x128xf32, #tpu.memory_space<hbm>> -> memref<1x80x128xf32, #tpu.memory_space<hbm>>
        %dma_wait3A_252 = tpu.memref_squeeze %dma_wait3A_251 : memref<1x80x128xf32, #tpu.memory_space<hbm>> -> memref<80x128xf32, #tpu.memory_space<hbm>>
        %dma_wait3A_253 = arith.constant 0 : i32
        %dma_wait3A_254 = arith.constant 0 : i32
        %dma_wait3A_255 = tpu.memref_slice %arg8[%run_scoped3A_224, %dma_wait3A_253, %dma_wait3A_254] : memref<3x80x128xf32, #tpu.memory_space<vmem>> -> memref<1x80x128xf32, #tpu.memory_space<vmem>>
        %dma_wait3A_256 = tpu.memref_squeeze %dma_wait3A_255 : memref<1x80x128xf32, #tpu.memory_space<vmem>> -> memref<80x128xf32, #tpu.memory_space<vmem>>
        tpu.wait_dma2 semaphore(%run_scoped3A_228 : memref<!tpu.dma_semaphore, #tpu.memory_space<semaphore_mem>>) src(%dma_wait3A_256 : memref<80x128xf32, #tpu.memory_space<vmem>>) dst(%dma_wait3A_252 : memref<80x128xf32, #tpu.memory_space<hbm>>)
        tpu.yield
      }) : () -> ()
      %run_scoped3A_225 = arith.constant 0 : i32
      "tpu.region"() ({
        %run_scoped3A_228 = tpu.sem_alloc : memref<!tpu.dma_semaphore, #tpu.memory_space<semaphore_mem>>
        %dma_start3A_229 = arith.constant 0 : i32
        %dma_start3A_230 = arith.constant 0 : i32
        %dma_start3A_231 = tpu.memref_slice %arg11[%run_scoped3A_225, %dma_start3A_229, %dma_start3A_230] : memref<2x80x8xf32, #tpu.memory_space<vmem>> -> memref<1x80x8xf32, #tpu.memory_space<vmem>>
        %dma_start3A_232 = tpu.memref_squeeze %dma_start3A_231 : memref<1x80x8xf32, #tpu.memory_space<vmem>> -> memref<80x8xf32, #tpu.memory_space<vmem>>
        %dma_start3A_233 = arith.constant 0 : i32
        %dma_start3A_234 = tpu.memref_slice %arg15[%add3A_222, %dma_start3A_233] : memref<10000x8xf32, #tpu.memory_space<vmem_shared>> -> memref<80x8xf32, #tpu.memory_space<vmem_shared>>
        %dma_start3A_235 = arith.constant 0 : i32
        %dma_start3A_236 = arith.constant 0 : i32
        %dma_start3A_237 = tpu.memref_slice %arg11[%run_scoped3A_225, %dma_start3A_235, %dma_start3A_236] : memref<2x80x8xf32, #tpu.memory_space<vmem>> -> memref<1x80x8xf32, #tpu.memory_space<vmem>>
        %dma_start3A_238 = tpu.memref_squeeze %dma_start3A_237 : memref<1x80x8xf32, #tpu.memory_space<vmem>> -> memref<80x8xf32, #tpu.memory_space<vmem>>
        %dma_start3A_239 = arith.constant 0 : i32
        %dma_start3A_240 = tpu.memref_slice %arg15[%add3A_222, %dma_start3A_239] : memref<10000x8xf32, #tpu.memory_space<vmem_shared>> -> memref<80x8xf32, #tpu.memory_space<vmem_shared>>
        tpu.enqueue_dma source(%dma_start3A_240 : memref<80x8xf32, #tpu.memory_space<vmem_shared>>) target(%dma_start3A_238 : memref<80x8xf32, #tpu.memory_space<vmem>>) target_semaphore(%run_scoped3A_228 : memref<!tpu.dma_semaphore, #tpu.memory_space<semaphore_mem>>)
        %dma_wait3A_241 = arith.constant 0 : i32
        %dma_wait3A_242 = arith.constant 0 : i32
        %dma_wait3A_243 = tpu.memref_slice %arg11[%run_scoped3A_225, %dma_wait3A_241, %dma_wait3A_242] : memref<2x80x8xf32, #tpu.memory_space<vmem>> -> memref<1x80x8xf32, #tpu.memory_space<vmem>>
        %dma_wait3A_244 = tpu.memref_squeeze %dma_wait3A_243 : memref<1x80x8xf32, #tpu.memory_space<vmem>> -> memref<80x8xf32, #tpu.memory_space<vmem>>
        %dma_wait3A_245 = arith.constant 0 : i32
        %dma_wait3A_246 = tpu.memref_slice %arg15[%add3A_222, %dma_wait3A_245] : memref<10000x8xf32, #tpu.memory_space<vmem_shared>> -> memref<80x8xf32, #tpu.memory_space<vmem_shared>>
        %dma_wait3A_247 = arith.constant 0 : i32
        %dma_wait3A_248 = arith.constant 0 : i32
        %dma_wait3A_249 = tpu.memref_slice %arg11[%run_scoped3A_225, %dma_wait3A_247, %dma_wait3A_248] : memref<2x80x8xf32, #tpu.memory_space<vmem>> -> memref<1x80x8xf32, #tpu.memory_space<vmem>>
        %dma_wait3A_250 = tpu.memref_squeeze %dma_wait3A_249 : memref<1x80x8xf32, #tpu.memory_space<vmem>> -> memref<80x8xf32, #tpu.memory_space<vmem>>
        %dma_wait3A_251 = arith.constant 0 : i32
        %dma_wait3A_252 = tpu.memref_slice %arg15[%add3A_222, %dma_wait3A_251] : memref<10000x8xf32, #tpu.memory_space<vmem_shared>> -> memref<80x8xf32, #tpu.memory_space<vmem_shared>>
        tpu.wait_dma2 semaphore(%run_scoped3A_228 : memref<!tpu.dma_semaphore, #tpu.memory_space<semaphore_mem>>) src(%dma_wait3A_252 : memref<80x8xf32, #tpu.memory_space<vmem_shared>>) dst(%dma_wait3A_250 : memref<80x8xf32, #tpu.memory_space<vmem>>)
        tpu.yield
      }) : () -> ()
      %run_scoped3A_226 = arith.constant 0 : i32
      "tpu.region"() ({
        %run_scoped3A_228 = tpu.sem_alloc : memref<!tpu.dma_semaphore, #tpu.memory_space<semaphore_mem>>
        %dma_start3A_229 = arith.constant 0 : i32
        %dma_start3A_230 = arith.constant 0 : i32
        %dma_start3A_231 = tpu.memref_slice %arg11[%run_scoped3A_226, %dma_start3A_229, %dma_start3A_230] : memref<2x80x8xf32, #tpu.memory_space<vmem>> -> memref<1x80x8xf32, #tpu.memory_space<vmem>>
        %dma_start3A_232 = tpu.memref_squeeze %dma_start3A_231 : memref<1x80x8xf32, #tpu.memory_space<vmem>> -> memref<80x8xf32, #tpu.memory_space<vmem>>
        %dma_start3A_233 = arith.constant 0 : i32
        %dma_start3A_234 = tpu.memref_slice %arg7[%arg0, %add3A_222, %dma_start3A_233] : memref<2x10000x8xf32, #tpu.memory_space<hbm>> -> memref<1x80x8xf32, #tpu.memory_space<hbm>>
        %dma_start3A_235 = tpu.memref_squeeze %dma_start3A_234 : memref<1x80x8xf32, #tpu.memory_space<hbm>> -> memref<80x8xf32, #tpu.memory_space<hbm>>
        %dma_start3A_236 = arith.constant 0 : i32
        %dma_start3A_237 = tpu.memref_slice %arg7[%arg0, %add3A_222, %dma_start3A_236] : memref<2x10000x8xf32, #tpu.memory_space<hbm>> -> memref<1x80x8xf32, #tpu.memory_space<hbm>>
        %dma_start3A_238 = tpu.memref_squeeze %dma_start3A_237 : memref<1x80x8xf32, #tpu.memory_space<hbm>> -> memref<80x8xf32, #tpu.memory_space<hbm>>
        %dma_start3A_239 = arith.constant 0 : i32
        %dma_start3A_240 = arith.constant 0 : i32
        %dma_start3A_241 = tpu.memref_slice %arg11[%run_scoped3A_226, %dma_start3A_239, %dma_start3A_240] : memref<2x80x8xf32, #tpu.memory_space<vmem>> -> memref<1x80x8xf32, #tpu.memory_space<vmem>>
        %dma_start3A_242 = tpu.memref_squeeze %dma_start3A_241 : memref<1x80x8xf32, #tpu.memory_space<vmem>> -> memref<80x8xf32, #tpu.memory_space<vmem>>
        tpu.enqueue_dma source(%dma_start3A_242 : memref<80x8xf32, #tpu.memory_space<vmem>>) target(%dma_start3A_238 : memref<80x8xf32, #tpu.memory_space<hbm>>) target_semaphore(%run_scoped3A_228 : memref<!tpu.dma_semaphore, #tpu.memory_space<semaphore_mem>>)
        %dma_wait3A_243 = arith.constant 0 : i32
        %dma_wait3A_244 = arith.constant 0 : i32
        %dma_wait3A_245 = tpu.memref_slice %arg11[%run_scoped3A_226, %dma_wait3A_243, %dma_wait3A_244] : memref<2x80x8xf32, #tpu.memory_space<vmem>> -> memref<1x80x8xf32, #tpu.memory_space<vmem>>
        %dma_wait3A_246 = tpu.memref_squeeze %dma_wait3A_245 : memref<1x80x8xf32, #tpu.memory_space<vmem>> -> memref<80x8xf32, #tpu.memory_space<vmem>>
        %dma_wait3A_247 = arith.constant 0 : i32
        %dma_wait3A_248 = tpu.memref_slice %arg7[%arg0, %add3A_222, %dma_wait3A_247] : memref<2x10000x8xf32, #tpu.memory_space<hbm>> -> memref<1x80x8xf32, #tpu.memory_space<hbm>>
        %dma_wait3A_249 = tpu.memref_squeeze %dma_wait3A_248 : memref<1x80x8xf32, #tpu.memory_space<hbm>> -> memref<80x8xf32, #tpu.memory_space<hbm>>
        %dma_wait3A_250 = arith.constant 0 : i32
        %dma_wait3A_251 = tpu.memref_slice %arg7[%arg0, %add3A_222, %dma_wait3A_250] : memref<2x10000x8xf32, #tpu.memory_space<hbm>> -> memref<1x80x8xf32, #tpu.memory_space<hbm>>
        %dma_wait3A_252 = tpu.memref_squeeze %dma_wait3A_251 : memref<1x80x8xf32, #tpu.memory_space<hbm>> -> memref<80x8xf32, #tpu.memory_space<hbm>>
        %dma_wait3A_253 = arith.constant 0 : i32
        %dma_wait3A_254 = arith.constant 0 : i32
        %dma_wait3A_255 = tpu.memref_slice %arg11[%run_scoped3A_226, %dma_wait3A_253, %dma_wait3A_254] : memref<2x80x8xf32, #tpu.memory_space<vmem>> -> memref<1x80x8xf32, #tpu.memory_space<vmem>>
        %dma_wait3A_256 = tpu.memref_squeeze %dma_wait3A_255 : memref<1x80x8xf32, #tpu.memory_space<vmem>> -> memref<80x8xf32, #tpu.memory_space<vmem>>
        tpu.wait_dma2 semaphore(%run_scoped3A_228 : memref<!tpu.dma_semaphore, #tpu.memory_space<semaphore_mem>>) src(%dma_wait3A_256 : memref<80x8xf32, #tpu.memory_space<vmem>>) dst(%dma_wait3A_252 : memref<80x8xf32, #tpu.memory_space<hbm>>)
        tpu.yield
      }) : () -> ()
      %scan3A_227 = arith.constant 0 : i32
      scf.yield %scan3A_227 : i32
    }
    %scan3A_211 = arith.constant 7 : i32
    %add3A_212 = arith.constant 560 : i32
    %add3A_213 = arith.addi %mul3A_2, %add3A_212 : i32
    %run_scoped3A_214 = arith.constant 0 : i32
    "tpu.region"() ({
      %run_scoped3A_218 = tpu.sem_alloc : memref<!tpu.dma_semaphore, #tpu.memory_space<semaphore_mem>>
      %dma_start3A_219 = arith.constant 0 : i32
      %dma_start3A_220 = arith.constant 0 : i32
      %dma_start3A_221 = tpu.memref_slice %arg8[%run_scoped3A_214, %dma_start3A_219, %dma_start3A_220] : memref<3x80x128xf32, #tpu.memory_space<vmem>> -> memref<1x65x128xf32, #tpu.memory_space<vmem>>
      %dma_start3A_222 = tpu.memref_squeeze %dma_start3A_221 : memref<1x65x128xf32, #tpu.memory_space<vmem>> -> memref<65x128xf32, #tpu.memory_space<vmem>>
      %dma_start3A_223 = arith.constant 0 : i32
      %dma_start3A_224 = tpu.memref_slice %arg14[%add3A_213, %dma_start3A_223] : memref<10000x128xf32, #tpu.memory_space<vmem_shared>> -> memref<65x128xf32, #tpu.memory_space<vmem_shared>>
      %dma_start3A_225 = arith.constant 0 : i32
      %dma_start3A_226 = arith.constant 0 : i32
      %dma_start3A_227 = tpu.memref_slice %arg8[%run_scoped3A_214, %dma_start3A_225, %dma_start3A_226] : memref<3x80x128xf32, #tpu.memory_space<vmem>> -> memref<1x65x128xf32, #tpu.memory_space<vmem>>
      %dma_start3A_228 = tpu.memref_squeeze %dma_start3A_227 : memref<1x65x128xf32, #tpu.memory_space<vmem>> -> memref<65x128xf32, #tpu.memory_space<vmem>>
      %dma_start3A_229 = arith.constant 0 : i32
      %dma_start3A_230 = tpu.memref_slice %arg14[%add3A_213, %dma_start3A_229] : memref<10000x128xf32, #tpu.memory_space<vmem_shared>> -> memref<65x128xf32, #tpu.memory_space<vmem_shared>>
      tpu.enqueue_dma source(%dma_start3A_230 : memref<65x128xf32, #tpu.memory_space<vmem_shared>>) target(%dma_start3A_228 : memref<65x128xf32, #tpu.memory_space<vmem>>) target_semaphore(%run_scoped3A_218 : memref<!tpu.dma_semaphore, #tpu.memory_space<semaphore_mem>>)
      %dma_wait3A_231 = arith.constant 0 : i32
      %dma_wait3A_232 = arith.constant 0 : i32
      %dma_wait3A_233 = tpu.memref_slice %arg8[%run_scoped3A_214, %dma_wait3A_231, %dma_wait3A_232] : memref<3x80x128xf32, #tpu.memory_space<vmem>> -> memref<1x65x128xf32, #tpu.memory_space<vmem>>
      %dma_wait3A_234 = tpu.memref_squeeze %dma_wait3A_233 : memref<1x65x128xf32, #tpu.memory_space<vmem>> -> memref<65x128xf32, #tpu.memory_space<vmem>>
      %dma_wait3A_235 = arith.constant 0 : i32
      %dma_wait3A_236 = tpu.memref_slice %arg14[%add3A_213, %dma_wait3A_235] : memref<10000x128xf32, #tpu.memory_space<vmem_shared>> -> memref<65x128xf32, #tpu.memory_space<vmem_shared>>
      %dma_wait3A_237 = arith.constant 0 : i32
      %dma_wait3A_238 = arith.constant 0 : i32
      %dma_wait3A_239 = tpu.memref_slice %arg8[%run_scoped3A_214, %dma_wait3A_237, %dma_wait3A_238] : memref<3x80x128xf32, #tpu.memory_space<vmem>> -> memref<1x65x128xf32, #tpu.memory_space<vmem>>
      %dma_wait3A_240 = tpu.memref_squeeze %dma_wait3A_239 : memref<1x65x128xf32, #tpu.memory_space<vmem>> -> memref<65x128xf32, #tpu.memory_space<vmem>>
      %dma_wait3A_241 = arith.constant 0 : i32
      %dma_wait3A_242 = tpu.memref_slice %arg14[%add3A_213, %dma_wait3A_241] : memref<10000x128xf32, #tpu.memory_space<vmem_shared>> -> memref<65x128xf32, #tpu.memory_space<vmem_shared>>
      tpu.wait_dma2 semaphore(%run_scoped3A_218 : memref<!tpu.dma_semaphore, #tpu.memory_space<semaphore_mem>>) src(%dma_wait3A_242 : memref<65x128xf32, #tpu.memory_space<vmem_shared>>) dst(%dma_wait3A_240 : memref<65x128xf32, #tpu.memory_space<vmem>>)
      tpu.yield
    }) : () -> ()
    %run_scoped3A_215 = arith.constant 0 : i32
    "tpu.region"() ({
      %run_scoped3A_218 = tpu.sem_alloc : memref<!tpu.dma_semaphore, #tpu.memory_space<semaphore_mem>>
      %dma_start3A_219 = arith.constant 0 : i32
      %dma_start3A_220 = arith.constant 0 : i32
      %dma_start3A_221 = tpu.memref_slice %arg8[%run_scoped3A_215, %dma_start3A_219, %dma_start3A_220] : memref<3x80x128xf32, #tpu.memory_space<vmem>> -> memref<1x65x128xf32, #tpu.memory_space<vmem>>
      %dma_start3A_222 = tpu.memref_squeeze %dma_start3A_221 : memref<1x65x128xf32, #tpu.memory_space<vmem>> -> memref<65x128xf32, #tpu.memory_space<vmem>>
      %dma_start3A_223 = arith.constant 0 : i32
      %dma_start3A_224 = tpu.memref_slice %arg6[%arg0, %add3A_213, %dma_start3A_223] : memref<2x10000x128xf32, #tpu.memory_space<hbm>> -> memref<1x65x128xf32, #tpu.memory_space<hbm>>
      %dma_start3A_225 = tpu.memref_squeeze %dma_start3A_224 : memref<1x65x128xf32, #tpu.memory_space<hbm>> -> memref<65x128xf32, #tpu.memory_space<hbm>>
      %dma_start3A_226 = arith.constant 0 : i32
      %dma_start3A_227 = tpu.memref_slice %arg6[%arg0, %add3A_213, %dma_start3A_226] : memref<2x10000x128xf32, #tpu.memory_space<hbm>> -> memref<1x65x128xf32, #tpu.memory_space<hbm>>
      %dma_start3A_228 = tpu.memref_squeeze %dma_start3A_227 : memref<1x65x128xf32, #tpu.memory_space<hbm>> -> memref<65x128xf32, #tpu.memory_space<hbm>>
      %dma_start3A_229 = arith.constant 0 : i32
      %dma_start3A_230 = arith.constant 0 : i32
      %dma_start3A_231 = tpu.memref_slice %arg8[%run_scoped3A_215, %dma_start3A_229, %dma_start3A_230] : memref<3x80x128xf32, #tpu.memory_space<vmem>> -> memref<1x65x128xf32, #tpu.memory_space<vmem>>
      %dma_start3A_232 = tpu.memref_squeeze %dma_start3A_231 : memref<1x65x128xf32, #tpu.memory_space<vmem>> -> memref<65x128xf32, #tpu.memory_space<vmem>>
      tpu.enqueue_dma source(%dma_start3A_232 : memref<65x128xf32, #tpu.memory_space<vmem>>) target(%dma_start3A_228 : memref<65x128xf32, #tpu.memory_space<hbm>>) target_semaphore(%run_scoped3A_218 : memref<!tpu.dma_semaphore, #tpu.memory_space<semaphore_mem>>)
      %dma_wait3A_233 = arith.constant 0 : i32
      %dma_wait3A_234 = arith.constant 0 : i32
      %dma_wait3A_235 = tpu.memref_slice %arg8[%run_scoped3A_215, %dma_wait3A_233, %dma_wait3A_234] : memref<3x80x128xf32, #tpu.memory_space<vmem>> -> memref<1x65x128xf32, #tpu.memory_space<vmem>>
      %dma_wait3A_236 = tpu.memref_squeeze %dma_wait3A_235 : memref<1x65x128xf32, #tpu.memory_space<vmem>> -> memref<65x128xf32, #tpu.memory_space<vmem>>
      %dma_wait3A_237 = arith.constant 0 : i32
      %dma_wait3A_238 = tpu.memref_slice %arg6[%arg0, %add3A_213, %dma_wait3A_237] : memref<2x10000x128xf32, #tpu.memory_space<hbm>> -> memref<1x65x128xf32, #tpu.memory_space<hbm>>
      %dma_wait3A_239 = tpu.memref_squeeze %dma_wait3A_238 : memref<1x65x128xf32, #tpu.memory_space<hbm>> -> memref<65x128xf32, #tpu.memory_space<hbm>>
      %dma_wait3A_240 = arith.constant 0 : i32
      %dma_wait3A_241 = tpu.memref_slice %arg6[%arg0, %add3A_213, %dma_wait3A_240] : memref<2x10000x128xf32, #tpu.memory_space<hbm>> -> memref<1x65x128xf32, #tpu.memory_space<hbm>>
      %dma_wait3A_242 = tpu.memref_squeeze %dma_wait3A_241 : memref<1x65x128xf32, #tpu.memory_space<hbm>> -> memref<65x128xf32, #tpu.memory_space<hbm>>
      %dma_wait3A_243 = arith.constant 0 : i32
      %dma_wait3A_244 = arith.constant 0 : i32
      %dma_wait3A_245 = tpu.memref_slice %arg8[%run_scoped3A_215, %dma_wait3A_243, %dma_wait3A_244] : memref<3x80x128xf32, #tpu.memory_space<vmem>> -> memref<1x65x128xf32, #tpu.memory_space<vmem>>
      %dma_wait3A_246 = tpu.memref_squeeze %dma_wait3A_245 : memref<1x65x128xf32, #tpu.memory_space<vmem>> -> memref<65x128xf32, #tpu.memory_space<vmem>>
      tpu.wait_dma2 semaphore(%run_scoped3A_218 : memref<!tpu.dma_semaphore, #tpu.memory_space<semaphore_mem>>) src(%dma_wait3A_246 : memref<65x128xf32, #tpu.memory_space<vmem>>) dst(%dma_wait3A_242 : memref<65x128xf32, #tpu.memory_space<hbm>>)
      tpu.yield
    }) : () -> ()
    %run_scoped3A_216 = arith.constant 0 : i32
    "tpu.region"() ({
      %run_scoped3A_218 = tpu.sem_alloc : memref<!tpu.dma_semaphore, #tpu.memory_space<semaphore_mem>>
      %dma_start3A_219 = arith.constant 0 : i32
      %dma_start3A_220 = arith.constant 0 : i32
      %dma_start3A_221 = tpu.memref_slice %arg11[%run_scoped3A_216, %dma_start3A_219, %dma_start3A_220] : memref<2x80x8xf32, #tpu.memory_space<vmem>> -> memref<1x65x8xf32, #tpu.memory_space<vmem>>
      %dma_start3A_222 = tpu.memref_squeeze %dma_start3A_221 : memref<1x65x8xf32, #tpu.memory_space<vmem>> -> memref<65x8xf32, #tpu.memory_space<vmem>>
      %dma_start3A_223 = arith.constant 0 : i32
      %dma_start3A_224 = tpu.memref_slice %arg15[%add3A_213, %dma_start3A_223] : memref<10000x8xf32, #tpu.memory_space<vmem_shared>> -> memref<65x8xf32, #tpu.memory_space<vmem_shared>>
      %dma_start3A_225 = arith.constant 0 : i32
      %dma_start3A_226 = arith.constant 0 : i32
      %dma_start3A_227 = tpu.memref_slice %arg11[%run_scoped3A_216, %dma_start3A_225, %dma_start3A_226] : memref<2x80x8xf32, #tpu.memory_space<vmem>> -> memref<1x65x8xf32, #tpu.memory_space<vmem>>
      %dma_start3A_228 = tpu.memref_squeeze %dma_start3A_227 : memref<1x65x8xf32, #tpu.memory_space<vmem>> -> memref<65x8xf32, #tpu.memory_space<vmem>>
      %dma_start3A_229 = arith.constant 0 : i32
      %dma_start3A_230 = tpu.memref_slice %arg15[%add3A_213, %dma_start3A_229] : memref<10000x8xf32, #tpu.memory_space<vmem_shared>> -> memref<65x8xf32, #tpu.memory_space<vmem_shared>>
      tpu.enqueue_dma source(%dma_start3A_230 : memref<65x8xf32, #tpu.memory_space<vmem_shared>>) target(%dma_start3A_228 : memref<65x8xf32, #tpu.memory_space<vmem>>) target_semaphore(%run_scoped3A_218 : memref<!tpu.dma_semaphore, #tpu.memory_space<semaphore_mem>>)
      %dma_wait3A_231 = arith.constant 0 : i32
      %dma_wait3A_232 = arith.constant 0 : i32
      %dma_wait3A_233 = tpu.memref_slice %arg11[%run_scoped3A_216, %dma_wait3A_231, %dma_wait3A_232] : memref<2x80x8xf32, #tpu.memory_space<vmem>> -> memref<1x65x8xf32, #tpu.memory_space<vmem>>
      %dma_wait3A_234 = tpu.memref_squeeze %dma_wait3A_233 : memref<1x65x8xf32, #tpu.memory_space<vmem>> -> memref<65x8xf32, #tpu.memory_space<vmem>>
      %dma_wait3A_235 = arith.constant 0 : i32
      %dma_wait3A_236 = tpu.memref_slice %arg15[%add3A_213, %dma_wait3A_235] : memref<10000x8xf32, #tpu.memory_space<vmem_shared>> -> memref<65x8xf32, #tpu.memory_space<vmem_shared>>
      %dma_wait3A_237 = arith.constant 0 : i32
      %dma_wait3A_238 = arith.constant 0 : i32
      %dma_wait3A_239 = tpu.memref_slice %arg11[%run_scoped3A_216, %dma_wait3A_237, %dma_wait3A_238] : memref<2x80x8xf32, #tpu.memory_space<vmem>> -> memref<1x65x8xf32, #tpu.memory_space<vmem>>
      %dma_wait3A_240 = tpu.memref_squeeze %dma_wait3A_239 : memref<1x65x8xf32, #tpu.memory_space<vmem>> -> memref<65x8xf32, #tpu.memory_space<vmem>>
      %dma_wait3A_241 = arith.constant 0 : i32
      %dma_wait3A_242 = tpu.memref_slice %arg15[%add3A_213, %dma_wait3A_241] : memref<10000x8xf32, #tpu.memory_space<vmem_shared>> -> memref<65x8xf32, #tpu.memory_space<vmem_shared>>
      tpu.wait_dma2 semaphore(%run_scoped3A_218 : memref<!tpu.dma_semaphore, #tpu.memory_space<semaphore_mem>>) src(%dma_wait3A_242 : memref<65x8xf32, #tpu.memory_space<vmem_shared>>) dst(%dma_wait3A_240 : memref<65x8xf32, #tpu.memory_space<vmem>>)
      tpu.yield
    }) : () -> ()
    %run_scoped3A_217 = arith.constant 0 : i32
    "tpu.region"() ({
      %run_scoped3A_218 = tpu.sem_alloc : memref<!tpu.dma_semaphore, #tpu.memory_space<semaphore_mem>>
      %dma_start3A_219 = arith.constant 0 : i32
      %dma_start3A_220 = arith.constant 0 : i32
      %dma_start3A_221 = tpu.memref_slice %arg11[%run_scoped3A_217, %dma_start3A_219, %dma_start3A_220] : memref<2x80x8xf32, #tpu.memory_space<vmem>> -> memref<1x65x8xf32, #tpu.memory_space<vmem>>
      %dma_start3A_222 = tpu.memref_squeeze %dma_start3A_221 : memref<1x65x8xf32, #tpu.memory_space<vmem>> -> memref<65x8xf32, #tpu.memory_space<vmem>>
      %dma_start3A_223 = arith.constant 0 : i32
      %dma_start3A_224 = tpu.memref_slice %arg7[%arg0, %add3A_213, %dma_start3A_223] : memref<2x10000x8xf32, #tpu.memory_space<hbm>> -> memref<1x65x8xf32, #tpu.memory_space<hbm>>
      %dma_start3A_225 = tpu.memref_squeeze %dma_start3A_224 : memref<1x65x8xf32, #tpu.memory_space<hbm>> -> memref<65x8xf32, #tpu.memory_space<hbm>>
      %dma_start3A_226 = arith.constant 0 : i32
      %dma_start3A_227 = tpu.memref_slice %arg7[%arg0, %add3A_213, %dma_start3A_226] : memref<2x10000x8xf32, #tpu.memory_space<hbm>> -> memref<1x65x8xf32, #tpu.memory_space<hbm>>
      %dma_start3A_228 = tpu.memref_squeeze %dma_start3A_227 : memref<1x65x8xf32, #tpu.memory_space<hbm>> -> memref<65x8xf32, #tpu.memory_space<hbm>>
      %dma_start3A_229 = arith.constant 0 : i32
      %dma_start3A_230 = arith.constant 0 : i32
      %dma_start3A_231 = tpu.memref_slice %arg11[%run_scoped3A_217, %dma_start3A_229, %dma_start3A_230] : memref<2x80x8xf32, #tpu.memory_space<vmem>> -> memref<1x65x8xf32, #tpu.memory_space<vmem>>
      %dma_start3A_232 = tpu.memref_squeeze %dma_start3A_231 : memref<1x65x8xf32, #tpu.memory_space<vmem>> -> memref<65x8xf32, #tpu.memory_space<vmem>>
      tpu.enqueue_dma source(%dma_start3A_232 : memref<65x8xf32, #tpu.memory_space<vmem>>) target(%dma_start3A_228 : memref<65x8xf32, #tpu.memory_space<hbm>>) target_semaphore(%run_scoped3A_218 : memref<!tpu.dma_semaphore, #tpu.memory_space<semaphore_mem>>)
      %dma_wait3A_233 = arith.constant 0 : i32
      %dma_wait3A_234 = arith.constant 0 : i32
      %dma_wait3A_235 = tpu.memref_slice %arg11[%run_scoped3A_217, %dma_wait3A_233, %dma_wait3A_234] : memref<2x80x8xf32, #tpu.memory_space<vmem>> -> memref<1x65x8xf32, #tpu.memory_space<vmem>>
      %dma_wait3A_236 = tpu.memref_squeeze %dma_wait3A_235 : memref<1x65x8xf32, #tpu.memory_space<vmem>> -> memref<65x8xf32, #tpu.memory_space<vmem>>
      %dma_wait3A_237 = arith.constant 0 : i32
      %dma_wait3A_238 = tpu.memref_slice %arg7[%arg0, %add3A_213, %dma_wait3A_237] : memref<2x10000x8xf32, #tpu.memory_space<hbm>> -> memref<1x65x8xf32, #tpu.memory_space<hbm>>
      %dma_wait3A_239 = tpu.memref_squeeze %dma_wait3A_238 : memref<1x65x8xf32, #tpu.memory_space<hbm>> -> memref<65x8xf32, #tpu.memory_space<hbm>>
      %dma_wait3A_240 = arith.constant 0 : i32
      %dma_wait3A_241 = tpu.memref_slice %arg7[%arg0, %add3A_213, %dma_wait3A_240] : memref<2x10000x8xf32, #tpu.memory_space<hbm>> -> memref<1x65x8xf32, #tpu.memory_space<hbm>>
      %dma_wait3A_242 = tpu.memref_squeeze %dma_wait3A_241 : memref<1x65x8xf32, #tpu.memory_space<hbm>> -> memref<65x8xf32, #tpu.memory_space<hbm>>
      %dma_wait3A_243 = arith.constant 0 : i32
      %dma_wait3A_244 = arith.constant 0 : i32
      %dma_wait3A_245 = tpu.memref_slice %arg11[%run_scoped3A_217, %dma_wait3A_243, %dma_wait3A_244] : memref<2x80x8xf32, #tpu.memory_space<vmem>> -> memref<1x65x8xf32, #tpu.memory_space<vmem>>
      %dma_wait3A_246 = tpu.memref_squeeze %dma_wait3A_245 : memref<1x65x8xf32, #tpu.memory_space<vmem>> -> memref<65x8xf32, #tpu.memory_space<vmem>>
      tpu.wait_dma2 semaphore(%run_scoped3A_218 : memref<!tpu.dma_semaphore, #tpu.memory_space<semaphore_mem>>) src(%dma_wait3A_246 : memref<65x8xf32, #tpu.memory_space<vmem>>) dst(%dma_wait3A_242 : memref<65x8xf32, #tpu.memory_space<hbm>>)
      tpu.yield
    }) : () -> ()
    return
  }
}

module attributes {stable_mosaic.version = 14 : i64} {
  func.func @_tc_prep_body(%arg0: i32, %arg1: memref<1000x128xf32, #tpu.memory_space<vmem>>, %arg2: memref<128x128xf32, #tpu.memory_space<vmem>>, %arg3: memref<128x8xf32, #tpu.memory_space<vmem>>, %arg4: memref<1000x128xf32, #tpu.memory_space<vmem>>, %arg5: memref<1000x8xf32, #tpu.memory_space<vmem>>) attributes {dimension_semantics = [#tpu.dimension_semantics<arbitrary>], iteration_bounds = array<i64: 10>, scalar_prefetch = 0 : i64, scratch_operands = 0 : i64, tpu.core_type = #tpu.core_type<tc>, window_params = [{transform_indices = @transform_0, window_bounds = array<i64: 1000, 128>}, {pipeline_mode = #tpu.pipeline_mode<synchronous>, transform_indices = @transform_1, window_bounds = array<i64: 128, 128>}, {pipeline_mode = #tpu.pipeline_mode<synchronous>, transform_indices = @transform_2, window_bounds = array<i64: 128, 8>}, {transform_indices = @transform_3, window_bounds = array<i64: 1000, 128>}, {transform_indices = @transform_4, window_bounds = array<i64: 1000, 8>}]} {
    %get3A = arith.constant 0 : index
    %get3A_0 = arith.constant 0 : index
    %get3A_1 = vector.load %arg1[%get3A, %get3A_0] : memref<1000x128xf32, #tpu.memory_space<vmem>>, vector<1000x128xf32>
    %get3A_2 = arith.constant 0 : index
    %get3A_3 = arith.constant 0 : index
    %get3A_4 = vector.load %arg2[%get3A_2, %get3A_3] : memref<128x128xf32, #tpu.memory_space<vmem>>, vector<128x128xf32>
    %dot_general3A = arith.constant dense<0.000000e+00> : vector<1000x128xf32>
    %dot_general3A_5 = tpu.matmul %get3A_1, %get3A_4, %dot_general3A {dimension_numbers = #tpu.dot_dimension_numbers<[1], [0], [0], [1], [0, 0, 1, 1], [], []>, transpose_lhs_hint = false} : vector<1000x128xf32>, vector<128x128xf32>, vector<1000x128xf32> -> vector<1000x128xf32>
    %swap3A = arith.constant 0 : index
    %swap3A_6 = arith.constant 0 : index
    %swap3A_7 = vector.load %arg4[%swap3A, %swap3A_6] : memref<1000x128xf32, #tpu.memory_space<vmem>>, vector<1000x128xf32>
    tpu.vector_store %arg4[%swap3A, %swap3A_6], %dot_general3A_5 {strides = array<i32>} : memref<1000x128xf32, #tpu.memory_space<vmem>>, vector<1000x128xf32>,
    %get3A_8 = arith.constant 0 : index
    %get3A_9 = arith.constant 0 : index
    %get3A_10 = vector.load %arg3[%get3A_8, %get3A_9] : memref<128x8xf32, #tpu.memory_space<vmem>>, vector<128x8xf32>
    %dot_general3A_11 = arith.constant dense<0.000000e+00> : vector<1000x8xf32>
    %dot_general3A_12 = tpu.matmul %dot_general3A_5, %get3A_10, %dot_general3A_11 {dimension_numbers = #tpu.dot_dimension_numbers<[1], [0], [0], [1], [0, 0, 1, 1], [], []>, transpose_lhs_hint = false} : vector<1000x128xf32>, vector<128x8xf32>, vector<1000x8xf32> -> vector<1000x8xf32>
    %swap3A_13 = arith.constant 0 : index
    %swap3A_14 = arith.constant 0 : index
    %swap3A_15 = vector.load %arg5[%swap3A_13, %swap3A_14] : memref<1000x8xf32, #tpu.memory_space<vmem>>, vector<1000x8xf32>
    tpu.vector_store %arg5[%swap3A_13, %swap3A_14], %dot_general3A_12 {strides = array<i32>} : memref<1000x8xf32, #tpu.memory_space<vmem>>, vector<1000x8xf32>,
    return
  }
  func.func @transform_0(%arg0: i32) -> (i32, i32) {
    %c0_i32 = arith.constant 0 : i32
    %c0_i32_0 = arith.constant 0 : i32
    return %arg0, %c0_i32 : i32, i32
  }
  func.func @transform_1(%arg0: i32) -> (i32, i32) {
    %c0_i32 = arith.constant 0 : i32
    %c0_i32_0 = arith.constant 0 : i32
    %c0_i32_1 = arith.constant 0 : i32
    return %c0_i32, %c0_i32_0 : i32, i32
  }
  func.func @transform_2(%arg0: i32) -> (i32, i32) {
    %c0_i32 = arith.constant 0 : i32
    %c0_i32_0 = arith.constant 0 : i32
    %c0_i32_1 = arith.constant 0 : i32
    return %c0_i32, %c0_i32_0 : i32, i32
  }
  func.func @transform_3(%arg0: i32) -> (i32, i32) {
    %c0_i32 = arith.constant 0 : i32
    %c0_i32_0 = arith.constant 0 : i32
    return %arg0, %c0_i32 : i32, i32
  }
  func.func @transform_4(%arg0: i32) -> (i32, i32) {
    %c0_i32 = arith.constant 0 : i32
    %c0_i32_0 = arith.constant 0 : i32
    return %arg0, %c0_i32 : i32, i32
  }
}

module attributes {stable_mosaic.version = 14 : i64} {
  func.func @_tc_finish_body(%arg0: i32, %arg1: memref<2x1000x128xf32, #tpu.memory_space<vmem>>, %arg2: memref<2x1000x8xf32, #tpu.memory_space<vmem>>, %arg3: memref<4x128xf32, #tpu.memory_space<vmem>>, %arg4: memref<1000x128xf32, #tpu.memory_space<vmem>>) attributes {dimension_semantics = [#tpu.dimension_semantics<arbitrary>], iteration_bounds = array<i64: 10>, scalar_prefetch = 0 : i64, scratch_operands = 0 : i64, tpu.core_type = #tpu.core_type<tc>, window_params = [{transform_indices = @transform_0, window_bounds = array<i64: 2, 1000, 128>}, {transform_indices = @transform_1, window_bounds = array<i64: 2, 1000, 8>}, {pipeline_mode = #tpu.pipeline_mode<synchronous>, transform_indices = @transform_2, window_bounds = array<i64: 4, 128>}, {transform_indices = @transform_3, window_bounds = array<i64: 1000, 128>}]} {
    %get3A = arith.constant 0 : index
    %get3A_0 = arith.constant 0 : index
    %get3A_1 = arith.constant 0 : index
    %get3A_2 = vector.load %arg1[%get3A, %get3A_0, %get3A_1] : memref<2x1000x128xf32, #tpu.memory_space<vmem>>, vector<1x1000x128xf32>
    %get3A_3 = vector.shape_cast %get3A_2 : vector<1x1000x128xf32> to vector<1000x128xf32>
    %get3A_4 = arith.constant 1 : index
    %get3A_5 = arith.constant 0 : index
    %get3A_6 = arith.constant 0 : index
    %get3A_7 = vector.load %arg1[%get3A_4, %get3A_5, %get3A_6] : memref<2x1000x128xf32, #tpu.memory_space<vmem>>, vector<1x1000x128xf32>
    %get3A_8 = vector.shape_cast %get3A_7 : vector<1x1000x128xf32> to vector<1000x128xf32>
    %add3A = arith.addf %get3A_3, %get3A_8 : vector<1000x128xf32>
    %get3A_9 = arith.constant 0 : index
    %get3A_10 = arith.constant 0 : index
    %get3A_11 = arith.constant 0 : index
    %get3A_12 = vector.load %arg2[%get3A_9, %get3A_10, %get3A_11] : memref<2x1000x8xf32, #tpu.memory_space<vmem>>, vector<1x1000x4xf32>
    %get3A_13 = vector.shape_cast %get3A_12 : vector<1x1000x4xf32> to vector<1000x4xf32>
    %get3A_14 = arith.constant 1 : index
    %get3A_15 = arith.constant 0 : index
    %get3A_16 = arith.constant 0 : index
    %get3A_17 = vector.load %arg2[%get3A_14, %get3A_15, %get3A_16] : memref<2x1000x8xf32, #tpu.memory_space<vmem>>, vector<1x1000x4xf32>
    %get3A_18 = vector.shape_cast %get3A_17 : vector<1x1000x4xf32> to vector<1000x4xf32>
    %add3A_19 = arith.addf %get3A_13, %get3A_18 : vector<1000x4xf32>
    %add3A_20 = arith.constant 1.000000e-10 : f32
    %add3A_21 = vector.broadcast %add3A_20 : f32 to vector<1000x4xf32>
    %add3A_22 = arith.addf %add3A_19, %add3A_21 : vector<1000x4xf32>
    %div3A = arith.constant 1.000000e+00 : f32
    %div3A_23 = vector.broadcast %div3A : f32 to vector<1000x4xf32>
    %div3A_24 = arith.divf %div3A_23, %add3A_22 : vector<1000x4xf32>
    %get3A_25 = arith.constant 0 : index
    %get3A_26 = arith.constant 0 : index
    %get3A_27 = vector.load %arg3[%get3A_25, %get3A_26] : memref<4x128xf32, #tpu.memory_space<vmem>>, vector<4x128xf32>
    %dot_general3A = arith.constant dense<0.000000e+00> : vector<1000x128xf32>
    %dot_general3A_28 = tpu.matmul %div3A_24, %get3A_27, %dot_general3A {dimension_numbers = #tpu.dot_dimension_numbers<[1], [0], [0], [1], [0, 0, 1, 1], [], []>, transpose_lhs_hint = false} : vector<1000x4xf32>, vector<4x128xf32>, vector<1000x128xf32> -> vector<1000x128xf32>
    %mul3A = arith.mulf %add3A, %dot_general3A_28 : vector<1000x128xf32>
    %swap3A = arith.constant 0 : index
    %swap3A_29 = arith.constant 0 : index
    %swap3A_30 = vector.load %arg4[%swap3A, %swap3A_29] : memref<1000x128xf32, #tpu.memory_space<vmem>>, vector<1000x128xf32>
    tpu.vector_store %arg4[%swap3A, %swap3A_29], %mul3A {strides = array<i32>} : memref<1000x128xf32, #tpu.memory_space<vmem>>, vector<1000x128xf32>,
    return
  }
  func.func @transform_0(%arg0: i32) -> (i32, i32, i32) {
    %c0_i32 = arith.constant 0 : i32
    %c0_i32_0 = arith.constant 0 : i32
    %c0_i32_1 = arith.constant 0 : i32
    return %c0_i32, %arg0, %c0_i32_0 : i32, i32, i32
  }
  func.func @transform_1(%arg0: i32) -> (i32, i32, i32) {
    %c0_i32 = arith.constant 0 : i32
    %c0_i32_0 = arith.constant 0 : i32
    %c0_i32_1 = arith.constant 0 : i32
    return %c0_i32, %arg0, %c0_i32_0 : i32, i32, i32
  }
  func.func @transform_2(%arg0: i32) -> (i32, i32) {
    %c0_i32 = arith.constant 0 : i32
    %c0_i32_0 = arith.constant 0 : i32
    %c0_i32_1 = arith.constant 0 : i32
    return %c0_i32, %c0_i32_0 : i32, i32
  }
  func.func @transform_3(%arg0: i32) -> (i32, i32) {
    %c0_i32 = arith.constant 0 : i32
    %c0_i32_0 = arith.constant 0 : i32
    return %arg0, %c0_i32 : i32, i32
  }
}

</mosaic_0001>

<sc_bundles>
// kernel: kernel.5.cloned.1.call-start
scs
__scs_entry_jumppad:
0x0: {  	(pc) =	sbr.rel $0x88, $3  }
0x1: {  	(tag) =	ssettag $0x0;
	lr =	simm.s32 $0x1  }
0x2: {  	[smem:$0x3F9D] =	sst lr;
	_ =	strace $0xD0000000  }
0x3: {  	_ = 	snop  }
0x4: {  	_ = 	snop  }
0x5: {  	_ = 	snop  }
0x6: {  	_ = 	snop  }
0x7: {  	_ = 	snop  }
__scs_overlays_trampoline_lowered:
0x8: {  	[smem:$0x3FAC] =	sst s0  }
0x9: {  	[smem:$0x3FAD] =	sst s1  }
0xa: {  	[smem:$0x3FAE] =	sst s2  }
0xb: {  	[smem:$0x3FAF] =	sst s3  }
0xc: {  	[smem:$0x3FB0] =	sst s4  }
0xd: {  	[smem:$0x3FB1] =	sst s5  }
0xe: {  	[smem:$0x3FB2] =	sst s6  }
0xf: {  	[smem:$0x3FB3] =	sst s7  }
0x10: {  	[smem:$0x3FB4] =	sst s8  }
0x11: {  	[smem:$0x3FB5] =	sst s9;
	s0 =	simm.s32 @!p0 $0x0  }
0x12: {  	s1 =	sld [smem:$0x3F9B];
	s0 =	simm.s32 @p0 $0x1  }
0x13: {  	[smem:$0x3FB6] =	sst s0;
	s0 =	simm.s32 @!p1 $0x0  }
0x14: {  	s2 =	sld [smem:$0x3F9A];
	s0 =	simm.s32 @p1 $0x1  }
0x15: {  	[smem:$0x3FB7] =	sst s0;
	s0 =	simm.s32 @!p2 $0x0  }
0x16: {  	s3 =	sld [smem:$0x3FDB];
	s0 =	simm.s32 @p2 $0x1  }
0x17: {  	s4 =	simm.s32 $0x1BF5;
	[smem:$0x3FB9] =	sst s0  }
0x18: {  	s0 =	sld [smem:$0x3F9C];
	_ =	swait.ge [sflag:s4], $0x0  }
0x19: {  	s7 =	sld [smem:$0x3F9D]  }
0x1a: {  	s8 =	sadd.s32 $0xFFFFE003, lr  }
0x1b: {  	s9 =	sadd.s32 $0xFFFFFEF7, lr;
	s5 =	simm.s32 $0xFFFFFFFF;
	p2 =	slt.u32 s8, $0xFFFFF086  }
0x1c: {  	p1 =	slt.u32 s9, $0xF7A;
	s5 =	simm.s32 @!p2 $0x0  }
0x1d: {  	s5 =	simm.s32 @p1 $0x1;
	p0 =	seq.s32 s7, s2  }
0x1e: {  	s7 =	smul.u32 @!p0 $0xF7A, s2;
	p2 =	seq.s32 @!p0 s5, $0x0  }
0x1f: {  	s9 =	smul.u32 $0xF7A, s1;
	s8 =	simm.s32 @!p0 $0x1BF5;
	p2 =	por !p2, p0  }
0x20: {  	[sflag:s8] =	ssyncset.s32 @!p0 $0xFFFFF086;
	s6 =	sadd.s32 @!p0 s3, s7;
	s7 =	simm.s32 @!p0 $0x108  }
0x21: {  	s3 =	sadd.s32 s3, s9;
	s6 =	sadd.s32 @!p0 $0x88, s6;
	s7 =	simm.s32 @p2 $0x1082  }
0x22: {  	[simem:s7], [sflag:s8] =	dma.local @!p0 [hbm:s6], $0xF7A  }
0x23: {  	s9 =	sor.u32 $0xD0000000, s2;
	s6 =	simm.s32 $0x108;
	_ =	swait.ge @!p0 [sflag:s8], $0x0  }
0x24: {  	s3 =	sadd.s32 $0x88, s3;
	s6 =	simm.s32 @!p1 $0x1082;
	[sflag:s4] =	ssyncset.s32 $0xFFFFF086  }
0x25: {  	[simem:s6], [sflag:s4] =	dma.local [hbm:s3], $0xF7A  }
0x26: {  	[smem:$0x3F9D] =	sst s1;
	(tag) =	ssettag s2;
	_ =	strace s9  }
0x27: {  	s1 =	sld [smem:$0x3FAD]  }
0x28: {  	s2 =	sld [smem:$0x3FAE]  }
0x29: {  	s4 =	sld [smem:$0x3FB0]  }
0x2a: {  	p0 =	seq.s32 s5, $0x0;
	s5 =	sld [smem:$0x3FB1]  }
0x2b: {  	s6 =	sld [smem:$0x3FB2]  }
0x2c: {  	s7 =	sld [smem:$0x3FB3]  }
0x2d: {  	s3 =	simm.s32 $0x108;
	s8 =	sld [smem:$0x3FB4]  }
0x2e: {  	s3 =	simm.s32 @!p0 $0x1082;
	s9 =	sld [smem:$0x3FB5]  }
0x2f: {  	lr =	sadd.s32 s0, s3;
	s0 =	sld [smem:$0x3FAC]  }
0x30: {  	s3 =	sld [smem:$0x3FAF]  }
0x31: {  	[smem:$0x3FB8] =	sst s10  }
0x32: {  	s10 =	sld [smem:$0x3FB6];
	_ =	sdelay $0x3  }
0x33: {  	p0 =	seq.s32 s10, $0x1;
	s10 =	sld [smem:$0x3FB8];
	_ =	sdelay $0x3  }
0x34: {  	[smem:$0x3FB8] =	sst s10  }
0x35: {  	s10 =	sld [smem:$0x3FB7];
	_ =	sdelay $0x3  }
0x36: {  	p1 =	seq.s32 s10, $0x1;
	s10 =	sld [smem:$0x3FB8];
	_ =	sdelay $0x3  }
0x37: {  	[smem:$0x3FB8] =	sst s10  }
0x38: {  	s10 =	sld [smem:$0x3FB9]  }
0x39: {  	_ = 	snop;
	(pc) =	sbr.ind lr, $3  }
0x3a: {  	_ = 	snop  }
0x3b: {  	_ = 	snop  }
0x3c: {  	p2 =	seq.s32 s10, $0x1;
	s10 =	sld [smem:$0x3FB8]  }
0x3d: {  	_ =	shalt  }
0x3e: {  	_ =	shalt  }
0x3f: {  	_ =	shalt  }
0x40: {  	_ =	shalt  }
0x41: {  	_ =	shalt  }
0x42: {  	_ =	shalt  }
0x43: {  	_ =	shalt  }
0x44: {  	_ =	shalt  }
0x45: {  	_ =	shalt  }
0x46: {  	_ =	shalt  }
0x47: {  	_ =	shalt  }
0x48: {  	_ =	shalt  }
0x49: {  	_ =	shalt  }
0x4a: {  	_ =	shalt  }
0x4b: {  	_ =	shalt  }
0x4c: {  	_ =	shalt  }
0x4d: {  	_ =	shalt  }
0x4e: {  	_ =	shalt  }
0x4f: {  	_ =	shalt  }
0x50: {  	_ =	shalt  }
0x51: {  	_ =	shalt  }
0x52: {  	_ =	shalt  }
0x53: {  	_ =	shalt  }
0x54: {  	_ =	shalt  }
0x55: {  	_ =	shalt  }
0x56: {  	_ =	shalt  }
0x57: {  	_ =	shalt  }
0x58: {  	_ =	shalt  }
0x59: {  	_ =	shalt  }
0x5a: {  	_ =	shalt  }
0x5b: {  	_ =	shalt  }
0x5c: {  	_ =	shalt  }
0x5d: {  	_ =	shalt  }
0x5e: {  	_ =	shalt  }
0x5f: {  	_ =	shalt  }
0x60: {  	_ =	shalt  }
0x61: {  	_ =	shalt  }
0x62: {  	_ =	shalt  }
0x63: {  	_ =	shalt  }
0x64: {  	_ =	shalt  }
0x65: {  	_ =	shalt  }
0x66: {  	_ =	shalt  }
0x67: {  	_ =	shalt  }
0x68: {  	_ =	shalt  }
0x69: {  	_ =	shalt  }
0x6a: {  	_ =	shalt  }
0x6b: {  	_ =	shalt  }
0x6c: {  	_ =	shalt  }
0x6d: {  	_ =	shalt  }
0x6e: {  	_ =	shalt  }
0x6f: {  	_ =	shalt  }
0x70: {  	_ =	shalt  }
0x71: {  	_ =	shalt  }
0x72: {  	_ =	shalt  }
0x73: {  	_ =	shalt  }
0x74: {  	_ =	shalt  }
0x75: {  	_ =	shalt  }
0x76: {  	_ =	shalt  }
0x77: {  	_ =	shalt  }
0x78: {  	_ =	shalt  }
0x79: {  	_ =	shalt  }
0x7a: {  	_ =	shalt  }
0x7b: {  	_ =	shalt  }
0x7c: {  	_ =	shalt  }
0x7d: {  	_ =	shalt  }
0x7e: {  	_ =	shalt  }
0x7f: {  	_ =	shalt  }
0x80: {  	_ =	shalt  }
0x81: {  	_ =	shalt  }
0x82: {  	_ =	shalt  }
0x83: {  	_ =	shalt  }
0x84: {  	_ =	shalt  }
0x85: {  	_ =	shalt  }
0x86: {  	_ =	shalt  }
0x87: {  	_ =	shalt  }
.Lfunc_end0:
.L_simem_size_0:
called_computation_lowered:
.L_overlay_start_0:
0x88: {  	s2 =	sld [smem:$0x3FD9]  }
0x89: {  	s3 =	sld [smem:$0x3FFE];
	_ =	sdelay $0x1  }
0x8a: {  	s1 =	srdreg.scid  }
0x8b: {  	s0 =	sand.u32 $0x1, s1  }
0x8c: {  	s17 =	sshll.u32 s0, $0xA;
	s2 =	sadd.s32 s3, s2  }
0x8d: {  	s2 =	sadd.s32 s2, s17  }
0x8e: {  	[smem:$0x3FC4] =	sst s2  }
0x8f: {  	_ = 	snop  }
0x90: {  	s2 =	sld [smem:$0x3FD0];
	(tm) =	ssettm $0x1  }
0x91: {  	s18 =	sld [smem:$0x3FFB];
	_ =	sdelay $0x3  }
0x92: {  	_ =	strace s18  }
0x93: {  	s3 =	sld [smem:$0x3FFC];
	_ =	sdelay $0x3  }
0x94: {  	_ =	strace s3  }
0x95: {  	s3 =	sld [smem:$0x3FFD];
	_ =	sdelay $0x3  }
0x96: {  	_ =	strace s3  }
0x97: {  	_ =	strace $0x8FFFFFFF  }
0x98: {  	s19 =	sld [smem:$0x3FDB];
	_ =	sdelay $0x1  }
0x99: {  	s4 =	simm.s32 $_scs_section_size  }
0x9a: {  	s5 =	simm.s32 $_size__tile_overlayer_lowered;
	s6 =	simm.s32 $_tile_overlayer_lowered  }
0x9b: {  	s22 =	simm.s32 $0x1BFF;
	s21 =	sshll.u32 s6, $0x1;
	s3 =	sadd.s32 s4, s19  }
0x9c: {  	s7 =	simm.s32 $0x0;
	s20 =	sshll.u32 s5, $0x1;
	s5 =	sadd.s32 s21, s3  }
0x9d: {  	[timem:s7], [sflag:s22] =	dma.local [hbm:s5], s20  }
0x9e: {  	_ =	swait.ge [sflag:s22], s20  }
0x9f: {  	s4 =	ssub.s32 $0x0, s20;
	[sflag:s22] =	ssyncset.done $0x0  }
0xa0: {  	[sflag:s22] =	ssyncadd.s32 s4;
	_ =	sdelay $0x1  }
0xa1: {  	s23 =	simm.s32 $0x1B8B  }
0xa2: {  	_ =	swait.ge [sflag:s23], $0x1  }
0xa3: {  	[sflag:s23] =	ssyncset.done $0x0  }
0xa4: {  	s25 =	simm.s32 $0x1B8E;
	s24 =	sld [smem:$0x3FFE];
	[sflag:s23] =	ssyncadd.s32 $0xFFFFFFFF  }
0xa5: {  	s26 =	simm.s32 $execute0_lowered;
	[smem:$0x3FD2] =	sst s25  }
0xa6: {  	s5 =	sshll.u32 s26, $0x1;
	_ =	strace $0x80000046;
	[dreg:$0x1] =	wrdreg $0xFFFFFFFF  }
0xa7: {  	s28 =	simm.s32 $_size_execute0_lowered;
	s3 =	sadd.s32 s3, s5;
	[dreg:$0x0] =	wrdreg $0x0  }
0xa8: {  	s5 =	sshll.u32 s28, $0x1;
	[dreg:$0x2] =	wrdreg s3  }
0xa9: {  	[dreg:$0x3] =	wrdreg s5  }
0xaa: {  	[dreg:$0x4] =	wrdreg $0xC0  }
0xab: {  	_ =	task [dreg:s7], $0x5FFFF  }
0xac: {  	[dreg:$0x1] =	wrdreg $0xFFFFFFFF  }
0xad: {  	[dreg:$0x0] =	wrdreg $0x60  }
0xae: {  	[dreg:$0x2] =	wrdreg s2  }
0xaf: {  	[dreg:$0x3] =	wrdreg s24  }
0xb0: {  	[dreg:$0x4] =	wrdreg $0x92400  }
0xb1: {  	[dreg:$0x5] =	wrdreg $0x1CAC00  }
0xb2: {  	[dreg:$0x6] =	wrdreg $0x9  }
0xb3: {  	_ =	task.clear_ibuf [dreg:s7], $0x7FFFF;
	_ =	strace $0x90000046  }
0xb4: {  	s29 =	simm.s32 $0x9;
	_ =	strace $0x80000048  }
0xb5: {  	_ =	swait.ge [sflag:s29], $0x1  }
0xb6: {  	[sflag:s29] =	ssyncadd.s32 $0xFFFFFFFF  }
0xb7: {  	_ =	strace $0x90000048  }
0xb8: {  	_ =	sfence  }
0xb9: {  	s30 =	sld [smem:$0x0];
	_ =	sdelay $0x2  }
0xba: {  	s31 =	sshll.u32 s1, $0xD;
	s1 =	sshrl.u32 s1, $0x2  }
0xbb: {  	s3 =	sand.u32 $0x4000, s31;
	s1 =	sadd.s32 s1, s30  }
0xbc: {  	s0 =	sor.u32 s3, s0;
	s1 =	sshll.u32 s1, $0x11  }
0xbd: {  	s0 =	sor.u32 s1, s0  }
0xbe: {  	s0 =	sadd.s32 $0x8F2B, s0  }
0xbf: {  	[sflag:s0] =	ssyncadd.remote.s32 $0x1  }
0xc0: {  	_ =	sfence.sel $0xFFFF  }
0xc1: {  	[dreg:$0x0] =	wrdreg $0xFFFFFFFF;
	(pc) =	sbr.abs _section_cstart, $3  }
0xc2: {  	[dreg:$0x1] =	wrdreg $0xFFFFFFFF  }
0xc3: {  	_ =	task.clear_ibuf [dreg:s7], $0x2FFFF;
	_ =	strace $0x9FFFFFFF  }
0xc4: {  	(tm) =	ssettm $0x7FFFFFFF  }
0xc5: {  	_ =	shalt  }
tec
execute0_lowered:
.L_overlay_start_1:
0x0: {  	(tag) =	ssettag $0x1  }
0x1: {  	s1 =	rddreg [dreg:$0x0]  }
0x2: {  	s0 =	rddreg [dreg:$0x1]  }
0x3: {  	s2 =	rddreg [dreg:$0x2]  }
0x4: {  	s3 =	rddreg [dreg:$0x3];
	s19 =	stileid.u32  }
0x5: {  	s4 =	simm.s32 $0x0;
	s5 =	srdreg.scid;
	s12 =	smul.u32 $0x271, s19  }
0x6: {  	[smem:$0x7FF] =	sst s4;
	s21 =	smul.u32 $0x4E200, s19  }
0x7: {  	s5 =	sand.u32 $0x1, s5;
	s6 =	sadd.s32 $0x14800, s0;
	s22 =	smul.u32 $0x4E20, s19  }
0x8: {  	s7 =	sadd.s32 $0xAA00, s0;
	s8 =	sadd.s32 $0xC00, s0;
	s23 =	smul.u32 $0x13880, s19  }
0x9: {  	s13 =	sadd.s32 $0x1C000, s0;
	_ =	strace $0x80000047;
	s9 =	smul.u32 $0x2710, s5  }
0xa: {  	s28 =	sshll.u32 s5, $0x4;
	s10 =	ssub.s32 $0x2, s5;
	s5 =	smul.u32 $0x138800, s5  }
0xb: {  	s14 =	sadd.s32 $0x230, s12;
	s11 =	sshrl.u32 s10, $0x1;
	s25 =	sshrl.u32 s21, $0x2  }
0xc: {  	s26 =	sshrl.u32 s22, $0x2;
	s0 =	sadd.s32 s9, s0;
	s9 =	sor.u32 s19, s28  }
0xd: {  	s15 =	sshll.u32 s14, $0x7;
	s16 =	ssub.s32 s10, s11;
	s29 =	sshll.u32 s14, $0x3  }
0xe: {  	s19 =	sadd.s32 s25, s2;
	s28 =	sadd.s32 $0x50, s12;
	s9 =	smul.u32 $0x2710, s9  }
0xf: {  	s10 =	sadd.s32 s15, s2;
	s11 =	sadd.s32 s29, s3;
	s15 =	sadd.s32 s5, s15  }
0x10: {  	s0 =	sadd.s32 $0x17000, s0;
	s24 =	smax.u32 s16, $0x1;
	s5 =	sadd.s32 s23, s5  }
0x11: {  	s29 =	sshll.u32 s28, $0x7;
	s23 =	sadd.s32 $0x140, s12;
	s15 =	sshrl.u32 s15, $0x3  }
0x12: {  	s14 =	sadd.s32 s14, s0;
	[dreg:$0xb] =	wrdreg s24;
	s5 =	sshrl.u32 s5, $0x3  }
0x13: {  	s17 =	sshrl.u32 s9, $0x3;
	s15 =	sadd.s32 s13, s15;
	[dreg:$0xa] =	wrdreg s14  }
0x14: {  	s21 =	sadd.s32 s5, s13;
	s5 =	sadd.s32 s29, s2;
	[dreg:$0x9] =	wrdreg s15  }
0x15: {  	s24 =	sshll.u32 s23, $0x7;
	s18 =	sadd.s32 s7, s17;
	[dreg:$0xc] =	wrdreg s5  }
0x16: {  	s31 =	sadd.s32 s12, s0;
	s30 =	sadd.s32 s8, s17;
	[dreg:$0x5] =	wrdreg s18  }
0x17: {  	s17 =	sadd.s32 $0x32, s17;
	s15 =	sadd.s32 $0xA0, s12;
	[dreg:$0x6] =	wrdreg s30  }
0x18: {  	s20 =	sadd.s32 s7, s17;
	s17 =	sadd.s32 s8, s17;
	s30 =	sshll.u32 s28, $0x3  }
0x19: {  	s16 =	sshll.u32 s15, $0x7;
	s5 =	sshll.u32 s15, $0x3;
	[dreg:$0x7] =	wrdreg s20  }
0x1a: {  	s28 =	sadd.s32 $0x1E0, s12;
	s15 =	simm.s32 $0x8980;
	[dreg:$0x8] =	wrdreg s17  }
0x1b: {  	s20 =	sadd.s32 s26, s3;
	s14 =	sadd.s32 s30, s3;
	s17 =	sadd.s32 $0xF0, s12  }
0x1c: {  	s13 =	sadd.s32 s16, s2;
	s5 =	sadd.s32 s5, s3;
	s26 =	sadd.s32 $0x190, s12  }
0x1d: {  	s30 =	sshll.u32 s28, $0x7;
	s0 =	sshll.u32 s28, $0x3;
	[dreg:$0xd] =	wrdreg s14  }
0x1e: {  	s16 =	simm.s32 $0x8;
	[dreg:$0xe] =	wrdreg s13;
	s18 =	sshll.u32 s17, $0x7  }
0x1f: {  	[dreg:$0xf] =	wrdreg s5;
	s13 =	sshll.u32 s23, $0x3;
	s5 =	sadd.s32 s18, s2  }
0x20: {  	s29 =	sshll.u32 s26, $0x7;
	s25 =	sadd.s32 s13, s3;
	[dreg:$0x10] =	wrdreg s5  }
0x21: {  	s22 =	sshll.u32 s17, $0x3;
	s12 =	sadd.s32 s29, s2;
	[dreg:$0x13] =	wrdreg s25  }
0x22: {  	s14 =	simm.s32 $0x8700;
	s5 =	sadd.s32 s22, s3;
	[dreg:$0x14] =	wrdreg s12  }
0x23: {  	s17 =	simm.s32 $0x8C00;
	[dreg:$0x11] =	wrdreg s5;
	s5 =	sadd.s32 s24, s2  }
0x24: {  	v0 =	vlaneseq.u32;
	s13 =	sadd.s32 s0, s3;
	[dreg:$0x12] =	wrdreg s5;
	s5 =	sshll.u32 s26, $0x3  }
0x25: {  	v2 =	vshrl.u32 v0, $0x3;
	s12 =	sadd.s32 s30, s2;
	s22 =	simm.s32 $0x50;
	s5 =	sadd.s32 s5, s3  }
0x26: {  	v1 =	vimm.f32 $0.0e+00;
	v3 =	vand.u32 $0x7, v0;
	v2 =	vmul.u32 $0x8, v2;
	s25 =	simm.s32 $0x0;
	s24 =	simm.s32 $0x4;
	[dreg:$0x15] =	wrdreg s5  }
.LBB2_1:
0x27: {  	s0 =	sand.u32 $0xFE00, s4  }
0x28: {  	s5 =	sand.u32 $0x70, s4;
	s18 =	sshrl.u32 s0, $0x2  }
0x29: {  	s0 =	simm.s32 $0x40;
	s18 =	sor.u32 s5, s18;
	s5 =	simm.s32 $0x0  }
.LBB2_2:
0x2a: {  	p0 =	sne.s32 s0, $0x9FC0  }
0x2b: {  	[tilespmem:s18+$0x0] =	vst v1;
	s5 =	sadd.s32 $0x10, s5;
	s18 =	smov.u32 s0;
	s0 =	sadd.s32 $0x40, s0  }
.Ltmp0:
0x2c: {  	(pc) =	sbr.rel @p0 .LBB2_2-.Ltmp0, $4  }
0x2d: {  	_ = 	snop  }
0x2e: {  	s18 =	sand.u32 $0xFE00, s18  }
0x2f: {  	s26 =	sand.u32 $0x70, s5;
	s18 =	sshrl.u32 s18, $0x2  }
0x30: {  	s18 =	sor.u32 s26, s18;
	s26 =	simm.s32 $0x0  }
0x31: {  	v4 =	vmov s26  }
0x32: {  	v4 =	vshll.u32 v4, $0x3  }
0x33: {  	v4 =	vor.u32 v2, v4  }
0x34: {  	[tilespmem:s18+$0x0] =	vst v1;
	s0 =	simm.s32 $0x2;
	v5 =	vor.u32 v3, v4  }
.LBB2_4:
0x35: {  	p0 =	seq.s32 s0, $0x4E  }
.Ltmp1:
0x36: {  	_ = 	snop;
	(pc) =	sbr.rel @!p0 .LBB2_4-.Ltmp1, $4  }
0x37: {  	v6 =	vmov s0  }
0x38: {  	v6 =	vshll.u32 v6, $0x3  }
0x39: {  	v6 =	vor.u32 v2, v6  }
0x3a: {  	s0 =	sadd.s32 $0x2, s0;
	[tilespmem:v5+s14+$0x0] =	vst.idx.msk $0xffff, v1;
	v5 =	vor.u32 v3, v6  }
0x3b: {  	_ =	sdelay $0x3  }
0x3c: {  	[tilespmem:v5+s14+$0x0] =	vst.idx.msk $0xffff, v1;
	s0 =	simm.s32 $0x2;
	v4 =	vor.u32 v3, v4  }
.LBB2_6:
0x3d: {  	p0 =	seq.s32 s0, $0x4E  }
.Ltmp2:
0x3e: {  	_ = 	snop;
	(pc) =	sbr.rel @!p0 .LBB2_6-.Ltmp2, $4  }
0x3f: {  	v5 =	vmov s0  }
0x40: {  	v5 =	vshll.u32 v5, $0x3  }
0x41: {  	v5 =	vor.u32 v2, v5  }
0x42: {  	s0 =	sadd.s32 $0x2, s0;
	[tilespmem:v4+s15+$0x0] =	vst.idx.msk $0xffff, v1;
	v4 =	vor.u32 v3, v5  }
0x43: {  	_ =	sdelay $0x3  }
0x44: {  	[tilespmem:v4+s15+$0x0] =	vst.idx.msk $0xffff, v1;
	s26 =	simm.s32 $0x0  }
0x45: {  	[spmem:s19] =	stream.linear.scatter [tilespmem:s26], [sflag:$0x8], $0x2800, $0x38;
	[tilespmem:$0x1DE48] =	vst v63  }
0x46: {  	_ =	swait.ge [sflag:s16], $0x2800  }
0x47: {  	[sflag:s16] =	ssyncset.done $0x0  }
0x48: {  	[sflag:s16] =	ssyncadd.s32 $0xFFFFD800  }
0x49: {  	[spmem:s20] =	stream.linear.scatter [tilespmem:s14], [sflag:$0x8], $0x280, $0x38;
	[tilespmem:$0x1DE48] =	vst v63  }
0x4a: {  	_ =	swait.ge [sflag:s16], $0x280  }
0x4b: {  	[sflag:s16] =	ssyncset.done $0x0  }
0x4c: {  	s0 =	rddreg [dreg:$0xc];
	[sflag:s16] =	ssyncadd.s32 $0xFFFFFD80  }
0x4d: {  	[spmem:s0] =	stream.linear.scatter [tilespmem:s26], [sflag:$0x8], $0x2800, $0x38;
	[tilespmem:$0x1DE48] =	vst v63  }
0x4e: {  	_ =	swait.ge [sflag:s16], $0x2800  }
0x4f: {  	[sflag:s16] =	ssyncset.done $0x0  }
0x50: {  	s5 =	rddreg [dreg:$0xd];
	[sflag:s16] =	ssyncadd.s32 $0xFFFFD800  }
0x51: {  	[spmem:s5] =	stream.linear.scatter [tilespmem:s14], [sflag:$0x8], $0x280, $0x38;
	[tilespmem:$0x1DE48] =	vst v63  }
0x52: {  	_ =	swait.ge [sflag:s16], $0x280  }
0x53: {  	[sflag:s16] =	ssyncset.done $0x0  }
0x54: {  	s18 =	rddreg [dreg:$0xe];
	[sflag:s16] =	ssyncadd.s32 $0xFFFFFD80  }
0x55: {  	[spmem:s18] =	stream.linear.scatter [tilespmem:s26], [sflag:$0x8], $0x2800, $0x38;
	[tilespmem:$0x1DE48] =	vst v63  }
0x56: {  	_ =	swait.ge [sflag:s16], $0x2800  }
0x57: {  	[sflag:s16] =	ssyncset.done $0x0  }
0x58: {  	s23 =	rddreg [dreg:$0xf];
	[sflag:s16] =	ssyncadd.s32 $0xFFFFD800  }
0x59: {  	[spmem:s23] =	stream.linear.scatter [tilespmem:s14], [sflag:$0x8], $0x280, $0x38;
	[tilespmem:$0x1DE48] =	vst v63  }
0x5a: {  	_ =	swait.ge [sflag:s16], $0x280  }
0x5b: {  	[sflag:s16] =	ssyncset.done $0x0  }
0x5c: {  	s28 =	rddreg [dreg:$0x10];
	[sflag:s16] =	ssyncadd.s32 $0xFFFFFD80  }
0x5d: {  	[spmem:s28] =	stream.linear.scatter [tilespmem:s26], [sflag:$0x8], $0x2800, $0x38;
	[tilespmem:$0x1DE48] =	vst v63  }
0x5e: {  	_ =	swait.ge [sflag:s16], $0x2800  }
0x5f: {  	[sflag:s16] =	ssyncset.done $0x0  }
0x60: {  	s29 =	rddreg [dreg:$0x11];
	[sflag:s16] =	ssyncadd.s32 $0xFFFFD800  }
0x61: {  	[spmem:s29] =	stream.linear.scatter [tilespmem:s14], [sflag:$0x8], $0x280, $0x38;
	[tilespmem:$0x1DE48] =	vst v63  }
0x62: {  	_ =	swait.ge [sflag:s16], $0x280  }
0x63: {  	[sflag:s16] =	ssyncset.done $0x0  }
0x64: {  	s30 =	rddreg [dreg:$0x12];
	[sflag:s16] =	ssyncadd.s32 $0xFFFFFD80  }
0x65: {  	[spmem:s30] =	stream.linear.scatter [tilespmem:s26], [sflag:$0x8], $0x2800, $0x38;
	[tilespmem:$0x1DE48] =	vst v63  }
0x66: {  	_ =	swait.ge [sflag:s16], $0x2800  }
0x67: {  	[sflag:s16] =	ssyncset.done $0x0  }
0x68: {  	s5 =	rddreg [dreg:$0x13];
	[sflag:s16] =	ssyncadd.s32 $0xFFFFD800  }
0x69: {  	[spmem:s5] =	stream.linear.scatter [tilespmem:s14], [sflag:$0x8], $0x280, $0x38;
	[tilespmem:$0x1DE48] =	vst v63  }
0x6a: {  	_ =	swait.ge [sflag:s16], $0x280  }
0x6b: {  	[sflag:s16] =	ssyncset.done $0x0  }
0x6c: {  	s18 =	rddreg [dreg:$0x14];
	[sflag:s16] =	ssyncadd.s32 $0xFFFFFD80  }
0x6d: {  	[spmem:s18] =	stream.linear.scatter [tilespmem:s26], [sflag:$0x8], $0x2800, $0x38;
	[tilespmem:$0x1DE48] =	vst v63  }
0x6e: {  	_ =	swait.ge [sflag:s16], $0x2800  }
0x6f: {  	[sflag:s16] =	ssyncset.done $0x0  }
0x70: {  	s23 =	rddreg [dreg:$0x15];
	[sflag:s16] =	ssyncadd.s32 $0xFFFFD800  }
0x71: {  	[spmem:s23] =	stream.linear.scatter [tilespmem:s14], [sflag:$0x8], $0x280, $0x38;
	[tilespmem:$0x1DE48] =	vst v63  }
0x72: {  	_ =	swait.ge [sflag:s16], $0x280  }
0x73: {  	[sflag:s16] =	ssyncset.done $0x0  }
0x74: {  	[sflag:s16] =	ssyncadd.s32 $0xFFFFFD80  }
0x75: {  	[spmem:s12] =	stream.linear.scatter [tilespmem:s26], [sflag:$0x8], $0x2800, $0x38;
	[tilespmem:$0x1DE48] =	vst v63  }
0x76: {  	_ =	swait.ge [sflag:s16], $0x2800  }
0x77: {  	[sflag:s16] =	ssyncset.done $0x0  }
0x78: {  	[sflag:s16] =	ssyncadd.s32 $0xFFFFD800  }
0x79: {  	[spmem:s13] =	stream.linear.scatter [tilespmem:s14], [sflag:$0x8], $0x280, $0x38;
	[tilespmem:$0x1DE48] =	vst v63  }
0x7a: {  	_ =	swait.ge [sflag:s16], $0x280  }
0x7b: {  	[sflag:s16] =	ssyncset.done $0x0  }
0x7c: {  	[sflag:s16] =	ssyncadd.s32 $0xFFFFFD80  }
0x7d: {  	[spmem:s10] =	stream.linear.scatter [tilespmem:s26], [sflag:$0x8], $0x2080, $0x38;
	[tilespmem:$0x1DE48] =	vst v63  }
0x7e: {  	_ =	swait.ge [sflag:s16], $0x2080  }
0x7f: {  	[sflag:s16] =	ssyncset.done $0x0  }
0x80: {  	[sflag:s16] =	ssyncadd.s32 $0xFFFFDF80  }
0x81: {  	[spmem:s11] =	stream.linear.scatter [tilespmem:s14], [sflag:$0x8], $0x208, $0x38;
	[tilespmem:$0x1DE48] =	vst v63  }
0x82: {  	_ =	swait.ge [sflag:s16], $0x208  }
0x83: {  	[sflag:s16] =	ssyncset.done $0x0  }
0x84: {  	[sflag:s16] =	ssyncadd.s32 $0xFFFFFDF8  }
0x85: {  	[bflag:$0x0] =	sbarrier.arrive $0xFFFF  }
0x86: {  	s28 =	rddreg [dreg:$0x5]  }
0x87: {  	[tilespmem:s17], [sflag:$0x8] =	stream.linear.gather [hbm4b:s28+s26], $0x190, $0x38;
	[tilespmem:$0x1DE48] =	vst v63  }
0x88: {  	_ =	swait.ge [sflag:s16], $0x190  }
0x89: {  	[sflag:s16] =	ssyncset.done $0x0  }
0x8a: {  	s5 =	simm.s32 $0x8F20;
	s29 =	rddreg [dreg:$0x6];
	[sflag:s16] =	ssyncadd.s32 $0xFFFFFE70  }
0x8b: {  	[tilespmem:s5], [sflag:$0x8] =	stream.linear.gather [hbm4b:s29+s26], $0x190, $0x38;
	[tilespmem:$0x1DE48] =	vst v63  }
0x8c: {  	_ =	swait.ge [sflag:s16], $0x190  }
0x8d: {  	[sflag:s16] =	ssyncset.done $0x0  }
0x8e: {  	s18 =	simm.s32 $0x8D90;
	s30 =	rddreg [dreg:$0x7];
	[sflag:s16] =	ssyncadd.s32 $0xFFFFFE70  }
0x8f: {  	[tilespmem:s18], [sflag:$0x7] =	stream.linear.gather [hbm4b:s30+s26], $0x190, $0x38;
	[tilespmem:$0x1DE48] =	vst v63  }
0x90: {  	s28 =	simm.s32 $0x90B0;
	s23 =	rddreg [dreg:$0x8]  }
0x91: {  	[tilespmem:s28], [sflag:$0x7] =	stream.linear.gather [hbm4b:s23+s26], $0x190, $0x38;
	[tilespmem:$0x1DE48] =	vst v63  }
0x92: {  	_ = 	snop  }
0x93: {  	[tilespmem:s26], [sflag:$0x1] =	stream.indirect.gather [hbm4b:s1+s22], $0x80, s17, s22, $0xb8;
	[tilespmem:$0x1DE48] =	vst v63  }
0x94: {  	s29 =	simm.s32 $0x7800  }
0x95: {  	[tilespmem:s29], [sflag:$0x1] =	stream.indirect.gather [hbm4b:s6+s22], $0x8, s17, s22, $0xb8;
	[tilespmem:$0x1DE48] =	vst v63  }
0x96: {  	s30 =	simm.s32 $0x7F80  }
0x97: {  	[tilespmem:s30], [sflag:$0x1] =	stream.indirect.gather [hbm4b:s6+s22], $0x8, s5, s22, $0xb8;
	[tilespmem:$0x1DE48] =	vst v63  }
0x98: {  	s18 =	simm.s32 $0x8C50;
	s23 =	simm.s32 $0x2800  }
0x99: {  	[tilespmem:s23], [sflag:$0x2] =	stream.indirect.gather [hbm4b:s1+s22], $0x80, s18, s22, $0xb8;
	[tilespmem:$0x1DE48] =	vst v63  }
.Ltmp3:
0x9a: {  	_ = 	snop;
	(pc) =	sbr.rel .LBB2_8-.Ltmp3, $4  }
0x9b: {  	s28 =	simm.s32 $0x7A80  }
0x9c: {  	[tilespmem:s28], [sflag:$0x2] =	stream.indirect.gather [hbm4b:s6+s22], $0x8, s18, s22, $0xb8;
	[tilespmem:$0x1DE48] =	vst v63  }
0x9d: {  	s29 =	simm.s32 $0x8F70;
	s30 =	simm.s32 $0x8200  }
0x9e: {  	[tilespmem:s30], [sflag:$0x2] =	stream.indirect.gather [hbm4b:s6+s22], $0x8, s29, s22, $0xb8;
	[tilespmem:$0x1DE48] =	vst v63  }
.LBB2_12:
0x9f: {  	s26 =	sadd.s32 $0x1, s26  }
0xa0: {  	p0 =	sne.s32 s26, $0x7D  }
.Ltmp4:
0xa1: {  	_ = 	snop;
	(pc) =	sbr.rel @!p0 .LBB2_13-.Ltmp4, $1  }
0xa2: {  	_ =	sdelay $0x3  }
.LBB2_8:
0xa3: {  	s0 =	smul.u32 $0xAB, s26;
	_ =	sdelay $0x1  }
0xa4: {  	s0 =	sshrl.u32 s0, $0x9  }
0xa5: {  	s0 =	sand.u32 $0x7F, s0  }
0xa6: {  	s0 =	smul.u32 $0x3, s0;
	_ =	sdelay $0x1  }
0xa7: {  	s0 =	ssub.s32 s26, s0  }
0xa8: {  	s0 =	sand.u32 $0xFF, s0  }
0xa9: {  	s5 =	sadd.s32 $0x1, s0  }
0xaa: {  	_ =	swait.ge [sflag:s5], $0x2800  }
0xab: {  	[sflag:s5] =	ssyncset.done $0x0  }
0xac: {  	s28 =	sand.u32 $0x1, s26;
	[sflag:s5] =	ssyncadd.s32 $0xFFFFD800  }
0xad: {  	s30 =	smul.u32 $0xA00, s28;
	_ =	swait.ge [sflag:s5], $0x280  }
0xae: {  	s29 =	smul.u32 $0x280, s0;
	[sflag:s5] =	ssyncset.done $0x0  }
0xaf: {  	s23 =	smul.u32 $0xA000, s0;
	[sflag:s5] =	ssyncadd.s32 $0xFFFFFD80  }
0xb0: {  	s18 =	sor.u32 $0x7800, s29;
	s0 =	sadd.s32 $0x7F80, s29;
	_ =	swait.ge [sflag:s5], $0x280  }
0xb1: {  	s29 =	sshrl.u32 s30, $0x2;
	s30 =	sshrl.u32 s23, $0x2;
	[sflag:s5] =	ssyncset.done $0x0  }
0xb2: {  	s29 =	sadd.s32 $0x8700, s29;
	[sflag:s5] =	ssyncadd.s32 $0xFFFFFD80;
	s5 =	simm.s32 $0x0  }
.LBB2_9:
0xb3: {  	v4 =	vor.u32 s5, v0  }
0xb4: {  	v5 =	vshll.u32 v4, $0x3  }
0xb5: {  	v6 =	vor.u32 $0x4, v5;
	_ =	sdelay $0x3  }
0xb6: {  	v7 =	vld.idx.msk [tilespmem:v5+s18+$0x0], $0xffff  }
0xb7: {  	v6 =	vld.idx.msk [tilespmem:v6+s0+$0x0], $0xffff;
	_ =	sdelay $0x4  }
0xb8: {  	v6 =	vadd.f32 v6, v7;
	_ =	sdelay $0x1  }
0xb9: {  	v7 =	vmul.f32 $2.000000030e-01, v6  }
0xba: {  	vm0 =	vgt.f32 v6, $0.0e+00  }
0xbb: {  	v6 =	vsel vm0, v6, v7  }
0xbc: {  	v6 =	vmul.f32 $1.442695020e+00, v6;
	_ =	sdelay $0x1  }
0xbd: {  	(erf) = vpow2.f32 v6;
	_ =	sdelay $0x5  }
0xbe: {  	v38 =	vor.u32 $0x1, v5  }
0xbf: {  	v39 =	vor.u32 $0x5, v5;
	_ =	sdelay $0x1  }
0xc0: {  	v8 =	vpop (erf)  }
0xc1: {  	[tilespmem:v5+s29+$0x0] =	vst.idx.msk $0xffff, v8  }
0xc2: {  	v9 =	vld.idx.msk [tilespmem:v38+s18+$0x0], $0xffff  }
0xc3: {  	v7 =	vld.idx.msk [tilespmem:v39+s0+$0x0], $0xffff;
	_ =	sdelay $0x4  }
0xc4: {  	v7 =	vadd.f32 v7, v9;
	_ =	sdelay $0x1  }
0xc5: {  	v9 =	vmul.f32 $2.000000030e-01, v7  }
0xc6: {  	vm13 =	vgt.f32 v7, $0.0e+00  }
0xc7: {  	v7 =	vsel vm13, v7, v9  }
0xc8: {  	v7 =	vmul.f32 $1.442695020e+00, v7;
	_ =	sdelay $0x1  }
0xc9: {  	(erf) = vpow2.f32 v7;
	_ =	sdelay $0x5  }
0xca: {  	v40 =	vor.u32 $0x2, v5  }
0xcb: {  	v10 =	vor.u32 $0x6, v5;
	_ =	sdelay $0x1  }
0xcc: {  	v7 =	vpop (erf)  }
0xcd: {  	[tilespmem:v38+s29+$0x0] =	vst.idx.msk $0xffff, v7  }
0xce: {  	v6 =	vld.idx.msk [tilespmem:v40+s18+$0x0], $0xffff  }
0xcf: {  	v10 =	vld.idx.msk [tilespmem:v10+s0+$0x0], $0xffff;
	_ =	sdelay $0x4  }
0xd0: {  	v6 =	vadd.f32 v10, v6;
	_ =	sdelay $0x1  }
0xd1: {  	v10 =	vmul.f32 $2.000000030e-01, v6  }
0xd2: {  	vm14 =	vgt.f32 v6, $0.0e+00  }
0xd3: {  	v6 =	vsel vm14, v6, v10  }
0xd4: {  	v6 =	vmul.f32 $1.442695020e+00, v6;
	_ =	sdelay $0x1  }
0xd5: {  	(erf) = vpow2.f32 v6;
	_ =	sdelay $0x5  }
0xd6: {  	v41 =	vor.u32 $0x3, v5  }
0xd7: {  	v5 =	vor.u32 $0x7, v5;
	_ =	sdelay $0x1  }
0xd8: {  	v6 =	vpop (erf)  }
0xd9: {  	[tilespmem:v40+s29+$0x0] =	vst.idx.msk $0xffff, v6  }
0xda: {  	v9 =	vld.idx.msk [tilespmem:v41+s18+$0x0], $0xffff  }
0xdb: {  	v5 =	vld.idx.msk [tilespmem:v5+s0+$0x0], $0xffff;
	_ =	sdelay $0x4  }
0xdc: {  	v5 =	vadd.f32 v5, v9;
	_ =	sdelay $0x1  }
0xdd: {  	v9 =	vmul.f32 $2.000000030e-01, v5  }
0xde: {  	vm15 =	vgt.f32 v5, $0.0e+00  }
0xdf: {  	v5 =	vsel vm15, v5, v9  }
0xe0: {  	v5 =	vmul.f32 $1.442695020e+00, v5;
	_ =	sdelay $0x1  }
0xe1: {  	(erf) = vpow2.f32 v5;
	_ =	sdelay $0x5  }
0xe2: {  	v5 =	vshll.u32 v4, $0x7;
	_ =	sdelay $0x2  }
0xe3: {  	v4 =	vpop (erf)  }
0xe4: {  	[tilespmem:v41+s29+$0x0] =	vst.idx.msk $0xffff, v4  }
0xe5: {  	v42 =	vld.idx.msk [tilespmem:v5+s30+$0x0], $0xffff;
	_ =	sdelay $0x2  }
0xe6: {  	v43 =	vor.u32 $0x1, v5;
	_ =	sdelay $0x1  }
0xe7: {  	v9 =	vmul.f32 v42, v8;
	_ =	sdelay $0x1  }
0xe8: {  	[tilespmem:v5+s30+$0x0] =	vst.idx.msk $0xffff, v9  }
0xe9: {  	v9 =	vld.idx.msk [tilespmem:v43+s30+$0x0], $0xffff;
	_ =	sdelay $0x2  }
0xea: {  	v11 =	vor.u32 $0x2, v5;
	_ =	sdelay $0x1  }
0xeb: {  	v9 =	vmul.f32 v9, v8;
	_ =	sdelay $0x1  }
0xec: {  	[tilespmem:v43+s30+$0x0] =	vst.idx.msk $0xffff, v9  }
0xed: {  	v9 =	vld.idx.msk [tilespmem:v11+s30+$0x0], $0xffff;
	_ =	sdelay $0x2  }
0xee: {  	v44 =	vor.u32 $0x3, v5;
	_ =	sdelay $0x1  }
0xef: {  	v9 =	vmul.f32 v9, v8;
	_ =	sdelay $0x1  }
0xf0: {  	[tilespmem:v11+s30+$0x0] =	vst.idx.msk $0xffff, v9  }
0xf1: {  	v9 =	vld.idx.msk [tilespmem:v44+s30+$0x0], $0xffff;
	_ =	sdelay $0x2  }
0xf2: {  	v45 =	vor.u32 $0x4, v5;
	_ =	sdelay $0x1  }
0xf3: {  	v9 =	vmul.f32 v9, v8;
	_ =	sdelay $0x1  }
0xf4: {  	[tilespmem:v44+s30+$0x0] =	vst.idx.msk $0xffff, v9  }
0xf5: {  	v9 =	vld.idx.msk [tilespmem:v45+s30+$0x0], $0xffff;
	_ =	sdelay $0x2  }
0xf6: {  	v46 =	vor.u32 $0x5, v5;
	_ =	sdelay $0x1  }
0xf7: {  	v9 =	vmul.f32 v9, v8;
	_ =	sdelay $0x1  }
0xf8: {  	[tilespmem:v45+s30+$0x0] =	vst.idx.msk $0xffff, v9  }
0xf9: {  	v9 =	vld.idx.msk [tilespmem:v46+s30+$0x0], $0xffff;
	_ =	sdelay $0x2  }
0xfa: {  	v47 =	vor.u32 $0x6, v5;
	_ =	sdelay $0x1  }
0xfb: {  	v9 =	vmul.f32 v9, v8;
	_ =	sdelay $0x1  }
0xfc: {  	[tilespmem:v46+s30+$0x0] =	vst.idx.msk $0xffff, v9  }
0xfd: {  	v9 =	vld.idx.msk [tilespmem:v47+s30+$0x0], $0xffff;
	_ =	sdelay $0x2  }
0xfe: {  	v48 =	vor.u32 $0x7, v5;
	_ =	sdelay $0x1  }
0xff: {  	v9 =	vmul.f32 v9, v8;
	_ =	sdelay $0x1  }
0x100: {  	[tilespmem:v47+s30+$0x0] =	vst.idx.msk $0xffff, v9  }
0x101: {  	v9 =	vld.idx.msk [tilespmem:v48+s30+$0x0], $0xffff;
	_ =	sdelay $0x2  }
0x102: {  	v49 =	vor.u32 $0x8, v5;
	_ =	sdelay $0x1  }
0x103: {  	v9 =	vmul.f32 v9, v8;
	_ =	sdelay $0x1  }
0x104: {  	[tilespmem:v48+s30+$0x0] =	vst.idx.msk $0xffff, v9  }
0x105: {  	v9 =	vld.idx.msk [tilespmem:v49+s30+$0x0], $0xffff;
	_ =	sdelay $0x2  }
0x106: {  	v50 =	vor.u32 $0x9, v5;
	_ =	sdelay $0x1  }
0x107: {  	v9 =	vmul.f32 v9, v8;
	_ =	sdelay $0x1  }
0x108: {  	[tilespmem:v49+s30+$0x0] =	vst.idx.msk $0xffff, v9  }
0x109: {  	v9 =	vld.idx.msk [tilespmem:v50+s30+$0x0], $0xffff;
	_ =	sdelay $0x2  }
0x10a: {  	v51 =	vor.u32 $0xA, v5;
	_ =	sdelay $0x1  }
0x10b: {  	v9 =	vmul.f32 v9, v8;
	_ =	sdelay $0x1  }
0x10c: {  	[tilespmem:v50+s30+$0x0] =	vst.idx.msk $0xffff, v9  }
0x10d: {  	v9 =	vld.idx.msk [tilespmem:v51+s30+$0x0], $0xffff;
	_ =	sdelay $0x2  }
0x10e: {  	v52 =	vor.u32 $0xB, v5;
	_ =	sdelay $0x1  }
0x10f: {  	v9 =	vmul.f32 v9, v8;
	_ =	sdelay $0x1  }
0x110: {  	[tilespmem:v51+s30+$0x0] =	vst.idx.msk $0xffff, v9  }
0x111: {  	v9 =	vld.idx.msk [tilespmem:v52+s30+$0x0], $0xffff;
	_ =	sdelay $0x2  }
0x112: {  	v53 =	vor.u32 $0xC, v5;
	_ =	sdelay $0x1  }
0x113: {  	v9 =	vmul.f32 v9, v8;
	_ =	sdelay $0x1  }
0x114: {  	[tilespmem:v52+s30+$0x0] =	vst.idx.msk $0xffff, v9  }
0x115: {  	v9 =	vld.idx.msk [tilespmem:v53+s30+$0x0], $0xffff;
	_ =	sdelay $0x2  }
0x116: {  	v54 =	vor.u32 $0xD, v5;
	_ =	sdelay $0x1  }
0x117: {  	v9 =	vmul.f32 v9, v8;
	_ =	sdelay $0x1  }
0x118: {  	[tilespmem:v53+s30+$0x0] =	vst.idx.msk $0xffff, v9  }
0x119: {  	v9 =	vld.idx.msk [tilespmem:v54+s30+$0x0], $0xffff;
	_ =	sdelay $0x2  }
0x11a: {  	v55 =	vor.u32 $0xE, v5;
	_ =	sdelay $0x1  }
0x11b: {  	v9 =	vmul.f32 v9, v8;
	_ =	sdelay $0x1  }
0x11c: {  	[tilespmem:v54+s30+$0x0] =	vst.idx.msk $0xffff, v9  }
0x11d: {  	v9 =	vld.idx.msk [tilespmem:v55+s30+$0x0], $0xffff;
	_ =	sdelay $0x2  }
0x11e: {  	v56 =	vor.u32 $0xF, v5;
	_ =	sdelay $0x1  }
0x11f: {  	v9 =	vmul.f32 v9, v8;
	_ =	sdelay $0x1  }
0x120: {  	[tilespmem:v55+s30+$0x0] =	vst.idx.msk $0xffff, v9  }
0x121: {  	v9 =	vld.idx.msk [tilespmem:v56+s30+$0x0], $0xffff;
	_ =	sdelay $0x2  }
0x122: {  	v57 =	vor.u32 $0x10, v5;
	_ =	sdelay $0x1  }
0x123: {  	v9 =	vmul.f32 v9, v8;
	_ =	sdelay $0x1  }
0x124: {  	[tilespmem:v56+s30+$0x0] =	vst.idx.msk $0xffff, v9  }
0x125: {  	v9 =	vld.idx.msk [tilespmem:v57+s30+$0x0], $0xffff;
	_ =	sdelay $0x2  }
0x126: {  	v58 =	vor.u32 $0x11, v5;
	_ =	sdelay $0x1  }
0x127: {  	v9 =	vmul.f32 v9, v8;
	_ =	sdelay $0x1  }
0x128: {  	[tilespmem:v57+s30+$0x0] =	vst.idx.msk $0xffff, v9  }
0x129: {  	v9 =	vld.idx.msk [tilespmem:v58+s30+$0x0], $0xffff;
	_ =	sdelay $0x2  }
0x12a: {  	v59 =	vor.u32 $0x12, v5;
	_ =	sdelay $0x1  }
0x12b: {  	v9 =	vmul.f32 v9, v8;
	_ =	sdelay $0x1  }
0x12c: {  	[tilespmem:v58+s30+$0x0] =	vst.idx.msk $0xffff, v9  }
0x12d: {  	v9 =	vld.idx.msk [tilespmem:v59+s30+$0x0], $0xffff;
	_ =	sdelay $0x2  }
0x12e: {  	v60 =	vor.u32 $0x13, v5;
	_ =	sdelay $0x1  }
0x12f: {  	v9 =	vmul.f32 v9, v8;
	_ =	sdelay $0x1  }
0x130: {  	[tilespmem:v59+s30+$0x0] =	vst.idx.msk $0xffff, v9  }
0x131: {  	v9 =	vld.idx.msk [tilespmem:v60+s30+$0x0], $0xffff;
	_ =	sdelay $0x2  }
0x132: {  	v61 =	vor.u32 $0x14, v5;
	_ =	sdelay $0x1  }
0x133: {  	v9 =	vmul.f32 v9, v8;
	_ =	sdelay $0x1  }
0x134: {  	[tilespmem:v60+s30+$0x0] =	vst.idx.msk $0xffff, v9  }
0x135: {  	v9 =	vld.idx.msk [tilespmem:v61+s30+$0x0], $0xffff;
	_ =	sdelay $0x2  }
0x136: {  	v62 =	vor.u32 $0x15, v5;
	_ =	sdelay $0x1  }
0x137: {  	v9 =	vmul.f32 v9, v8;
	_ =	sdelay $0x1  }
0x138: {  	[tilespmem:v61+s30+$0x0] =	vst.idx.msk $0xffff, v9  }
0x139: {  	v9 =	vld.idx.msk [tilespmem:v62+s30+$0x0], $0xffff;
	_ =	sdelay $0x2  }
0x13a: {  	v63 =	vor.u32 $0x16, v5;
	_ =	sdelay $0x1  }
0x13b: {  	v9 =	vmul.f32 v9, v8;
	_ =	sdelay $0x1  }
0x13c: {  	[tilespmem:v62+s30+$0x0] =	vst.idx.msk $0xffff, v9  }
0x13d: {  	v9 =	vld.idx.msk [tilespmem:v63+s30+$0x0], $0xffff;
	_ =	sdelay $0x2  }
0x13e: {  	v12 =	vor.u32 $0x17, v5;
	_ =	sdelay $0x1  }
0x13f: {  	v9 =	vmul.f32 v9, v8;
	_ =	sdelay $0x1  }
0x140: {  	[tilespmem:v63+s30+$0x0] =	vst.idx.msk $0xffff, v9  }
0x141: {  	v9 =	vld.idx.msk [tilespmem:v12+s30+$0x0], $0xffff;
	_ =	sdelay $0x2  }
0x142: {  	v13 =	vor.u32 $0x18, v5;
	_ =	sdelay $0x1  }
0x143: {  	v9 =	vmul.f32 v9, v8;
	_ =	sdelay $0x1  }
0x144: {  	[tilespmem:v12+s30+$0x0] =	vst.idx.msk $0xffff, v9  }
0x145: {  	v9 =	vld.idx.msk [tilespmem:v13+s30+$0x0], $0xffff;
	_ =	sdelay $0x2  }
0x146: {  	v14 =	vor.u32 $0x19, v5;
	_ =	sdelay $0x1  }
0x147: {  	v9 =	vmul.f32 v9, v8;
	_ =	sdelay $0x1  }
0x148: {  	[tilespmem:v13+s30+$0x0] =	vst.idx.msk $0xffff, v9  }
0x149: {  	v9 =	vld.idx.msk [tilespmem:v14+s30+$0x0], $0xffff;
	_ =	sdelay $0x2  }
0x14a: {  	v15 =	vor.u32 $0x1A, v5;
	_ =	sdelay $0x1  }
0x14b: {  	v9 =	vmul.f32 v9, v8;
	_ =	sdelay $0x1  }
0x14c: {  	[tilespmem:v14+s30+$0x0] =	vst.idx.msk $0xffff, v9  }
0x14d: {  	v9 =	vld.idx.msk [tilespmem:v15+s30+$0x0], $0xffff;
	_ =	sdelay $0x2  }
0x14e: {  	v16 =	vor.u32 $0x1B, v5;
	_ =	sdelay $0x1  }
0x14f: {  	v9 =	vmul.f32 v9, v8;
	_ =	sdelay $0x1  }
0x150: {  	[tilespmem:v15+s30+$0x0] =	vst.idx.msk $0xffff, v9  }
0x151: {  	v9 =	vld.idx.msk [tilespmem:v16+s30+$0x0], $0xffff;
	_ =	sdelay $0x2  }
0x152: {  	v17 =	vor.u32 $0x1C, v5;
	_ =	sdelay $0x1  }
0x153: {  	v9 =	vmul.f32 v9, v8;
	_ =	sdelay $0x1  }
0x154: {  	[tilespmem:v16+s30+$0x0] =	vst.idx.msk $0xffff, v9  }
0x155: {  	v9 =	vld.idx.msk [tilespmem:v17+s30+$0x0], $0xffff;
	_ =	sdelay $0x2  }
0x156: {  	v18 =	vor.u32 $0x1D, v5;
	_ =	sdelay $0x1  }
0x157: {  	v9 =	vmul.f32 v9, v8;
	_ =	sdelay $0x1  }
0x158: {  	[tilespmem:v17+s30+$0x0] =	vst.idx.msk $0xffff, v9  }
0x159: {  	v9 =	vld.idx.msk [tilespmem:v18+s30+$0x0], $0xffff;
	_ =	sdelay $0x2  }
0x15a: {  	v19 =	vor.u32 $0x1E, v5;
	_ =	sdelay $0x1  }
0x15b: {  	v9 =	vmul.f32 v9, v8;
	_ =	sdelay $0x1  }
0x15c: {  	[tilespmem:v18+s30+$0x0] =	vst.idx.msk $0xffff, v9  }
0x15d: {  	v9 =	vld.idx.msk [tilespmem:v19+s30+$0x0], $0xffff;
	_ =	sdelay $0x2  }
0x15e: {  	v20 =	vor.u32 $0x1F, v5;
	_ =	sdelay $0x1  }
0x15f: {  	v9 =	vmul.f32 v9, v8;
	_ =	sdelay $0x1  }
0x160: {  	[tilespmem:v19+s30+$0x0] =	vst.idx.msk $0xffff, v9  }
0x161: {  	v9 =	vld.idx.msk [tilespmem:v20+s30+$0x0], $0xffff;
	_ =	sdelay $0x2  }
0x162: {  	v21 =	vor.u32 $0x20, v5;
	_ =	sdelay $0x1  }
0x163: {  	v8 =	vmul.f32 v9, v8;
	_ =	sdelay $0x1  }
0x164: {  	[tilespmem:v20+s30+$0x0] =	vst.idx.msk $0xffff, v8  }
0x165: {  	v8 =	vld.idx.msk [tilespmem:v21+s30+$0x0], $0xffff;
	_ =	sdelay $0x2  }
0x166: {  	v22 =	vor.u32 $0x21, v5;
	_ =	sdelay $0x1  }
0x167: {  	v8 =	vmul.f32 v8, v7;
	_ =	sdelay $0x1  }
0x168: {  	[tilespmem:v21+s30+$0x0] =	vst.idx.msk $0xffff, v8  }
0x169: {  	v8 =	vld.idx.msk [tilespmem:v22+s30+$0x0], $0xffff;
	_ =	sdelay $0x2  }
0x16a: {  	v23 =	vor.u32 $0x22, v5;
	_ =	sdelay $0x1  }
0x16b: {  	v8 =	vmul.f32 v8, v7;
	_ =	sdelay $0x1  }
0x16c: {  	[tilespmem:v22+s30+$0x0] =	vst.idx.msk $0xffff, v8  }
0x16d: {  	v8 =	vld.idx.msk [tilespmem:v23+s30+$0x0], $0xffff;
	_ =	sdelay $0x2  }
0x16e: {  	v24 =	vor.u32 $0x23, v5;
	_ =	sdelay $0x1  }
0x16f: {  	v8 =	vmul.f32 v8, v7;
	_ =	sdelay $0x1  }
0x170: {  	[tilespmem:v23+s30+$0x0] =	vst.idx.msk $0xffff, v8  }
0x171: {  	v8 =	vld.idx.msk [tilespmem:v24+s30+$0x0], $0xffff;
	_ =	sdelay $0x2  }
0x172: {  	v25 =	vor.u32 $0x24, v5;
	_ =	sdelay $0x1  }
0x173: {  	v8 =	vmul.f32 v8, v7;
	_ =	sdelay $0x1  }
0x174: {  	[tilespmem:v24+s30+$0x0] =	vst.idx.msk $0xffff, v8  }
0x175: {  	v8 =	vld.idx.msk [tilespmem:v25+s30+$0x0], $0xffff;
	_ =	sdelay $0x2  }
0x176: {  	v26 =	vor.u32 $0x25, v5;
	_ =	sdelay $0x1  }
0x177: {  	v8 =	vmul.f32 v8, v7;
	_ =	sdelay $0x1  }
0x178: {  	[tilespmem:v25+s30+$0x0] =	vst.idx.msk $0xffff, v8  }
0x179: {  	v8 =	vld.idx.msk [tilespmem:v26+s30+$0x0], $0xffff;
	_ =	sdelay $0x2  }
0x17a: {  	v27 =	vor.u32 $0x26, v5;
	_ =	sdelay $0x1  }
0x17b: {  	v8 =	vmul.f32 v8, v7;
	_ =	sdelay $0x1  }
0x17c: {  	[tilespmem:v26+s30+$0x0] =	vst.idx.msk $0xffff, v8  }
0x17d: {  	v8 =	vld.idx.msk [tilespmem:v27+s30+$0x0], $0xffff;
	_ =	sdelay $0x2  }
0x17e: {  	v28 =	vor.u32 $0x27, v5;
	_ =	sdelay $0x1  }
0x17f: {  	v8 =	vmul.f32 v8, v7;
	_ =	sdelay $0x1  }
0x180: {  	[tilespmem:v27+s30+$0x0] =	vst.idx.msk $0xffff, v8  }
0x181: {  	v8 =	vld.idx.msk [tilespmem:v28+s30+$0x0], $0xffff;
	_ =	sdelay $0x2  }
0x182: {  	v29 =	vor.u32 $0x28, v5;
	_ =	sdelay $0x1  }
0x183: {  	v8 =	vmul.f32 v8, v7;
	_ =	sdelay $0x1  }
0x184: {  	[tilespmem:v28+s30+$0x0] =	vst.idx.msk $0xffff, v8  }
0x185: {  	v8 =	vld.idx.msk [tilespmem:v29+s30+$0x0], $0xffff;
	_ =	sdelay $0x2  }
0x186: {  	v30 =	vor.u32 $0x29, v5;
	_ =	sdelay $0x1  }
0x187: {  	v8 =	vmul.f32 v8, v7;
	_ =	sdelay $0x1  }
0x188: {  	[tilespmem:v29+s30+$0x0] =	vst.idx.msk $0xffff, v8  }
0x189: {  	v8 =	vld.idx.msk [tilespmem:v30+s30+$0x0], $0xffff;
	_ =	sdelay $0x2  }
0x18a: {  	v31 =	vor.u32 $0x2A, v5;
	_ =	sdelay $0x1  }
0x18b: {  	v8 =	vmul.f32 v8, v7;
	_ =	sdelay $0x1  }
0x18c: {  	[tilespmem:v30+s30+$0x0] =	vst.idx.msk $0xffff, v8  }
0x18d: {  	v8 =	vld.idx.msk [tilespmem:v31+s30+$0x0], $0xffff;
	_ =	sdelay $0x2  }
0x18e: {  	v32 =	vor.u32 $0x2B, v5;
	_ =	sdelay $0x1  }
0x18f: {  	v8 =	vmul.f32 v8, v7;
	_ =	sdelay $0x1  }
0x190: {  	[tilespmem:v31+s30+$0x0] =	vst.idx.msk $0xffff, v8  }
0x191: {  	v8 =	vld.idx.msk [tilespmem:v32+s30+$0x0], $0xffff;
	_ =	sdelay $0x2  }
0x192: {  	v33 =	vor.u32 $0x2C, v5;
	_ =	sdelay $0x1  }
0x193: {  	v8 =	vmul.f32 v8, v7;
	_ =	sdelay $0x1  }
0x194: {  	[tilespmem:v32+s30+$0x0] =	vst.idx.msk $0xffff, v8  }
0x195: {  	v8 =	vld.idx.msk [tilespmem:v33+s30+$0x0], $0xffff;
	_ =	sdelay $0x2  }
0x196: {  	v34 =	vor.u32 $0x2D, v5;
	_ =	sdelay $0x1  }
0x197: {  	v8 =	vmul.f32 v8, v7;
	_ =	sdelay $0x1  }
0x198: {  	[tilespmem:v33+s30+$0x0] =	vst.idx.msk $0xffff, v8  }
0x199: {  	v8 =	vld.idx.msk [tilespmem:v34+s30+$0x0], $0xffff;
	_ =	sdelay $0x2  }
0x19a: {  	v35 =	vor.u32 $0x2E, v5;
	_ =	sdelay $0x1  }
0x19b: {  	v8 =	vmul.f32 v8, v7;
	_ =	sdelay $0x1  }
0x19c: {  	[tilespmem:v34+s30+$0x0] =	vst.idx.msk $0xffff, v8  }
0x19d: {  	v8 =	vld.idx.msk [tilespmem:v35+s30+$0x0], $0xffff;
	_ =	sdelay $0x2  }
0x19e: {  	v36 =	vor.u32 $0x2F, v5;
	_ =	sdelay $0x1  }
0x19f: {  	v8 =	vmul.f32 v8, v7;
	_ =	sdelay $0x1  }
0x1a0: {  	[tilespmem:v35+s30+$0x0] =	vst.idx.msk $0xffff, v8  }
0x1a1: {  	v8 =	vld.idx.msk [tilespmem:v36+s30+$0x0], $0xffff;
	_ =	sdelay $0x2  }
0x1a2: {  	v37 =	vor.u32 $0x30, v5;
	_ =	sdelay $0x1  }
0x1a3: {  	v8 =	vmul.f32 v8, v7;
	_ =	sdelay $0x1  }
0x1a4: {  	[tilespmem:v36+s30+$0x0] =	vst.idx.msk $0xffff, v8  }
0x1a5: {  	v8 =	vld.idx.msk [tilespmem:v37+s30+$0x0], $0xffff;
	_ =	sdelay $0x2  }
0x1a6: {  	v38 =	vor.u32 $0x31, v5;
	_ =	sdelay $0x1  }
0x1a7: {  	v8 =	vmul.f32 v8, v7;
	_ =	sdelay $0x1  }
0x1a8: {  	[tilespmem:v37+s30+$0x0] =	vst.idx.msk $0xffff, v8  }
0x1a9: {  	v8 =	vld.idx.msk [tilespmem:v38+s30+$0x0], $0xffff;
	_ =	sdelay $0x2  }
0x1aa: {  	v39 =	vor.u32 $0x32, v5;
	_ =	sdelay $0x1  }
0x1ab: {  	v8 =	vmul.f32 v8, v7;
	_ =	sdelay $0x1  }
0x1ac: {  	[tilespmem:v38+s30+$0x0] =	vst.idx.msk $0xffff, v8  }
0x1ad: {  	v8 =	vld.idx.msk [tilespmem:v39+s30+$0x0], $0xffff;
	_ =	sdelay $0x2  }
0x1ae: {  	v40 =	vor.u32 $0x33, v5;
	_ =	sdelay $0x1  }
0x1af: {  	v8 =	vmul.f32 v8, v7;
	_ =	sdelay $0x1  }
0x1b0: {  	[tilespmem:v39+s30+$0x0] =	vst.idx.msk $0xffff, v8  }
0x1b1: {  	v8 =	vld.idx.msk [tilespmem:v40+s30+$0x0], $0xffff;
	_ =	sdelay $0x2  }
0x1b2: {  	v41 =	vor.u32 $0x34, v5;
	_ =	sdelay $0x1  }
0x1b3: {  	v8 =	vmul.f32 v8, v7;
	_ =	sdelay $0x1  }
0x1b4: {  	[tilespmem:v40+s30+$0x0] =	vst.idx.msk $0xffff, v8  }
0x1b5: {  	v8 =	vld.idx.msk [tilespmem:v41+s30+$0x0], $0xffff;
	_ =	sdelay $0x2  }
0x1b6: {  	v42 =	vor.u32 $0x35, v5;
	_ =	sdelay $0x1  }
0x1b7: {  	v8 =	vmul.f32 v8, v7;
	_ =	sdelay $0x1  }
0x1b8: {  	[tilespmem:v41+s30+$0x0] =	vst.idx.msk $0xffff, v8  }
0x1b9: {  	v8 =	vld.idx.msk [tilespmem:v42+s30+$0x0], $0xffff;
	_ =	sdelay $0x2  }
0x1ba: {  	v43 =	vor.u32 $0x36, v5;
	_ =	sdelay $0x1  }
0x1bb: {  	v8 =	vmul.f32 v8, v7;
	_ =	sdelay $0x1  }
0x1bc: {  	[tilespmem:v42+s30+$0x0] =	vst.idx.msk $0xffff, v8  }
0x1bd: {  	v8 =	vld.idx.msk [tilespmem:v43+s30+$0x0], $0xffff;
	_ =	sdelay $0x2  }
0x1be: {  	v44 =	vor.u32 $0x37, v5;
	_ =	sdelay $0x1  }
0x1bf: {  	v8 =	vmul.f32 v8, v7;
	_ =	sdelay $0x1  }
0x1c0: {  	[tilespmem:v43+s30+$0x0] =	vst.idx.msk $0xffff, v8  }
0x1c1: {  	v8 =	vld.idx.msk [tilespmem:v44+s30+$0x0], $0xffff;
	_ =	sdelay $0x2  }
0x1c2: {  	v45 =	vor.u32 $0x38, v5;
	_ =	sdelay $0x1  }
0x1c3: {  	v8 =	vmul.f32 v8, v7;
	_ =	sdelay $0x1  }
0x1c4: {  	[tilespmem:v44+s30+$0x0] =	vst.idx.msk $0xffff, v8  }
0x1c5: {  	v8 =	vld.idx.msk [tilespmem:v45+s30+$0x0], $0xffff;
	_ =	sdelay $0x2  }
0x1c6: {  	v46 =	vor.u32 $0x39, v5;
	_ =	sdelay $0x1  }
0x1c7: {  	v8 =	vmul.f32 v8, v7;
	_ =	sdelay $0x1  }
0x1c8: {  	[tilespmem:v45+s30+$0x0] =	vst.idx.msk $0xffff, v8  }
0x1c9: {  	v8 =	vld.idx.msk [tilespmem:v46+s30+$0x0], $0xffff;
	_ =	sdelay $0x2  }
0x1ca: {  	v47 =	vor.u32 $0x3A, v5;
	_ =	sdelay $0x1  }
0x1cb: {  	v8 =	vmul.f32 v8, v7;
	_ =	sdelay $0x1  }
0x1cc: {  	[tilespmem:v46+s30+$0x0] =	vst.idx.msk $0xffff, v8  }
0x1cd: {  	v8 =	vld.idx.msk [tilespmem:v47+s30+$0x0], $0xffff;
	_ =	sdelay $0x2  }
0x1ce: {  	v48 =	vor.u32 $0x3B, v5;
	_ =	sdelay $0x1  }
0x1cf: {  	v8 =	vmul.f32 v8, v7;
	_ =	sdelay $0x1  }
0x1d0: {  	[tilespmem:v47+s30+$0x0] =	vst.idx.msk $0xffff, v8  }
0x1d1: {  	v8 =	vld.idx.msk [tilespmem:v48+s30+$0x0], $0xffff;
	_ =	sdelay $0x2  }
0x1d2: {  	v49 =	vor.u32 $0x3C, v5;
	_ =	sdelay $0x1  }
0x1d3: {  	v8 =	vmul.f32 v8, v7;
	_ =	sdelay $0x1  }
0x1d4: {  	[tilespmem:v48+s30+$0x0] =	vst.idx.msk $0xffff, v8  }
0x1d5: {  	v8 =	vld.idx.msk [tilespmem:v49+s30+$0x0], $0xffff;
	_ =	sdelay $0x2  }
0x1d6: {  	v50 =	vor.u32 $0x3D, v5;
	_ =	sdelay $0x1  }
0x1d7: {  	v8 =	vmul.f32 v8, v7;
	_ =	sdelay $0x1  }
0x1d8: {  	[tilespmem:v49+s30+$0x0] =	vst.idx.msk $0xffff, v8  }
0x1d9: {  	v8 =	vld.idx.msk [tilespmem:v50+s30+$0x0], $0xffff;
	_ =	sdelay $0x2  }
0x1da: {  	v51 =	vor.u32 $0x3E, v5;
	_ =	sdelay $0x1  }
0x1db: {  	v8 =	vmul.f32 v8, v7;
	_ =	sdelay $0x1  }
0x1dc: {  	[tilespmem:v50+s30+$0x0] =	vst.idx.msk $0xffff, v8  }
0x1dd: {  	v8 =	vld.idx.msk [tilespmem:v51+s30+$0x0], $0xffff;
	_ =	sdelay $0x2  }
0x1de: {  	v52 =	vor.u32 $0x3F, v5;
	_ =	sdelay $0x1  }
0x1df: {  	v8 =	vmul.f32 v8, v7;
	_ =	sdelay $0x1  }
0x1e0: {  	[tilespmem:v51+s30+$0x0] =	vst.idx.msk $0xffff, v8  }
0x1e1: {  	v8 =	vld.idx.msk [tilespmem:v52+s30+$0x0], $0xffff;
	_ =	sdelay $0x2  }
0x1e2: {  	v53 =	vor.u32 $0x40, v5;
	_ =	sdelay $0x1  }
0x1e3: {  	v7 =	vmul.f32 v8, v7;
	_ =	sdelay $0x1  }
0x1e4: {  	[tilespmem:v52+s30+$0x0] =	vst.idx.msk $0xffff, v7  }
0x1e5: {  	v7 =	vld.idx.msk [tilespmem:v53+s30+$0x0], $0xffff;
	_ =	sdelay $0x2  }
0x1e6: {  	v54 =	vor.u32 $0x41, v5;
	_ =	sdelay $0x1  }
0x1e7: {  	v7 =	vmul.f32 v7, v6;
	_ =	sdelay $0x1  }
0x1e8: {  	[tilespmem:v53+s30+$0x0] =	vst.idx.msk $0xffff, v7  }
0x1e9: {  	v7 =	vld.idx.msk [tilespmem:v54+s30+$0x0], $0xffff;
	_ =	sdelay $0x2  }
0x1ea: {  	v55 =	vor.u32 $0x42, v5;
	_ =	sdelay $0x1  }
0x1eb: {  	v7 =	vmul.f32 v7, v6;
	_ =	sdelay $0x1  }
0x1ec: {  	[tilespmem:v54+s30+$0x0] =	vst.idx.msk $0xffff, v7  }
0x1ed: {  	v7 =	vld.idx.msk [tilespmem:v55+s30+$0x0], $0xffff;
	_ =	sdelay $0x2  }
0x1ee: {  	v56 =	vor.u32 $0x43, v5;
	_ =	sdelay $0x1  }
0x1ef: {  	v7 =	vmul.f32 v7, v6;
	_ =	sdelay $0x1  }
0x1f0: {  	[tilespmem:v55+s30+$0x0] =	vst.idx.msk $0xffff, v7  }
0x1f1: {  	v7 =	vld.idx.msk [tilespmem:v56+s30+$0x0], $0xffff;
	_ =	sdelay $0x2  }
0x1f2: {  	v57 =	vor.u32 $0x44, v5;
	_ =	sdelay $0x1  }
0x1f3: {  	v7 =	vmul.f32 v7, v6;
	_ =	sdelay $0x1  }
0x1f4: {  	[tilespmem:v56+s30+$0x0] =	vst.idx.msk $0xffff, v7  }
0x1f5: {  	v7 =	vld.idx.msk [tilespmem:v57+s30+$0x0], $0xffff;
	_ =	sdelay $0x2  }
0x1f6: {  	v58 =	vor.u32 $0x45, v5;
	_ =	sdelay $0x1  }
0x1f7: {  	v7 =	vmul.f32 v7, v6;
	_ =	sdelay $0x1  }
0x1f8: {  	[tilespmem:v57+s30+$0x0] =	vst.idx.msk $0xffff, v7  }
0x1f9: {  	v7 =	vld.idx.msk [tilespmem:v58+s30+$0x0], $0xffff;
	_ =	sdelay $0x2  }
0x1fa: {  	v59 =	vor.u32 $0x46, v5;
	_ =	sdelay $0x1  }
0x1fb: {  	v7 =	vmul.f32 v7, v6;
	_ =	sdelay $0x1  }
0x1fc: {  	[tilespmem:v58+s30+$0x0] =	vst.idx.msk $0xffff, v7  }
0x1fd: {  	v7 =	vld.idx.msk [tilespmem:v59+s30+$0x0], $0xffff;
	_ =	sdelay $0x2  }
0x1fe: {  	v60 =	vor.u32 $0x47, v5;
	_ =	sdelay $0x1  }
0x1ff: {  	v7 =	vmul.f32 v7, v6;
	_ =	sdelay $0x1  }
0x200: {  	[tilespmem:v59+s30+$0x0] =	vst.idx.msk $0xffff, v7  }
0x201: {  	v7 =	vld.idx.msk [tilespmem:v60+s30+$0x0], $0xffff;
	_ =	sdelay $0x2  }
0x202: {  	v61 =	vor.u32 $0x48, v5;
	_ =	sdelay $0x1  }
0x203: {  	v7 =	vmul.f32 v7, v6;
	_ =	sdelay $0x1  }
0x204: {  	[tilespmem:v60+s30+$0x0] =	vst.idx.msk $0xffff, v7  }
0x205: {  	v7 =	vld.idx.msk [tilespmem:v61+s30+$0x0], $0xffff;
	_ =	sdelay $0x2  }
0x206: {  	v62 =	vor.u32 $0x49, v5;
	_ =	sdelay $0x1  }
0x207: {  	v7 =	vmul.f32 v7, v6;
	_ =	sdelay $0x1  }
0x208: {  	[tilespmem:v61+s30+$0x0] =	vst.idx.msk $0xffff, v7  }
0x209: {  	v7 =	vld.idx.msk [tilespmem:v62+s30+$0x0], $0xffff;
	_ =	sdelay $0x2  }
0x20a: {  	v63 =	vor.u32 $0x4A, v5;
	_ =	sdelay $0x1  }
0x20b: {  	v7 =	vmul.f32 v7, v6;
	_ =	sdelay $0x1  }
0x20c: {  	[tilespmem:v62+s30+$0x0] =	vst.idx.msk $0xffff, v7  }
0x20d: {  	v7 =	vld.idx.msk [tilespmem:v63+s30+$0x0], $0xffff;
	_ =	sdelay $0x2  }
0x20e: {  	v12 =	vor.u32 $0x4B, v5;
	_ =	sdelay $0x1  }
0x20f: {  	v7 =	vmul.f32 v7, v6;
	_ =	sdelay $0x1  }
0x210: {  	[tilespmem:v63+s30+$0x0] =	vst.idx.msk $0xffff, v7  }
0x211: {  	v7 =	vld.idx.msk [tilespmem:v12+s30+$0x0], $0xffff;
	_ =	sdelay $0x2  }
0x212: {  	v13 =	vor.u32 $0x4C, v5;
	_ =	sdelay $0x1  }
0x213: {  	v7 =	vmul.f32 v7, v6;
	_ =	sdelay $0x1  }
0x214: {  	[tilespmem:v12+s30+$0x0] =	vst.idx.msk $0xffff, v7  }
0x215: {  	v7 =	vld.idx.msk [tilespmem:v13+s30+$0x0], $0xffff;
	_ =	sdelay $0x2  }
0x216: {  	v14 =	vor.u32 $0x4D, v5;
	_ =	sdelay $0x1  }
0x217: {  	v7 =	vmul.f32 v7, v6;
	_ =	sdelay $0x1  }
0x218: {  	[tilespmem:v13+s30+$0x0] =	vst.idx.msk $0xffff, v7  }
0x219: {  	v7 =	vld.idx.msk [tilespmem:v14+s30+$0x0], $0xffff;
	_ =	sdelay $0x2  }
0x21a: {  	v15 =	vor.u32 $0x4E, v5;
	_ =	sdelay $0x1  }
0x21b: {  	v7 =	vmul.f32 v7, v6;
	_ =	sdelay $0x1  }
0x21c: {  	[tilespmem:v14+s30+$0x0] =	vst.idx.msk $0xffff, v7  }
0x21d: {  	v7 =	vld.idx.msk [tilespmem:v15+s30+$0x0], $0xffff;
	_ =	sdelay $0x2  }
0x21e: {  	v16 =	vor.u32 $0x4F, v5;
	_ =	sdelay $0x1  }
0x21f: {  	v7 =	vmul.f32 v7, v6;
	_ =	sdelay $0x1  }
0x220: {  	[tilespmem:v15+s30+$0x0] =	vst.idx.msk $0xffff, v7  }
0x221: {  	v7 =	vld.idx.msk [tilespmem:v16+s30+$0x0], $0xffff;
	_ =	sdelay $0x2  }
0x222: {  	v17 =	vor.u32 $0x50, v5;
	_ =	sdelay $0x1  }
0x223: {  	v7 =	vmul.f32 v7, v6;
	_ =	sdelay $0x1  }
0x224: {  	[tilespmem:v16+s30+$0x0] =	vst.idx.msk $0xffff, v7  }
0x225: {  	v7 =	vld.idx.msk [tilespmem:v17+s30+$0x0], $0xffff;
	_ =	sdelay $0x2  }
0x226: {  	v18 =	vor.u32 $0x51, v5;
	_ =	sdelay $0x1  }
0x227: {  	v7 =	vmul.f32 v7, v6;
	_ =	sdelay $0x1  }
0x228: {  	[tilespmem:v17+s30+$0x0] =	vst.idx.msk $0xffff, v7  }
0x229: {  	v7 =	vld.idx.msk [tilespmem:v18+s30+$0x0], $0xffff;
	_ =	sdelay $0x2  }
0x22a: {  	v19 =	vor.u32 $0x52, v5;
	_ =	sdelay $0x1  }
0x22b: {  	v7 =	vmul.f32 v7, v6;
	_ =	sdelay $0x1  }
0x22c: {  	[tilespmem:v18+s30+$0x0] =	vst.idx.msk $0xffff, v7  }
0x22d: {  	v7 =	vld.idx.msk [tilespmem:v19+s30+$0x0], $0xffff;
	_ =	sdelay $0x2  }
0x22e: {  	v20 =	vor.u32 $0x53, v5;
	_ =	sdelay $0x1  }
0x22f: {  	v7 =	vmul.f32 v7, v6;
	_ =	sdelay $0x1  }
0x230: {  	[tilespmem:v19+s30+$0x0] =	vst.idx.msk $0xffff, v7  }
0x231: {  	v7 =	vld.idx.msk [tilespmem:v20+s30+$0x0], $0xffff;
	_ =	sdelay $0x2  }
0x232: {  	v21 =	vor.u32 $0x54, v5;
	_ =	sdelay $0x1  }
0x233: {  	v7 =	vmul.f32 v7, v6;
	_ =	sdelay $0x1  }
0x234: {  	[tilespmem:v20+s30+$0x0] =	vst.idx.msk $0xffff, v7  }
0x235: {  	v7 =	vld.idx.msk [tilespmem:v21+s30+$0x0], $0xffff;
	_ =	sdelay $0x2  }
0x236: {  	v22 =	vor.u32 $0x55, v5;
	_ =	sdelay $0x1  }
0x237: {  	v7 =	vmul.f32 v7, v6;
	_ =	sdelay $0x1  }
0x238: {  	[tilespmem:v21+s30+$0x0] =	vst.idx.msk $0xffff, v7  }
0x239: {  	v7 =	vld.idx.msk [tilespmem:v22+s30+$0x0], $0xffff;
	_ =	sdelay $0x2  }
0x23a: {  	v23 =	vor.u32 $0x56, v5;
	_ =	sdelay $0x1  }
0x23b: {  	v7 =	vmul.f32 v7, v6;
	_ =	sdelay $0x1  }
0x23c: {  	[tilespmem:v22+s30+$0x0] =	vst.idx.msk $0xffff, v7  }
0x23d: {  	v7 =	vld.idx.msk [tilespmem:v23+s30+$0x0], $0xffff;
	_ =	sdelay $0x2  }
0x23e: {  	v24 =	vor.u32 $0x57, v5;
	_ =	sdelay $0x1  }
0x23f: {  	v7 =	vmul.f32 v7, v6;
	_ =	sdelay $0x1  }
0x240: {  	[tilespmem:v23+s30+$0x0] =	vst.idx.msk $0xffff, v7  }
0x241: {  	v7 =	vld.idx.msk [tilespmem:v24+s30+$0x0], $0xffff;
	_ =	sdelay $0x2  }
0x242: {  	v25 =	vor.u32 $0x58, v5;
	_ =	sdelay $0x1  }
0x243: {  	v7 =	vmul.f32 v7, v6;
	_ =	sdelay $0x1  }
0x244: {  	[tilespmem:v24+s30+$0x0] =	vst.idx.msk $0xffff, v7  }
0x245: {  	v7 =	vld.idx.msk [tilespmem:v25+s30+$0x0], $0xffff;
	_ =	sdelay $0x2  }
0x246: {  	v26 =	vor.u32 $0x59, v5;
	_ =	sdelay $0x1  }
0x247: {  	v7 =	vmul.f32 v7, v6;
	_ =	sdelay $0x1  }
0x248: {  	[tilespmem:v25+s30+$0x0] =	vst.idx.msk $0xffff, v7  }
0x249: {  	v7 =	vld.idx.msk [tilespmem:v26+s30+$0x0], $0xffff;
	_ =	sdelay $0x2  }
0x24a: {  	v27 =	vor.u32 $0x5A, v5;
	_ =	sdelay $0x1  }
0x24b: {  	v7 =	vmul.f32 v7, v6;
	_ =	sdelay $0x1  }
0x24c: {  	[tilespmem:v26+s30+$0x0] =	vst.idx.msk $0xffff, v7  }
0x24d: {  	v7 =	vld.idx.msk [tilespmem:v27+s30+$0x0], $0xffff;
	_ =	sdelay $0x2  }
0x24e: {  	v28 =	vor.u32 $0x5B, v5;
	_ =	sdelay $0x1  }
0x24f: {  	v7 =	vmul.f32 v7, v6;
	_ =	sdelay $0x1  }
0x250: {  	[tilespmem:v27+s30+$0x0] =	vst.idx.msk $0xffff, v7  }
0x251: {  	v7 =	vld.idx.msk [tilespmem:v28+s30+$0x0], $0xffff;
	_ =	sdelay $0x2  }
0x252: {  	v29 =	vor.u32 $0x5C, v5;
	_ =	sdelay $0x1  }
0x253: {  	v7 =	vmul.f32 v7, v6;
	_ =	sdelay $0x1  }
0x254: {  	[tilespmem:v28+s30+$0x0] =	vst.idx.msk $0xffff, v7  }
0x255: {  	v7 =	vld.idx.msk [tilespmem:v29+s30+$0x0], $0xffff;
	_ =	sdelay $0x2  }
0x256: {  	v30 =	vor.u32 $0x5D, v5;
	_ =	sdelay $0x1  }
0x257: {  	v7 =	vmul.f32 v7, v6;
	_ =	sdelay $0x1  }
0x258: {  	[tilespmem:v29+s30+$0x0] =	vst.idx.msk $0xffff, v7  }
0x259: {  	v7 =	vld.idx.msk [tilespmem:v30+s30+$0x0], $0xffff;
	_ =	sdelay $0x2  }
0x25a: {  	v31 =	vor.u32 $0x5E, v5;
	_ =	sdelay $0x1  }
0x25b: {  	v7 =	vmul.f32 v7, v6;
	_ =	sdelay $0x1  }
0x25c: {  	[tilespmem:v30+s30+$0x0] =	vst.idx.msk $0xffff, v7  }
0x25d: {  	v7 =	vld.idx.msk [tilespmem:v31+s30+$0x0], $0xffff;
	_ =	sdelay $0x2  }
0x25e: {  	v32 =	vor.u32 $0x5F, v5;
	_ =	sdelay $0x1  }
0x25f: {  	v7 =	vmul.f32 v7, v6;
	_ =	sdelay $0x1  }
0x260: {  	[tilespmem:v31+s30+$0x0] =	vst.idx.msk $0xffff, v7  }
0x261: {  	v7 =	vld.idx.msk [tilespmem:v32+s30+$0x0], $0xffff;
	_ =	sdelay $0x2  }
0x262: {  	v33 =	vor.u32 $0x60, v5;
	_ =	sdelay $0x1  }
0x263: {  	v6 =	vmul.f32 v7, v6;
	_ =	sdelay $0x1  }
0x264: {  	[tilespmem:v32+s30+$0x0] =	vst.idx.msk $0xffff, v6  }
0x265: {  	v6 =	vld.idx.msk [tilespmem:v33+s30+$0x0], $0xffff;
	_ =	sdelay $0x2  }
0x266: {  	v34 =	vor.u32 $0x61, v5;
	_ =	sdelay $0x1  }
0x267: {  	v6 =	vmul.f32 v6, v4;
	_ =	sdelay $0x1  }
0x268: {  	[tilespmem:v33+s30+$0x0] =	vst.idx.msk $0xffff, v6  }
0x269: {  	v6 =	vld.idx.msk [tilespmem:v34+s30+$0x0], $0xffff;
	_ =	sdelay $0x2  }
0x26a: {  	v35 =	vor.u32 $0x62, v5;
	_ =	sdelay $0x1  }
0x26b: {  	v6 =	vmul.f32 v6, v4;
	_ =	sdelay $0x1  }
0x26c: {  	[tilespmem:v34+s30+$0x0] =	vst.idx.msk $0xffff, v6  }
0x26d: {  	v6 =	vld.idx.msk [tilespmem:v35+s30+$0x0], $0xffff;
	_ =	sdelay $0x2  }
0x26e: {  	v36 =	vor.u32 $0x63, v5;
	_ =	sdelay $0x1  }
0x26f: {  	v6 =	vmul.f32 v6, v4;
	_ =	sdelay $0x1  }
0x270: {  	[tilespmem:v35+s30+$0x0] =	vst.idx.msk $0xffff, v6  }
0x271: {  	v6 =	vld.idx.msk [tilespmem:v36+s30+$0x0], $0xffff;
	_ =	sdelay $0x2  }
0x272: {  	v37 =	vor.u32 $0x64, v5;
	_ =	sdelay $0x1  }
0x273: {  	v6 =	vmul.f32 v6, v4;
	_ =	sdelay $0x1  }
0x274: {  	[tilespmem:v36+s30+$0x0] =	vst.idx.msk $0xffff, v6  }
0x275: {  	v6 =	vld.idx.msk [tilespmem:v37+s30+$0x0], $0xffff;
	_ =	sdelay $0x2  }
0x276: {  	v38 =	vor.u32 $0x65, v5;
	_ =	sdelay $0x1  }
0x277: {  	v6 =	vmul.f32 v6, v4;
	_ =	sdelay $0x1  }
0x278: {  	[tilespmem:v37+s30+$0x0] =	vst.idx.msk $0xffff, v6  }
0x279: {  	v6 =	vld.idx.msk [tilespmem:v38+s30+$0x0], $0xffff;
	_ =	sdelay $0x2  }
0x27a: {  	v39 =	vor.u32 $0x66, v5;
	_ =	sdelay $0x1  }
0x27b: {  	v6 =	vmul.f32 v6, v4;
	_ =	sdelay $0x1  }
0x27c: {  	[tilespmem:v38+s30+$0x0] =	vst.idx.msk $0xffff, v6  }
0x27d: {  	v6 =	vld.idx.msk [tilespmem:v39+s30+$0x0], $0xffff;
	_ =	sdelay $0x2  }
0x27e: {  	v40 =	vor.u32 $0x67, v5;
	_ =	sdelay $0x1  }
0x27f: {  	v6 =	vmul.f32 v6, v4;
	_ =	sdelay $0x1  }
0x280: {  	[tilespmem:v39+s30+$0x0] =	vst.idx.msk $0xffff, v6  }
0x281: {  	v6 =	vld.idx.msk [tilespmem:v40+s30+$0x0], $0xffff;
	_ =	sdelay $0x2  }
0x282: {  	v41 =	vor.u32 $0x68, v5;
	_ =	sdelay $0x1  }
0x283: {  	v6 =	vmul.f32 v6, v4;
	_ =	sdelay $0x1  }
0x284: {  	[tilespmem:v40+s30+$0x0] =	vst.idx.msk $0xffff, v6  }
0x285: {  	v6 =	vld.idx.msk [tilespmem:v41+s30+$0x0], $0xffff;
	_ =	sdelay $0x2  }
0x286: {  	v42 =	vor.u32 $0x69, v5;
	_ =	sdelay $0x1  }
0x287: {  	v6 =	vmul.f32 v6, v4;
	_ =	sdelay $0x1  }
0x288: {  	[tilespmem:v41+s30+$0x0] =	vst.idx.msk $0xffff, v6  }
0x289: {  	v6 =	vld.idx.msk [tilespmem:v42+s30+$0x0], $0xffff;
	_ =	sdelay $0x2  }
0x28a: {  	v43 =	vor.u32 $0x6A, v5;
	_ =	sdelay $0x1  }
0x28b: {  	v6 =	vmul.f32 v6, v4;
	_ =	sdelay $0x1  }
0x28c: {  	[tilespmem:v42+s30+$0x0] =	vst.idx.msk $0xffff, v6  }
0x28d: {  	v6 =	vld.idx.msk [tilespmem:v43+s30+$0x0], $0xffff;
	_ =	sdelay $0x2  }
0x28e: {  	v44 =	vor.u32 $0x6B, v5;
	_ =	sdelay $0x1  }
0x28f: {  	v6 =	vmul.f32 v6, v4;
	_ =	sdelay $0x1  }
0x290: {  	[tilespmem:v43+s30+$0x0] =	vst.idx.msk $0xffff, v6  }
0x291: {  	v6 =	vld.idx.msk [tilespmem:v44+s30+$0x0], $0xffff;
	_ =	sdelay $0x2  }
0x292: {  	v45 =	vor.u32 $0x6C, v5;
	_ =	sdelay $0x1  }
0x293: {  	v6 =	vmul.f32 v6, v4;
	_ =	sdelay $0x1  }
0x294: {  	[tilespmem:v44+s30+$0x0] =	vst.idx.msk $0xffff, v6  }
0x295: {  	v6 =	vld.idx.msk [tilespmem:v45+s30+$0x0], $0xffff;
	_ =	sdelay $0x2  }
0x296: {  	v46 =	vor.u32 $0x6D, v5;
	_ =	sdelay $0x1  }
0x297: {  	v6 =	vmul.f32 v6, v4;
	_ =	sdelay $0x1  }
0x298: {  	[tilespmem:v45+s30+$0x0] =	vst.idx.msk $0xffff, v6  }
0x299: {  	v6 =	vld.idx.msk [tilespmem:v46+s30+$0x0], $0xffff;
	_ =	sdelay $0x2  }
0x29a: {  	v47 =	vor.u32 $0x6E, v5;
	_ =	sdelay $0x1  }
0x29b: {  	v6 =	vmul.f32 v6, v4;
	_ =	sdelay $0x1  }
0x29c: {  	[tilespmem:v46+s30+$0x0] =	vst.idx.msk $0xffff, v6  }
0x29d: {  	v6 =	vld.idx.msk [tilespmem:v47+s30+$0x0], $0xffff;
	_ =	sdelay $0x2  }
0x29e: {  	v48 =	vor.u32 $0x6F, v5;
	_ =	sdelay $0x1  }
0x29f: {  	v6 =	vmul.f32 v6, v4;
	_ =	sdelay $0x1  }
0x2a0: {  	[tilespmem:v47+s30+$0x0] =	vst.idx.msk $0xffff, v6  }
0x2a1: {  	v6 =	vld.idx.msk [tilespmem:v48+s30+$0x0], $0xffff;
	_ =	sdelay $0x2  }
0x2a2: {  	v49 =	vor.u32 $0x70, v5;
	_ =	sdelay $0x1  }
0x2a3: {  	v6 =	vmul.f32 v6, v4;
	_ =	sdelay $0x1  }
0x2a4: {  	[tilespmem:v48+s30+$0x0] =	vst.idx.msk $0xffff, v6  }
0x2a5: {  	v6 =	vld.idx.msk [tilespmem:v49+s30+$0x0], $0xffff;
	_ =	sdelay $0x2  }
0x2a6: {  	v50 =	vor.u32 $0x71, v5;
	_ =	sdelay $0x1  }
0x2a7: {  	v6 =	vmul.f32 v6, v4;
	_ =	sdelay $0x1  }
0x2a8: {  	[tilespmem:v49+s30+$0x0] =	vst.idx.msk $0xffff, v6  }
0x2a9: {  	v6 =	vld.idx.msk [tilespmem:v50+s30+$0x0], $0xffff;
	_ =	sdelay $0x2  }
0x2aa: {  	v51 =	vor.u32 $0x72, v5;
	_ =	sdelay $0x1  }
0x2ab: {  	v6 =	vmul.f32 v6, v4;
	_ =	sdelay $0x1  }
0x2ac: {  	[tilespmem:v50+s30+$0x0] =	vst.idx.msk $0xffff, v6  }
0x2ad: {  	v6 =	vld.idx.msk [tilespmem:v51+s30+$0x0], $0xffff;
	_ =	sdelay $0x2  }
0x2ae: {  	v52 =	vor.u32 $0x73, v5;
	_ =	sdelay $0x1  }
0x2af: {  	v6 =	vmul.f32 v6, v4;
	_ =	sdelay $0x1  }
0x2b0: {  	[tilespmem:v51+s30+$0x0] =	vst.idx.msk $0xffff, v6  }
0x2b1: {  	v6 =	vld.idx.msk [tilespmem:v52+s30+$0x0], $0xffff;
	_ =	sdelay $0x2  }
0x2b2: {  	v53 =	vor.u32 $0x74, v5;
	_ =	sdelay $0x1  }
0x2b3: {  	v6 =	vmul.f32 v6, v4;
	_ =	sdelay $0x1  }
0x2b4: {  	[tilespmem:v52+s30+$0x0] =	vst.idx.msk $0xffff, v6  }
0x2b5: {  	v6 =	vld.idx.msk [tilespmem:v53+s30+$0x0], $0xffff;
	_ =	sdelay $0x2  }
0x2b6: {  	v54 =	vor.u32 $0x75, v5;
	_ =	sdelay $0x1  }
0x2b7: {  	v6 =	vmul.f32 v6, v4;
	_ =	sdelay $0x1  }
0x2b8: {  	[tilespmem:v53+s30+$0x0] =	vst.idx.msk $0xffff, v6  }
0x2b9: {  	v6 =	vld.idx.msk [tilespmem:v54+s30+$0x0], $0xffff;
	_ =	sdelay $0x2  }
0x2ba: {  	v55 =	vor.u32 $0x76, v5;
	_ =	sdelay $0x1  }
0x2bb: {  	v6 =	vmul.f32 v6, v4;
	_ =	sdelay $0x1  }
0x2bc: {  	[tilespmem:v54+s30+$0x0] =	vst.idx.msk $0xffff, v6  }
0x2bd: {  	v6 =	vld.idx.msk [tilespmem:v55+s30+$0x0], $0xffff;
	_ =	sdelay $0x2  }
0x2be: {  	v56 =	vor.u32 $0x77, v5;
	_ =	sdelay $0x1  }
0x2bf: {  	v6 =	vmul.f32 v6, v4;
	_ =	sdelay $0x1  }
0x2c0: {  	[tilespmem:v55+s30+$0x0] =	vst.idx.msk $0xffff, v6  }
0x2c1: {  	v6 =	vld.idx.msk [tilespmem:v56+s30+$0x0], $0xffff;
	_ =	sdelay $0x2  }
0x2c2: {  	v57 =	vor.u32 $0x78, v5;
	_ =	sdelay $0x1  }
0x2c3: {  	v6 =	vmul.f32 v6, v4;
	_ =	sdelay $0x1  }
0x2c4: {  	[tilespmem:v56+s30+$0x0] =	vst.idx.msk $0xffff, v6  }
0x2c5: {  	v6 =	vld.idx.msk [tilespmem:v57+s30+$0x0], $0xffff;
	_ =	sdelay $0x2  }
0x2c6: {  	v58 =	vor.u32 $0x79, v5;
	_ =	sdelay $0x1  }
0x2c7: {  	v6 =	vmul.f32 v6, v4;
	_ =	sdelay $0x1  }
0x2c8: {  	[tilespmem:v57+s30+$0x0] =	vst.idx.msk $0xffff, v6  }
0x2c9: {  	v6 =	vld.idx.msk [tilespmem:v58+s30+$0x0], $0xffff;
	_ =	sdelay $0x2  }
0x2ca: {  	v59 =	vor.u32 $0x7A, v5;
	_ =	sdelay $0x1  }
0x2cb: {  	v6 =	vmul.f32 v6, v4;
	_ =	sdelay $0x1  }
0x2cc: {  	[tilespmem:v58+s30+$0x0] =	vst.idx.msk $0xffff, v6  }
0x2cd: {  	v6 =	vld.idx.msk [tilespmem:v59+s30+$0x0], $0xffff;
	_ =	sdelay $0x2  }
0x2ce: {  	v60 =	vor.u32 $0x7B, v5;
	_ =	sdelay $0x1  }
0x2cf: {  	v6 =	vmul.f32 v6, v4;
	_ =	sdelay $0x1  }
0x2d0: {  	[tilespmem:v59+s30+$0x0] =	vst.idx.msk $0xffff, v6  }
0x2d1: {  	v6 =	vld.idx.msk [tilespmem:v60+s30+$0x0], $0xffff;
	_ =	sdelay $0x2  }
0x2d2: {  	v61 =	vor.u32 $0x7C, v5;
	_ =	sdelay $0x1  }
0x2d3: {  	v6 =	vmul.f32 v6, v4;
	_ =	sdelay $0x1  }
0x2d4: {  	[tilespmem:v60+s30+$0x0] =	vst.idx.msk $0xffff, v6  }
0x2d5: {  	v6 =	vld.idx.msk [tilespmem:v61+s30+$0x0], $0xffff;
	_ =	sdelay $0x2  }
0x2d6: {  	v62 =	vor.u32 $0x7D, v5;
	_ =	sdelay $0x1  }
0x2d7: {  	v6 =	vmul.f32 v6, v4;
	_ =	sdelay $0x1  }
0x2d8: {  	[tilespmem:v61+s30+$0x0] =	vst.idx.msk $0xffff, v6  }
0x2d9: {  	v6 =	vld.idx.msk [tilespmem:v62+s30+$0x0], $0xffff;
	_ =	sdelay $0x2  }
0x2da: {  	v63 =	vor.u32 $0x7E, v5;
	_ =	sdelay $0x1  }
0x2db: {  	v6 =	vmul.f32 v6, v4;
	_ =	sdelay $0x1  }
0x2dc: {  	[tilespmem:v62+s30+$0x0] =	vst.idx.msk $0xffff, v6  }
0x2dd: {  	v6 =	vld.idx.msk [tilespmem:v63+s30+$0x0], $0xffff;
	_ =	sdelay $0x2  }
0x2de: {  	v5 =	vor.u32 $0x7F, v5;
	_ =	sdelay $0x1  }
0x2df: {  	v6 =	vmul.f32 v6, v4;
	_ =	sdelay $0x1  }
0x2e0: {  	[tilespmem:v63+s30+$0x0] =	vst.idx.msk $0xffff, v6  }
0x2e1: {  	v6 =	vld.idx.msk [tilespmem:v5+s30+$0x0], $0xffff;
	_ =	sdelay $0x1  }
0x2e2: {  	p0 =	sne.s32 s5, $0x40  }
.Ltmp5:
0x2e3: {  	_ = 	snop;
	(pc) =	sbr.rel @p0 .LBB2_9-.Ltmp5, $3  }
0x2e4: {  	_ = 	snop  }
0x2e5: {  	v4 =	vmul.f32 v6, v4;
	_ =	sdelay $0x1  }
0x2e6: {  	s5 =	sadd.s32 $0x10, s5;
	[tilespmem:v5+s30+$0x0] =	vst.idx.msk $0xffff, v4  }
0x2e7: {  	s0 =	smulhi.u32 $0xCCCCCCCD, s26  }
0x2e8: {  	p0 =	seq.s32 s26, $0x0  }
0x2e9: {  	s5 =	sxor.u32 @!p0 $0x1, s28;
	s0 =	sshrl.u32 s0, $0x2  }
0x2ea: {  	s5 =	sor.u32 @!p0 $0x4, s5;
	s18 =	smul.u32 $0xFFFFFFFB, s0  }
0x2eb: {  	_ =	swait.ge @!p0 [sflag:s5], $0x2800  }
0x2ec: {  	s23 =	sand.u32 $0x1, s0;
	[sflag:s5] =	ssyncset.done @!p0 $0x0;
	s18 =	sadd.s32 s26, s18  }
0x2ed: {  	p1 =	seq.s32 s23, $0x1;
	s23 =	simm.s32 $0x190;
	s18 =	smul.u32 $0x140, s18  }
0x2ee: {  	[sflag:s5] =	ssyncadd.s32 @!p0 $0xFFFFD800;
	s23 =	simm.s32 @!p1 $0x0  }
0x2ef: {  	p1 =	sgt.u32 s26, $0x7A;
	_ =	swait.ge @!p0 [sflag:s5], $0x280;
	s18 =	sshra.s32 s18, $0x2  }
.Ltmp6:
0x2f0: {  	[sflag:s5] =	ssyncset.done @!p0 $0x0;
	s18 =	sadd.s32 s18, s23;
	(pc) =	sbr.rel @p1 .LBB2_12-.Ltmp6, $4  }
0x2f1: {  	s28 =	sor.u32 $0x4, s28;
	[sflag:s5] =	ssyncadd.s32 @!p0 $0xFFFFFD80;
	s23 =	sadd.s32 $0x8F20, s18  }
0x2f2: {  	[spmem:s2] =	stream.indirect.scatter.add.f32 [tilespmem:s30], [sflag:s28], $0x80, s23, s22, $0xb8;
	[tilespmem:$0x1DE48] =	vst v63  }
0x2f3: {  	_ = 	snop  }
0x2f4: {  	[spmem:s3] =	stream.indirect.scatter.add.f32 [tilespmem:s29], [sflag:s28], $0x8, s23, s22, $0xb8;
	[tilespmem:$0x1DE48] =	vst v63  }
0x2f5: {  	s5 =	sadd.s32 $0x2, s26  }
0x2f6: {  	s18 =	smul.u32 $0xFFFFFFCD, s5  }
0x2f7: {  	s28 =	smul.u32 $0xAB, s5  }
0x2f8: {  	s23 =	smul.u32 $0xCD, s5  }
0x2f9: {  	s28 =	sshrl.u32 s28, $0x9  }
0x2fa: {  	s18 =	sand.u32 $0xFF, s18;
	s23 =	sshrl.u32 s23, $0xA;
	s28 =	sand.u32 $0x7F, s28  }
0x2fb: {  	p1 =	sgt.u32 s18, $0x33;
	s18 =	sand.u32 $0x3F, s23;
	s28 =	smul.u32 $0x3, s28  }
0x2fc: {  	s23 =	sand.u32 @!p1 $0x1, s18;
	s29 =	smul.u32 $0xFFFFFFFB, s18;
	s18 =	sand.u32 $0x1, s18  }
0x2fd: {  	s23 =	sor.u32 @!p1 $0x6, s23;
	p2 =	seq.s32 s18, $0x1  }
0x2fe: {  	s18 =	simm.s32 $0x190;
	_ =	swait.ge @!p1 [sflag:s23], $0x190;
	s28 =	ssub.s32 s5, s28  }
0x2ff: {  	s5 =	sadd.s32 s5, s29;
	s18 =	simm.s32 @!p2 $0x0;
	[sflag:s23] =	ssyncset.done @!p1 $0x0  }
0x300: {  	s28 =	sand.u32 $0xFF, s28;
	s5 =	smul.u32 $0x50, s5;
	[sflag:s23] =	ssyncadd.s32 @!p1 $0xFFFFFE70  }
0x301: {  	s30 =	smul.u32 $0xA000, s28;
	s29 =	sadd.s32 $0x1, s28;
	_ =	swait.ge @!p1 [sflag:s23], $0x190  }
0x302: {  	s28 =	smul.u32 $0x280, s28;
	s5 =	sadd.s32 s18, s5;
	[sflag:s23] =	ssyncset.done @!p1 $0x0  }
0x303: {  	s30 =	sshrl.u32 s30, $0x2;
	s18 =	sadd.s32 $0x8C00, s5;
	[sflag:s23] =	ssyncadd.s32 @!p1 $0xFFFFFE70  }
0x304: {  	[tilespmem:s30], [sflag:s29] =	stream.indirect.gather [hbm4b:s1+s22], $0x80, s18, s22, $0xb8;
	[tilespmem:$0x1DE48] =	vst v63  }
0x305: {  	s23 =	smul.u32 $0x5, s0;
	s30 =	sor.u32 $0x7800, s28  }
0x306: {  	[tilespmem:s30], [sflag:s29] =	stream.indirect.gather [hbm4b:s6+s22], $0x8, s18, s22, $0xb8;
	[tilespmem:$0x1DE48] =	vst v63  }
0x307: {  	s18 =	ssub.s32 s26, s23  }
0x308: {  	s5 =	sadd.s32 $0x8F20, s5;
	s30 =	sadd.s32 $0x7F80, s28;
	p1 =	sne.s32 @!p0 s18, $0x0  }
0x309: {  	[tilespmem:s30], [sflag:s29] =	stream.indirect.gather [hbm4b:s6+s22], $0x8, s5, s22, $0xb8;
	[tilespmem:$0x1DE48] =	vst v63  }
0x30a: {  	p2 =	por p1, p0  }
0x30b: {  	p2 =	sgt.u32 @!p2 s26, $0x77  }
0x30c: {  	p1 =	por @!p0 p2, p1  }
0x30d: {  	p0 =	por p1, p0  }
0x30e: {  	s0 =	sadd.s32 @!p0 $0x1, s0  }
0x30f: {  	s5 =	smul.u32 @!p0 $0x190, s0  }
0x310: {  	s0 =	sand.u32 @!p0 $0x1, s0  }
0x311: {  	s18 =	smul.u32 @!p0 $0x190, s0;
	s5 =	sadd.s32 @!p0 s9, s5  }
.Ltmp7:
0x312: {  	s29 =	simm.s32 @!p0 $0x0;
	s5 =	sshrl.u32 @!p0 s5, $0x3;
	(pc) =	sbr.rel .LBB2_12-.Ltmp7, $4  }
0x313: {  	s0 =	sor.u32 @!p0 $0x6, s0;
	s23 =	sor.u32 @!p0 $0x8C00, s18;
	s28 =	sadd.s32 @!p0 s7, s5  }
0x314: {  	[tilespmem:s23], [sflag:s0] =	stream.linear.gather @!p0 [hbm4b:s28+s29], $0x190, $0x38;
	[tilespmem:$0x1DE48] =	vst v63  }
0x315: {  	s18 =	sadd.s32 @!p0 $0x8F20, s18;
	s5 =	sadd.s32 @!p0 s8, s5  }
0x316: {  	[tilespmem:s18], [sflag:s0] =	stream.linear.gather @!p0 [hbm4b:s5+s29], $0x190, $0x38;
	[tilespmem:$0x1DE48] =	vst v63  }
.LBB2_13:
0x317: {  	_ =	swait.ge [sflag:s24], $0x2800  }
0x318: {  	[sflag:s24] =	ssyncset.done $0x0  }
0x319: {  	[sflag:s24] =	ssyncadd.s32 $0xFFFFD800  }
0x31a: {  	_ =	swait.ge [sflag:s24], $0x280  }
0x31b: {  	[sflag:s24] =	ssyncset.done $0x0  }
0x31c: {  	[sflag:s24] =	ssyncadd.s32 $0xFFFFFD80  }
0x31d: {  	[bflag:$0x0] =	sbarrier.arrive $0xFFFF  }
0x31e: {  	[tilespmem:s4], [sflag:$0x8] =	stream.linear.gather [spmem:s19], $0x2800, $0x38;
	[tilespmem:$0x1DE48] =	vst v63  }
0x31f: {  	_ =	swait.ge [sflag:s16], $0x2800  }
0x320: {  	[sflag:s16] =	ssyncset.done $0x0  }
0x321: {  	[sflag:s16] =	ssyncadd.s32 $0xFFFFD800  }
0x322: {  	[hbm4b:s21+s4] =	stream.linear.scatter [tilespmem:s4], [sflag:$0x8], $0x2800, $0x38;
	[tilespmem:$0x1DE48] =	vst v63  }
0x323: {  	_ =	swait.ge [sflag:s16], $0x2800  }
0x324: {  	[sflag:s16] =	ssyncset.done $0x0  }
0x325: {  	[sflag:s16] =	ssyncadd.s32 $0xFFFFD800  }
0x326: {  	[tilespmem:s14], [sflag:$0x8] =	stream.linear.gather [spmem:s20], $0x280, $0x38;
	[tilespmem:$0x1DE48] =	vst v63  }
0x327: {  	_ =	swait.ge [sflag:s16], $0x280  }
0x328: {  	[sflag:s16] =	ssyncset.done $0x0  }
0x329: {  	s0 =	sadd.s32 $0x0, s31;
	[sflag:s16] =	ssyncadd.s32 $0xFFFFFD80  }
0x32a: {  	[hbm4b:s0+s4] =	stream.linear.scatter [tilespmem:s14], [sflag:$0x8], $0x280, $0x38;
	[tilespmem:$0x1DE48] =	vst v63  }
0x32b: {  	s5 =	sadd.s32 $0x500, s21;
	s18 =	smov.u32 s20;
	_ =	swait.ge [sflag:s16], $0x280  }
0x32c: {  	s26 =	smov.u32 s19;
	s0 =	simm.s32 $0x50;
	[sflag:s16] =	ssyncset.done $0x0  }
.LBB2_14:
0x32d: {  	[sflag:s16] =	ssyncadd.s32 $0xFFFFFD80  }
0x32e: {  	s18 =	sadd.s32 $0x280, s18;
	s26 =	sadd.s32 $0x2800, s26;
	s23 =	smov.u32 s0  }
0x32f: {  	[tilespmem:s4], [sflag:$0x8] =	stream.linear.gather [spmem:s26], $0x2800, $0x38;
	[tilespmem:$0x1DE48] =	vst v63  }
0x330: {  	p0 =	sne.s32 s0, $0x1E0;
	s0 =	sadd.s32 $0x50, s0;
	_ =	swait.ge [sflag:s16], $0x2800  }
0x331: {  	[sflag:s16] =	ssyncset.done $0x0  }
0x332: {  	[sflag:s16] =	ssyncadd.s32 $0xFFFFD800  }
0x333: {  	[hbm4b:s5+s4] =	stream.linear.scatter [tilespmem:s4], [sflag:$0x8], $0x2800, $0x38;
	[tilespmem:$0x1DE48] =	vst v63  }
0x334: {  	_ =	swait.ge [sflag:s16], $0x2800  }
0x335: {  	[sflag:s16] =	ssyncset.done $0x0  }
0x336: {  	[sflag:s16] =	ssyncadd.s32 $0xFFFFD800  }
0x337: {  	[tilespmem:s14], [sflag:$0x8] =	stream.linear.gather [spmem:s18], $0x280, $0x38;
	[tilespmem:$0x1DE48] =	vst v63  }
0x338: {  	_ =	swait.ge [sflag:s16], $0x280  }
.Ltmp8:
0x339: {  	[sflag:s16] =	ssyncset.done $0x0;
	(pc) =	sbr.rel @p0 .LBB2_14-.Ltmp8, $4  }
0x33a: {  	s23 =	sadd.s32 s23, s31;
	[sflag:s16] =	ssyncadd.s32 $0xFFFFFD80  }
0x33b: {  	[hbm4b:s23+s4] =	stream.linear.scatter [tilespmem:s14], [sflag:$0x8], $0x280, $0x38;
	[tilespmem:$0x1DE48] =	vst v63  }
0x33c: {  	_ =	swait.ge [sflag:s16], $0x280  }
0x33d: {  	s5 =	sadd.s32 $0x500, s5;
	[sflag:s16] =	ssyncset.done $0x0  }
0x33e: {  	[sflag:s16] =	ssyncadd.s32 $0xFFFFFD80  }
0x33f: {  	[tilespmem:s4], [sflag:$0x8] =	stream.linear.gather [spmem:s10], $0x2080, $0x38;
	[tilespmem:$0x1DE48] =	vst v63  }
0x340: {  	_ =	swait.ge [sflag:s16], $0x2080  }
0x341: {  	[sflag:s16] =	ssyncset.done $0x0  }
0x342: {  	s0 =	rddreg [dreg:$0x9];
	[sflag:s16] =	ssyncadd.s32 $0xFFFFDF80  }
0x343: {  	[hbm4b:s0+s4] =	stream.linear.scatter [tilespmem:s4], [sflag:$0x8], $0x2080, $0x38;
	[tilespmem:$0x1DE48] =	vst v63  }
0x344: {  	_ =	swait.ge [sflag:s16], $0x2080  }
0x345: {  	[sflag:s16] =	ssyncset.done $0x0  }
0x346: {  	[sflag:s16] =	ssyncadd.s32 $0xFFFFDF80  }
0x347: {  	[tilespmem:s14], [sflag:$0x8] =	stream.linear.gather [spmem:s11], $0x208, $0x38;
	[tilespmem:$0x1DE48] =	vst v63  }
0x348: {  	_ =	swait.ge [sflag:s16], $0x208  }
0x349: {  	[sflag:s16] =	ssyncset.done $0x0  }
0x34a: {  	s29 =	rddreg [dreg:$0xa];
	[sflag:s16] =	ssyncadd.s32 $0xFFFFFDF8  }
0x34b: {  	[hbm4b:s29+s4] =	stream.linear.scatter [tilespmem:s14], [sflag:$0x8], $0x208, $0x38;
	[tilespmem:$0x1DE48] =	vst v63  }
0x34c: {  	_ =	swait.ge [sflag:s16], $0x208  }
0x34d: {  	s25 =	sadd.s32 $0x1, s25;
	s30 =	rddreg [dreg:$0xb]  }
0x34e: {  	p0 =	sne.s32 s25, s30  }
.Ltmp9:
0x34f: {  	_ = 	snop;
	(pc) =	sbr.rel @p0 .LBB2_1-.Ltmp9, $3  }
0x350: {  	_ =	sdelay $0x1  }
0x351: {  	[sflag:s16] =	ssyncset.done $0x0  }
0x352: {  	[sflag:s16] =	ssyncadd.s32 $0xFFFFFDF8  }
0x353: {  	_ =	sfence.sel $0x180000  }
0x354: {  	[bflag:$0x0] =	sbarrier.arrive $0xFFFF  }
0x355: {  	_ =	strace $0x90000047  }
0x356: {  	s0 =	stileid.u32;
	[bflag:$0x2] =	sbarrier.arrive $0xFFFF  }
0x357: {  	p0 =	sne.s32 s0, $0x0;
	s0 =	rddreg [dreg:$0x4]  }
0x358: {  	s0 =	sadd.s32 @!p0 $0x100000, s0  }
0x359: {  	[sflag:s0] =	ssyncadd.tile.s32 @!p0 $0x1;
	_ =	shalt  }
.Lfunc_end2:
_tile_overlayer_lowered:
.L_overlay_start_2:
0x35a: {  	(tag) =	ssettag $0x2  }
0x35b: {  	s0 =	rddreg [dreg:$0x0];
	s2 =	stileid.u32  }
0x35c: {  	s1 =	rddreg [dreg:$0x1];
	p0 =	sne.s32 s2, $0x0  }
0x35d: {  	s3 =	rddreg [dreg:$0x2];
	[bflag:$0x3] =	sbarrier.arrive $0xFFFF;
	s2 =	simm.s32 @!p0 $0x1C08  }
0x35e: {  	[timem:s3], [sflag:s2] =	dma.local @!p0 [hbm:s0], s1  }
0x35f: {  	s0 =	simm.s32 @!p0 $0x8  }
0x360: {  	_ =	swait.ge @!p0 [sflag:s0], s1  }
0x361: {  	s1 =	ssub.s32 @!p0 $0x0, s1;
	[sflag:s0] =	ssyncset.done @!p0 $0x0  }
0x362: {  	[sflag:s0] =	ssyncadd.s32 @!p0 s1  }
0x363: {  	[bflag:$0x3] =	sbarrier.arrive $0xFFFF  }
0x364: {  	_ =	shalt  }

</sc_bundles>
